<compile_context>
chip_gen: v7x
topology: tpu7x:2x2x1
jax: 0.10.2.dev20260603
libtpu: 0.0.44.dev20260713+nightly
codegen_flags: <defaults>
</compile_context>

<pallas_src>
import functools

import jax
import jax.numpy as jnp
from jax import lax
from jax.experimental import pallas as pl
from jax.experimental.pallas import tpu as pltpu
from jax.experimental.pallas import tpu_sc as plsc

_NC = 2
_NS = 16
_NW = _NC * _NS

_BATCH = 16384
_N_FIELDS = 26
_DIM = 32
_VOCAB = 1000000
_TOTAL = _BATCH * _N_FIELDS
_BLK = 128
_CBLK = _BATCH // _BLK
_SB = 4
_SB_ROWS = _SB * _BLK
_NSB = _TOTAL // (_SB_ROWS * _NW)
_IDX_PER_W = _NSB * _SB_ROWS
_SB_PER_F = _CBLK // _SB

_FULL_COLS = _VOCAB // _BLK
_COLS_PER_W = _FULL_COLS // _NW
_COL_REM = _FULL_COLS - _COLS_PER_W * _NW
_TAIL_ROWS = _VOCAB - _FULL_COLS * _BLK
_ROWS2 = _VOCAB * _DIM // 128


def _make_convert():
    mesh = plsc.VectorSubcoreMesh(core_axis_name="c", subcore_axis_name="s")

    @functools.partial(
        pl.kernel,
        mesh=mesh,
        compiler_params=pltpu.CompilerParams(use_tc_tiling_on_sc=True,
                                             needs_layout_passes=False),
        out_type=jax.ShapeDtypeStruct((_ROWS2, 128), jnp.float32),
        scratch_types=[
            pltpu.VMEM((4, 8, 128), jnp.float32),
            pltpu.VMEM((4, 8, 128), jnp.float32),
            pltpu.VMEM((32, 128), jnp.float32),
            pltpu.VMEM((32, 128), jnp.float32),
            pltpu.SemaphoreType.DMA,
            pltpu.SemaphoreType.DMA,
            pltpu.SemaphoreType.DMA,
            pltpu.SemaphoreType.DMA,
        ],
    )
    def convert_kernel(tview_hbm, tail_hbm, rows2_hbm,
                       bin0, bin1, obuf0, obuf1, i0, i1, o0, o1):
        wid = lax.axis_index("s") * _NC + lax.axis_index("c")
        lo = _COLS_PER_W * wid + jnp.minimum(wid, _COL_REM)
        n_cols = _COLS_PER_W + jnp.where(wid < _COL_REM, 1, 0)

        bins = (bin0, bin1)
        obufs = (obuf0, obuf1)
        isem = (i0, i1)
        osem = (o0, o1)

        lane = lax.broadcasted_iota(jnp.int32, (16,), 0)
        s_idx = lax.rem(lane, 8)
        r_even = lane // 8
        r_odd = lane // 8 + 2
        r_idx = (r_even, r_odd)

        @pl.when(wid == 0)
        def _tail():
            pltpu.sync_copy(tail_hbm, obuf0.at[pl.ds(0, 16)])
            pltpu.sync_copy(obuf0.at[pl.ds(0, 16)],
                            rows2_hbm.at[pl.ds(_ROWS2 - 16, 16)])

        def in_copy(c, b):
            return pltpu.make_async_copy(
                tview_hbm.at[:, :, pl.ds(c * _BLK, _BLK)], bins[b], isem[b])

        def out_copy(c, b):
            return pltpu.make_async_copy(
                obufs[b], rows2_hbm.at[pl.ds(32 * c, 32)], osem[b])

        for b in (0, 1):
            @pl.when(n_cols > b)
            def _prime():
                in_copy(lo + b, b).start()

        def body(i, carry):
            for b in (0, 1):
                j = 2 * i + b

                @pl.when(j < n_cols)
                def _process():
                    c = lo + j

                    @pl.when(i >= 1)
                    def _wait_out():
                        out_copy(c, b).wait()

                    in_copy(c, b).wait()

                    bin_b = bins[b]
                    obuf_b = obufs[b]

                    @plsc.parallel_loop(0, 32, unroll=4)
                    def _transpose(q):
                        fq = jnp.full((16,), 4 * q, jnp.int32)
                        l_idx = (fq, fq + 1, fq + 2, fq + 3)
                        for e in range(8):
                            vec = plsc.load_gather(
                                bin_b, [r_idx[e % 2], s_idx, l_idx[e // 2]])
                            obuf_b[q, pl.ds(16 * e, 16)] = vec

                    out_copy(c, b).start()

                    @pl.when(j + 2 < n_cols)
                    def _next_in():
                        in_copy(c + 2, b).start()
            return carry

        lax.fori_loop(0, (_COLS_PER_W + 2) // 2, body, 0)

        for b in (0, 1):
            @pl.when(n_cols > b)
            def _drain():
                out_copy(lo, b).wait()

    return convert_kernel


def _make_gather():
    mesh = plsc.VectorSubcoreMesh(core_axis_name="c", subcore_axis_name="s")

    @functools.partial(
        pl.kernel,
        mesh=mesh,
        compiler_params=pltpu.CompilerParams(use_tc_tiling_on_sc=False,
                                             needs_layout_passes=False),
        out_type=jax.ShapeDtypeStruct((_N_FIELDS, 4, _CBLK, 8, 128),
                                      jnp.float32),
        scratch_types=[
            pltpu.VMEM((_IDX_PER_W,), jnp.int32),
            pltpu.VMEM((_SB_ROWS, _DIM), jnp.float32),
            pltpu.VMEM((_SB_ROWS, _DIM), jnp.float32),
            pltpu.VMEM((4, _SB, 8, 128), jnp.float32),
            pltpu.VMEM((4, _SB, 8, 128), jnp.float32),
            pltpu.SemaphoreType.DMA,
            pltpu.SemaphoreType.DMA,
            pltpu.SemaphoreType.DMA,
            pltpu.SemaphoreType.DMA,
        ],
    )
    def gather_kernel(idx_hbm, table_hbm, out_hbm,
                      idx_v, rows0, rows1, tiles0, tiles1, g0, g1, w0, w1):
        wid = lax.axis_index("s") * _NC + lax.axis_index("c")
        base_sb = wid * _NSB
        pltpu.sync_copy(idx_hbm.at[pl.ds(wid * _IDX_PER_W, _IDX_PER_W)],
                        idx_v)

        rows = (rows0, rows1)
        tiles = (tiles0, tiles1)
        gsem = (g0, g1)
        wsem = (w0, w1)
        lane = lax.broadcasted_iota(jnp.int32, (16,), 0)
        rvec = [[128 * cc + 16 * e + lane for e in range(8)]
                for cc in range(_SB)]

        def gather_copy(jsb, b):
            return pltpu.make_async_copy(
                table_hbm.at[idx_v.at[pl.ds(jsb * _SB_ROWS, _SB_ROWS)]],
                rows[b], gsem[b])

        def write_copy(gsb, b, r):
            f = gsb // _SB_PER_F
            c0 = lax.rem(gsb, _SB_PER_F) * _SB
            return pltpu.make_async_copy(
                tiles[b].at[r], out_hbm.at[f, r, pl.ds(c0, _SB)], wsem[b])

        for b in (0, 1):
            gather_copy(b, b).start()

        def body(i, carry):
            for b in (0, 1):
                jsb = 2 * i + b
                gsb = base_sb + jsb

                @pl.when(i >= 1)
                def _wait_writes():
                    for r in range(4):
                        write_copy(gsb, b, r).wait()

                gather_copy(jsb, b).wait()

                rows_b = rows[b]
                tiles_b = tiles[b]

                @plsc.parallel_loop(0, 32, unroll=4)
                def _transpose(j):
                    col = jnp.full((16,), j, jnp.int32)
                    r = j // 8
                    s = lax.rem(j, 8)
                    for cc in range(_SB):
                        for e in range(8):
                            vec = plsc.load_gather(rows_b, [rvec[cc][e], col])
                            tiles_b[r, cc, s, pl.ds(16 * e, 16)] = vec

                for r in range(4):
                    write_copy(gsb, b, r).start()

                @pl.when(i < (_NSB // 2) - 1)
                def _next_gather():
                    gather_copy(jsb + 2, b).start()
            return carry

        lax.fori_loop(0, _NSB // 2, body, 0)

        for b in (0, 1):
            gsb = base_sb + _NSB - 2 + b
            for r in range(4):
                write_copy(gsb, b, r).wait()

    return gather_kernel


_convert = _make_convert()
_gather = _make_gather()


def kernel(x, table):
    tview = table.T.reshape(4, 8, _VOCAB)
    tail = table[_VOCAB - _TAIL_ROWS:].reshape(16, 128)
    rows2 = _convert(tview, tail)
    idx = x.T.reshape(_TOTAL)
    m = _gather(idx, rows2.reshape(_VOCAB, _DIM))
    return m.transpose(2, 4, 0, 1, 3).reshape(_BATCH, _N_FIELDS, _DIM)

# --- scband reference (transcript-rebuilt; emitter-appended) ---
"""Pipeline reference for scband-categorical-embedding-62045097558093 (READ-ONLY COPY).

The authoritative reference and input builder live on the scoring server;
editing this copy changes nothing except your own understanding.
"""

import jax, jax.numpy as jnp
import numpy as np

NUM_CATEGORIES = 1000000
EMBEDDING_DIM = 32
BATCH = 16384
N_FIELDS = 26


def setup_inputs(seed: int = 0) -> dict:
    key = jax.random.key(seed)
    k_idx, k_tab = jax.random.split(key)
    x = jax.random.randint(k_idx, (BATCH, N_FIELDS), 0, NUM_CATEGORIES, dtype=jnp.int64 if jax.config.jax_enable_x64 else jnp.int32)
    # xavier_uniform init for embedding table [num_categories, embedding_dim]
    fan_in, fan_out = NUM_CATEGORIES, EMBEDDING_DIM
    limit = float(np.sqrt(6.0 / (fan_in + fan_out)))
    table = jax.random.uniform(k_tab, (NUM_CATEGORIES, EMBEDDING_DIM), minval=-limit, maxval=limit, dtype=jnp.float32)
    return {"x": x, "table": table}


def reference(x, table):
    # nn.Embedding lookup: table[x] -> [B, L, embedding_dim]
    # output_dim is None, so no projection.
    embedded = jnp.take(table, x, axis=0)
    return embedded

if __name__ == "__main__":
    import jax
    _d = setup_inputs()
    print(jax.jit(kernel)(*tuple(_d.values())))

</pallas_src>

<mosaic_0001>
#map = affine_map<(d0, d1) -> (0, 0, 0)>
#map1 = affine_map<(d0, d1) -> (0, 0)>
module attributes {stable_mosaic.version = 14 : i64} {
  func.func @convert_kernel(%arg0: i32, %arg1: i32, %arg2: memref<4x8x1000000xf32, #tpu.memory_space<hbm>>, %arg3: memref<16x128xf32, #tpu.memory_space<hbm>>, %arg4: memref<250000x128xf32, #tpu.memory_space<hbm>>, %arg5: memref<4x8x128xf32, #tpu.memory_space<vmem>>, %arg6: memref<4x8x128xf32, #tpu.memory_space<vmem>>, %arg7: memref<32x128xf32, #tpu.memory_space<vmem>>, %arg8: memref<32x128xf32, #tpu.memory_space<vmem>>, %arg9: memref<!tpu.dma_semaphore, #tpu.memory_space<semaphore_mem>>, %arg10: memref<!tpu.dma_semaphore, #tpu.memory_space<semaphore_mem>>, %arg11: memref<!tpu.dma_semaphore, #tpu.memory_space<semaphore_mem>>, %arg12: memref<!tpu.dma_semaphore, #tpu.memory_space<semaphore_mem>>) attributes {dimension_semantics = [#tpu.dimension_semantics<core_parallel>, #tpu.dimension_semantics<subcore_parallel>], iteration_bounds = array<i64: 2, 16>, scalar_prefetch = 0 : i64, scratch_operands = 8 : i64, tpu.core_type = #tpu.core_type<sc_vector_subcore>, window_params = [{transform_indices = #map}, {transform_indices = #map1}, {transform_indices = #map1}]} {
    %mul3A = arith.constant 2 : i32
    %mul3A_0 = arith.muli %arg1, %mul3A : i32
    %add3A = arith.addi %mul3A_0, %arg0 : i32
    %mul3A_1 = arith.constant 244 : i32
    %mul3A_2 = arith.muli %mul3A_1, %add3A : i32
    %min3A = arith.constant 4 : i32
    %min3A_3 = arith.minsi %add3A, %min3A : i32
    %add3A_4 = arith.addi %mul3A_2, %min3A_3 : i32
    %lt3A = arith.constant 4 : i32
    %lt3A_5 = arith.cmpi slt, %add3A, %lt3A : i32
    %jit3A = arith.constant 1 : i32
    %jit3A_6 = arith.constant 0 : i32
    %select_n3A = arith.select %lt3A_5, %jit3A, %jit3A_6 : i32
    %add3A_7 = arith.constant 244 : i32
    %add3A_8 = arith.addi %add3A_7, %select_n3A : i32
    %iota3A = tpu.iota {dimensions = array<i32: 0>} : vector<16xi32>
    %rem3A = arith.constant 8 : i32
    %rem3A_9 = vector.broadcast %rem3A : i32 to vector<16xi32>
    %rem3A_10 = arith.remsi %iota3A, %rem3A_9 : vector<16xi32>
    %jit3A_11 = arith.constant 8 : i32
    %div3A = vector.broadcast %jit3A_11 : i32 to vector<16xi32>
    %div3A_12 = arith.divsi %iota3A, %div3A : vector<16xi32>
    %sign3A = arith.constant 0 : i32
    %sign3A_13 = vector.broadcast %sign3A : i32 to vector<16xi32>
    %sign3A_14 = arith.cmpi sgt, %iota3A, %sign3A_13 : vector<16xi32>
    %sign3A_15 = arith.extui %sign3A_14 : vector<16xi1> to vector<16xi32>
    %sign3A_16 = arith.constant 0 : i32
    %sign3A_17 = vector.broadcast %sign3A_16 : i32 to vector<16xi32>
    %sign3A_18 = arith.cmpi slt, %iota3A, %sign3A_17 : vector<16xi32>
    %sign3A_19 = arith.extui %sign3A_18 : vector<16xi1> to vector<16xi32>
    %sign3A_20 = arith.subi %sign3A_15, %sign3A_19 : vector<16xi32>
    %sign3A_21 = arith.constant 0 : i32
    %sign3A_22 = arith.cmpi sgt, %jit3A_11, %sign3A_21 : i32
    %sign3A_23 = arith.extui %sign3A_22 : i1 to i32
    %sign3A_24 = arith.constant 0 : i32
    %sign3A_25 = arith.cmpi slt, %jit3A_11, %sign3A_24 : i32
    %sign3A_26 = arith.extui %sign3A_25 : i1 to i32
    %sign3A_27 = arith.subi %sign3A_23, %sign3A_26 : i32
    %ne3A = vector.broadcast %sign3A_27 : i32 to vector<16xi32>
    %ne3A_28 = arith.cmpi ne, %sign3A_20, %ne3A : vector<16xi32>
    %rem3A_29 = vector.broadcast %jit3A_11 : i32 to vector<16xi32>
    %rem3A_30 = arith.remsi %iota3A, %rem3A_29 : vector<16xi32>
    %ne3A_31 = arith.constant 0 : i32
    %ne3A_32 = vector.broadcast %ne3A_31 : i32 to vector<16xi32>
    %ne3A_33 = arith.cmpi ne, %rem3A_30, %ne3A_32 : vector<16xi32>
    %and3A = arith.andi %ne3A_28, %ne3A_33 : vector<16xi1>
    %sub3A = arith.constant 1 : i32
    %sub3A_34 = vector.broadcast %sub3A : i32 to vector<16xi32>
    %sub3A_35 = arith.subi %div3A_12, %sub3A_34 : vector<16xi32>
    %select_n3A_36 = arith.select %and3A, %sub3A_35, %div3A_12 : vector<16xi1>, vector<16xi32>
    %jit3A_37 = arith.constant 8 : i32
    %div3A_38 = vector.broadcast %jit3A_37 : i32 to vector<16xi32>
    %div3A_39 = arith.divsi %iota3A, %div3A_38 : vector<16xi32>
    %sign3A_40 = arith.constant 0 : i32
    %sign3A_41 = vector.broadcast %sign3A_40 : i32 to vector<16xi32>
    %sign3A_42 = arith.cmpi sgt, %iota3A, %sign3A_41 : vector<16xi32>
    %sign3A_43 = arith.extui %sign3A_42 : vector<16xi1> to vector<16xi32>
    %sign3A_44 = arith.constant 0 : i32
    %sign3A_45 = vector.broadcast %sign3A_44 : i32 to vector<16xi32>
    %sign3A_46 = arith.cmpi slt, %iota3A, %sign3A_45 : vector<16xi32>
    %sign3A_47 = arith.extui %sign3A_46 : vector<16xi1> to vector<16xi32>
    %sign3A_48 = arith.subi %sign3A_43, %sign3A_47 : vector<16xi32>
    %sign3A_49 = arith.constant 0 : i32
    %sign3A_50 = arith.cmpi sgt, %jit3A_37, %sign3A_49 : i32
    %sign3A_51 = arith.extui %sign3A_50 : i1 to i32
    %sign3A_52 = arith.constant 0 : i32
    %sign3A_53 = arith.cmpi slt, %jit3A_37, %sign3A_52 : i32
    %sign3A_54 = arith.extui %sign3A_53 : i1 to i32
    %sign3A_55 = arith.subi %sign3A_51, %sign3A_54 : i32
    %ne3A_56 = vector.broadcast %sign3A_55 : i32 to vector<16xi32>
    %ne3A_57 = arith.cmpi ne, %sign3A_48, %ne3A_56 : vector<16xi32>
    %rem3A_58 = vector.broadcast %jit3A_37 : i32 to vector<16xi32>
    %rem3A_59 = arith.remsi %iota3A, %rem3A_58 : vector<16xi32>
    %ne3A_60 = arith.constant 0 : i32
    %ne3A_61 = vector.broadcast %ne3A_60 : i32 to vector<16xi32>
    %ne3A_62 = arith.cmpi ne, %rem3A_59, %ne3A_61 : vector<16xi32>
    %and3A_63 = arith.andi %ne3A_57, %ne3A_62 : vector<16xi1>
    %sub3A_64 = arith.constant 1 : i32
    %sub3A_65 = vector.broadcast %sub3A_64 : i32 to vector<16xi32>
    %sub3A_66 = arith.subi %div3A_39, %sub3A_65 : vector<16xi32>
    %select_n3A_67 = arith.select %and3A_63, %sub3A_66, %div3A_39 : vector<16xi1>, vector<16xi32>
    %add3A_68 = arith.constant 2 : i32
    %add3A_69 = vector.broadcast %add3A_68 : i32 to vector<16xi32>
    %add3A_70 = arith.addi %select_n3A_67, %add3A_69 : vector<16xi32>
    %eq3A = arith.constant 0 : i32
    %eq3A_71 = arith.cmpi eq, %add3A, %eq3A : i32
    %convert_element_type3A = arith.extui %eq3A_71 : i1 to i32
    %cond3A = arith.constant 0 : i32
    %cond3A_72 = arith.cmpi ne, %convert_element_type3A, %cond3A : i32
    scf.if %cond3A_72 {
      "tpu.region"() ({
        %run_scoped3A = tpu.sem_alloc : memref<!tpu.dma_semaphore, #tpu.memory_space<semaphore_mem>>
        %dma_start3A = arith.constant 0 : i32
        %dma_start3A_97 = arith.constant 0 : i32
        %dma_start3A_98 = tpu.memref_slice %arg7[%dma_start3A, %dma_start3A_97] : memref<32x128xf32, #tpu.memory_space<vmem>> -> memref<16x128xf32, #tpu.memory_space<vmem>>
        %dma_start3A_99 = arith.constant 0 : i32
        %dma_start3A_100 = arith.constant 0 : i32
        %dma_start3A_101 = tpu.memref_slice %arg7[%dma_start3A_99, %dma_start3A_100] : memref<32x128xf32, #tpu.memory_space<vmem>> -> memref<16x128xf32, #tpu.memory_space<vmem>>
        tpu.enqueue_dma source(%arg3 : memref<16x128xf32, #tpu.memory_space<hbm>>) target(%dma_start3A_101 : memref<16x128xf32, #tpu.memory_space<vmem>>) target_semaphore(%run_scoped3A : memref<!tpu.dma_semaphore, #tpu.memory_space<semaphore_mem>>)
        %dma_wait3A = arith.constant 0 : i32
        %dma_wait3A_102 = arith.constant 0 : i32
        %dma_wait3A_103 = tpu.memref_slice %arg7[%dma_wait3A, %dma_wait3A_102] : memref<32x128xf32, #tpu.memory_space<vmem>> -> memref<16x128xf32, #tpu.memory_space<vmem>>
        %dma_wait3A_104 = arith.constant 0 : i32
        %dma_wait3A_105 = arith.constant 0 : i32
        %dma_wait3A_106 = tpu.memref_slice %arg7[%dma_wait3A_104, %dma_wait3A_105] : memref<32x128xf32, #tpu.memory_space<vmem>> -> memref<16x128xf32, #tpu.memory_space<vmem>>
        tpu.wait_dma2 semaphore(%run_scoped3A : memref<!tpu.dma_semaphore, #tpu.memory_space<semaphore_mem>>) src(%arg3 : memref<16x128xf32, #tpu.memory_space<hbm>>) dst(%dma_wait3A_106 : memref<16x128xf32, #tpu.memory_space<vmem>>)
        tpu.yield
      }) : () -> ()
      "tpu.region"() ({
        %run_scoped3A = tpu.sem_alloc : memref<!tpu.dma_semaphore, #tpu.memory_space<semaphore_mem>>
        %dma_start3A = arith.constant 0 : i32
        %dma_start3A_97 = arith.constant 0 : i32
        %dma_start3A_98 = tpu.memref_slice %arg7[%dma_start3A, %dma_start3A_97] : memref<32x128xf32, #tpu.memory_space<vmem>> -> memref<16x128xf32, #tpu.memory_space<vmem>>
        %dma_start3A_99 = arith.constant 249984 : i32
        %dma_start3A_100 = arith.constant 0 : i32
        %dma_start3A_101 = tpu.memref_slice %arg4[%dma_start3A_99, %dma_start3A_100] : memref<250000x128xf32, #tpu.memory_space<hbm>> -> memref<16x128xf32, #tpu.memory_space<hbm>>
        %dma_start3A_102 = arith.constant 249984 : i32
        %dma_start3A_103 = arith.constant 0 : i32
        %dma_start3A_104 = tpu.memref_slice %arg4[%dma_start3A_102, %dma_start3A_103] : memref<250000x128xf32, #tpu.memory_space<hbm>> -> memref<16x128xf32, #tpu.memory_space<hbm>>
        %dma_start3A_105 = arith.constant 0 : i32
        %dma_start3A_106 = arith.constant 0 : i32
        %dma_start3A_107 = tpu.memref_slice %arg7[%dma_start3A_105, %dma_start3A_106] : memref<32x128xf32, #tpu.memory_space<vmem>> -> memref<16x128xf32, #tpu.memory_space<vmem>>
        tpu.enqueue_dma source(%dma_start3A_107 : memref<16x128xf32, #tpu.memory_space<vmem>>) target(%dma_start3A_104 : memref<16x128xf32, #tpu.memory_space<hbm>>) target_semaphore(%run_scoped3A : memref<!tpu.dma_semaphore, #tpu.memory_space<semaphore_mem>>)
        %dma_wait3A = arith.constant 0 : i32
        %dma_wait3A_108 = arith.constant 0 : i32
        %dma_wait3A_109 = tpu.memref_slice %arg7[%dma_wait3A, %dma_wait3A_108] : memref<32x128xf32, #tpu.memory_space<vmem>> -> memref<16x128xf32, #tpu.memory_space<vmem>>
        %dma_wait3A_110 = arith.constant 249984 : i32
        %dma_wait3A_111 = arith.constant 0 : i32
        %dma_wait3A_112 = tpu.memref_slice %arg4[%dma_wait3A_110, %dma_wait3A_111] : memref<250000x128xf32, #tpu.memory_space<hbm>> -> memref<16x128xf32, #tpu.memory_space<hbm>>
        %dma_wait3A_113 = arith.constant 249984 : i32
        %dma_wait3A_114 = arith.constant 0 : i32
        %dma_wait3A_115 = tpu.memref_slice %arg4[%dma_wait3A_113, %dma_wait3A_114] : memref<250000x128xf32, #tpu.memory_space<hbm>> -> memref<16x128xf32, #tpu.memory_space<hbm>>
        %dma_wait3A_116 = arith.constant 0 : i32
        %dma_wait3A_117 = arith.constant 0 : i32
        %dma_wait3A_118 = tpu.memref_slice %arg7[%dma_wait3A_116, %dma_wait3A_117] : memref<32x128xf32, #tpu.memory_space<vmem>> -> memref<16x128xf32, #tpu.memory_space<vmem>>
        tpu.wait_dma2 semaphore(%run_scoped3A : memref<!tpu.dma_semaphore, #tpu.memory_space<semaphore_mem>>) src(%dma_wait3A_118 : memref<16x128xf32, #tpu.memory_space<vmem>>) dst(%dma_wait3A_115 : memref<16x128xf32, #tpu.memory_space<hbm>>)
        tpu.yield
      }) : () -> ()
    } else {
    }
    %gt3A = arith.constant 0 : i32
    %gt3A_73 = arith.cmpi sgt, %add3A_8, %gt3A : i32
    %convert_element_type3A_74 = arith.extui %gt3A_73 : i1 to i32
    %cond3A_75 = arith.constant 0 : i32
    %cond3A_76 = arith.cmpi ne, %convert_element_type3A_74, %cond3A_75 : i32
    scf.if %cond3A_76 {
      %add3A_97 = arith.constant 0 : i32
      %add3A_98 = arith.addi %add3A_4, %add3A_97 : i32
      %mul3A_99 = arith.constant 128 : i32
      %mul3A_100 = arith.muli %add3A_98, %mul3A_99 : i32
      %dma_start3A = arith.constant 0 : i32
      %dma_start3A_101 = arith.constant 0 : i32
      %dma_start3A_102 = tpu.memref_slice %arg2[%dma_start3A, %dma_start3A_101, %mul3A_100] : memref<4x8x1000000xf32, #tpu.memory_space<hbm>> -> memref<4x8x128xf32, #tpu.memory_space<hbm>>
      %dma_start3A_103 = arith.constant 0 : i32
      %dma_start3A_104 = arith.constant 0 : i32
      %dma_start3A_105 = tpu.memref_slice %arg2[%dma_start3A_103, %dma_start3A_104, %mul3A_100] : memref<4x8x1000000xf32, #tpu.memory_space<hbm>> -> memref<4x8x128xf32, #tpu.memory_space<hbm>>
      tpu.enqueue_dma source(%dma_start3A_105 : memref<4x8x128xf32, #tpu.memory_space<hbm>>) target(%arg5 : memref<4x8x128xf32, #tpu.memory_space<vmem>>) target_semaphore(%arg9 : memref<!tpu.dma_semaphore, #tpu.memory_space<semaphore_mem>>)
    } else {
    }
    %gt3A_77 = arith.constant 1 : i32
    %gt3A_78 = arith.cmpi sgt, %add3A_8, %gt3A_77 : i32
    %convert_element_type3A_79 = arith.extui %gt3A_78 : i1 to i32
    %cond3A_80 = arith.constant 0 : i32
    %cond3A_81 = arith.cmpi ne, %convert_element_type3A_79, %cond3A_80 : i32
    scf.if %cond3A_81 {
      %add3A_97 = arith.constant 1 : i32
      %add3A_98 = arith.addi %add3A_4, %add3A_97 : i32
      %mul3A_99 = arith.constant 128 : i32
      %mul3A_100 = arith.muli %add3A_98, %mul3A_99 : i32
      %dma_start3A = arith.constant 0 : i32
      %dma_start3A_101 = arith.constant 0 : i32
      %dma_start3A_102 = tpu.memref_slice %arg2[%dma_start3A, %dma_start3A_101, %mul3A_100] : memref<4x8x1000000xf32, #tpu.memory_space<hbm>> -> memref<4x8x128xf32, #tpu.memory_space<hbm>>
      %dma_start3A_103 = arith.constant 0 : i32
      %dma_start3A_104 = arith.constant 0 : i32
      %dma_start3A_105 = tpu.memref_slice %arg2[%dma_start3A_103, %dma_start3A_104, %mul3A_100] : memref<4x8x1000000xf32, #tpu.memory_space<hbm>> -> memref<4x8x128xf32, #tpu.memory_space<hbm>>
      tpu.enqueue_dma source(%dma_start3A_105 : memref<4x8x128xf32, #tpu.memory_space<hbm>>) target(%arg6 : memref<4x8x128xf32, #tpu.memory_space<vmem>>) target_semaphore(%arg10 : memref<!tpu.dma_semaphore, #tpu.memory_space<semaphore_mem>>)
    } else {
    }
    %scan3A = arith.constant 0 : i32
    %scan3A_82 = arith.constant 0 : i32
    %scan3A_83 = arith.constant 123 : i32
    %scan3A_84 = arith.addi %scan3A_82, %scan3A_83 : i32
    %scan3A_85 = arith.constant 1 : i32
    scf.for %scan3A_97 = %scan3A_82 to %scan3A_84 step %scan3A_85  : i32 {
      %mul3A_98 = arith.constant 2 : i32
      %mul3A_99 = arith.muli %mul3A_98, %scan3A_97 : i32
      %add3A_100 = arith.constant 0 : i32
      %add3A_101 = arith.addi %mul3A_99, %add3A_100 : i32
      %lt3A_102 = arith.cmpi slt, %add3A_101, %add3A_8 : i32
      %convert_element_type3A_103 = arith.extui %lt3A_102 : i1 to i32
      %cond3A_104 = arith.constant 0 : i32
      %cond3A_105 = arith.cmpi ne, %convert_element_type3A_103, %cond3A_104 : i32
      scf.if %cond3A_105 {
        %add3A_114 = arith.addi %add3A_4, %add3A_101 : i32
        %ge3A = arith.constant 1 : i32
        %ge3A_115 = arith.cmpi sge, %scan3A_97, %ge3A : i32
        %convert_element_type3A_116 = arith.extui %ge3A_115 : i1 to i32
        %cond3A_117 = arith.constant 0 : i32
        %cond3A_118 = arith.cmpi ne, %convert_element_type3A_116, %cond3A_117 : i32
        scf.if %cond3A_118 {
          %mul3A_139 = arith.constant 32 : i32
          %mul3A_140 = arith.muli %mul3A_139, %add3A_114 : i32
          %dma_wait3A_141 = arith.constant 0 : i32
          %dma_wait3A_142 = tpu.memref_slice %arg4[%mul3A_140, %dma_wait3A_141] : memref<250000x128xf32, #tpu.memory_space<hbm>> -> memref<32x128xf32, #tpu.memory_space<hbm>>
          %dma_wait3A_143 = arith.constant 0 : i32
          %dma_wait3A_144 = tpu.memref_slice %arg4[%mul3A_140, %dma_wait3A_143] : memref<250000x128xf32, #tpu.memory_space<hbm>> -> memref<32x128xf32, #tpu.memory_space<hbm>>
          tpu.wait_dma2 semaphore(%arg11 : memref<!tpu.dma_semaphore, #tpu.memory_space<semaphore_mem>>) src(%arg7 : memref<32x128xf32, #tpu.memory_space<vmem>>) dst(%dma_wait3A_144 : memref<32x128xf32, #tpu.memory_space<hbm>>)
        } else {
        }
        %mul3A_119 = arith.constant 128 : i32
        %mul3A_120 = arith.muli %add3A_114, %mul3A_119 : i32
        %dma_wait3A = arith.constant 0 : i32
        %dma_wait3A_121 = arith.constant 0 : i32
        %dma_wait3A_122 = tpu.memref_slice %arg2[%dma_wait3A, %dma_wait3A_121, %mul3A_120] : memref<4x8x1000000xf32, #tpu.memory_space<hbm>> -> memref<4x8x128xf32, #tpu.memory_space<hbm>>
        %dma_wait3A_123 = arith.constant 0 : i32
        %dma_wait3A_124 = arith.constant 0 : i32
        %dma_wait3A_125 = tpu.memref_slice %arg2[%dma_wait3A_123, %dma_wait3A_124, %mul3A_120] : memref<4x8x1000000xf32, #tpu.memory_space<hbm>> -> memref<4x8x128xf32, #tpu.memory_space<hbm>>
        tpu.wait_dma2 semaphore(%arg9 : memref<!tpu.dma_semaphore, #tpu.memory_space<semaphore_mem>>) src(%dma_wait3A_125 : memref<4x8x128xf32, #tpu.memory_space<hbm>>) dst(%arg5 : memref<4x8x128xf32, #tpu.memory_space<vmem>>)
        %parallel_loop3A = arith.constant 0 : i32
        %parallel_loop3A_126 = arith.constant 32 : i32
        %parallel_loop3A_127 = arith.constant 1 : i32
        scf.for %parallel_loop3A_139 = %parallel_loop3A to %parallel_loop3A_126 step %parallel_loop3A_127  : i32 {
          %parallel_loop3A_140 = arith.constant 4 : i32
          %parallel_loop3A_141 = arith.muli %parallel_loop3A_140, %parallel_loop3A_139 : i32
          %parallel_loop3A_142 = vector.broadcast %parallel_loop3A_141 : i32 to vector<16xi32>
          %parallel_loop3A_143 = arith.constant 1 : i32
          %parallel_loop3A_144 = vector.broadcast %parallel_loop3A_143 : i32 to vector<16xi32>
          %parallel_loop3A_145 = arith.addi %parallel_loop3A_142, %parallel_loop3A_144 : vector<16xi32>
          %parallel_loop3A_146 = arith.constant 2 : i32
          %parallel_loop3A_147 = vector.broadcast %parallel_loop3A_146 : i32 to vector<16xi32>
          %parallel_loop3A_148 = arith.addi %parallel_loop3A_142, %parallel_loop3A_147 : vector<16xi32>
          %parallel_loop3A_149 = arith.constant 3 : i32
          %parallel_loop3A_150 = vector.broadcast %parallel_loop3A_149 : i32 to vector<16xi32>
          %parallel_loop3A_151 = arith.addi %parallel_loop3A_142, %parallel_loop3A_150 : vector<16xi32>
          %parallel_loop3A_152 = tpu.vector_load_idx %arg5[%select_n3A_36, %rem3A_10, %parallel_loop3A_142] : memref<4x8x128xf32, #tpu.memory_space<vmem>>[vector<16xi32>, vector<16xi32>, vector<16xi32>], vector<16xf32>,
          %parallel_loop3A_153 = arith.index_cast %parallel_loop3A_139 : i32 to index
          %parallel_loop3A_154 = arith.constant 0 : index
          %parallel_loop3A_155 = tpu.vector_load %arg7[%parallel_loop3A_153, %parallel_loop3A_154] {strides = array<i32>} : memref<32x128xf32, #tpu.memory_space<vmem>>, vector<16xf32>,
          tpu.vector_store %arg7[%parallel_loop3A_153, %parallel_loop3A_154], %parallel_loop3A_152 {strides = array<i32>} : memref<32x128xf32, #tpu.memory_space<vmem>>, vector<16xf32>,
          %parallel_loop3A_156 = tpu.vector_load_idx %arg5[%add3A_70, %rem3A_10, %parallel_loop3A_142] : memref<4x8x128xf32, #tpu.memory_space<vmem>>[vector<16xi32>, vector<16xi32>, vector<16xi32>], vector<16xf32>,
          %parallel_loop3A_157 = arith.index_cast %parallel_loop3A_139 : i32 to index
          %parallel_loop3A_158 = arith.constant 16 : index
          %parallel_loop3A_159 = tpu.vector_load %arg7[%parallel_loop3A_157, %parallel_loop3A_158] {strides = array<i32>} : memref<32x128xf32, #tpu.memory_space<vmem>>, vector<16xf32>,
          tpu.vector_store %arg7[%parallel_loop3A_157, %parallel_loop3A_158], %parallel_loop3A_156 {strides = array<i32>} : memref<32x128xf32, #tpu.memory_space<vmem>>, vector<16xf32>,
          %parallel_loop3A_160 = tpu.vector_load_idx %arg5[%select_n3A_36, %rem3A_10, %parallel_loop3A_145] : memref<4x8x128xf32, #tpu.memory_space<vmem>>[vector<16xi32>, vector<16xi32>, vector<16xi32>], vector<16xf32>,
          %parallel_loop3A_161 = arith.index_cast %parallel_loop3A_139 : i32 to index
          %parallel_loop3A_162 = arith.constant 32 : index
          %parallel_loop3A_163 = tpu.vector_load %arg7[%parallel_loop3A_161, %parallel_loop3A_162] {strides = array<i32>} : memref<32x128xf32, #tpu.memory_space<vmem>>, vector<16xf32>,
          tpu.vector_store %arg7[%parallel_loop3A_161, %parallel_loop3A_162], %parallel_loop3A_160 {strides = array<i32>} : memref<32x128xf32, #tpu.memory_space<vmem>>, vector<16xf32>,
          %parallel_loop3A_164 = tpu.vector_load_idx %arg5[%add3A_70, %rem3A_10, %parallel_loop3A_145] : memref<4x8x128xf32, #tpu.memory_space<vmem>>[vector<16xi32>, vector<16xi32>, vector<16xi32>], vector<16xf32>,
          %parallel_loop3A_165 = arith.index_cast %parallel_loop3A_139 : i32 to index
          %parallel_loop3A_166 = arith.constant 48 : index
          %parallel_loop3A_167 = tpu.vector_load %arg7[%parallel_loop3A_165, %parallel_loop3A_166] {strides = array<i32>} : memref<32x128xf32, #tpu.memory_space<vmem>>, vector<16xf32>,
          tpu.vector_store %arg7[%parallel_loop3A_165, %parallel_loop3A_166], %parallel_loop3A_164 {strides = array<i32>} : memref<32x128xf32, #tpu.memory_space<vmem>>, vector<16xf32>,
          %parallel_loop3A_168 = tpu.vector_load_idx %arg5[%select_n3A_36, %rem3A_10, %parallel_loop3A_148] : memref<4x8x128xf32, #tpu.memory_space<vmem>>[vector<16xi32>, vector<16xi32>, vector<16xi32>], vector<16xf32>,
          %parallel_loop3A_169 = arith.index_cast %parallel_loop3A_139 : i32 to index
          %parallel_loop3A_170 = arith.constant 64 : index
          %parallel_loop3A_171 = tpu.vector_load %arg7[%parallel_loop3A_169, %parallel_loop3A_170] {strides = array<i32>} : memref<32x128xf32, #tpu.memory_space<vmem>>, vector<16xf32>,
          tpu.vector_store %arg7[%parallel_loop3A_169, %parallel_loop3A_170], %parallel_loop3A_168 {strides = array<i32>} : memref<32x128xf32, #tpu.memory_space<vmem>>, vector<16xf32>,
          %parallel_loop3A_172 = tpu.vector_load_idx %arg5[%add3A_70, %rem3A_10, %parallel_loop3A_148] : memref<4x8x128xf32, #tpu.memory_space<vmem>>[vector<16xi32>, vector<16xi32>, vector<16xi32>], vector<16xf32>,
          %parallel_loop3A_173 = arith.index_cast %parallel_loop3A_139 : i32 to index
          %parallel_loop3A_174 = arith.constant 80 : index
          %parallel_loop3A_175 = tpu.vector_load %arg7[%parallel_loop3A_173, %parallel_loop3A_174] {strides = array<i32>} : memref<32x128xf32, #tpu.memory_space<vmem>>, vector<16xf32>,
          tpu.vector_store %arg7[%parallel_loop3A_173, %parallel_loop3A_174], %parallel_loop3A_172 {strides = array<i32>} : memref<32x128xf32, #tpu.memory_space<vmem>>, vector<16xf32>,
          %parallel_loop3A_176 = tpu.vector_load_idx %arg5[%select_n3A_36, %rem3A_10, %parallel_loop3A_151] : memref<4x8x128xf32, #tpu.memory_space<vmem>>[vector<16xi32>, vector<16xi32>, vector<16xi32>], vector<16xf32>,
          %parallel_loop3A_177 = arith.index_cast %parallel_loop3A_139 : i32 to index
          %parallel_loop3A_178 = arith.constant 96 : index
          %parallel_loop3A_179 = tpu.vector_load %arg7[%parallel_loop3A_177, %parallel_loop3A_178] {strides = array<i32>} : memref<32x128xf32, #tpu.memory_space<vmem>>, vector<16xf32>,
          tpu.vector_store %arg7[%parallel_loop3A_177, %parallel_loop3A_178], %parallel_loop3A_176 {strides = array<i32>} : memref<32x128xf32, #tpu.memory_space<vmem>>, vector<16xf32>,
          %parallel_loop3A_180 = tpu.vector_load_idx %arg5[%add3A_70, %rem3A_10, %parallel_loop3A_151] : memref<4x8x128xf32, #tpu.memory_space<vmem>>[vector<16xi32>, vector<16xi32>, vector<16xi32>], vector<16xf32>,
          %parallel_loop3A_181 = arith.index_cast %parallel_loop3A_139 : i32 to index
          %parallel_loop3A_182 = arith.constant 112 : index
          %parallel_loop3A_183 = tpu.vector_load %arg7[%parallel_loop3A_181, %parallel_loop3A_182] {strides = array<i32>} : memref<32x128xf32, #tpu.memory_space<vmem>>, vector<16xf32>,
          tpu.vector_store %arg7[%parallel_loop3A_181, %parallel_loop3A_182], %parallel_loop3A_180 {strides = array<i32>} : memref<32x128xf32, #tpu.memory_space<vmem>>, vector<16xf32>,
        } {sc.loop_unroll_factor = 4 : i64, sc.parallel_access}
        %mul3A_128 = arith.constant 32 : i32
        %mul3A_129 = arith.muli %mul3A_128, %add3A_114 : i32
        %dma_start3A = arith.constant 0 : i32
        %dma_start3A_130 = tpu.memref_slice %arg4[%mul3A_129, %dma_start3A] : memref<250000x128xf32, #tpu.memory_space<hbm>> -> memref<32x128xf32, #tpu.memory_space<hbm>>
        %dma_start3A_131 = arith.constant 0 : i32
        %dma_start3A_132 = tpu.memref_slice %arg4[%mul3A_129, %dma_start3A_131] : memref<250000x128xf32, #tpu.memory_space<hbm>> -> memref<32x128xf32, #tpu.memory_space<hbm>>
        tpu.enqueue_dma source(%arg7 : memref<32x128xf32, #tpu.memory_space<vmem>>) target(%dma_start3A_132 : memref<32x128xf32, #tpu.memory_space<hbm>>) target_semaphore(%arg11 : memref<!tpu.dma_semaphore, #tpu.memory_space<semaphore_mem>>)
        %add3A_133 = arith.constant 2 : i32
        %add3A_134 = arith.addi %add3A_101, %add3A_133 : i32
        %lt3A_135 = arith.cmpi slt, %add3A_134, %add3A_8 : i32
        %convert_element_type3A_136 = arith.extui %lt3A_135 : i1 to i32
        %cond3A_137 = arith.constant 0 : i32
        %cond3A_138 = arith.cmpi ne, %convert_element_type3A_136, %cond3A_137 : i32
        scf.if %cond3A_138 {
          %add3A_139 = arith.constant 2 : i32
          %add3A_140 = arith.addi %add3A_114, %add3A_139 : i32
          %mul3A_141 = arith.constant 128 : i32
          %mul3A_142 = arith.muli %add3A_140, %mul3A_141 : i32
          %dma_start3A_143 = arith.constant 0 : i32
          %dma_start3A_144 = arith.constant 0 : i32
          %dma_start3A_145 = tpu.memref_slice %arg2[%dma_start3A_143, %dma_start3A_144, %mul3A_142] : memref<4x8x1000000xf32, #tpu.memory_space<hbm>> -> memref<4x8x128xf32, #tpu.memory_space<hbm>>
          %dma_start3A_146 = arith.constant 0 : i32
          %dma_start3A_147 = arith.constant 0 : i32
          %dma_start3A_148 = tpu.memref_slice %arg2[%dma_start3A_146, %dma_start3A_147, %mul3A_142] : memref<4x8x1000000xf32, #tpu.memory_space<hbm>> -> memref<4x8x128xf32, #tpu.memory_space<hbm>>
          tpu.enqueue_dma source(%dma_start3A_148 : memref<4x8x128xf32, #tpu.memory_space<hbm>>) target(%arg5 : memref<4x8x128xf32, #tpu.memory_space<vmem>>) target_semaphore(%arg9 : memref<!tpu.dma_semaphore, #tpu.memory_space<semaphore_mem>>)
        } else {
        }
      } else {
      }
      %mul3A_106 = arith.constant 2 : i32
      %mul3A_107 = arith.muli %mul3A_106, %scan3A_97 : i32
      %add3A_108 = arith.constant 1 : i32
      %add3A_109 = arith.addi %mul3A_107, %add3A_108 : i32
      %lt3A_110 = arith.cmpi slt, %add3A_109, %add3A_8 : i32
      %convert_element_type3A_111 = arith.extui %lt3A_110 : i1 to i32
      %cond3A_112 = arith.constant 0 : i32
      %cond3A_113 = arith.cmpi ne, %convert_element_type3A_111, %cond3A_112 : i32
      scf.if %cond3A_113 {
        %add3A_114 = arith.addi %add3A_4, %add3A_109 : i32
        %ge3A = arith.constant 1 : i32
        %ge3A_115 = arith.cmpi sge, %scan3A_97, %ge3A : i32
        %convert_element_type3A_116 = arith.extui %ge3A_115 : i1 to i32
        %cond3A_117 = arith.constant 0 : i32
        %cond3A_118 = arith.cmpi ne, %convert_element_type3A_116, %cond3A_117 : i32
        scf.if %cond3A_118 {
          %mul3A_139 = arith.constant 32 : i32
          %mul3A_140 = arith.muli %mul3A_139, %add3A_114 : i32
          %dma_wait3A_141 = arith.constant 0 : i32
          %dma_wait3A_142 = tpu.memref_slice %arg4[%mul3A_140, %dma_wait3A_141] : memref<250000x128xf32, #tpu.memory_space<hbm>> -> memref<32x128xf32, #tpu.memory_space<hbm>>
          %dma_wait3A_143 = arith.constant 0 : i32
          %dma_wait3A_144 = tpu.memref_slice %arg4[%mul3A_140, %dma_wait3A_143] : memref<250000x128xf32, #tpu.memory_space<hbm>> -> memref<32x128xf32, #tpu.memory_space<hbm>>
          tpu.wait_dma2 semaphore(%arg12 : memref<!tpu.dma_semaphore, #tpu.memory_space<semaphore_mem>>) src(%arg8 : memref<32x128xf32, #tpu.memory_space<vmem>>) dst(%dma_wait3A_144 : memref<32x128xf32, #tpu.memory_space<hbm>>)
        } else {
        }
        %mul3A_119 = arith.constant 128 : i32
        %mul3A_120 = arith.muli %add3A_114, %mul3A_119 : i32
        %dma_wait3A = arith.constant 0 : i32
        %dma_wait3A_121 = arith.constant 0 : i32
        %dma_wait3A_122 = tpu.memref_slice %arg2[%dma_wait3A, %dma_wait3A_121, %mul3A_120] : memref<4x8x1000000xf32, #tpu.memory_space<hbm>> -> memref<4x8x128xf32, #tpu.memory_space<hbm>>
        %dma_wait3A_123 = arith.constant 0 : i32
        %dma_wait3A_124 = arith.constant 0 : i32
        %dma_wait3A_125 = tpu.memref_slice %arg2[%dma_wait3A_123, %dma_wait3A_124, %mul3A_120] : memref<4x8x1000000xf32, #tpu.memory_space<hbm>> -> memref<4x8x128xf32, #tpu.memory_space<hbm>>
        tpu.wait_dma2 semaphore(%arg10 : memref<!tpu.dma_semaphore, #tpu.memory_space<semaphore_mem>>) src(%dma_wait3A_125 : memref<4x8x128xf32, #tpu.memory_space<hbm>>) dst(%arg6 : memref<4x8x128xf32, #tpu.memory_space<vmem>>)
        %parallel_loop3A = arith.constant 0 : i32
        %parallel_loop3A_126 = arith.constant 32 : i32
        %parallel_loop3A_127 = arith.constant 1 : i32
        scf.for %parallel_loop3A_139 = %parallel_loop3A to %parallel_loop3A_126 step %parallel_loop3A_127  : i32 {
          %parallel_loop3A_140 = arith.constant 4 : i32
          %parallel_loop3A_141 = arith.muli %parallel_loop3A_140, %parallel_loop3A_139 : i32
          %parallel_loop3A_142 = vector.broadcast %parallel_loop3A_141 : i32 to vector<16xi32>
          %parallel_loop3A_143 = arith.constant 1 : i32
          %parallel_loop3A_144 = vector.broadcast %parallel_loop3A_143 : i32 to vector<16xi32>
          %parallel_loop3A_145 = arith.addi %parallel_loop3A_142, %parallel_loop3A_144 : vector<16xi32>
          %parallel_loop3A_146 = arith.constant 2 : i32
          %parallel_loop3A_147 = vector.broadcast %parallel_loop3A_146 : i32 to vector<16xi32>
          %parallel_loop3A_148 = arith.addi %parallel_loop3A_142, %parallel_loop3A_147 : vector<16xi32>
          %parallel_loop3A_149 = arith.constant 3 : i32
          %parallel_loop3A_150 = vector.broadcast %parallel_loop3A_149 : i32 to vector<16xi32>
          %parallel_loop3A_151 = arith.addi %parallel_loop3A_142, %parallel_loop3A_150 : vector<16xi32>
          %parallel_loop3A_152 = tpu.vector_load_idx %arg6[%select_n3A_36, %rem3A_10, %parallel_loop3A_142] : memref<4x8x128xf32, #tpu.memory_space<vmem>>[vector<16xi32>, vector<16xi32>, vector<16xi32>], vector<16xf32>,
          %parallel_loop3A_153 = arith.index_cast %parallel_loop3A_139 : i32 to index
          %parallel_loop3A_154 = arith.constant 0 : index
          %parallel_loop3A_155 = tpu.vector_load %arg8[%parallel_loop3A_153, %parallel_loop3A_154] {strides = array<i32>} : memref<32x128xf32, #tpu.memory_space<vmem>>, vector<16xf32>,
          tpu.vector_store %arg8[%parallel_loop3A_153, %parallel_loop3A_154], %parallel_loop3A_152 {strides = array<i32>} : memref<32x128xf32, #tpu.memory_space<vmem>>, vector<16xf32>,
          %parallel_loop3A_156 = tpu.vector_load_idx %arg6[%add3A_70, %rem3A_10, %parallel_loop3A_142] : memref<4x8x128xf32, #tpu.memory_space<vmem>>[vector<16xi32>, vector<16xi32>, vector<16xi32>], vector<16xf32>,
          %parallel_loop3A_157 = arith.index_cast %parallel_loop3A_139 : i32 to index
          %parallel_loop3A_158 = arith.constant 16 : index
          %parallel_loop3A_159 = tpu.vector_load %arg8[%parallel_loop3A_157, %parallel_loop3A_158] {strides = array<i32>} : memref<32x128xf32, #tpu.memory_space<vmem>>, vector<16xf32>,
          tpu.vector_store %arg8[%parallel_loop3A_157, %parallel_loop3A_158], %parallel_loop3A_156 {strides = array<i32>} : memref<32x128xf32, #tpu.memory_space<vmem>>, vector<16xf32>,
          %parallel_loop3A_160 = tpu.vector_load_idx %arg6[%select_n3A_36, %rem3A_10, %parallel_loop3A_145] : memref<4x8x128xf32, #tpu.memory_space<vmem>>[vector<16xi32>, vector<16xi32>, vector<16xi32>], vector<16xf32>,
          %parallel_loop3A_161 = arith.index_cast %parallel_loop3A_139 : i32 to index
          %parallel_loop3A_162 = arith.constant 32 : index
          %parallel_loop3A_163 = tpu.vector_load %arg8[%parallel_loop3A_161, %parallel_loop3A_162] {strides = array<i32>} : memref<32x128xf32, #tpu.memory_space<vmem>>, vector<16xf32>,
          tpu.vector_store %arg8[%parallel_loop3A_161, %parallel_loop3A_162], %parallel_loop3A_160 {strides = array<i32>} : memref<32x128xf32, #tpu.memory_space<vmem>>, vector<16xf32>,
          %parallel_loop3A_164 = tpu.vector_load_idx %arg6[%add3A_70, %rem3A_10, %parallel_loop3A_145] : memref<4x8x128xf32, #tpu.memory_space<vmem>>[vector<16xi32>, vector<16xi32>, vector<16xi32>], vector<16xf32>,
          %parallel_loop3A_165 = arith.index_cast %parallel_loop3A_139 : i32 to index
          %parallel_loop3A_166 = arith.constant 48 : index
          %parallel_loop3A_167 = tpu.vector_load %arg8[%parallel_loop3A_165, %parallel_loop3A_166] {strides = array<i32>} : memref<32x128xf32, #tpu.memory_space<vmem>>, vector<16xf32>,
          tpu.vector_store %arg8[%parallel_loop3A_165, %parallel_loop3A_166], %parallel_loop3A_164 {strides = array<i32>} : memref<32x128xf32, #tpu.memory_space<vmem>>, vector<16xf32>,
          %parallel_loop3A_168 = tpu.vector_load_idx %arg6[%select_n3A_36, %rem3A_10, %parallel_loop3A_148] : memref<4x8x128xf32, #tpu.memory_space<vmem>>[vector<16xi32>, vector<16xi32>, vector<16xi32>], vector<16xf32>,
          %parallel_loop3A_169 = arith.index_cast %parallel_loop3A_139 : i32 to index
          %parallel_loop3A_170 = arith.constant 64 : index
          %parallel_loop3A_171 = tpu.vector_load %arg8[%parallel_loop3A_169, %parallel_loop3A_170] {strides = array<i32>} : memref<32x128xf32, #tpu.memory_space<vmem>>, vector<16xf32>,
          tpu.vector_store %arg8[%parallel_loop3A_169, %parallel_loop3A_170], %parallel_loop3A_168 {strides = array<i32>} : memref<32x128xf32, #tpu.memory_space<vmem>>, vector<16xf32>,
          %parallel_loop3A_172 = tpu.vector_load_idx %arg6[%add3A_70, %rem3A_10, %parallel_loop3A_148] : memref<4x8x128xf32, #tpu.memory_space<vmem>>[vector<16xi32>, vector<16xi32>, vector<16xi32>], vector<16xf32>,
          %parallel_loop3A_173 = arith.index_cast %parallel_loop3A_139 : i32 to index
          %parallel_loop3A_174 = arith.constant 80 : index
          %parallel_loop3A_175 = tpu.vector_load %arg8[%parallel_loop3A_173, %parallel_loop3A_174] {strides = array<i32>} : memref<32x128xf32, #tpu.memory_space<vmem>>, vector<16xf32>,
          tpu.vector_store %arg8[%parallel_loop3A_173, %parallel_loop3A_174], %parallel_loop3A_172 {strides = array<i32>} : memref<32x128xf32, #tpu.memory_space<vmem>>, vector<16xf32>,
          %parallel_loop3A_176 = tpu.vector_load_idx %arg6[%select_n3A_36, %rem3A_10, %parallel_loop3A_151] : memref<4x8x128xf32, #tpu.memory_space<vmem>>[vector<16xi32>, vector<16xi32>, vector<16xi32>], vector<16xf32>,
          %parallel_loop3A_177 = arith.index_cast %parallel_loop3A_139 : i32 to index
          %parallel_loop3A_178 = arith.constant 96 : index
          %parallel_loop3A_179 = tpu.vector_load %arg8[%parallel_loop3A_177, %parallel_loop3A_178] {strides = array<i32>} : memref<32x128xf32, #tpu.memory_space<vmem>>, vector<16xf32>,
          tpu.vector_store %arg8[%parallel_loop3A_177, %parallel_loop3A_178], %parallel_loop3A_176 {strides = array<i32>} : memref<32x128xf32, #tpu.memory_space<vmem>>, vector<16xf32>,
          %parallel_loop3A_180 = tpu.vector_load_idx %arg6[%add3A_70, %rem3A_10, %parallel_loop3A_151] : memref<4x8x128xf32, #tpu.memory_space<vmem>>[vector<16xi32>, vector<16xi32>, vector<16xi32>], vector<16xf32>,
          %parallel_loop3A_181 = arith.index_cast %parallel_loop3A_139 : i32 to index
          %parallel_loop3A_182 = arith.constant 112 : index
          %parallel_loop3A_183 = tpu.vector_load %arg8[%parallel_loop3A_181, %parallel_loop3A_182] {strides = array<i32>} : memref<32x128xf32, #tpu.memory_space<vmem>>, vector<16xf32>,
          tpu.vector_store %arg8[%parallel_loop3A_181, %parallel_loop3A_182], %parallel_loop3A_180 {strides = array<i32>} : memref<32x128xf32, #tpu.memory_space<vmem>>, vector<16xf32>,
        } {sc.loop_unroll_factor = 4 : i64, sc.parallel_access}
        %mul3A_128 = arith.constant 32 : i32
        %mul3A_129 = arith.muli %mul3A_128, %add3A_114 : i32
        %dma_start3A = arith.constant 0 : i32
        %dma_start3A_130 = tpu.memref_slice %arg4[%mul3A_129, %dma_start3A] : memref<250000x128xf32, #tpu.memory_space<hbm>> -> memref<32x128xf32, #tpu.memory_space<hbm>>
        %dma_start3A_131 = arith.constant 0 : i32
        %dma_start3A_132 = tpu.memref_slice %arg4[%mul3A_129, %dma_start3A_131] : memref<250000x128xf32, #tpu.memory_space<hbm>> -> memref<32x128xf32, #tpu.memory_space<hbm>>
        tpu.enqueue_dma source(%arg8 : memref<32x128xf32, #tpu.memory_space<vmem>>) target(%dma_start3A_132 : memref<32x128xf32, #tpu.memory_space<hbm>>) target_semaphore(%arg12 : memref<!tpu.dma_semaphore, #tpu.memory_space<semaphore_mem>>)
        %add3A_133 = arith.constant 2 : i32
        %add3A_134 = arith.addi %add3A_109, %add3A_133 : i32
        %lt3A_135 = arith.cmpi slt, %add3A_134, %add3A_8 : i32
        %convert_element_type3A_136 = arith.extui %lt3A_135 : i1 to i32
        %cond3A_137 = arith.constant 0 : i32
        %cond3A_138 = arith.cmpi ne, %convert_element_type3A_136, %cond3A_137 : i32
        scf.if %cond3A_138 {
          %add3A_139 = arith.constant 2 : i32
          %add3A_140 = arith.addi %add3A_114, %add3A_139 : i32
          %mul3A_141 = arith.constant 128 : i32
          %mul3A_142 = arith.muli %add3A_140, %mul3A_141 : i32
          %dma_start3A_143 = arith.constant 0 : i32
          %dma_start3A_144 = arith.constant 0 : i32
          %dma_start3A_145 = tpu.memref_slice %arg2[%dma_start3A_143, %dma_start3A_144, %mul3A_142] : memref<4x8x1000000xf32, #tpu.memory_space<hbm>> -> memref<4x8x128xf32, #tpu.memory_space<hbm>>
          %dma_start3A_146 = arith.constant 0 : i32
          %dma_start3A_147 = arith.constant 0 : i32
          %dma_start3A_148 = tpu.memref_slice %arg2[%dma_start3A_146, %dma_start3A_147, %mul3A_142] : memref<4x8x1000000xf32, #tpu.memory_space<hbm>> -> memref<4x8x128xf32, #tpu.memory_space<hbm>>
          tpu.enqueue_dma source(%dma_start3A_148 : memref<4x8x128xf32, #tpu.memory_space<hbm>>) target(%arg6 : memref<4x8x128xf32, #tpu.memory_space<vmem>>) target_semaphore(%arg10 : memref<!tpu.dma_semaphore, #tpu.memory_space<semaphore_mem>>)
        } else {
        }
      } else {
      }
    }
    %scan3A_86 = arith.constant 123 : i32
    %gt3A_87 = arith.constant 0 : i32
    %gt3A_88 = arith.cmpi sgt, %add3A_8, %gt3A_87 : i32
    %convert_element_type3A_89 = arith.extui %gt3A_88 : i1 to i32
    %cond3A_90 = arith.constant 0 : i32
    %cond3A_91 = arith.cmpi ne, %convert_element_type3A_89, %cond3A_90 : i32
    scf.if %cond3A_91 {
      %mul3A_97 = arith.constant 32 : i32
      %mul3A_98 = arith.muli %mul3A_97, %add3A_4 : i32
      %dma_wait3A = arith.constant 0 : i32
      %dma_wait3A_99 = tpu.memref_slice %arg4[%mul3A_98, %dma_wait3A] : memref<250000x128xf32, #tpu.memory_space<hbm>> -> memref<32x128xf32, #tpu.memory_space<hbm>>
      %dma_wait3A_100 = arith.constant 0 : i32
      %dma_wait3A_101 = tpu.memref_slice %arg4[%mul3A_98, %dma_wait3A_100] : memref<250000x128xf32, #tpu.memory_space<hbm>> -> memref<32x128xf32, #tpu.memory_space<hbm>>
      tpu.wait_dma2 semaphore(%arg11 : memref<!tpu.dma_semaphore, #tpu.memory_space<semaphore_mem>>) src(%arg7 : memref<32x128xf32, #tpu.memory_space<vmem>>) dst(%dma_wait3A_101 : memref<32x128xf32, #tpu.memory_space<hbm>>)
    } else {
    }
    %gt3A_92 = arith.constant 1 : i32
    %gt3A_93 = arith.cmpi sgt, %add3A_8, %gt3A_92 : i32
    %convert_element_type3A_94 = arith.extui %gt3A_93 : i1 to i32
    %cond3A_95 = arith.constant 0 : i32
    %cond3A_96 = arith.cmpi ne, %convert_element_type3A_94, %cond3A_95 : i32
    scf.if %cond3A_96 {
      %mul3A_97 = arith.constant 32 : i32
      %mul3A_98 = arith.muli %mul3A_97, %add3A_4 : i32
      %dma_wait3A = arith.constant 0 : i32
      %dma_wait3A_99 = tpu.memref_slice %arg4[%mul3A_98, %dma_wait3A] : memref<250000x128xf32, #tpu.memory_space<hbm>> -> memref<32x128xf32, #tpu.memory_space<hbm>>
      %dma_wait3A_100 = arith.constant 0 : i32
      %dma_wait3A_101 = tpu.memref_slice %arg4[%mul3A_98, %dma_wait3A_100] : memref<250000x128xf32, #tpu.memory_space<hbm>> -> memref<32x128xf32, #tpu.memory_space<hbm>>
      tpu.wait_dma2 semaphore(%arg12 : memref<!tpu.dma_semaphore, #tpu.memory_space<semaphore_mem>>) src(%arg8 : memref<32x128xf32, #tpu.memory_space<vmem>>) dst(%dma_wait3A_101 : memref<32x128xf32, #tpu.memory_space<hbm>>)
    } else {
    }
    return
  }
}

#map = affine_map<(d0, d1) -> (0)>
#map1 = affine_map<(d0, d1) -> (0, 0)>
#map2 = affine_map<(d0, d1) -> (0, 0, 0, 0, 0)>
module attributes {stable_mosaic.version = 14 : i64} {
  func.func @gather_kernel(%arg0: i32, %arg1: i32, %arg2: memref<425984xi32, #tpu.memory_space<hbm>>, %arg3: memref<1000000x32xf32, #tpu.memory_space<hbm>>, %arg4: memref<26x4x128x8x128xf32, #tpu.memory_space<hbm>>, %arg5: memref<13312xi32, #tpu.memory_space<vmem>>, %arg6: memref<512x32xf32, #tpu.memory_space<vmem>>, %arg7: memref<512x32xf32, #tpu.memory_space<vmem>>, %arg8: memref<4x4x8x128xf32, #tpu.memory_space<vmem>>, %arg9: memref<4x4x8x128xf32, #tpu.memory_space<vmem>>, %arg10: memref<!tpu.dma_semaphore, #tpu.memory_space<semaphore_mem>>, %arg11: memref<!tpu.dma_semaphore, #tpu.memory_space<semaphore_mem>>, %arg12: memref<!tpu.dma_semaphore, #tpu.memory_space<semaphore_mem>>, %arg13: memref<!tpu.dma_semaphore, #tpu.memory_space<semaphore_mem>>) attributes {dimension_semantics = [#tpu.dimension_semantics<core_parallel>, #tpu.dimension_semantics<subcore_parallel>], iteration_bounds = array<i64: 2, 16>, scalar_prefetch = 0 : i64, scratch_operands = 9 : i64, tpu.core_type = #tpu.core_type<sc_vector_subcore>, window_params = [{transform_indices = #map}, {transform_indices = #map1}, {transform_indices = #map2}]} {
    %mul3A = arith.constant 2 : i32
    %mul3A_0 = arith.muli %arg1, %mul3A : i32
    %add3A = arith.addi %mul3A_0, %arg0 : i32
    %mul3A_1 = arith.constant 26 : i32
    %mul3A_2 = arith.muli %add3A, %mul3A_1 : i32
    %mul3A_3 = arith.constant 13312 : i32
    %mul3A_4 = arith.muli %add3A, %mul3A_3 : i32
    "tpu.region"() ({
      %run_scoped3A = tpu.sem_alloc : memref<!tpu.dma_semaphore, #tpu.memory_space<semaphore_mem>>
      %dma_start3A_502 = tpu.memref_slice %arg2[%mul3A_4] : memref<425984xi32, #tpu.memory_space<hbm>> -> memref<13312xi32, #tpu.memory_space<hbm>>
      %dma_start3A_503 = tpu.memref_slice %arg2[%mul3A_4] : memref<425984xi32, #tpu.memory_space<hbm>> -> memref<13312xi32, #tpu.memory_space<hbm>>
      tpu.enqueue_dma source(%dma_start3A_503 : memref<13312xi32, #tpu.memory_space<hbm>>) target(%arg5 : memref<13312xi32, #tpu.memory_space<vmem>>) target_semaphore(%run_scoped3A : memref<!tpu.dma_semaphore, #tpu.memory_space<semaphore_mem>>)
      %dma_wait3A_504 = tpu.memref_slice %arg2[%mul3A_4] : memref<425984xi32, #tpu.memory_space<hbm>> -> memref<13312xi32, #tpu.memory_space<hbm>>
      %dma_wait3A_505 = tpu.memref_slice %arg2[%mul3A_4] : memref<425984xi32, #tpu.memory_space<hbm>> -> memref<13312xi32, #tpu.memory_space<hbm>>
      tpu.wait_dma2 semaphore(%run_scoped3A : memref<!tpu.dma_semaphore, #tpu.memory_space<semaphore_mem>>) src(%dma_wait3A_505 : memref<13312xi32, #tpu.memory_space<hbm>>) dst(%arg5 : memref<13312xi32, #tpu.memory_space<vmem>>)
      tpu.yield
    }) : () -> ()
    %iota3A = tpu.iota {dimensions = array<i32: 0>} : vector<16xi32>
    %add3A_5 = arith.constant 0 : i32
    %add3A_6 = vector.broadcast %add3A_5 : i32 to vector<16xi32>
    %add3A_7 = arith.addi %add3A_6, %iota3A : vector<16xi32>
    %add3A_8 = arith.constant 16 : i32
    %add3A_9 = vector.broadcast %add3A_8 : i32 to vector<16xi32>
    %add3A_10 = arith.addi %add3A_9, %iota3A : vector<16xi32>
    %add3A_11 = arith.constant 32 : i32
    %add3A_12 = vector.broadcast %add3A_11 : i32 to vector<16xi32>
    %add3A_13 = arith.addi %add3A_12, %iota3A : vector<16xi32>
    %add3A_14 = arith.constant 48 : i32
    %add3A_15 = vector.broadcast %add3A_14 : i32 to vector<16xi32>
    %add3A_16 = arith.addi %add3A_15, %iota3A : vector<16xi32>
    %add3A_17 = arith.constant 64 : i32
    %add3A_18 = vector.broadcast %add3A_17 : i32 to vector<16xi32>
    %add3A_19 = arith.addi %add3A_18, %iota3A : vector<16xi32>
    %add3A_20 = arith.constant 80 : i32
    %add3A_21 = vector.broadcast %add3A_20 : i32 to vector<16xi32>
    %add3A_22 = arith.addi %add3A_21, %iota3A : vector<16xi32>
    %add3A_23 = arith.constant 96 : i32
    %add3A_24 = vector.broadcast %add3A_23 : i32 to vector<16xi32>
    %add3A_25 = arith.addi %add3A_24, %iota3A : vector<16xi32>
    %add3A_26 = arith.constant 112 : i32
    %add3A_27 = vector.broadcast %add3A_26 : i32 to vector<16xi32>
    %add3A_28 = arith.addi %add3A_27, %iota3A : vector<16xi32>
    %add3A_29 = arith.constant 128 : i32
    %add3A_30 = vector.broadcast %add3A_29 : i32 to vector<16xi32>
    %add3A_31 = arith.addi %add3A_30, %iota3A : vector<16xi32>
    %add3A_32 = arith.constant 144 : i32
    %add3A_33 = vector.broadcast %add3A_32 : i32 to vector<16xi32>
    %add3A_34 = arith.addi %add3A_33, %iota3A : vector<16xi32>
    %add3A_35 = arith.constant 160 : i32
    %add3A_36 = vector.broadcast %add3A_35 : i32 to vector<16xi32>
    %add3A_37 = arith.addi %add3A_36, %iota3A : vector<16xi32>
    %add3A_38 = arith.constant 176 : i32
    %add3A_39 = vector.broadcast %add3A_38 : i32 to vector<16xi32>
    %add3A_40 = arith.addi %add3A_39, %iota3A : vector<16xi32>
    %add3A_41 = arith.constant 192 : i32
    %add3A_42 = vector.broadcast %add3A_41 : i32 to vector<16xi32>
    %add3A_43 = arith.addi %add3A_42, %iota3A : vector<16xi32>
    %add3A_44 = arith.constant 208 : i32
    %add3A_45 = vector.broadcast %add3A_44 : i32 to vector<16xi32>
    %add3A_46 = arith.addi %add3A_45, %iota3A : vector<16xi32>
    %add3A_47 = arith.constant 224 : i32
    %add3A_48 = vector.broadcast %add3A_47 : i32 to vector<16xi32>
    %add3A_49 = arith.addi %add3A_48, %iota3A : vector<16xi32>
    %add3A_50 = arith.constant 240 : i32
    %add3A_51 = vector.broadcast %add3A_50 : i32 to vector<16xi32>
    %add3A_52 = arith.addi %add3A_51, %iota3A : vector<16xi32>
    %add3A_53 = arith.constant 256 : i32
    %add3A_54 = vector.broadcast %add3A_53 : i32 to vector<16xi32>
    %add3A_55 = arith.addi %add3A_54, %iota3A : vector<16xi32>
    %add3A_56 = arith.constant 272 : i32
    %add3A_57 = vector.broadcast %add3A_56 : i32 to vector<16xi32>
    %add3A_58 = arith.addi %add3A_57, %iota3A : vector<16xi32>
    %add3A_59 = arith.constant 288 : i32
    %add3A_60 = vector.broadcast %add3A_59 : i32 to vector<16xi32>
    %add3A_61 = arith.addi %add3A_60, %iota3A : vector<16xi32>
    %add3A_62 = arith.constant 304 : i32
    %add3A_63 = vector.broadcast %add3A_62 : i32 to vector<16xi32>
    %add3A_64 = arith.addi %add3A_63, %iota3A : vector<16xi32>
    %add3A_65 = arith.constant 320 : i32
    %add3A_66 = vector.broadcast %add3A_65 : i32 to vector<16xi32>
    %add3A_67 = arith.addi %add3A_66, %iota3A : vector<16xi32>
    %add3A_68 = arith.constant 336 : i32
    %add3A_69 = vector.broadcast %add3A_68 : i32 to vector<16xi32>
    %add3A_70 = arith.addi %add3A_69, %iota3A : vector<16xi32>
    %add3A_71 = arith.constant 352 : i32
    %add3A_72 = vector.broadcast %add3A_71 : i32 to vector<16xi32>
    %add3A_73 = arith.addi %add3A_72, %iota3A : vector<16xi32>
    %add3A_74 = arith.constant 368 : i32
    %add3A_75 = vector.broadcast %add3A_74 : i32 to vector<16xi32>
    %add3A_76 = arith.addi %add3A_75, %iota3A : vector<16xi32>
    %add3A_77 = arith.constant 384 : i32
    %add3A_78 = vector.broadcast %add3A_77 : i32 to vector<16xi32>
    %add3A_79 = arith.addi %add3A_78, %iota3A : vector<16xi32>
    %add3A_80 = arith.constant 400 : i32
    %add3A_81 = vector.broadcast %add3A_80 : i32 to vector<16xi32>
    %add3A_82 = arith.addi %add3A_81, %iota3A : vector<16xi32>
    %add3A_83 = arith.constant 416 : i32
    %add3A_84 = vector.broadcast %add3A_83 : i32 to vector<16xi32>
    %add3A_85 = arith.addi %add3A_84, %iota3A : vector<16xi32>
    %add3A_86 = arith.constant 432 : i32
    %add3A_87 = vector.broadcast %add3A_86 : i32 to vector<16xi32>
    %add3A_88 = arith.addi %add3A_87, %iota3A : vector<16xi32>
    %add3A_89 = arith.constant 448 : i32
    %add3A_90 = vector.broadcast %add3A_89 : i32 to vector<16xi32>
    %add3A_91 = arith.addi %add3A_90, %iota3A : vector<16xi32>
    %add3A_92 = arith.constant 464 : i32
    %add3A_93 = vector.broadcast %add3A_92 : i32 to vector<16xi32>
    %add3A_94 = arith.addi %add3A_93, %iota3A : vector<16xi32>
    %add3A_95 = arith.constant 480 : i32
    %add3A_96 = vector.broadcast %add3A_95 : i32 to vector<16xi32>
    %add3A_97 = arith.addi %add3A_96, %iota3A : vector<16xi32>
    %add3A_98 = arith.constant 496 : i32
    %add3A_99 = vector.broadcast %add3A_98 : i32 to vector<16xi32>
    %add3A_100 = arith.addi %add3A_99, %iota3A : vector<16xi32>
    %dma_start3A = arith.constant 0 : i32
    %dma_start3A_101 = tpu.memref_slice %arg5[%dma_start3A] : memref<13312xi32, #tpu.memory_space<vmem>> -> memref<512xi32, #tpu.memory_space<vmem>>
    %dma_start3A_102 = arith.constant 0 : i32
    %dma_start3A_103 = arith.constant 0 : i32
    %dma_start3A_104 = tpu.memref_slice %arg3[%dma_start3A_102, %dma_start3A_103] : memref<1000000x32xf32, #tpu.memory_space<hbm>> -> memref<1000000x32xf32, #tpu.memory_space<hbm>>
    tpu.enqueue_indirect_dma source(%dma_start3A_104 : memref<1000000x32xf32, #tpu.memory_space<hbm>>) target(%arg6 : memref<512x32xf32, #tpu.memory_space<vmem>>) offsets(%dma_start3A_101 : memref<512xi32, #tpu.memory_space<vmem>>) semaphore(%arg10 : memref<!tpu.dma_semaphore, #tpu.memory_space<semaphore_mem>>)
    %dma_start3A_105 = arith.constant 512 : i32
    %dma_start3A_106 = tpu.memref_slice %arg5[%dma_start3A_105] : memref<13312xi32, #tpu.memory_space<vmem>> -> memref<512xi32, #tpu.memory_space<vmem>>
    %dma_start3A_107 = arith.constant 0 : i32
    %dma_start3A_108 = arith.constant 0 : i32
    %dma_start3A_109 = tpu.memref_slice %arg3[%dma_start3A_107, %dma_start3A_108] : memref<1000000x32xf32, #tpu.memory_space<hbm>> -> memref<1000000x32xf32, #tpu.memory_space<hbm>>
    tpu.enqueue_indirect_dma source(%dma_start3A_109 : memref<1000000x32xf32, #tpu.memory_space<hbm>>) target(%arg7 : memref<512x32xf32, #tpu.memory_space<vmem>>) offsets(%dma_start3A_106 : memref<512xi32, #tpu.memory_space<vmem>>) semaphore(%arg11 : memref<!tpu.dma_semaphore, #tpu.memory_space<semaphore_mem>>)
    %scan3A = arith.constant 0 : i32
    %scan3A_110 = arith.constant 0 : i32
    %scan3A_111 = arith.constant 13 : i32
    %scan3A_112 = arith.addi %scan3A_110, %scan3A_111 : i32
    %scan3A_113 = arith.constant 1 : i32
    scf.for %scan3A_502 = %scan3A_110 to %scan3A_112 step %scan3A_113  : i32 {
      %mul3A_503 = arith.constant 2 : i32
      %mul3A_504 = arith.muli %mul3A_503, %scan3A_502 : i32
      %add3A_505 = arith.constant 0 : i32
      %add3A_506 = arith.addi %mul3A_504, %add3A_505 : i32
      %add3A_507 = arith.addi %mul3A_2, %add3A_506 : i32
      %ge3A = arith.constant 1 : i32
      %ge3A_508 = arith.cmpi sge, %scan3A_502, %ge3A : i32
      %convert_element_type3A = arith.extui %ge3A_508 : i1 to i32
      %cond3A = arith.constant 0 : i32
      %cond3A_509 = arith.cmpi ne, %convert_element_type3A, %cond3A : i32
      scf.if %cond3A_509 {
        %jit3A_930 = arith.constant 32 : i32
        %div3A_931 = arith.divsi %add3A_507, %jit3A_930 : i32
        %sign3A_932 = arith.constant 0 : i32
        %sign3A_933 = arith.cmpi sgt, %add3A_507, %sign3A_932 : i32
        %sign3A_934 = arith.extui %sign3A_933 : i1 to i32
        %sign3A_935 = arith.constant 0 : i32
        %sign3A_936 = arith.cmpi slt, %add3A_507, %sign3A_935 : i32
        %sign3A_937 = arith.extui %sign3A_936 : i1 to i32
        %sign3A_938 = arith.subi %sign3A_934, %sign3A_937 : i32
        %sign3A_939 = arith.constant 0 : i32
        %sign3A_940 = arith.cmpi sgt, %jit3A_930, %sign3A_939 : i32
        %sign3A_941 = arith.extui %sign3A_940 : i1 to i32
        %sign3A_942 = arith.constant 0 : i32
        %sign3A_943 = arith.cmpi slt, %jit3A_930, %sign3A_942 : i32
        %sign3A_944 = arith.extui %sign3A_943 : i1 to i32
        %sign3A_945 = arith.subi %sign3A_941, %sign3A_944 : i32
        %ne3A_946 = arith.cmpi ne, %sign3A_938, %sign3A_945 : i32
        %rem3A_947 = arith.remsi %add3A_507, %jit3A_930 : i32
        %ne3A_948 = arith.constant 0 : i32
        %ne3A_949 = arith.cmpi ne, %rem3A_947, %ne3A_948 : i32
        %and3A_950 = arith.andi %ne3A_946, %ne3A_949 : i1
        %sub3A_951 = arith.constant 1 : i32
        %sub3A_952 = arith.subi %div3A_931, %sub3A_951 : i32
        %select_n3A_953 = arith.select %and3A_950, %sub3A_952, %div3A_931 : i32
        %rem3A_954 = arith.constant 32 : i32
        %rem3A_955 = arith.remsi %add3A_507, %rem3A_954 : i32
        %mul3A_956 = arith.constant 4 : i32
        %mul3A_957 = arith.muli %rem3A_955, %mul3A_956 : i32
        %dma_wait3A_958 = arith.constant 0 : i32
        %dma_wait3A_959 = arith.constant 0 : i32
        %dma_wait3A_960 = arith.constant 0 : i32
        %dma_wait3A_961 = arith.constant 0 : i32
        %dma_wait3A_962 = arith.constant 0 : i32
        %dma_wait3A_963 = tpu.memref_slice %arg8[%dma_wait3A_958, %dma_wait3A_960, %dma_wait3A_961, %dma_wait3A_962] : memref<4x4x8x128xf32, #tpu.memory_space<vmem>> -> memref<1x4x8x128xf32, #tpu.memory_space<vmem>>
        %dma_wait3A_964 = tpu.memref_squeeze %dma_wait3A_963 : memref<1x4x8x128xf32, #tpu.memory_space<vmem>> -> memref<4x8x128xf32, #tpu.memory_space<vmem>>
        %dma_wait3A_965 = arith.constant 0 : i32
        %dma_wait3A_966 = arith.constant 0 : i32
        %dma_wait3A_967 = tpu.memref_slice %arg4[%select_n3A_953, %dma_wait3A_959, %mul3A_957, %dma_wait3A_965, %dma_wait3A_966] : memref<26x4x128x8x128xf32, #tpu.memory_space<hbm>> -> memref<1x1x4x8x128xf32, #tpu.memory_space<hbm>>
        %dma_wait3A_968 = tpu.memref_squeeze %dma_wait3A_967 : memref<1x1x4x8x128xf32, #tpu.memory_space<hbm>> -> memref<4x8x128xf32, #tpu.memory_space<hbm>>
        %dma_wait3A_969 = arith.constant 0 : i32
        %dma_wait3A_970 = arith.constant 0 : i32
        %dma_wait3A_971 = tpu.memref_slice %arg4[%select_n3A_953, %dma_wait3A_959, %mul3A_957, %dma_wait3A_969, %dma_wait3A_970] : memref<26x4x128x8x128xf32, #tpu.memory_space<hbm>> -> memref<1x1x4x8x128xf32, #tpu.memory_space<hbm>>
        %dma_wait3A_972 = tpu.memref_squeeze %dma_wait3A_971 : memref<1x1x4x8x128xf32, #tpu.memory_space<hbm>> -> memref<4x8x128xf32, #tpu.memory_space<hbm>>
        %dma_wait3A_973 = arith.constant 0 : i32
        %dma_wait3A_974 = arith.constant 0 : i32
        %dma_wait3A_975 = arith.constant 0 : i32
        %dma_wait3A_976 = tpu.memref_slice %arg8[%dma_wait3A_958, %dma_wait3A_973, %dma_wait3A_974, %dma_wait3A_975] : memref<4x4x8x128xf32, #tpu.memory_space<vmem>> -> memref<1x4x8x128xf32, #tpu.memory_space<vmem>>
        %dma_wait3A_977 = tpu.memref_squeeze %dma_wait3A_976 : memref<1x4x8x128xf32, #tpu.memory_space<vmem>> -> memref<4x8x128xf32, #tpu.memory_space<vmem>>
        tpu.wait_dma2 semaphore(%arg12 : memref<!tpu.dma_semaphore, #tpu.memory_space<semaphore_mem>>) src(%dma_wait3A_977 : memref<4x8x128xf32, #tpu.memory_space<vmem>>) dst(%dma_wait3A_972 : memref<4x8x128xf32, #tpu.memory_space<hbm>>)
        %jit3A_978 = arith.constant 32 : i32
        %div3A_979 = arith.divsi %add3A_507, %jit3A_978 : i32
        %sign3A_980 = arith.constant 0 : i32
        %sign3A_981 = arith.cmpi sgt, %add3A_507, %sign3A_980 : i32
        %sign3A_982 = arith.extui %sign3A_981 : i1 to i32
        %sign3A_983 = arith.constant 0 : i32
        %sign3A_984 = arith.cmpi slt, %add3A_507, %sign3A_983 : i32
        %sign3A_985 = arith.extui %sign3A_984 : i1 to i32
        %sign3A_986 = arith.subi %sign3A_982, %sign3A_985 : i32
        %sign3A_987 = arith.constant 0 : i32
        %sign3A_988 = arith.cmpi sgt, %jit3A_978, %sign3A_987 : i32
        %sign3A_989 = arith.extui %sign3A_988 : i1 to i32
        %sign3A_990 = arith.constant 0 : i32
        %sign3A_991 = arith.cmpi slt, %jit3A_978, %sign3A_990 : i32
        %sign3A_992 = arith.extui %sign3A_991 : i1 to i32
        %sign3A_993 = arith.subi %sign3A_989, %sign3A_992 : i32
        %ne3A_994 = arith.cmpi ne, %sign3A_986, %sign3A_993 : i32
        %rem3A_995 = arith.remsi %add3A_507, %jit3A_978 : i32
        %ne3A_996 = arith.constant 0 : i32
        %ne3A_997 = arith.cmpi ne, %rem3A_995, %ne3A_996 : i32
        %and3A_998 = arith.andi %ne3A_994, %ne3A_997 : i1
        %sub3A_999 = arith.constant 1 : i32
        %sub3A_1000 = arith.subi %div3A_979, %sub3A_999 : i32
        %select_n3A_1001 = arith.select %and3A_998, %sub3A_1000, %div3A_979 : i32
        %rem3A_1002 = arith.constant 32 : i32
        %rem3A_1003 = arith.remsi %add3A_507, %rem3A_1002 : i32
        %mul3A_1004 = arith.constant 4 : i32
        %mul3A_1005 = arith.muli %rem3A_1003, %mul3A_1004 : i32
        %dma_wait3A_1006 = arith.constant 1 : i32
        %dma_wait3A_1007 = arith.constant 1 : i32
        %dma_wait3A_1008 = arith.constant 0 : i32
        %dma_wait3A_1009 = arith.constant 0 : i32
        %dma_wait3A_1010 = arith.constant 0 : i32
        %dma_wait3A_1011 = tpu.memref_slice %arg8[%dma_wait3A_1006, %dma_wait3A_1008, %dma_wait3A_1009, %dma_wait3A_1010] : memref<4x4x8x128xf32, #tpu.memory_space<vmem>> -> memref<1x4x8x128xf32, #tpu.memory_space<vmem>>
        %dma_wait3A_1012 = tpu.memref_squeeze %dma_wait3A_1011 : memref<1x4x8x128xf32, #tpu.memory_space<vmem>> -> memref<4x8x128xf32, #tpu.memory_space<vmem>>
        %dma_wait3A_1013 = arith.constant 0 : i32
        %dma_wait3A_1014 = arith.constant 0 : i32
        %dma_wait3A_1015 = tpu.memref_slice %arg4[%select_n3A_1001, %dma_wait3A_1007, %mul3A_1005, %dma_wait3A_1013, %dma_wait3A_1014] : memref<26x4x128x8x128xf32, #tpu.memory_space<hbm>> -> memref<1x1x4x8x128xf32, #tpu.memory_space<hbm>>
        %dma_wait3A_1016 = tpu.memref_squeeze %dma_wait3A_1015 : memref<1x1x4x8x128xf32, #tpu.memory_space<hbm>> -> memref<4x8x128xf32, #tpu.memory_space<hbm>>
        %dma_wait3A_1017 = arith.constant 0 : i32
        %dma_wait3A_1018 = arith.constant 0 : i32
        %dma_wait3A_1019 = tpu.memref_slice %arg4[%select_n3A_1001, %dma_wait3A_1007, %mul3A_1005, %dma_wait3A_1017, %dma_wait3A_1018] : memref<26x4x128x8x128xf32, #tpu.memory_space<hbm>> -> memref<1x1x4x8x128xf32, #tpu.memory_space<hbm>>
        %dma_wait3A_1020 = tpu.memref_squeeze %dma_wait3A_1019 : memref<1x1x4x8x128xf32, #tpu.memory_space<hbm>> -> memref<4x8x128xf32, #tpu.memory_space<hbm>>
        %dma_wait3A_1021 = arith.constant 0 : i32
        %dma_wait3A_1022 = arith.constant 0 : i32
        %dma_wait3A_1023 = arith.constant 0 : i32
        %dma_wait3A_1024 = tpu.memref_slice %arg8[%dma_wait3A_1006, %dma_wait3A_1021, %dma_wait3A_1022, %dma_wait3A_1023] : memref<4x4x8x128xf32, #tpu.memory_space<vmem>> -> memref<1x4x8x128xf32, #tpu.memory_space<vmem>>
        %dma_wait3A_1025 = tpu.memref_squeeze %dma_wait3A_1024 : memref<1x4x8x128xf32, #tpu.memory_space<vmem>> -> memref<4x8x128xf32, #tpu.memory_space<vmem>>
        tpu.wait_dma2 semaphore(%arg12 : memref<!tpu.dma_semaphore, #tpu.memory_space<semaphore_mem>>) src(%dma_wait3A_1025 : memref<4x8x128xf32, #tpu.memory_space<vmem>>) dst(%dma_wait3A_1020 : memref<4x8x128xf32, #tpu.memory_space<hbm>>)
        %jit3A_1026 = arith.constant 32 : i32
        %div3A_1027 = arith.divsi %add3A_507, %jit3A_1026 : i32
        %sign3A_1028 = arith.constant 0 : i32
        %sign3A_1029 = arith.cmpi sgt, %add3A_507, %sign3A_1028 : i32
        %sign3A_1030 = arith.extui %sign3A_1029 : i1 to i32
        %sign3A_1031 = arith.constant 0 : i32
        %sign3A_1032 = arith.cmpi slt, %add3A_507, %sign3A_1031 : i32
        %sign3A_1033 = arith.extui %sign3A_1032 : i1 to i32
        %sign3A_1034 = arith.subi %sign3A_1030, %sign3A_1033 : i32
        %sign3A_1035 = arith.constant 0 : i32
        %sign3A_1036 = arith.cmpi sgt, %jit3A_1026, %sign3A_1035 : i32
        %sign3A_1037 = arith.extui %sign3A_1036 : i1 to i32
        %sign3A_1038 = arith.constant 0 : i32
        %sign3A_1039 = arith.cmpi slt, %jit3A_1026, %sign3A_1038 : i32
        %sign3A_1040 = arith.extui %sign3A_1039 : i1 to i32
        %sign3A_1041 = arith.subi %sign3A_1037, %sign3A_1040 : i32
        %ne3A_1042 = arith.cmpi ne, %sign3A_1034, %sign3A_1041 : i32
        %rem3A_1043 = arith.remsi %add3A_507, %jit3A_1026 : i32
        %ne3A_1044 = arith.constant 0 : i32
        %ne3A_1045 = arith.cmpi ne, %rem3A_1043, %ne3A_1044 : i32
        %and3A_1046 = arith.andi %ne3A_1042, %ne3A_1045 : i1
        %sub3A_1047 = arith.constant 1 : i32
        %sub3A_1048 = arith.subi %div3A_1027, %sub3A_1047 : i32
        %select_n3A_1049 = arith.select %and3A_1046, %sub3A_1048, %div3A_1027 : i32
        %rem3A_1050 = arith.constant 32 : i32
        %rem3A_1051 = arith.remsi %add3A_507, %rem3A_1050 : i32
        %mul3A_1052 = arith.constant 4 : i32
        %mul3A_1053 = arith.muli %rem3A_1051, %mul3A_1052 : i32
        %dma_wait3A_1054 = arith.constant 2 : i32
        %dma_wait3A_1055 = arith.constant 2 : i32
        %dma_wait3A_1056 = arith.constant 0 : i32
        %dma_wait3A_1057 = arith.constant 0 : i32
        %dma_wait3A_1058 = arith.constant 0 : i32
        %dma_wait3A_1059 = tpu.memref_slice %arg8[%dma_wait3A_1054, %dma_wait3A_1056, %dma_wait3A_1057, %dma_wait3A_1058] : memref<4x4x8x128xf32, #tpu.memory_space<vmem>> -> memref<1x4x8x128xf32, #tpu.memory_space<vmem>>
        %dma_wait3A_1060 = tpu.memref_squeeze %dma_wait3A_1059 : memref<1x4x8x128xf32, #tpu.memory_space<vmem>> -> memref<4x8x128xf32, #tpu.memory_space<vmem>>
        %dma_wait3A_1061 = arith.constant 0 : i32
        %dma_wait3A_1062 = arith.constant 0 : i32
        %dma_wait3A_1063 = tpu.memref_slice %arg4[%select_n3A_1049, %dma_wait3A_1055, %mul3A_1053, %dma_wait3A_1061, %dma_wait3A_1062] : memref<26x4x128x8x128xf32, #tpu.memory_space<hbm>> -> memref<1x1x4x8x128xf32, #tpu.memory_space<hbm>>
        %dma_wait3A_1064 = tpu.memref_squeeze %dma_wait3A_1063 : memref<1x1x4x8x128xf32, #tpu.memory_space<hbm>> -> memref<4x8x128xf32, #tpu.memory_space<hbm>>
        %dma_wait3A_1065 = arith.constant 0 : i32
        %dma_wait3A_1066 = arith.constant 0 : i32
        %dma_wait3A_1067 = tpu.memref_slice %arg4[%select_n3A_1049, %dma_wait3A_1055, %mul3A_1053, %dma_wait3A_1065, %dma_wait3A_1066] : memref<26x4x128x8x128xf32, #tpu.memory_space<hbm>> -> memref<1x1x4x8x128xf32, #tpu.memory_space<hbm>>
        %dma_wait3A_1068 = tpu.memref_squeeze %dma_wait3A_1067 : memref<1x1x4x8x128xf32, #tpu.memory_space<hbm>> -> memref<4x8x128xf32, #tpu.memory_space<hbm>>
        %dma_wait3A_1069 = arith.constant 0 : i32
        %dma_wait3A_1070 = arith.constant 0 : i32
        %dma_wait3A_1071 = arith.constant 0 : i32
        %dma_wait3A_1072 = tpu.memref_slice %arg8[%dma_wait3A_1054, %dma_wait3A_1069, %dma_wait3A_1070, %dma_wait3A_1071] : memref<4x4x8x128xf32, #tpu.memory_space<vmem>> -> memref<1x4x8x128xf32, #tpu.memory_space<vmem>>
        %dma_wait3A_1073 = tpu.memref_squeeze %dma_wait3A_1072 : memref<1x4x8x128xf32, #tpu.memory_space<vmem>> -> memref<4x8x128xf32, #tpu.memory_space<vmem>>
        tpu.wait_dma2 semaphore(%arg12 : memref<!tpu.dma_semaphore, #tpu.memory_space<semaphore_mem>>) src(%dma_wait3A_1073 : memref<4x8x128xf32, #tpu.memory_space<vmem>>) dst(%dma_wait3A_1068 : memref<4x8x128xf32, #tpu.memory_space<hbm>>)
        %jit3A_1074 = arith.constant 32 : i32
        %div3A_1075 = arith.divsi %add3A_507, %jit3A_1074 : i32
        %sign3A_1076 = arith.constant 0 : i32
        %sign3A_1077 = arith.cmpi sgt, %add3A_507, %sign3A_1076 : i32
        %sign3A_1078 = arith.extui %sign3A_1077 : i1 to i32
        %sign3A_1079 = arith.constant 0 : i32
        %sign3A_1080 = arith.cmpi slt, %add3A_507, %sign3A_1079 : i32
        %sign3A_1081 = arith.extui %sign3A_1080 : i1 to i32
        %sign3A_1082 = arith.subi %sign3A_1078, %sign3A_1081 : i32
        %sign3A_1083 = arith.constant 0 : i32
        %sign3A_1084 = arith.cmpi sgt, %jit3A_1074, %sign3A_1083 : i32
        %sign3A_1085 = arith.extui %sign3A_1084 : i1 to i32
        %sign3A_1086 = arith.constant 0 : i32
        %sign3A_1087 = arith.cmpi slt, %jit3A_1074, %sign3A_1086 : i32
        %sign3A_1088 = arith.extui %sign3A_1087 : i1 to i32
        %sign3A_1089 = arith.subi %sign3A_1085, %sign3A_1088 : i32
        %ne3A_1090 = arith.cmpi ne, %sign3A_1082, %sign3A_1089 : i32
        %rem3A_1091 = arith.remsi %add3A_507, %jit3A_1074 : i32
        %ne3A_1092 = arith.constant 0 : i32
        %ne3A_1093 = arith.cmpi ne, %rem3A_1091, %ne3A_1092 : i32
        %and3A_1094 = arith.andi %ne3A_1090, %ne3A_1093 : i1
        %sub3A_1095 = arith.constant 1 : i32
        %sub3A_1096 = arith.subi %div3A_1075, %sub3A_1095 : i32
        %select_n3A_1097 = arith.select %and3A_1094, %sub3A_1096, %div3A_1075 : i32
        %rem3A_1098 = arith.constant 32 : i32
        %rem3A_1099 = arith.remsi %add3A_507, %rem3A_1098 : i32
        %mul3A_1100 = arith.constant 4 : i32
        %mul3A_1101 = arith.muli %rem3A_1099, %mul3A_1100 : i32
        %dma_wait3A_1102 = arith.constant 3 : i32
        %dma_wait3A_1103 = arith.constant 3 : i32
        %dma_wait3A_1104 = arith.constant 0 : i32
        %dma_wait3A_1105 = arith.constant 0 : i32
        %dma_wait3A_1106 = arith.constant 0 : i32
        %dma_wait3A_1107 = tpu.memref_slice %arg8[%dma_wait3A_1102, %dma_wait3A_1104, %dma_wait3A_1105, %dma_wait3A_1106] : memref<4x4x8x128xf32, #tpu.memory_space<vmem>> -> memref<1x4x8x128xf32, #tpu.memory_space<vmem>>
        %dma_wait3A_1108 = tpu.memref_squeeze %dma_wait3A_1107 : memref<1x4x8x128xf32, #tpu.memory_space<vmem>> -> memref<4x8x128xf32, #tpu.memory_space<vmem>>
        %dma_wait3A_1109 = arith.constant 0 : i32
        %dma_wait3A_1110 = arith.constant 0 : i32
        %dma_wait3A_1111 = tpu.memref_slice %arg4[%select_n3A_1097, %dma_wait3A_1103, %mul3A_1101, %dma_wait3A_1109, %dma_wait3A_1110] : memref<26x4x128x8x128xf32, #tpu.memory_space<hbm>> -> memref<1x1x4x8x128xf32, #tpu.memory_space<hbm>>
        %dma_wait3A_1112 = tpu.memref_squeeze %dma_wait3A_1111 : memref<1x1x4x8x128xf32, #tpu.memory_space<hbm>> -> memref<4x8x128xf32, #tpu.memory_space<hbm>>
        %dma_wait3A_1113 = arith.constant 0 : i32
        %dma_wait3A_1114 = arith.constant 0 : i32
        %dma_wait3A_1115 = tpu.memref_slice %arg4[%select_n3A_1097, %dma_wait3A_1103, %mul3A_1101, %dma_wait3A_1113, %dma_wait3A_1114] : memref<26x4x128x8x128xf32, #tpu.memory_space<hbm>> -> memref<1x1x4x8x128xf32, #tpu.memory_space<hbm>>
        %dma_wait3A_1116 = tpu.memref_squeeze %dma_wait3A_1115 : memref<1x1x4x8x128xf32, #tpu.memory_space<hbm>> -> memref<4x8x128xf32, #tpu.memory_space<hbm>>
        %dma_wait3A_1117 = arith.constant 0 : i32
        %dma_wait3A_1118 = arith.constant 0 : i32
        %dma_wait3A_1119 = arith.constant 0 : i32
        %dma_wait3A_1120 = tpu.memref_slice %arg8[%dma_wait3A_1102, %dma_wait3A_1117, %dma_wait3A_1118, %dma_wait3A_1119] : memref<4x4x8x128xf32, #tpu.memory_space<vmem>> -> memref<1x4x8x128xf32, #tpu.memory_space<vmem>>
        %dma_wait3A_1121 = tpu.memref_squeeze %dma_wait3A_1120 : memref<1x4x8x128xf32, #tpu.memory_space<vmem>> -> memref<4x8x128xf32, #tpu.memory_space<vmem>>
        tpu.wait_dma2 semaphore(%arg12 : memref<!tpu.dma_semaphore, #tpu.memory_space<semaphore_mem>>) src(%dma_wait3A_1121 : memref<4x8x128xf32, #tpu.memory_space<vmem>>) dst(%dma_wait3A_1116 : memref<4x8x128xf32, #tpu.memory_space<hbm>>)
      } else {
      }
      %mul3A_510 = arith.constant 512 : i32
      %mul3A_511 = arith.muli %add3A_506, %mul3A_510 : i32
      %dma_wait3A_512 = tpu.memref_slice %arg5[%mul3A_511] : memref<13312xi32, #tpu.memory_space<vmem>> -> memref<512xi32, #tpu.memory_space<vmem>>
      %dma_wait3A_513 = arith.constant 0 : i32
      %dma_wait3A_514 = arith.constant 0 : i32
      %dma_wait3A_515 = tpu.memref_slice %arg3[%dma_wait3A_513, %dma_wait3A_514] : memref<1000000x32xf32, #tpu.memory_space<hbm>> -> memref<1000000x32xf32, #tpu.memory_space<hbm>>
      tpu.wait_indirect_dma semaphore(%arg10 : memref<!tpu.dma_semaphore, #tpu.memory_space<semaphore_mem>>) src(%dma_wait3A_515 : memref<1000000x32xf32, #tpu.memory_space<hbm>>) dst(%arg6 : memref<512x32xf32, #tpu.memory_space<vmem>>)
      %parallel_loop3A = arith.constant 0 : i32
      %parallel_loop3A_516 = arith.constant 32 : i32
      %parallel_loop3A_517 = arith.constant 1 : i32
      scf.for %parallel_loop3A_930 = %parallel_loop3A to %parallel_loop3A_516 step %parallel_loop3A_517  : i32 {
        %parallel_loop3A_931 = vector.broadcast %parallel_loop3A_930 : i32 to vector<16xi32>
        %parallel_loop3A_932 = arith.constant 8 : i32
        %parallel_loop3A_933 = arith.divsi %parallel_loop3A_930, %parallel_loop3A_932 : i32
        %parallel_loop3A_934 = arith.constant 0 : i32
        %parallel_loop3A_935 = arith.cmpi sgt, %parallel_loop3A_930, %parallel_loop3A_934 : i32
        %parallel_loop3A_936 = arith.extui %parallel_loop3A_935 : i1 to i32
        %parallel_loop3A_937 = arith.constant 0 : i32
        %parallel_loop3A_938 = arith.cmpi slt, %parallel_loop3A_930, %parallel_loop3A_937 : i32
        %parallel_loop3A_939 = arith.extui %parallel_loop3A_938 : i1 to i32
        %parallel_loop3A_940 = arith.subi %parallel_loop3A_936, %parallel_loop3A_939 : i32
        %parallel_loop3A_941 = arith.constant 0 : i32
        %parallel_loop3A_942 = arith.cmpi sgt, %parallel_loop3A_932, %parallel_loop3A_941 : i32
        %parallel_loop3A_943 = arith.extui %parallel_loop3A_942 : i1 to i32
        %parallel_loop3A_944 = arith.constant 0 : i32
        %parallel_loop3A_945 = arith.cmpi slt, %parallel_loop3A_932, %parallel_loop3A_944 : i32
        %parallel_loop3A_946 = arith.extui %parallel_loop3A_945 : i1 to i32
        %parallel_loop3A_947 = arith.subi %parallel_loop3A_943, %parallel_loop3A_946 : i32
        %parallel_loop3A_948 = arith.cmpi ne, %parallel_loop3A_940, %parallel_loop3A_947 : i32
        %parallel_loop3A_949 = arith.remsi %parallel_loop3A_930, %parallel_loop3A_932 : i32
        %parallel_loop3A_950 = arith.constant 0 : i32
        %parallel_loop3A_951 = arith.cmpi ne, %parallel_loop3A_949, %parallel_loop3A_950 : i32
        %parallel_loop3A_952 = arith.andi %parallel_loop3A_948, %parallel_loop3A_951 : i1
        %parallel_loop3A_953 = arith.constant 1 : i32
        %parallel_loop3A_954 = arith.subi %parallel_loop3A_933, %parallel_loop3A_953 : i32
        %parallel_loop3A_955 = arith.select %parallel_loop3A_952, %parallel_loop3A_954, %parallel_loop3A_933 : i32
        %parallel_loop3A_956 = arith.constant 8 : i32
        %parallel_loop3A_957 = arith.remsi %parallel_loop3A_930, %parallel_loop3A_956 : i32
        %parallel_loop3A_958 = tpu.vector_load_idx %arg6[%add3A_7, %parallel_loop3A_931] : memref<512x32xf32, #tpu.memory_space<vmem>>[vector<16xi32>, vector<16xi32>], vector<16xf32>,
        %parallel_loop3A_959 = arith.constant 0 : i32
        %parallel_loop3A_960 = arith.index_cast %parallel_loop3A_955 : i32 to index
        %parallel_loop3A_961 = arith.index_cast %parallel_loop3A_959 : i32 to index
        %parallel_loop3A_962 = arith.index_cast %parallel_loop3A_957 : i32 to index
        %parallel_loop3A_963 = arith.constant 0 : index
        %parallel_loop3A_964 = tpu.vector_load %arg8[%parallel_loop3A_960, %parallel_loop3A_961, %parallel_loop3A_962, %parallel_loop3A_963] {strides = array<i32>} : memref<4x4x8x128xf32, #tpu.memory_space<vmem>>, vector<16xf32>,
        tpu.vector_store %arg8[%parallel_loop3A_960, %parallel_loop3A_961, %parallel_loop3A_962, %parallel_loop3A_963], %parallel_loop3A_958 {strides = array<i32>} : memref<4x4x8x128xf32, #tpu.memory_space<vmem>>, vector<16xf32>,
        %parallel_loop3A_965 = tpu.vector_load_idx %arg6[%add3A_10, %parallel_loop3A_931] : memref<512x32xf32, #tpu.memory_space<vmem>>[vector<16xi32>, vector<16xi32>], vector<16xf32>,
        %parallel_loop3A_966 = arith.constant 0 : i32
        %parallel_loop3A_967 = arith.index_cast %parallel_loop3A_955 : i32 to index
        %parallel_loop3A_968 = arith.index_cast %parallel_loop3A_966 : i32 to index
        %parallel_loop3A_969 = arith.index_cast %parallel_loop3A_957 : i32 to index
        %parallel_loop3A_970 = arith.constant 16 : index
        %parallel_loop3A_971 = tpu.vector_load %arg8[%parallel_loop3A_967, %parallel_loop3A_968, %parallel_loop3A_969, %parallel_loop3A_970] {strides = array<i32>} : memref<4x4x8x128xf32, #tpu.memory_space<vmem>>, vector<16xf32>,
        tpu.vector_store %arg8[%parallel_loop3A_967, %parallel_loop3A_968, %parallel_loop3A_969, %parallel_loop3A_970], %parallel_loop3A_965 {strides = array<i32>} : memref<4x4x8x128xf32, #tpu.memory_space<vmem>>, vector<16xf32>,
        %parallel_loop3A_972 = tpu.vector_load_idx %arg6[%add3A_13, %parallel_loop3A_931] : memref<512x32xf32, #tpu.memory_space<vmem>>[vector<16xi32>, vector<16xi32>], vector<16xf32>,
        %parallel_loop3A_973 = arith.constant 0 : i32
        %parallel_loop3A_974 = arith.index_cast %parallel_loop3A_955 : i32 to index
        %parallel_loop3A_975 = arith.index_cast %parallel_loop3A_973 : i32 to index
        %parallel_loop3A_976 = arith.index_cast %parallel_loop3A_957 : i32 to index
        %parallel_loop3A_977 = arith.constant 32 : index
        %parallel_loop3A_978 = tpu.vector_load %arg8[%parallel_loop3A_974, %parallel_loop3A_975, %parallel_loop3A_976, %parallel_loop3A_977] {strides = array<i32>} : memref<4x4x8x128xf32, #tpu.memory_space<vmem>>, vector<16xf32>,
        tpu.vector_store %arg8[%parallel_loop3A_974, %parallel_loop3A_975, %parallel_loop3A_976, %parallel_loop3A_977], %parallel_loop3A_972 {strides = array<i32>} : memref<4x4x8x128xf32, #tpu.memory_space<vmem>>, vector<16xf32>,
        %parallel_loop3A_979 = tpu.vector_load_idx %arg6[%add3A_16, %parallel_loop3A_931] : memref<512x32xf32, #tpu.memory_space<vmem>>[vector<16xi32>, vector<16xi32>], vector<16xf32>,
        %parallel_loop3A_980 = arith.constant 0 : i32
        %parallel_loop3A_981 = arith.index_cast %parallel_loop3A_955 : i32 to index
        %parallel_loop3A_982 = arith.index_cast %parallel_loop3A_980 : i32 to index
        %parallel_loop3A_983 = arith.index_cast %parallel_loop3A_957 : i32 to index
        %parallel_loop3A_984 = arith.constant 48 : index
        %parallel_loop3A_985 = tpu.vector_load %arg8[%parallel_loop3A_981, %parallel_loop3A_982, %parallel_loop3A_983, %parallel_loop3A_984] {strides = array<i32>} : memref<4x4x8x128xf32, #tpu.memory_space<vmem>>, vector<16xf32>,
        tpu.vector_store %arg8[%parallel_loop3A_981, %parallel_loop3A_982, %parallel_loop3A_983, %parallel_loop3A_984], %parallel_loop3A_979 {strides = array<i32>} : memref<4x4x8x128xf32, #tpu.memory_space<vmem>>, vector<16xf32>,
        %parallel_loop3A_986 = tpu.vector_load_idx %arg6[%add3A_19, %parallel_loop3A_931] : memref<512x32xf32, #tpu.memory_space<vmem>>[vector<16xi32>, vector<16xi32>], vector<16xf32>,
        %parallel_loop3A_987 = arith.constant 0 : i32
        %parallel_loop3A_988 = arith.index_cast %parallel_loop3A_955 : i32 to index
        %parallel_loop3A_989 = arith.index_cast %parallel_loop3A_987 : i32 to index
        %parallel_loop3A_990 = arith.index_cast %parallel_loop3A_957 : i32 to index
        %parallel_loop3A_991 = arith.constant 64 : index
        %parallel_loop3A_992 = tpu.vector_load %arg8[%parallel_loop3A_988, %parallel_loop3A_989, %parallel_loop3A_990, %parallel_loop3A_991] {strides = array<i32>} : memref<4x4x8x128xf32, #tpu.memory_space<vmem>>, vector<16xf32>,
        tpu.vector_store %arg8[%parallel_loop3A_988, %parallel_loop3A_989, %parallel_loop3A_990, %parallel_loop3A_991], %parallel_loop3A_986 {strides = array<i32>} : memref<4x4x8x128xf32, #tpu.memory_space<vmem>>, vector<16xf32>,
        %parallel_loop3A_993 = tpu.vector_load_idx %arg6[%add3A_22, %parallel_loop3A_931] : memref<512x32xf32, #tpu.memory_space<vmem>>[vector<16xi32>, vector<16xi32>], vector<16xf32>,
        %parallel_loop3A_994 = arith.constant 0 : i32
        %parallel_loop3A_995 = arith.index_cast %parallel_loop3A_955 : i32 to index
        %parallel_loop3A_996 = arith.index_cast %parallel_loop3A_994 : i32 to index
        %parallel_loop3A_997 = arith.index_cast %parallel_loop3A_957 : i32 to index
        %parallel_loop3A_998 = arith.constant 80 : index
        %parallel_loop3A_999 = tpu.vector_load %arg8[%parallel_loop3A_995, %parallel_loop3A_996, %parallel_loop3A_997, %parallel_loop3A_998] {strides = array<i32>} : memref<4x4x8x128xf32, #tpu.memory_space<vmem>>, vector<16xf32>,
        tpu.vector_store %arg8[%parallel_loop3A_995, %parallel_loop3A_996, %parallel_loop3A_997, %parallel_loop3A_998], %parallel_loop3A_993 {strides = array<i32>} : memref<4x4x8x128xf32, #tpu.memory_space<vmem>>, vector<16xf32>,
        %parallel_loop3A_1000 = tpu.vector_load_idx %arg6[%add3A_25, %parallel_loop3A_931] : memref<512x32xf32, #tpu.memory_space<vmem>>[vector<16xi32>, vector<16xi32>], vector<16xf32>,
        %parallel_loop3A_1001 = arith.constant 0 : i32
        %parallel_loop3A_1002 = arith.index_cast %parallel_loop3A_955 : i32 to index
        %parallel_loop3A_1003 = arith.index_cast %parallel_loop3A_1001 : i32 to index
        %parallel_loop3A_1004 = arith.index_cast %parallel_loop3A_957 : i32 to index
        %parallel_loop3A_1005 = arith.constant 96 : index
        %parallel_loop3A_1006 = tpu.vector_load %arg8[%parallel_loop3A_1002, %parallel_loop3A_1003, %parallel_loop3A_1004, %parallel_loop3A_1005] {strides = array<i32>} : memref<4x4x8x128xf32, #tpu.memory_space<vmem>>, vector<16xf32>,
        tpu.vector_store %arg8[%parallel_loop3A_1002, %parallel_loop3A_1003, %parallel_loop3A_1004, %parallel_loop3A_1005], %parallel_loop3A_1000 {strides = array<i32>} : memref<4x4x8x128xf32, #tpu.memory_space<vmem>>, vector<16xf32>,
        %parallel_loop3A_1007 = tpu.vector_load_idx %arg6[%add3A_28, %parallel_loop3A_931] : memref<512x32xf32, #tpu.memory_space<vmem>>[vector<16xi32>, vector<16xi32>], vector<16xf32>,
        %parallel_loop3A_1008 = arith.constant 0 : i32
        %parallel_loop3A_1009 = arith.index_cast %parallel_loop3A_955 : i32 to index
        %parallel_loop3A_1010 = arith.index_cast %parallel_loop3A_1008 : i32 to index
        %parallel_loop3A_1011 = arith.index_cast %parallel_loop3A_957 : i32 to index
        %parallel_loop3A_1012 = arith.constant 112 : index
        %parallel_loop3A_1013 = tpu.vector_load %arg8[%parallel_loop3A_1009, %parallel_loop3A_1010, %parallel_loop3A_1011, %parallel_loop3A_1012] {strides = array<i32>} : memref<4x4x8x128xf32, #tpu.memory_space<vmem>>, vector<16xf32>,
        tpu.vector_store %arg8[%parallel_loop3A_1009, %parallel_loop3A_1010, %parallel_loop3A_1011, %parallel_loop3A_1012], %parallel_loop3A_1007 {strides = array<i32>} : memref<4x4x8x128xf32, #tpu.memory_space<vmem>>, vector<16xf32>,
        %parallel_loop3A_1014 = tpu.vector_load_idx %arg6[%add3A_31, %parallel_loop3A_931] : memref<512x32xf32, #tpu.memory_space<vmem>>[vector<16xi32>, vector<16xi32>], vector<16xf32>,
        %parallel_loop3A_1015 = arith.constant 1 : i32
        %parallel_loop3A_1016 = arith.index_cast %parallel_loop3A_955 : i32 to index
        %parallel_loop3A_1017 = arith.index_cast %parallel_loop3A_1015 : i32 to index
        %parallel_loop3A_1018 = arith.index_cast %parallel_loop3A_957 : i32 to index
        %parallel_loop3A_1019 = arith.constant 0 : index
        %parallel_loop3A_1020 = tpu.vector_load %arg8[%parallel_loop3A_1016, %parallel_loop3A_1017, %parallel_loop3A_1018, %parallel_loop3A_1019] {strides = array<i32>} : memref<4x4x8x128xf32, #tpu.memory_space<vmem>>, vector<16xf32>,
        tpu.vector_store %arg8[%parallel_loop3A_1016, %parallel_loop3A_1017, %parallel_loop3A_1018, %parallel_loop3A_1019], %parallel_loop3A_1014 {strides = array<i32>} : memref<4x4x8x128xf32, #tpu.memory_space<vmem>>, vector<16xf32>,
        %parallel_loop3A_1021 = tpu.vector_load_idx %arg6[%add3A_34, %parallel_loop3A_931] : memref<512x32xf32, #tpu.memory_space<vmem>>[vector<16xi32>, vector<16xi32>], vector<16xf32>,
        %parallel_loop3A_1022 = arith.constant 1 : i32
        %parallel_loop3A_1023 = arith.index_cast %parallel_loop3A_955 : i32 to index
        %parallel_loop3A_1024 = arith.index_cast %parallel_loop3A_1022 : i32 to index
        %parallel_loop3A_1025 = arith.index_cast %parallel_loop3A_957 : i32 to index
        %parallel_loop3A_1026 = arith.constant 16 : index
        %parallel_loop3A_1027 = tpu.vector_load %arg8[%parallel_loop3A_1023, %parallel_loop3A_1024, %parallel_loop3A_1025, %parallel_loop3A_1026] {strides = array<i32>} : memref<4x4x8x128xf32, #tpu.memory_space<vmem>>, vector<16xf32>,
        tpu.vector_store %arg8[%parallel_loop3A_1023, %parallel_loop3A_1024, %parallel_loop3A_1025, %parallel_loop3A_1026], %parallel_loop3A_1021 {strides = array<i32>} : memref<4x4x8x128xf32, #tpu.memory_space<vmem>>, vector<16xf32>,
        %parallel_loop3A_1028 = tpu.vector_load_idx %arg6[%add3A_37, %parallel_loop3A_931] : memref<512x32xf32, #tpu.memory_space<vmem>>[vector<16xi32>, vector<16xi32>], vector<16xf32>,
        %parallel_loop3A_1029 = arith.constant 1 : i32
        %parallel_loop3A_1030 = arith.index_cast %parallel_loop3A_955 : i32 to index
        %parallel_loop3A_1031 = arith.index_cast %parallel_loop3A_1029 : i32 to index
        %parallel_loop3A_1032 = arith.index_cast %parallel_loop3A_957 : i32 to index
        %parallel_loop3A_1033 = arith.constant 32 : index
        %parallel_loop3A_1034 = tpu.vector_load %arg8[%parallel_loop3A_1030, %parallel_loop3A_1031, %parallel_loop3A_1032, %parallel_loop3A_1033] {strides = array<i32>} : memref<4x4x8x128xf32, #tpu.memory_space<vmem>>, vector<16xf32>,
        tpu.vector_store %arg8[%parallel_loop3A_1030, %parallel_loop3A_1031, %parallel_loop3A_1032, %parallel_loop3A_1033], %parallel_loop3A_1028 {strides = array<i32>} : memref<4x4x8x128xf32, #tpu.memory_space<vmem>>, vector<16xf32>,
        %parallel_loop3A_1035 = tpu.vector_load_idx %arg6[%add3A_40, %parallel_loop3A_931] : memref<512x32xf32, #tpu.memory_space<vmem>>[vector<16xi32>, vector<16xi32>], vector<16xf32>,
        %parallel_loop3A_1036 = arith.constant 1 : i32
        %parallel_loop3A_1037 = arith.index_cast %parallel_loop3A_955 : i32 to index
        %parallel_loop3A_1038 = arith.index_cast %parallel_loop3A_1036 : i32 to index
        %parallel_loop3A_1039 = arith.index_cast %parallel_loop3A_957 : i32 to index
        %parallel_loop3A_1040 = arith.constant 48 : index
        %parallel_loop3A_1041 = tpu.vector_load %arg8[%parallel_loop3A_1037, %parallel_loop3A_1038, %parallel_loop3A_1039, %parallel_loop3A_1040] {strides = array<i32>} : memref<4x4x8x128xf32, #tpu.memory_space<vmem>>, vector<16xf32>,
        tpu.vector_store %arg8[%parallel_loop3A_1037, %parallel_loop3A_1038, %parallel_loop3A_1039, %parallel_loop3A_1040], %parallel_loop3A_1035 {strides = array<i32>} : memref<4x4x8x128xf32, #tpu.memory_space<vmem>>, vector<16xf32>,
        %parallel_loop3A_1042 = tpu.vector_load_idx %arg6[%add3A_43, %parallel_loop3A_931] : memref<512x32xf32, #tpu.memory_space<vmem>>[vector<16xi32>, vector<16xi32>], vector<16xf32>,
        %parallel_loop3A_1043 = arith.constant 1 : i32
        %parallel_loop3A_1044 = arith.index_cast %parallel_loop3A_955 : i32 to index
        %parallel_loop3A_1045 = arith.index_cast %parallel_loop3A_1043 : i32 to index
        %parallel_loop3A_1046 = arith.index_cast %parallel_loop3A_957 : i32 to index
        %parallel_loop3A_1047 = arith.constant 64 : index
        %parallel_loop3A_1048 = tpu.vector_load %arg8[%parallel_loop3A_1044, %parallel_loop3A_1045, %parallel_loop3A_1046, %parallel_loop3A_1047] {strides = array<i32>} : memref<4x4x8x128xf32, #tpu.memory_space<vmem>>, vector<16xf32>,
        tpu.vector_store %arg8[%parallel_loop3A_1044, %parallel_loop3A_1045, %parallel_loop3A_1046, %parallel_loop3A_1047], %parallel_loop3A_1042 {strides = array<i32>} : memref<4x4x8x128xf32, #tpu.memory_space<vmem>>, vector<16xf32>,
        %parallel_loop3A_1049 = tpu.vector_load_idx %arg6[%add3A_46, %parallel_loop3A_931] : memref<512x32xf32, #tpu.memory_space<vmem>>[vector<16xi32>, vector<16xi32>], vector<16xf32>,
        %parallel_loop3A_1050 = arith.constant 1 : i32
        %parallel_loop3A_1051 = arith.index_cast %parallel_loop3A_955 : i32 to index
        %parallel_loop3A_1052 = arith.index_cast %parallel_loop3A_1050 : i32 to index
        %parallel_loop3A_1053 = arith.index_cast %parallel_loop3A_957 : i32 to index
        %parallel_loop3A_1054 = arith.constant 80 : index
        %parallel_loop3A_1055 = tpu.vector_load %arg8[%parallel_loop3A_1051, %parallel_loop3A_1052, %parallel_loop3A_1053, %parallel_loop3A_1054] {strides = array<i32>} : memref<4x4x8x128xf32, #tpu.memory_space<vmem>>, vector<16xf32>,
        tpu.vector_store %arg8[%parallel_loop3A_1051, %parallel_loop3A_1052, %parallel_loop3A_1053, %parallel_loop3A_1054], %parallel_loop3A_1049 {strides = array<i32>} : memref<4x4x8x128xf32, #tpu.memory_space<vmem>>, vector<16xf32>,
        %parallel_loop3A_1056 = tpu.vector_load_idx %arg6[%add3A_49, %parallel_loop3A_931] : memref<512x32xf32, #tpu.memory_space<vmem>>[vector<16xi32>, vector<16xi32>], vector<16xf32>,
        %parallel_loop3A_1057 = arith.constant 1 : i32
        %parallel_loop3A_1058 = arith.index_cast %parallel_loop3A_955 : i32 to index
        %parallel_loop3A_1059 = arith.index_cast %parallel_loop3A_1057 : i32 to index
        %parallel_loop3A_1060 = arith.index_cast %parallel_loop3A_957 : i32 to index
        %parallel_loop3A_1061 = arith.constant 96 : index
        %parallel_loop3A_1062 = tpu.vector_load %arg8[%parallel_loop3A_1058, %parallel_loop3A_1059, %parallel_loop3A_1060, %parallel_loop3A_1061] {strides = array<i32>} : memref<4x4x8x128xf32, #tpu.memory_space<vmem>>, vector<16xf32>,
        tpu.vector_store %arg8[%parallel_loop3A_1058, %parallel_loop3A_1059, %parallel_loop3A_1060, %parallel_loop3A_1061], %parallel_loop3A_1056 {strides = array<i32>} : memref<4x4x8x128xf32, #tpu.memory_space<vmem>>, vector<16xf32>,
        %parallel_loop3A_1063 = tpu.vector_load_idx %arg6[%add3A_52, %parallel_loop3A_931] : memref<512x32xf32, #tpu.memory_space<vmem>>[vector<16xi32>, vector<16xi32>], vector<16xf32>,
        %parallel_loop3A_1064 = arith.constant 1 : i32
        %parallel_loop3A_1065 = arith.index_cast %parallel_loop3A_955 : i32 to index
        %parallel_loop3A_1066 = arith.index_cast %parallel_loop3A_1064 : i32 to index
        %parallel_loop3A_1067 = arith.index_cast %parallel_loop3A_957 : i32 to index
        %parallel_loop3A_1068 = arith.constant 112 : index
        %parallel_loop3A_1069 = tpu.vector_load %arg8[%parallel_loop3A_1065, %parallel_loop3A_1066, %parallel_loop3A_1067, %parallel_loop3A_1068] {strides = array<i32>} : memref<4x4x8x128xf32, #tpu.memory_space<vmem>>, vector<16xf32>,
        tpu.vector_store %arg8[%parallel_loop3A_1065, %parallel_loop3A_1066, %parallel_loop3A_1067, %parallel_loop3A_1068], %parallel_loop3A_1063 {strides = array<i32>} : memref<4x4x8x128xf32, #tpu.memory_space<vmem>>, vector<16xf32>,
        %parallel_loop3A_1070 = tpu.vector_load_idx %arg6[%add3A_55, %parallel_loop3A_931] : memref<512x32xf32, #tpu.memory_space<vmem>>[vector<16xi32>, vector<16xi32>], vector<16xf32>,
        %parallel_loop3A_1071 = arith.constant 2 : i32
        %parallel_loop3A_1072 = arith.index_cast %parallel_loop3A_955 : i32 to index
        %parallel_loop3A_1073 = arith.index_cast %parallel_loop3A_1071 : i32 to index
        %parallel_loop3A_1074 = arith.index_cast %parallel_loop3A_957 : i32 to index
        %parallel_loop3A_1075 = arith.constant 0 : index
        %parallel_loop3A_1076 = tpu.vector_load %arg8[%parallel_loop3A_1072, %parallel_loop3A_1073, %parallel_loop3A_1074, %parallel_loop3A_1075] {strides = array<i32>} : memref<4x4x8x128xf32, #tpu.memory_space<vmem>>, vector<16xf32>,
        tpu.vector_store %arg8[%parallel_loop3A_1072, %parallel_loop3A_1073, %parallel_loop3A_1074, %parallel_loop3A_1075], %parallel_loop3A_1070 {strides = array<i32>} : memref<4x4x8x128xf32, #tpu.memory_space<vmem>>, vector<16xf32>,
        %parallel_loop3A_1077 = tpu.vector_load_idx %arg6[%add3A_58, %parallel_loop3A_931] : memref<512x32xf32, #tpu.memory_space<vmem>>[vector<16xi32>, vector<16xi32>], vector<16xf32>,
        %parallel_loop3A_1078 = arith.constant 2 : i32
        %parallel_loop3A_1079 = arith.index_cast %parallel_loop3A_955 : i32 to index
        %parallel_loop3A_1080 = arith.index_cast %parallel_loop3A_1078 : i32 to index
        %parallel_loop3A_1081 = arith.index_cast %parallel_loop3A_957 : i32 to index
        %parallel_loop3A_1082 = arith.constant 16 : index
        %parallel_loop3A_1083 = tpu.vector_load %arg8[%parallel_loop3A_1079, %parallel_loop3A_1080, %parallel_loop3A_1081, %parallel_loop3A_1082] {strides = array<i32>} : memref<4x4x8x128xf32, #tpu.memory_space<vmem>>, vector<16xf32>,
        tpu.vector_store %arg8[%parallel_loop3A_1079, %parallel_loop3A_1080, %parallel_loop3A_1081, %parallel_loop3A_1082], %parallel_loop3A_1077 {strides = array<i32>} : memref<4x4x8x128xf32, #tpu.memory_space<vmem>>, vector<16xf32>,
        %parallel_loop3A_1084 = tpu.vector_load_idx %arg6[%add3A_61, %parallel_loop3A_931] : memref<512x32xf32, #tpu.memory_space<vmem>>[vector<16xi32>, vector<16xi32>], vector<16xf32>,
        %parallel_loop3A_1085 = arith.constant 2 : i32
        %parallel_loop3A_1086 = arith.index_cast %parallel_loop3A_955 : i32 to index
        %parallel_loop3A_1087 = arith.index_cast %parallel_loop3A_1085 : i32 to index
        %parallel_loop3A_1088 = arith.index_cast %parallel_loop3A_957 : i32 to index
        %parallel_loop3A_1089 = arith.constant 32 : index
        %parallel_loop3A_1090 = tpu.vector_load %arg8[%parallel_loop3A_1086, %parallel_loop3A_1087, %parallel_loop3A_1088, %parallel_loop3A_1089] {strides = array<i32>} : memref<4x4x8x128xf32, #tpu.memory_space<vmem>>, vector<16xf32>,
        tpu.vector_store %arg8[%parallel_loop3A_1086, %parallel_loop3A_1087, %parallel_loop3A_1088, %parallel_loop3A_1089], %parallel_loop3A_1084 {strides = array<i32>} : memref<4x4x8x128xf32, #tpu.memory_space<vmem>>, vector<16xf32>,
        %parallel_loop3A_1091 = tpu.vector_load_idx %arg6[%add3A_64, %parallel_loop3A_931] : memref<512x32xf32, #tpu.memory_space<vmem>>[vector<16xi32>, vector<16xi32>], vector<16xf32>,
        %parallel_loop3A_1092 = arith.constant 2 : i32
        %parallel_loop3A_1093 = arith.index_cast %parallel_loop3A_955 : i32 to index
        %parallel_loop3A_1094 = arith.index_cast %parallel_loop3A_1092 : i32 to index
        %parallel_loop3A_1095 = arith.index_cast %parallel_loop3A_957 : i32 to index
        %parallel_loop3A_1096 = arith.constant 48 : index
        %parallel_loop3A_1097 = tpu.vector_load %arg8[%parallel_loop3A_1093, %parallel_loop3A_1094, %parallel_loop3A_1095, %parallel_loop3A_1096] {strides = array<i32>} : memref<4x4x8x128xf32, #tpu.memory_space<vmem>>, vector<16xf32>,
        tpu.vector_store %arg8[%parallel_loop3A_1093, %parallel_loop3A_1094, %parallel_loop3A_1095, %parallel_loop3A_1096], %parallel_loop3A_1091 {strides = array<i32>} : memref<4x4x8x128xf32, #tpu.memory_space<vmem>>, vector<16xf32>,
        %parallel_loop3A_1098 = tpu.vector_load_idx %arg6[%add3A_67, %parallel_loop3A_931] : memref<512x32xf32, #tpu.memory_space<vmem>>[vector<16xi32>, vector<16xi32>], vector<16xf32>,
        %parallel_loop3A_1099 = arith.constant 2 : i32
        %parallel_loop3A_1100 = arith.index_cast %parallel_loop3A_955 : i32 to index
        %parallel_loop3A_1101 = arith.index_cast %parallel_loop3A_1099 : i32 to index
        %parallel_loop3A_1102 = arith.index_cast %parallel_loop3A_957 : i32 to index
        %parallel_loop3A_1103 = arith.constant 64 : index
        %parallel_loop3A_1104 = tpu.vector_load %arg8[%parallel_loop3A_1100, %parallel_loop3A_1101, %parallel_loop3A_1102, %parallel_loop3A_1103] {strides = array<i32>} : memref<4x4x8x128xf32, #tpu.memory_space<vmem>>, vector<16xf32>,
        tpu.vector_store %arg8[%parallel_loop3A_1100, %parallel_loop3A_1101, %parallel_loop3A_1102, %parallel_loop3A_1103], %parallel_loop3A_1098 {strides = array<i32>} : memref<4x4x8x128xf32, #tpu.memory_space<vmem>>, vector<16xf32>,
        %parallel_loop3A_1105 = tpu.vector_load_idx %arg6[%add3A_70, %parallel_loop3A_931] : memref<512x32xf32, #tpu.memory_space<vmem>>[vector<16xi32>, vector<16xi32>], vector<16xf32>,
        %parallel_loop3A_1106 = arith.constant 2 : i32
        %parallel_loop3A_1107 = arith.index_cast %parallel_loop3A_955 : i32 to index
        %parallel_loop3A_1108 = arith.index_cast %parallel_loop3A_1106 : i32 to index
        %parallel_loop3A_1109 = arith.index_cast %parallel_loop3A_957 : i32 to index
        %parallel_loop3A_1110 = arith.constant 80 : index
        %parallel_loop3A_1111 = tpu.vector_load %arg8[%parallel_loop3A_1107, %parallel_loop3A_1108, %parallel_loop3A_1109, %parallel_loop3A_1110] {strides = array<i32>} : memref<4x4x8x128xf32, #tpu.memory_space<vmem>>, vector<16xf32>,
        tpu.vector_store %arg8[%parallel_loop3A_1107, %parallel_loop3A_1108, %parallel_loop3A_1109, %parallel_loop3A_1110], %parallel_loop3A_1105 {strides = array<i32>} : memref<4x4x8x128xf32, #tpu.memory_space<vmem>>, vector<16xf32>,
        %parallel_loop3A_1112 = tpu.vector_load_idx %arg6[%add3A_73, %parallel_loop3A_931] : memref<512x32xf32, #tpu.memory_space<vmem>>[vector<16xi32>, vector<16xi32>], vector<16xf32>,
        %parallel_loop3A_1113 = arith.constant 2 : i32
        %parallel_loop3A_1114 = arith.index_cast %parallel_loop3A_955 : i32 to index
        %parallel_loop3A_1115 = arith.index_cast %parallel_loop3A_1113 : i32 to index
        %parallel_loop3A_1116 = arith.index_cast %parallel_loop3A_957 : i32 to index
        %parallel_loop3A_1117 = arith.constant 96 : index
        %parallel_loop3A_1118 = tpu.vector_load %arg8[%parallel_loop3A_1114, %parallel_loop3A_1115, %parallel_loop3A_1116, %parallel_loop3A_1117] {strides = array<i32>} : memref<4x4x8x128xf32, #tpu.memory_space<vmem>>, vector<16xf32>,
        tpu.vector_store %arg8[%parallel_loop3A_1114, %parallel_loop3A_1115, %parallel_loop3A_1116, %parallel_loop3A_1117], %parallel_loop3A_1112 {strides = array<i32>} : memref<4x4x8x128xf32, #tpu.memory_space<vmem>>, vector<16xf32>,
        %parallel_loop3A_1119 = tpu.vector_load_idx %arg6[%add3A_76, %parallel_loop3A_931] : memref<512x32xf32, #tpu.memory_space<vmem>>[vector<16xi32>, vector<16xi32>], vector<16xf32>,
        %parallel_loop3A_1120 = arith.constant 2 : i32
        %parallel_loop3A_1121 = arith.index_cast %parallel_loop3A_955 : i32 to index
        %parallel_loop3A_1122 = arith.index_cast %parallel_loop3A_1120 : i32 to index
        %parallel_loop3A_1123 = arith.index_cast %parallel_loop3A_957 : i32 to index
        %parallel_loop3A_1124 = arith.constant 112 : index
        %parallel_loop3A_1125 = tpu.vector_load %arg8[%parallel_loop3A_1121, %parallel_loop3A_1122, %parallel_loop3A_1123, %parallel_loop3A_1124] {strides = array<i32>} : memref<4x4x8x128xf32, #tpu.memory_space<vmem>>, vector<16xf32>,
        tpu.vector_store %arg8[%parallel_loop3A_1121, %parallel_loop3A_1122, %parallel_loop3A_1123, %parallel_loop3A_1124], %parallel_loop3A_1119 {strides = array<i32>} : memref<4x4x8x128xf32, #tpu.memory_space<vmem>>, vector<16xf32>,
        %parallel_loop3A_1126 = tpu.vector_load_idx %arg6[%add3A_79, %parallel_loop3A_931] : memref<512x32xf32, #tpu.memory_space<vmem>>[vector<16xi32>, vector<16xi32>], vector<16xf32>,
        %parallel_loop3A_1127 = arith.constant 3 : i32
        %parallel_loop3A_1128 = arith.index_cast %parallel_loop3A_955 : i32 to index
        %parallel_loop3A_1129 = arith.index_cast %parallel_loop3A_1127 : i32 to index
        %parallel_loop3A_1130 = arith.index_cast %parallel_loop3A_957 : i32 to index
        %parallel_loop3A_1131 = arith.constant 0 : index
        %parallel_loop3A_1132 = tpu.vector_load %arg8[%parallel_loop3A_1128, %parallel_loop3A_1129, %parallel_loop3A_1130, %parallel_loop3A_1131] {strides = array<i32>} : memref<4x4x8x128xf32, #tpu.memory_space<vmem>>, vector<16xf32>,
        tpu.vector_store %arg8[%parallel_loop3A_1128, %parallel_loop3A_1129, %parallel_loop3A_1130, %parallel_loop3A_1131], %parallel_loop3A_1126 {strides = array<i32>} : memref<4x4x8x128xf32, #tpu.memory_space<vmem>>, vector<16xf32>,
        %parallel_loop3A_1133 = tpu.vector_load_idx %arg6[%add3A_82, %parallel_loop3A_931] : memref<512x32xf32, #tpu.memory_space<vmem>>[vector<16xi32>, vector<16xi32>], vector<16xf32>,
        %parallel_loop3A_1134 = arith.constant 3 : i32
        %parallel_loop3A_1135 = arith.index_cast %parallel_loop3A_955 : i32 to index
        %parallel_loop3A_1136 = arith.index_cast %parallel_loop3A_1134 : i32 to index
        %parallel_loop3A_1137 = arith.index_cast %parallel_loop3A_957 : i32 to index
        %parallel_loop3A_1138 = arith.constant 16 : index
        %parallel_loop3A_1139 = tpu.vector_load %arg8[%parallel_loop3A_1135, %parallel_loop3A_1136, %parallel_loop3A_1137, %parallel_loop3A_1138] {strides = array<i32>} : memref<4x4x8x128xf32, #tpu.memory_space<vmem>>, vector<16xf32>,
        tpu.vector_store %arg8[%parallel_loop3A_1135, %parallel_loop3A_1136, %parallel_loop3A_1137, %parallel_loop3A_1138], %parallel_loop3A_1133 {strides = array<i32>} : memref<4x4x8x128xf32, #tpu.memory_space<vmem>>, vector<16xf32>,
        %parallel_loop3A_1140 = tpu.vector_load_idx %arg6[%add3A_85, %parallel_loop3A_931] : memref<512x32xf32, #tpu.memory_space<vmem>>[vector<16xi32>, vector<16xi32>], vector<16xf32>,
        %parallel_loop3A_1141 = arith.constant 3 : i32
        %parallel_loop3A_1142 = arith.index_cast %parallel_loop3A_955 : i32 to index
        %parallel_loop3A_1143 = arith.index_cast %parallel_loop3A_1141 : i32 to index
        %parallel_loop3A_1144 = arith.index_cast %parallel_loop3A_957 : i32 to index
        %parallel_loop3A_1145 = arith.constant 32 : index
        %parallel_loop3A_1146 = tpu.vector_load %arg8[%parallel_loop3A_1142, %parallel_loop3A_1143, %parallel_loop3A_1144, %parallel_loop3A_1145] {strides = array<i32>} : memref<4x4x8x128xf32, #tpu.memory_space<vmem>>, vector<16xf32>,
        tpu.vector_store %arg8[%parallel_loop3A_1142, %parallel_loop3A_1143, %parallel_loop3A_1144, %parallel_loop3A_1145], %parallel_loop3A_1140 {strides = array<i32>} : memref<4x4x8x128xf32, #tpu.memory_space<vmem>>, vector<16xf32>,
        %parallel_loop3A_1147 = tpu.vector_load_idx %arg6[%add3A_88, %parallel_loop3A_931] : memref<512x32xf32, #tpu.memory_space<vmem>>[vector<16xi32>, vector<16xi32>], vector<16xf32>,
        %parallel_loop3A_1148 = arith.constant 3 : i32
        %parallel_loop3A_1149 = arith.index_cast %parallel_loop3A_955 : i32 to index
        %parallel_loop3A_1150 = arith.index_cast %parallel_loop3A_1148 : i32 to index
        %parallel_loop3A_1151 = arith.index_cast %parallel_loop3A_957 : i32 to index
        %parallel_loop3A_1152 = arith.constant 48 : index
        %parallel_loop3A_1153 = tpu.vector_load %arg8[%parallel_loop3A_1149, %parallel_loop3A_1150, %parallel_loop3A_1151, %parallel_loop3A_1152] {strides = array<i32>} : memref<4x4x8x128xf32, #tpu.memory_space<vmem>>, vector<16xf32>,
        tpu.vector_store %arg8[%parallel_loop3A_1149, %parallel_loop3A_1150, %parallel_loop3A_1151, %parallel_loop3A_1152], %parallel_loop3A_1147 {strides = array<i32>} : memref<4x4x8x128xf32, #tpu.memory_space<vmem>>, vector<16xf32>,
        %parallel_loop3A_1154 = tpu.vector_load_idx %arg6[%add3A_91, %parallel_loop3A_931] : memref<512x32xf32, #tpu.memory_space<vmem>>[vector<16xi32>, vector<16xi32>], vector<16xf32>,
        %parallel_loop3A_1155 = arith.constant 3 : i32
        %parallel_loop3A_1156 = arith.index_cast %parallel_loop3A_955 : i32 to index
        %parallel_loop3A_1157 = arith.index_cast %parallel_loop3A_1155 : i32 to index
        %parallel_loop3A_1158 = arith.index_cast %parallel_loop3A_957 : i32 to index
        %parallel_loop3A_1159 = arith.constant 64 : index
        %parallel_loop3A_1160 = tpu.vector_load %arg8[%parallel_loop3A_1156, %parallel_loop3A_1157, %parallel_loop3A_1158, %parallel_loop3A_1159] {strides = array<i32>} : memref<4x4x8x128xf32, #tpu.memory_space<vmem>>, vector<16xf32>,
        tpu.vector_store %arg8[%parallel_loop3A_1156, %parallel_loop3A_1157, %parallel_loop3A_1158, %parallel_loop3A_1159], %parallel_loop3A_1154 {strides = array<i32>} : memref<4x4x8x128xf32, #tpu.memory_space<vmem>>, vector<16xf32>,
        %parallel_loop3A_1161 = tpu.vector_load_idx %arg6[%add3A_94, %parallel_loop3A_931] : memref<512x32xf32, #tpu.memory_space<vmem>>[vector<16xi32>, vector<16xi32>], vector<16xf32>,
        %parallel_loop3A_1162 = arith.constant 3 : i32
        %parallel_loop3A_1163 = arith.index_cast %parallel_loop3A_955 : i32 to index
        %parallel_loop3A_1164 = arith.index_cast %parallel_loop3A_1162 : i32 to index
        %parallel_loop3A_1165 = arith.index_cast %parallel_loop3A_957 : i32 to index
        %parallel_loop3A_1166 = arith.constant 80 : index
        %parallel_loop3A_1167 = tpu.vector_load %arg8[%parallel_loop3A_1163, %parallel_loop3A_1164, %parallel_loop3A_1165, %parallel_loop3A_1166] {strides = array<i32>} : memref<4x4x8x128xf32, #tpu.memory_space<vmem>>, vector<16xf32>,
        tpu.vector_store %arg8[%parallel_loop3A_1163, %parallel_loop3A_1164, %parallel_loop3A_1165, %parallel_loop3A_1166], %parallel_loop3A_1161 {strides = array<i32>} : memref<4x4x8x128xf32, #tpu.memory_space<vmem>>, vector<16xf32>,
        %parallel_loop3A_1168 = tpu.vector_load_idx %arg6[%add3A_97, %parallel_loop3A_931] : memref<512x32xf32, #tpu.memory_space<vmem>>[vector<16xi32>, vector<16xi32>], vector<16xf32>,
        %parallel_loop3A_1169 = arith.constant 3 : i32
        %parallel_loop3A_1170 = arith.index_cast %parallel_loop3A_955 : i32 to index
        %parallel_loop3A_1171 = arith.index_cast %parallel_loop3A_1169 : i32 to index
        %parallel_loop3A_1172 = arith.index_cast %parallel_loop3A_957 : i32 to index
        %parallel_loop3A_1173 = arith.constant 96 : index
        %parallel_loop3A_1174 = tpu.vector_load %arg8[%parallel_loop3A_1170, %parallel_loop3A_1171, %parallel_loop3A_1172, %parallel_loop3A_1173] {strides = array<i32>} : memref<4x4x8x128xf32, #tpu.memory_space<vmem>>, vector<16xf32>,
        tpu.vector_store %arg8[%parallel_loop3A_1170, %parallel_loop3A_1171, %parallel_loop3A_1172, %parallel_loop3A_1173], %parallel_loop3A_1168 {strides = array<i32>} : memref<4x4x8x128xf32, #tpu.memory_space<vmem>>, vector<16xf32>,
        %parallel_loop3A_1175 = tpu.vector_load_idx %arg6[%add3A_100, %parallel_loop3A_931] : memref<512x32xf32, #tpu.memory_space<vmem>>[vector<16xi32>, vector<16xi32>], vector<16xf32>,
        %parallel_loop3A_1176 = arith.constant 3 : i32
        %parallel_loop3A_1177 = arith.index_cast %parallel_loop3A_955 : i32 to index
        %parallel_loop3A_1178 = arith.index_cast %parallel_loop3A_1176 : i32 to index
        %parallel_loop3A_1179 = arith.index_cast %parallel_loop3A_957 : i32 to index
        %parallel_loop3A_1180 = arith.constant 112 : index
        %parallel_loop3A_1181 = tpu.vector_load %arg8[%parallel_loop3A_1177, %parallel_loop3A_1178, %parallel_loop3A_1179, %parallel_loop3A_1180] {strides = array<i32>} : memref<4x4x8x128xf32, #tpu.memory_space<vmem>>, vector<16xf32>,
        tpu.vector_store %arg8[%parallel_loop3A_1177, %parallel_loop3A_1178, %parallel_loop3A_1179, %parallel_loop3A_1180], %parallel_loop3A_1175 {strides = array<i32>} : memref<4x4x8x128xf32, #tpu.memory_space<vmem>>, vector<16xf32>,
      } {sc.loop_unroll_factor = 4 : i64, sc.parallel_access}
      %jit3A_518 = arith.constant 32 : i32
      %div3A_519 = arith.divsi %add3A_507, %jit3A_518 : i32
      %sign3A_520 = arith.constant 0 : i32
      %sign3A_521 = arith.cmpi sgt, %add3A_507, %sign3A_520 : i32
      %sign3A_522 = arith.extui %sign3A_521 : i1 to i32
      %sign3A_523 = arith.constant 0 : i32
      %sign3A_524 = arith.cmpi slt, %add3A_507, %sign3A_523 : i32
      %sign3A_525 = arith.extui %sign3A_524 : i1 to i32
      %sign3A_526 = arith.subi %sign3A_522, %sign3A_525 : i32
      %sign3A_527 = arith.constant 0 : i32
      %sign3A_528 = arith.cmpi sgt, %jit3A_518, %sign3A_527 : i32
      %sign3A_529 = arith.extui %sign3A_528 : i1 to i32
      %sign3A_530 = arith.constant 0 : i32
      %sign3A_531 = arith.cmpi slt, %jit3A_518, %sign3A_530 : i32
      %sign3A_532 = arith.extui %sign3A_531 : i1 to i32
      %sign3A_533 = arith.subi %sign3A_529, %sign3A_532 : i32
      %ne3A_534 = arith.cmpi ne, %sign3A_526, %sign3A_533 : i32
      %rem3A_535 = arith.remsi %add3A_507, %jit3A_518 : i32
      %ne3A_536 = arith.constant 0 : i32
      %ne3A_537 = arith.cmpi ne, %rem3A_535, %ne3A_536 : i32
      %and3A_538 = arith.andi %ne3A_534, %ne3A_537 : i1
      %sub3A_539 = arith.constant 1 : i32
      %sub3A_540 = arith.subi %div3A_519, %sub3A_539 : i32
      %select_n3A_541 = arith.select %and3A_538, %sub3A_540, %div3A_519 : i32
      %rem3A_542 = arith.constant 32 : i32
      %rem3A_543 = arith.remsi %add3A_507, %rem3A_542 : i32
      %mul3A_544 = arith.constant 4 : i32
      %mul3A_545 = arith.muli %rem3A_543, %mul3A_544 : i32
      %dma_start3A_546 = arith.constant 0 : i32
      %dma_start3A_547 = arith.constant 0 : i32
      %dma_start3A_548 = arith.constant 0 : i32
      %dma_start3A_549 = arith.constant 0 : i32
      %dma_start3A_550 = arith.constant 0 : i32
      %dma_start3A_551 = tpu.memref_slice %arg8[%dma_start3A_546, %dma_start3A_548, %dma_start3A_549, %dma_start3A_550] : memref<4x4x8x128xf32, #tpu.memory_space<vmem>> -> memref<1x4x8x128xf32, #tpu.memory_space<vmem>>
      %dma_start3A_552 = tpu.memref_squeeze %dma_start3A_551 : memref<1x4x8x128xf32, #tpu.memory_space<vmem>> -> memref<4x8x128xf32, #tpu.memory_space<vmem>>
      %dma_start3A_553 = arith.constant 0 : i32
      %dma_start3A_554 = arith.constant 0 : i32
      %dma_start3A_555 = tpu.memref_slice %arg4[%select_n3A_541, %dma_start3A_547, %mul3A_545, %dma_start3A_553, %dma_start3A_554] : memref<26x4x128x8x128xf32, #tpu.memory_space<hbm>> -> memref<1x1x4x8x128xf32, #tpu.memory_space<hbm>>
      %dma_start3A_556 = tpu.memref_squeeze %dma_start3A_555 : memref<1x1x4x8x128xf32, #tpu.memory_space<hbm>> -> memref<4x8x128xf32, #tpu.memory_space<hbm>>
      %dma_start3A_557 = arith.constant 0 : i32
      %dma_start3A_558 = arith.constant 0 : i32
      %dma_start3A_559 = tpu.memref_slice %arg4[%select_n3A_541, %dma_start3A_547, %mul3A_545, %dma_start3A_557, %dma_start3A_558] : memref<26x4x128x8x128xf32, #tpu.memory_space<hbm>> -> memref<1x1x4x8x128xf32, #tpu.memory_space<hbm>>
      %dma_start3A_560 = tpu.memref_squeeze %dma_start3A_559 : memref<1x1x4x8x128xf32, #tpu.memory_space<hbm>> -> memref<4x8x128xf32, #tpu.memory_space<hbm>>
      %dma_start3A_561 = arith.constant 0 : i32
      %dma_start3A_562 = arith.constant 0 : i32
      %dma_start3A_563 = arith.constant 0 : i32
      %dma_start3A_564 = tpu.memref_slice %arg8[%dma_start3A_546, %dma_start3A_561, %dma_start3A_562, %dma_start3A_563] : memref<4x4x8x128xf32, #tpu.memory_space<vmem>> -> memref<1x4x8x128xf32, #tpu.memory_space<vmem>>
      %dma_start3A_565 = tpu.memref_squeeze %dma_start3A_564 : memref<1x4x8x128xf32, #tpu.memory_space<vmem>> -> memref<4x8x128xf32, #tpu.memory_space<vmem>>
      tpu.enqueue_dma source(%dma_start3A_565 : memref<4x8x128xf32, #tpu.memory_space<vmem>>) target(%dma_start3A_560 : memref<4x8x128xf32, #tpu.memory_space<hbm>>) target_semaphore(%arg12 : memref<!tpu.dma_semaphore, #tpu.memory_space<semaphore_mem>>)
      %jit3A_566 = arith.constant 32 : i32
      %div3A_567 = arith.divsi %add3A_507, %jit3A_566 : i32
      %sign3A_568 = arith.constant 0 : i32
      %sign3A_569 = arith.cmpi sgt, %add3A_507, %sign3A_568 : i32
      %sign3A_570 = arith.extui %sign3A_569 : i1 to i32
      %sign3A_571 = arith.constant 0 : i32
      %sign3A_572 = arith.cmpi slt, %add3A_507, %sign3A_571 : i32
      %sign3A_573 = arith.extui %sign3A_572 : i1 to i32
      %sign3A_574 = arith.subi %sign3A_570, %sign3A_573 : i32
      %sign3A_575 = arith.constant 0 : i32
      %sign3A_576 = arith.cmpi sgt, %jit3A_566, %sign3A_575 : i32
      %sign3A_577 = arith.extui %sign3A_576 : i1 to i32
      %sign3A_578 = arith.constant 0 : i32
      %sign3A_579 = arith.cmpi slt, %jit3A_566, %sign3A_578 : i32
      %sign3A_580 = arith.extui %sign3A_579 : i1 to i32
      %sign3A_581 = arith.subi %sign3A_577, %sign3A_580 : i32
      %ne3A_582 = arith.cmpi ne, %sign3A_574, %sign3A_581 : i32
      %rem3A_583 = arith.remsi %add3A_507, %jit3A_566 : i32
      %ne3A_584 = arith.constant 0 : i32
      %ne3A_585 = arith.cmpi ne, %rem3A_583, %ne3A_584 : i32
      %and3A_586 = arith.andi %ne3A_582, %ne3A_585 : i1
      %sub3A_587 = arith.constant 1 : i32
      %sub3A_588 = arith.subi %div3A_567, %sub3A_587 : i32
      %select_n3A_589 = arith.select %and3A_586, %sub3A_588, %div3A_567 : i32
      %rem3A_590 = arith.constant 32 : i32
      %rem3A_591 = arith.remsi %add3A_507, %rem3A_590 : i32
      %mul3A_592 = arith.constant 4 : i32
      %mul3A_593 = arith.muli %rem3A_591, %mul3A_592 : i32
      %dma_start3A_594 = arith.constant 1 : i32
      %dma_start3A_595 = arith.constant 1 : i32
      %dma_start3A_596 = arith.constant 0 : i32
      %dma_start3A_597 = arith.constant 0 : i32
      %dma_start3A_598 = arith.constant 0 : i32
      %dma_start3A_599 = tpu.memref_slice %arg8[%dma_start3A_594, %dma_start3A_596, %dma_start3A_597, %dma_start3A_598] : memref<4x4x8x128xf32, #tpu.memory_space<vmem>> -> memref<1x4x8x128xf32, #tpu.memory_space<vmem>>
      %dma_start3A_600 = tpu.memref_squeeze %dma_start3A_599 : memref<1x4x8x128xf32, #tpu.memory_space<vmem>> -> memref<4x8x128xf32, #tpu.memory_space<vmem>>
      %dma_start3A_601 = arith.constant 0 : i32
      %dma_start3A_602 = arith.constant 0 : i32
      %dma_start3A_603 = tpu.memref_slice %arg4[%select_n3A_589, %dma_start3A_595, %mul3A_593, %dma_start3A_601, %dma_start3A_602] : memref<26x4x128x8x128xf32, #tpu.memory_space<hbm>> -> memref<1x1x4x8x128xf32, #tpu.memory_space<hbm>>
      %dma_start3A_604 = tpu.memref_squeeze %dma_start3A_603 : memref<1x1x4x8x128xf32, #tpu.memory_space<hbm>> -> memref<4x8x128xf32, #tpu.memory_space<hbm>>
      %dma_start3A_605 = arith.constant 0 : i32
      %dma_start3A_606 = arith.constant 0 : i32
      %dma_start3A_607 = tpu.memref_slice %arg4[%select_n3A_589, %dma_start3A_595, %mul3A_593, %dma_start3A_605, %dma_start3A_606] : memref<26x4x128x8x128xf32, #tpu.memory_space<hbm>> -> memref<1x1x4x8x128xf32, #tpu.memory_space<hbm>>
      %dma_start3A_608 = tpu.memref_squeeze %dma_start3A_607 : memref<1x1x4x8x128xf32, #tpu.memory_space<hbm>> -> memref<4x8x128xf32, #tpu.memory_space<hbm>>
      %dma_start3A_609 = arith.constant 0 : i32
      %dma_start3A_610 = arith.constant 0 : i32
      %dma_start3A_611 = arith.constant 0 : i32
      %dma_start3A_612 = tpu.memref_slice %arg8[%dma_start3A_594, %dma_start3A_609, %dma_start3A_610, %dma_start3A_611] : memref<4x4x8x128xf32, #tpu.memory_space<vmem>> -> memref<1x4x8x128xf32, #tpu.memory_space<vmem>>
      %dma_start3A_613 = tpu.memref_squeeze %dma_start3A_612 : memref<1x4x8x128xf32, #tpu.memory_space<vmem>> -> memref<4x8x128xf32, #tpu.memory_space<vmem>>
      tpu.enqueue_dma source(%dma_start3A_613 : memref<4x8x128xf32, #tpu.memory_space<vmem>>) target(%dma_start3A_608 : memref<4x8x128xf32, #tpu.memory_space<hbm>>) target_semaphore(%arg12 : memref<!tpu.dma_semaphore, #tpu.memory_space<semaphore_mem>>)
      %jit3A_614 = arith.constant 32 : i32
      %div3A_615 = arith.divsi %add3A_507, %jit3A_614 : i32
      %sign3A_616 = arith.constant 0 : i32
      %sign3A_617 = arith.cmpi sgt, %add3A_507, %sign3A_616 : i32
      %sign3A_618 = arith.extui %sign3A_617 : i1 to i32
      %sign3A_619 = arith.constant 0 : i32
      %sign3A_620 = arith.cmpi slt, %add3A_507, %sign3A_619 : i32
      %sign3A_621 = arith.extui %sign3A_620 : i1 to i32
      %sign3A_622 = arith.subi %sign3A_618, %sign3A_621 : i32
      %sign3A_623 = arith.constant 0 : i32
      %sign3A_624 = arith.cmpi sgt, %jit3A_614, %sign3A_623 : i32
      %sign3A_625 = arith.extui %sign3A_624 : i1 to i32
      %sign3A_626 = arith.constant 0 : i32
      %sign3A_627 = arith.cmpi slt, %jit3A_614, %sign3A_626 : i32
      %sign3A_628 = arith.extui %sign3A_627 : i1 to i32
      %sign3A_629 = arith.subi %sign3A_625, %sign3A_628 : i32
      %ne3A_630 = arith.cmpi ne, %sign3A_622, %sign3A_629 : i32
      %rem3A_631 = arith.remsi %add3A_507, %jit3A_614 : i32
      %ne3A_632 = arith.constant 0 : i32
      %ne3A_633 = arith.cmpi ne, %rem3A_631, %ne3A_632 : i32
      %and3A_634 = arith.andi %ne3A_630, %ne3A_633 : i1
      %sub3A_635 = arith.constant 1 : i32
      %sub3A_636 = arith.subi %div3A_615, %sub3A_635 : i32
      %select_n3A_637 = arith.select %and3A_634, %sub3A_636, %div3A_615 : i32
      %rem3A_638 = arith.constant 32 : i32
      %rem3A_639 = arith.remsi %add3A_507, %rem3A_638 : i32
      %mul3A_640 = arith.constant 4 : i32
      %mul3A_641 = arith.muli %rem3A_639, %mul3A_640 : i32
      %dma_start3A_642 = arith.constant 2 : i32
      %dma_start3A_643 = arith.constant 2 : i32
      %dma_start3A_644 = arith.constant 0 : i32
      %dma_start3A_645 = arith.constant 0 : i32
      %dma_start3A_646 = arith.constant 0 : i32
      %dma_start3A_647 = tpu.memref_slice %arg8[%dma_start3A_642, %dma_start3A_644, %dma_start3A_645, %dma_start3A_646] : memref<4x4x8x128xf32, #tpu.memory_space<vmem>> -> memref<1x4x8x128xf32, #tpu.memory_space<vmem>>
      %dma_start3A_648 = tpu.memref_squeeze %dma_start3A_647 : memref<1x4x8x128xf32, #tpu.memory_space<vmem>> -> memref<4x8x128xf32, #tpu.memory_space<vmem>>
      %dma_start3A_649 = arith.constant 0 : i32
      %dma_start3A_650 = arith.constant 0 : i32
      %dma_start3A_651 = tpu.memref_slice %arg4[%select_n3A_637, %dma_start3A_643, %mul3A_641, %dma_start3A_649, %dma_start3A_650] : memref<26x4x128x8x128xf32, #tpu.memory_space<hbm>> -> memref<1x1x4x8x128xf32, #tpu.memory_space<hbm>>
      %dma_start3A_652 = tpu.memref_squeeze %dma_start3A_651 : memref<1x1x4x8x128xf32, #tpu.memory_space<hbm>> -> memref<4x8x128xf32, #tpu.memory_space<hbm>>
      %dma_start3A_653 = arith.constant 0 : i32
      %dma_start3A_654 = arith.constant 0 : i32
      %dma_start3A_655 = tpu.memref_slice %arg4[%select_n3A_637, %dma_start3A_643, %mul3A_641, %dma_start3A_653, %dma_start3A_654] : memref<26x4x128x8x128xf32, #tpu.memory_space<hbm>> -> memref<1x1x4x8x128xf32, #tpu.memory_space<hbm>>
      %dma_start3A_656 = tpu.memref_squeeze %dma_start3A_655 : memref<1x1x4x8x128xf32, #tpu.memory_space<hbm>> -> memref<4x8x128xf32, #tpu.memory_space<hbm>>
      %dma_start3A_657 = arith.constant 0 : i32
      %dma_start3A_658 = arith.constant 0 : i32
      %dma_start3A_659 = arith.constant 0 : i32
      %dma_start3A_660 = tpu.memref_slice %arg8[%dma_start3A_642, %dma_start3A_657, %dma_start3A_658, %dma_start3A_659] : memref<4x4x8x128xf32, #tpu.memory_space<vmem>> -> memref<1x4x8x128xf32, #tpu.memory_space<vmem>>
      %dma_start3A_661 = tpu.memref_squeeze %dma_start3A_660 : memref<1x4x8x128xf32, #tpu.memory_space<vmem>> -> memref<4x8x128xf32, #tpu.memory_space<vmem>>
      tpu.enqueue_dma source(%dma_start3A_661 : memref<4x8x128xf32, #tpu.memory_space<vmem>>) target(%dma_start3A_656 : memref<4x8x128xf32, #tpu.memory_space<hbm>>) target_semaphore(%arg12 : memref<!tpu.dma_semaphore, #tpu.memory_space<semaphore_mem>>)
      %jit3A_662 = arith.constant 32 : i32
      %div3A_663 = arith.divsi %add3A_507, %jit3A_662 : i32
      %sign3A_664 = arith.constant 0 : i32
      %sign3A_665 = arith.cmpi sgt, %add3A_507, %sign3A_664 : i32
      %sign3A_666 = arith.extui %sign3A_665 : i1 to i32
      %sign3A_667 = arith.constant 0 : i32
      %sign3A_668 = arith.cmpi slt, %add3A_507, %sign3A_667 : i32
      %sign3A_669 = arith.extui %sign3A_668 : i1 to i32
      %sign3A_670 = arith.subi %sign3A_666, %sign3A_669 : i32
      %sign3A_671 = arith.constant 0 : i32
      %sign3A_672 = arith.cmpi sgt, %jit3A_662, %sign3A_671 : i32
      %sign3A_673 = arith.extui %sign3A_672 : i1 to i32
      %sign3A_674 = arith.constant 0 : i32
      %sign3A_675 = arith.cmpi slt, %jit3A_662, %sign3A_674 : i32
      %sign3A_676 = arith.extui %sign3A_675 : i1 to i32
      %sign3A_677 = arith.subi %sign3A_673, %sign3A_676 : i32
      %ne3A_678 = arith.cmpi ne, %sign3A_670, %sign3A_677 : i32
      %rem3A_679 = arith.remsi %add3A_507, %jit3A_662 : i32
      %ne3A_680 = arith.constant 0 : i32
      %ne3A_681 = arith.cmpi ne, %rem3A_679, %ne3A_680 : i32
      %and3A_682 = arith.andi %ne3A_678, %ne3A_681 : i1
      %sub3A_683 = arith.constant 1 : i32
      %sub3A_684 = arith.subi %div3A_663, %sub3A_683 : i32
      %select_n3A_685 = arith.select %and3A_682, %sub3A_684, %div3A_663 : i32
      %rem3A_686 = arith.constant 32 : i32
      %rem3A_687 = arith.remsi %add3A_507, %rem3A_686 : i32
      %mul3A_688 = arith.constant 4 : i32
      %mul3A_689 = arith.muli %rem3A_687, %mul3A_688 : i32
      %dma_start3A_690 = arith.constant 3 : i32
      %dma_start3A_691 = arith.constant 3 : i32
      %dma_start3A_692 = arith.constant 0 : i32
      %dma_start3A_693 = arith.constant 0 : i32
      %dma_start3A_694 = arith.constant 0 : i32
      %dma_start3A_695 = tpu.memref_slice %arg8[%dma_start3A_690, %dma_start3A_692, %dma_start3A_693, %dma_start3A_694] : memref<4x4x8x128xf32, #tpu.memory_space<vmem>> -> memref<1x4x8x128xf32, #tpu.memory_space<vmem>>
      %dma_start3A_696 = tpu.memref_squeeze %dma_start3A_695 : memref<1x4x8x128xf32, #tpu.memory_space<vmem>> -> memref<4x8x128xf32, #tpu.memory_space<vmem>>
      %dma_start3A_697 = arith.constant 0 : i32
      %dma_start3A_698 = arith.constant 0 : i32
      %dma_start3A_699 = tpu.memref_slice %arg4[%select_n3A_685, %dma_start3A_691, %mul3A_689, %dma_start3A_697, %dma_start3A_698] : memref<26x4x128x8x128xf32, #tpu.memory_space<hbm>> -> memref<1x1x4x8x128xf32, #tpu.memory_space<hbm>>
      %dma_start3A_700 = tpu.memref_squeeze %dma_start3A_699 : memref<1x1x4x8x128xf32, #tpu.memory_space<hbm>> -> memref<4x8x128xf32, #tpu.memory_space<hbm>>
      %dma_start3A_701 = arith.constant 0 : i32
      %dma_start3A_702 = arith.constant 0 : i32
      %dma_start3A_703 = tpu.memref_slice %arg4[%select_n3A_685, %dma_start3A_691, %mul3A_689, %dma_start3A_701, %dma_start3A_702] : memref<26x4x128x8x128xf32, #tpu.memory_space<hbm>> -> memref<1x1x4x8x128xf32, #tpu.memory_space<hbm>>
      %dma_start3A_704 = tpu.memref_squeeze %dma_start3A_703 : memref<1x1x4x8x128xf32, #tpu.memory_space<hbm>> -> memref<4x8x128xf32, #tpu.memory_space<hbm>>
      %dma_start3A_705 = arith.constant 0 : i32
      %dma_start3A_706 = arith.constant 0 : i32
      %dma_start3A_707 = arith.constant 0 : i32
      %dma_start3A_708 = tpu.memref_slice %arg8[%dma_start3A_690, %dma_start3A_705, %dma_start3A_706, %dma_start3A_707] : memref<4x4x8x128xf32, #tpu.memory_space<vmem>> -> memref<1x4x8x128xf32, #tpu.memory_space<vmem>>
      %dma_start3A_709 = tpu.memref_squeeze %dma_start3A_708 : memref<1x4x8x128xf32, #tpu.memory_space<vmem>> -> memref<4x8x128xf32, #tpu.memory_space<vmem>>
      tpu.enqueue_dma source(%dma_start3A_709 : memref<4x8x128xf32, #tpu.memory_space<vmem>>) target(%dma_start3A_704 : memref<4x8x128xf32, #tpu.memory_space<hbm>>) target_semaphore(%arg12 : memref<!tpu.dma_semaphore, #tpu.memory_space<semaphore_mem>>)
      %lt3A = arith.constant 12 : i32
      %lt3A_710 = arith.cmpi slt, %scan3A_502, %lt3A : i32
      %convert_element_type3A_711 = arith.extui %lt3A_710 : i1 to i32
      %cond3A_712 = arith.constant 0 : i32
      %cond3A_713 = arith.cmpi ne, %convert_element_type3A_711, %cond3A_712 : i32
      scf.if %cond3A_713 {
        %add3A_930 = arith.constant 2 : i32
        %add3A_931 = arith.addi %add3A_506, %add3A_930 : i32
        %mul3A_932 = arith.constant 512 : i32
        %mul3A_933 = arith.muli %add3A_931, %mul3A_932 : i32
        %dma_start3A_934 = tpu.memref_slice %arg5[%mul3A_933] : memref<13312xi32, #tpu.memory_space<vmem>> -> memref<512xi32, #tpu.memory_space<vmem>>
        %dma_start3A_935 = arith.constant 0 : i32
        %dma_start3A_936 = arith.constant 0 : i32
        %dma_start3A_937 = tpu.memref_slice %arg3[%dma_start3A_935, %dma_start3A_936] : memref<1000000x32xf32, #tpu.memory_space<hbm>> -> memref<1000000x32xf32, #tpu.memory_space<hbm>>
        tpu.enqueue_indirect_dma source(%dma_start3A_937 : memref<1000000x32xf32, #tpu.memory_space<hbm>>) target(%arg6 : memref<512x32xf32, #tpu.memory_space<vmem>>) offsets(%dma_start3A_934 : memref<512xi32, #tpu.memory_space<vmem>>) semaphore(%arg10 : memref<!tpu.dma_semaphore, #tpu.memory_space<semaphore_mem>>)
      } else {
      }
      %mul3A_714 = arith.constant 2 : i32
      %mul3A_715 = arith.muli %mul3A_714, %scan3A_502 : i32
      %add3A_716 = arith.constant 1 : i32
      %add3A_717 = arith.addi %mul3A_715, %add3A_716 : i32
      %add3A_718 = arith.addi %mul3A_2, %add3A_717 : i32
      %ge3A_719 = arith.constant 1 : i32
      %ge3A_720 = arith.cmpi sge, %scan3A_502, %ge3A_719 : i32
      %convert_element_type3A_721 = arith.extui %ge3A_720 : i1 to i32
      %cond3A_722 = arith.constant 0 : i32
      %cond3A_723 = arith.cmpi ne, %convert_element_type3A_721, %cond3A_722 : i32
      scf.if %cond3A_723 {
        %jit3A_930 = arith.constant 32 : i32
        %div3A_931 = arith.divsi %add3A_718, %jit3A_930 : i32
        %sign3A_932 = arith.constant 0 : i32
        %sign3A_933 = arith.cmpi sgt, %add3A_718, %sign3A_932 : i32
        %sign3A_934 = arith.extui %sign3A_933 : i1 to i32
        %sign3A_935 = arith.constant 0 : i32
        %sign3A_936 = arith.cmpi slt, %add3A_718, %sign3A_935 : i32
        %sign3A_937 = arith.extui %sign3A_936 : i1 to i32
        %sign3A_938 = arith.subi %sign3A_934, %sign3A_937 : i32
        %sign3A_939 = arith.constant 0 : i32
        %sign3A_940 = arith.cmpi sgt, %jit3A_930, %sign3A_939 : i32
        %sign3A_941 = arith.extui %sign3A_940 : i1 to i32
        %sign3A_942 = arith.constant 0 : i32
        %sign3A_943 = arith.cmpi slt, %jit3A_930, %sign3A_942 : i32
        %sign3A_944 = arith.extui %sign3A_943 : i1 to i32
        %sign3A_945 = arith.subi %sign3A_941, %sign3A_944 : i32
        %ne3A_946 = arith.cmpi ne, %sign3A_938, %sign3A_945 : i32
        %rem3A_947 = arith.remsi %add3A_718, %jit3A_930 : i32
        %ne3A_948 = arith.constant 0 : i32
        %ne3A_949 = arith.cmpi ne, %rem3A_947, %ne3A_948 : i32
        %and3A_950 = arith.andi %ne3A_946, %ne3A_949 : i1
        %sub3A_951 = arith.constant 1 : i32
        %sub3A_952 = arith.subi %div3A_931, %sub3A_951 : i32
        %select_n3A_953 = arith.select %and3A_950, %sub3A_952, %div3A_931 : i32
        %rem3A_954 = arith.constant 32 : i32
        %rem3A_955 = arith.remsi %add3A_718, %rem3A_954 : i32
        %mul3A_956 = arith.constant 4 : i32
        %mul3A_957 = arith.muli %rem3A_955, %mul3A_956 : i32
        %dma_wait3A_958 = arith.constant 0 : i32
        %dma_wait3A_959 = arith.constant 0 : i32
        %dma_wait3A_960 = arith.constant 0 : i32
        %dma_wait3A_961 = arith.constant 0 : i32
        %dma_wait3A_962 = arith.constant 0 : i32
        %dma_wait3A_963 = tpu.memref_slice %arg9[%dma_wait3A_958, %dma_wait3A_960, %dma_wait3A_961, %dma_wait3A_962] : memref<4x4x8x128xf32, #tpu.memory_space<vmem>> -> memref<1x4x8x128xf32, #tpu.memory_space<vmem>>
        %dma_wait3A_964 = tpu.memref_squeeze %dma_wait3A_963 : memref<1x4x8x128xf32, #tpu.memory_space<vmem>> -> memref<4x8x128xf32, #tpu.memory_space<vmem>>
        %dma_wait3A_965 = arith.constant 0 : i32
        %dma_wait3A_966 = arith.constant 0 : i32
        %dma_wait3A_967 = tpu.memref_slice %arg4[%select_n3A_953, %dma_wait3A_959, %mul3A_957, %dma_wait3A_965, %dma_wait3A_966] : memref<26x4x128x8x128xf32, #tpu.memory_space<hbm>> -> memref<1x1x4x8x128xf32, #tpu.memory_space<hbm>>
        %dma_wait3A_968 = tpu.memref_squeeze %dma_wait3A_967 : memref<1x1x4x8x128xf32, #tpu.memory_space<hbm>> -> memref<4x8x128xf32, #tpu.memory_space<hbm>>
        %dma_wait3A_969 = arith.constant 0 : i32
        %dma_wait3A_970 = arith.constant 0 : i32
        %dma_wait3A_971 = tpu.memref_slice %arg4[%select_n3A_953, %dma_wait3A_959, %mul3A_957, %dma_wait3A_969, %dma_wait3A_970] : memref<26x4x128x8x128xf32, #tpu.memory_space<hbm>> -> memref<1x1x4x8x128xf32, #tpu.memory_space<hbm>>
        %dma_wait3A_972 = tpu.memref_squeeze %dma_wait3A_971 : memref<1x1x4x8x128xf32, #tpu.memory_space<hbm>> -> memref<4x8x128xf32, #tpu.memory_space<hbm>>
        %dma_wait3A_973 = arith.constant 0 : i32
        %dma_wait3A_974 = arith.constant 0 : i32
        %dma_wait3A_975 = arith.constant 0 : i32
        %dma_wait3A_976 = tpu.memref_slice %arg9[%dma_wait3A_958, %dma_wait3A_973, %dma_wait3A_974, %dma_wait3A_975] : memref<4x4x8x128xf32, #tpu.memory_space<vmem>> -> memref<1x4x8x128xf32, #tpu.memory_space<vmem>>
        %dma_wait3A_977 = tpu.memref_squeeze %dma_wait3A_976 : memref<1x4x8x128xf32, #tpu.memory_space<vmem>> -> memref<4x8x128xf32, #tpu.memory_space<vmem>>
        tpu.wait_dma2 semaphore(%arg13 : memref<!tpu.dma_semaphore, #tpu.memory_space<semaphore_mem>>) src(%dma_wait3A_977 : memref<4x8x128xf32, #tpu.memory_space<vmem>>) dst(%dma_wait3A_972 : memref<4x8x128xf32, #tpu.memory_space<hbm>>)
        %jit3A_978 = arith.constant 32 : i32
        %div3A_979 = arith.divsi %add3A_718, %jit3A_978 : i32
        %sign3A_980 = arith.constant 0 : i32
        %sign3A_981 = arith.cmpi sgt, %add3A_718, %sign3A_980 : i32
        %sign3A_982 = arith.extui %sign3A_981 : i1 to i32
        %sign3A_983 = arith.constant 0 : i32
        %sign3A_984 = arith.cmpi slt, %add3A_718, %sign3A_983 : i32
        %sign3A_985 = arith.extui %sign3A_984 : i1 to i32
        %sign3A_986 = arith.subi %sign3A_982, %sign3A_985 : i32
        %sign3A_987 = arith.constant 0 : i32
        %sign3A_988 = arith.cmpi sgt, %jit3A_978, %sign3A_987 : i32
        %sign3A_989 = arith.extui %sign3A_988 : i1 to i32
        %sign3A_990 = arith.constant 0 : i32
        %sign3A_991 = arith.cmpi slt, %jit3A_978, %sign3A_990 : i32
        %sign3A_992 = arith.extui %sign3A_991 : i1 to i32
        %sign3A_993 = arith.subi %sign3A_989, %sign3A_992 : i32
        %ne3A_994 = arith.cmpi ne, %sign3A_986, %sign3A_993 : i32
        %rem3A_995 = arith.remsi %add3A_718, %jit3A_978 : i32
        %ne3A_996 = arith.constant 0 : i32
        %ne3A_997 = arith.cmpi ne, %rem3A_995, %ne3A_996 : i32
        %and3A_998 = arith.andi %ne3A_994, %ne3A_997 : i1
        %sub3A_999 = arith.constant 1 : i32
        %sub3A_1000 = arith.subi %div3A_979, %sub3A_999 : i32
        %select_n3A_1001 = arith.select %and3A_998, %sub3A_1000, %div3A_979 : i32
        %rem3A_1002 = arith.constant 32 : i32
        %rem3A_1003 = arith.remsi %add3A_718, %rem3A_1002 : i32
        %mul3A_1004 = arith.constant 4 : i32
        %mul3A_1005 = arith.muli %rem3A_1003, %mul3A_1004 : i32
        %dma_wait3A_1006 = arith.constant 1 : i32
        %dma_wait3A_1007 = arith.constant 1 : i32
        %dma_wait3A_1008 = arith.constant 0 : i32
        %dma_wait3A_1009 = arith.constant 0 : i32
        %dma_wait3A_1010 = arith.constant 0 : i32
        %dma_wait3A_1011 = tpu.memref_slice %arg9[%dma_wait3A_1006, %dma_wait3A_1008, %dma_wait3A_1009, %dma_wait3A_1010] : memref<4x4x8x128xf32, #tpu.memory_space<vmem>> -> memref<1x4x8x128xf32, #tpu.memory_space<vmem>>
        %dma_wait3A_1012 = tpu.memref_squeeze %dma_wait3A_1011 : memref<1x4x8x128xf32, #tpu.memory_space<vmem>> -> memref<4x8x128xf32, #tpu.memory_space<vmem>>
        %dma_wait3A_1013 = arith.constant 0 : i32
        %dma_wait3A_1014 = arith.constant 0 : i32
        %dma_wait3A_1015 = tpu.memref_slice %arg4[%select_n3A_1001, %dma_wait3A_1007, %mul3A_1005, %dma_wait3A_1013, %dma_wait3A_1014] : memref<26x4x128x8x128xf32, #tpu.memory_space<hbm>> -> memref<1x1x4x8x128xf32, #tpu.memory_space<hbm>>
        %dma_wait3A_1016 = tpu.memref_squeeze %dma_wait3A_1015 : memref<1x1x4x8x128xf32, #tpu.memory_space<hbm>> -> memref<4x8x128xf32, #tpu.memory_space<hbm>>
        %dma_wait3A_1017 = arith.constant 0 : i32
        %dma_wait3A_1018 = arith.constant 0 : i32
        %dma_wait3A_1019 = tpu.memref_slice %arg4[%select_n3A_1001, %dma_wait3A_1007, %mul3A_1005, %dma_wait3A_1017, %dma_wait3A_1018] : memref<26x4x128x8x128xf32, #tpu.memory_space<hbm>> -> memref<1x1x4x8x128xf32, #tpu.memory_space<hbm>>
        %dma_wait3A_1020 = tpu.memref_squeeze %dma_wait3A_1019 : memref<1x1x4x8x128xf32, #tpu.memory_space<hbm>> -> memref<4x8x128xf32, #tpu.memory_space<hbm>>
        %dma_wait3A_1021 = arith.constant 0 : i32
        %dma_wait3A_1022 = arith.constant 0 : i32
        %dma_wait3A_1023 = arith.constant 0 : i32
        %dma_wait3A_1024 = tpu.memref_slice %arg9[%dma_wait3A_1006, %dma_wait3A_1021, %dma_wait3A_1022, %dma_wait3A_1023] : memref<4x4x8x128xf32, #tpu.memory_space<vmem>> -> memref<1x4x8x128xf32, #tpu.memory_space<vmem>>
        %dma_wait3A_1025 = tpu.memref_squeeze %dma_wait3A_1024 : memref<1x4x8x128xf32, #tpu.memory_space<vmem>> -> memref<4x8x128xf32, #tpu.memory_space<vmem>>
        tpu.wait_dma2 semaphore(%arg13 : memref<!tpu.dma_semaphore, #tpu.memory_space<semaphore_mem>>) src(%dma_wait3A_1025 : memref<4x8x128xf32, #tpu.memory_space<vmem>>) dst(%dma_wait3A_1020 : memref<4x8x128xf32, #tpu.memory_space<hbm>>)
        %jit3A_1026 = arith.constant 32 : i32
        %div3A_1027 = arith.divsi %add3A_718, %jit3A_1026 : i32
        %sign3A_1028 = arith.constant 0 : i32
        %sign3A_1029 = arith.cmpi sgt, %add3A_718, %sign3A_1028 : i32
        %sign3A_1030 = arith.extui %sign3A_1029 : i1 to i32
        %sign3A_1031 = arith.constant 0 : i32
        %sign3A_1032 = arith.cmpi slt, %add3A_718, %sign3A_1031 : i32
        %sign3A_1033 = arith.extui %sign3A_1032 : i1 to i32
        %sign3A_1034 = arith.subi %sign3A_1030, %sign3A_1033 : i32
        %sign3A_1035 = arith.constant 0 : i32
        %sign3A_1036 = arith.cmpi sgt, %jit3A_1026, %sign3A_1035 : i32
        %sign3A_1037 = arith.extui %sign3A_1036 : i1 to i32
        %sign3A_1038 = arith.constant 0 : i32
        %sign3A_1039 = arith.cmpi slt, %jit3A_1026, %sign3A_1038 : i32
        %sign3A_1040 = arith.extui %sign3A_1039 : i1 to i32
        %sign3A_1041 = arith.subi %sign3A_1037, %sign3A_1040 : i32
        %ne3A_1042 = arith.cmpi ne, %sign3A_1034, %sign3A_1041 : i32
        %rem3A_1043 = arith.remsi %add3A_718, %jit3A_1026 : i32
        %ne3A_1044 = arith.constant 0 : i32
        %ne3A_1045 = arith.cmpi ne, %rem3A_1043, %ne3A_1044 : i32
        %and3A_1046 = arith.andi %ne3A_1042, %ne3A_1045 : i1
        %sub3A_1047 = arith.constant 1 : i32
        %sub3A_1048 = arith.subi %div3A_1027, %sub3A_1047 : i32
        %select_n3A_1049 = arith.select %and3A_1046, %sub3A_1048, %div3A_1027 : i32
        %rem3A_1050 = arith.constant 32 : i32
        %rem3A_1051 = arith.remsi %add3A_718, %rem3A_1050 : i32
        %mul3A_1052 = arith.constant 4 : i32
        %mul3A_1053 = arith.muli %rem3A_1051, %mul3A_1052 : i32
        %dma_wait3A_1054 = arith.constant 2 : i32
        %dma_wait3A_1055 = arith.constant 2 : i32
        %dma_wait3A_1056 = arith.constant 0 : i32
        %dma_wait3A_1057 = arith.constant 0 : i32
        %dma_wait3A_1058 = arith.constant 0 : i32
        %dma_wait3A_1059 = tpu.memref_slice %arg9[%dma_wait3A_1054, %dma_wait3A_1056, %dma_wait3A_1057, %dma_wait3A_1058] : memref<4x4x8x128xf32, #tpu.memory_space<vmem>> -> memref<1x4x8x128xf32, #tpu.memory_space<vmem>>
        %dma_wait3A_1060 = tpu.memref_squeeze %dma_wait3A_1059 : memref<1x4x8x128xf32, #tpu.memory_space<vmem>> -> memref<4x8x128xf32, #tpu.memory_space<vmem>>
        %dma_wait3A_1061 = arith.constant 0 : i32
        %dma_wait3A_1062 = arith.constant 0 : i32
        %dma_wait3A_1063 = tpu.memref_slice %arg4[%select_n3A_1049, %dma_wait3A_1055, %mul3A_1053, %dma_wait3A_1061, %dma_wait3A_1062] : memref<26x4x128x8x128xf32, #tpu.memory_space<hbm>> -> memref<1x1x4x8x128xf32, #tpu.memory_space<hbm>>
        %dma_wait3A_1064 = tpu.memref_squeeze %dma_wait3A_1063 : memref<1x1x4x8x128xf32, #tpu.memory_space<hbm>> -> memref<4x8x128xf32, #tpu.memory_space<hbm>>
        %dma_wait3A_1065 = arith.constant 0 : i32
        %dma_wait3A_1066 = arith.constant 0 : i32
        %dma_wait3A_1067 = tpu.memref_slice %arg4[%select_n3A_1049, %dma_wait3A_1055, %mul3A_1053, %dma_wait3A_1065, %dma_wait3A_1066] : memref<26x4x128x8x128xf32, #tpu.memory_space<hbm>> -> memref<1x1x4x8x128xf32, #tpu.memory_space<hbm>>
        %dma_wait3A_1068 = tpu.memref_squeeze %dma_wait3A_1067 : memref<1x1x4x8x128xf32, #tpu.memory_space<hbm>> -> memref<4x8x128xf32, #tpu.memory_space<hbm>>
        %dma_wait3A_1069 = arith.constant 0 : i32
        %dma_wait3A_1070 = arith.constant 0 : i32
        %dma_wait3A_1071 = arith.constant 0 : i32
        %dma_wait3A_1072 = tpu.memref_slice %arg9[%dma_wait3A_1054, %dma_wait3A_1069, %dma_wait3A_1070, %dma_wait3A_1071] : memref<4x4x8x128xf32, #tpu.memory_space<vmem>> -> memref<1x4x8x128xf32, #tpu.memory_space<vmem>>
        %dma_wait3A_1073 = tpu.memref_squeeze %dma_wait3A_1072 : memref<1x4x8x128xf32, #tpu.memory_space<vmem>> -> memref<4x8x128xf32, #tpu.memory_space<vmem>>
        tpu.wait_dma2 semaphore(%arg13 : memref<!tpu.dma_semaphore, #tpu.memory_space<semaphore_mem>>) src(%dma_wait3A_1073 : memref<4x8x128xf32, #tpu.memory_space<vmem>>) dst(%dma_wait3A_1068 : memref<4x8x128xf32, #tpu.memory_space<hbm>>)
        %jit3A_1074 = arith.constant 32 : i32
        %div3A_1075 = arith.divsi %add3A_718, %jit3A_1074 : i32
        %sign3A_1076 = arith.constant 0 : i32
        %sign3A_1077 = arith.cmpi sgt, %add3A_718, %sign3A_1076 : i32
        %sign3A_1078 = arith.extui %sign3A_1077 : i1 to i32
        %sign3A_1079 = arith.constant 0 : i32
        %sign3A_1080 = arith.cmpi slt, %add3A_718, %sign3A_1079 : i32
        %sign3A_1081 = arith.extui %sign3A_1080 : i1 to i32
        %sign3A_1082 = arith.subi %sign3A_1078, %sign3A_1081 : i32
        %sign3A_1083 = arith.constant 0 : i32
        %sign3A_1084 = arith.cmpi sgt, %jit3A_1074, %sign3A_1083 : i32
        %sign3A_1085 = arith.extui %sign3A_1084 : i1 to i32
        %sign3A_1086 = arith.constant 0 : i32
        %sign3A_1087 = arith.cmpi slt, %jit3A_1074, %sign3A_1086 : i32
        %sign3A_1088 = arith.extui %sign3A_1087 : i1 to i32
        %sign3A_1089 = arith.subi %sign3A_1085, %sign3A_1088 : i32
        %ne3A_1090 = arith.cmpi ne, %sign3A_1082, %sign3A_1089 : i32
        %rem3A_1091 = arith.remsi %add3A_718, %jit3A_1074 : i32
        %ne3A_1092 = arith.constant 0 : i32
        %ne3A_1093 = arith.cmpi ne, %rem3A_1091, %ne3A_1092 : i32
        %and3A_1094 = arith.andi %ne3A_1090, %ne3A_1093 : i1
        %sub3A_1095 = arith.constant 1 : i32
        %sub3A_1096 = arith.subi %div3A_1075, %sub3A_1095 : i32
        %select_n3A_1097 = arith.select %and3A_1094, %sub3A_1096, %div3A_1075 : i32
        %rem3A_1098 = arith.constant 32 : i32
        %rem3A_1099 = arith.remsi %add3A_718, %rem3A_1098 : i32
        %mul3A_1100 = arith.constant 4 : i32
        %mul3A_1101 = arith.muli %rem3A_1099, %mul3A_1100 : i32
        %dma_wait3A_1102 = arith.constant 3 : i32
        %dma_wait3A_1103 = arith.constant 3 : i32
        %dma_wait3A_1104 = arith.constant 0 : i32
        %dma_wait3A_1105 = arith.constant 0 : i32
        %dma_wait3A_1106 = arith.constant 0 : i32
        %dma_wait3A_1107 = tpu.memref_slice %arg9[%dma_wait3A_1102, %dma_wait3A_1104, %dma_wait3A_1105, %dma_wait3A_1106] : memref<4x4x8x128xf32, #tpu.memory_space<vmem>> -> memref<1x4x8x128xf32, #tpu.memory_space<vmem>>
        %dma_wait3A_1108 = tpu.memref_squeeze %dma_wait3A_1107 : memref<1x4x8x128xf32, #tpu.memory_space<vmem>> -> memref<4x8x128xf32, #tpu.memory_space<vmem>>
        %dma_wait3A_1109 = arith.constant 0 : i32
        %dma_wait3A_1110 = arith.constant 0 : i32
        %dma_wait3A_1111 = tpu.memref_slice %arg4[%select_n3A_1097, %dma_wait3A_1103, %mul3A_1101, %dma_wait3A_1109, %dma_wait3A_1110] : memref<26x4x128x8x128xf32, #tpu.memory_space<hbm>> -> memref<1x1x4x8x128xf32, #tpu.memory_space<hbm>>
        %dma_wait3A_1112 = tpu.memref_squeeze %dma_wait3A_1111 : memref<1x1x4x8x128xf32, #tpu.memory_space<hbm>> -> memref<4x8x128xf32, #tpu.memory_space<hbm>>
        %dma_wait3A_1113 = arith.constant 0 : i32
        %dma_wait3A_1114 = arith.constant 0 : i32
        %dma_wait3A_1115 = tpu.memref_slice %arg4[%select_n3A_1097, %dma_wait3A_1103, %mul3A_1101, %dma_wait3A_1113, %dma_wait3A_1114] : memref<26x4x128x8x128xf32, #tpu.memory_space<hbm>> -> memref<1x1x4x8x128xf32, #tpu.memory_space<hbm>>
        %dma_wait3A_1116 = tpu.memref_squeeze %dma_wait3A_1115 : memref<1x1x4x8x128xf32, #tpu.memory_space<hbm>> -> memref<4x8x128xf32, #tpu.memory_space<hbm>>
        %dma_wait3A_1117 = arith.constant 0 : i32
        %dma_wait3A_1118 = arith.constant 0 : i32
        %dma_wait3A_1119 = arith.constant 0 : i32
        %dma_wait3A_1120 = tpu.memref_slice %arg9[%dma_wait3A_1102, %dma_wait3A_1117, %dma_wait3A_1118, %dma_wait3A_1119] : memref<4x4x8x128xf32, #tpu.memory_space<vmem>> -> memref<1x4x8x128xf32, #tpu.memory_space<vmem>>
        %dma_wait3A_1121 = tpu.memref_squeeze %dma_wait3A_1120 : memref<1x4x8x128xf32, #tpu.memory_space<vmem>> -> memref<4x8x128xf32, #tpu.memory_space<vmem>>
        tpu.wait_dma2 semaphore(%arg13 : memref<!tpu.dma_semaphore, #tpu.memory_space<semaphore_mem>>) src(%dma_wait3A_1121 : memref<4x8x128xf32, #tpu.memory_space<vmem>>) dst(%dma_wait3A_1116 : memref<4x8x128xf32, #tpu.memory_space<hbm>>)
      } else {
      }
      %mul3A_724 = arith.constant 512 : i32
      %mul3A_725 = arith.muli %add3A_717, %mul3A_724 : i32
      %dma_wait3A_726 = tpu.memref_slice %arg5[%mul3A_725] : memref<13312xi32, #tpu.memory_space<vmem>> -> memref<512xi32, #tpu.memory_space<vmem>>
      %dma_wait3A_727 = arith.constant 0 : i32
      %dma_wait3A_728 = arith.constant 0 : i32
      %dma_wait3A_729 = tpu.memref_slice %arg3[%dma_wait3A_727, %dma_wait3A_728] : memref<1000000x32xf32, #tpu.memory_space<hbm>> -> memref<1000000x32xf32, #tpu.memory_space<hbm>>
      tpu.wait_indirect_dma semaphore(%arg11 : memref<!tpu.dma_semaphore, #tpu.memory_space<semaphore_mem>>) src(%dma_wait3A_729 : memref<1000000x32xf32, #tpu.memory_space<hbm>>) dst(%arg7 : memref<512x32xf32, #tpu.memory_space<vmem>>)
      %parallel_loop3A_730 = arith.constant 0 : i32
      %parallel_loop3A_731 = arith.constant 32 : i32
      %parallel_loop3A_732 = arith.constant 1 : i32
      scf.for %parallel_loop3A_930 = %parallel_loop3A_730 to %parallel_loop3A_731 step %parallel_loop3A_732  : i32 {
        %parallel_loop3A_931 = vector.broadcast %parallel_loop3A_930 : i32 to vector<16xi32>
        %parallel_loop3A_932 = arith.constant 8 : i32
        %parallel_loop3A_933 = arith.divsi %parallel_loop3A_930, %parallel_loop3A_932 : i32
        %parallel_loop3A_934 = arith.constant 0 : i32
        %parallel_loop3A_935 = arith.cmpi sgt, %parallel_loop3A_930, %parallel_loop3A_934 : i32
        %parallel_loop3A_936 = arith.extui %parallel_loop3A_935 : i1 to i32
        %parallel_loop3A_937 = arith.constant 0 : i32
        %parallel_loop3A_938 = arith.cmpi slt, %parallel_loop3A_930, %parallel_loop3A_937 : i32
        %parallel_loop3A_939 = arith.extui %parallel_loop3A_938 : i1 to i32
        %parallel_loop3A_940 = arith.subi %parallel_loop3A_936, %parallel_loop3A_939 : i32
        %parallel_loop3A_941 = arith.constant 0 : i32
        %parallel_loop3A_942 = arith.cmpi sgt, %parallel_loop3A_932, %parallel_loop3A_941 : i32
        %parallel_loop3A_943 = arith.extui %parallel_loop3A_942 : i1 to i32
        %parallel_loop3A_944 = arith.constant 0 : i32
        %parallel_loop3A_945 = arith.cmpi slt, %parallel_loop3A_932, %parallel_loop3A_944 : i32
        %parallel_loop3A_946 = arith.extui %parallel_loop3A_945 : i1 to i32
        %parallel_loop3A_947 = arith.subi %parallel_loop3A_943, %parallel_loop3A_946 : i32
        %parallel_loop3A_948 = arith.cmpi ne, %parallel_loop3A_940, %parallel_loop3A_947 : i32
        %parallel_loop3A_949 = arith.remsi %parallel_loop3A_930, %parallel_loop3A_932 : i32
        %parallel_loop3A_950 = arith.constant 0 : i32
        %parallel_loop3A_951 = arith.cmpi ne, %parallel_loop3A_949, %parallel_loop3A_950 : i32
        %parallel_loop3A_952 = arith.andi %parallel_loop3A_948, %parallel_loop3A_951 : i1
        %parallel_loop3A_953 = arith.constant 1 : i32
        %parallel_loop3A_954 = arith.subi %parallel_loop3A_933, %parallel_loop3A_953 : i32
        %parallel_loop3A_955 = arith.select %parallel_loop3A_952, %parallel_loop3A_954, %parallel_loop3A_933 : i32
        %parallel_loop3A_956 = arith.constant 8 : i32
        %parallel_loop3A_957 = arith.remsi %parallel_loop3A_930, %parallel_loop3A_956 : i32
        %parallel_loop3A_958 = tpu.vector_load_idx %arg7[%add3A_7, %parallel_loop3A_931] : memref<512x32xf32, #tpu.memory_space<vmem>>[vector<16xi32>, vector<16xi32>], vector<16xf32>,
        %parallel_loop3A_959 = arith.constant 0 : i32
        %parallel_loop3A_960 = arith.index_cast %parallel_loop3A_955 : i32 to index
        %parallel_loop3A_961 = arith.index_cast %parallel_loop3A_959 : i32 to index
        %parallel_loop3A_962 = arith.index_cast %parallel_loop3A_957 : i32 to index
        %parallel_loop3A_963 = arith.constant 0 : index
        %parallel_loop3A_964 = tpu.vector_load %arg9[%parallel_loop3A_960, %parallel_loop3A_961, %parallel_loop3A_962, %parallel_loop3A_963] {strides = array<i32>} : memref<4x4x8x128xf32, #tpu.memory_space<vmem>>, vector<16xf32>,
        tpu.vector_store %arg9[%parallel_loop3A_960, %parallel_loop3A_961, %parallel_loop3A_962, %parallel_loop3A_963], %parallel_loop3A_958 {strides = array<i32>} : memref<4x4x8x128xf32, #tpu.memory_space<vmem>>, vector<16xf32>,
        %parallel_loop3A_965 = tpu.vector_load_idx %arg7[%add3A_10, %parallel_loop3A_931] : memref<512x32xf32, #tpu.memory_space<vmem>>[vector<16xi32>, vector<16xi32>], vector<16xf32>,
        %parallel_loop3A_966 = arith.constant 0 : i32
        %parallel_loop3A_967 = arith.index_cast %parallel_loop3A_955 : i32 to index
        %parallel_loop3A_968 = arith.index_cast %parallel_loop3A_966 : i32 to index
        %parallel_loop3A_969 = arith.index_cast %parallel_loop3A_957 : i32 to index
        %parallel_loop3A_970 = arith.constant 16 : index
        %parallel_loop3A_971 = tpu.vector_load %arg9[%parallel_loop3A_967, %parallel_loop3A_968, %parallel_loop3A_969, %parallel_loop3A_970] {strides = array<i32>} : memref<4x4x8x128xf32, #tpu.memory_space<vmem>>, vector<16xf32>,
        tpu.vector_store %arg9[%parallel_loop3A_967, %parallel_loop3A_968, %parallel_loop3A_969, %parallel_loop3A_970], %parallel_loop3A_965 {strides = array<i32>} : memref<4x4x8x128xf32, #tpu.memory_space<vmem>>, vector<16xf32>,
        %parallel_loop3A_972 = tpu.vector_load_idx %arg7[%add3A_13, %parallel_loop3A_931] : memref<512x32xf32, #tpu.memory_space<vmem>>[vector<16xi32>, vector<16xi32>], vector<16xf32>,
        %parallel_loop3A_973 = arith.constant 0 : i32
        %parallel_loop3A_974 = arith.index_cast %parallel_loop3A_955 : i32 to index
        %parallel_loop3A_975 = arith.index_cast %parallel_loop3A_973 : i32 to index
        %parallel_loop3A_976 = arith.index_cast %parallel_loop3A_957 : i32 to index
        %parallel_loop3A_977 = arith.constant 32 : index
        %parallel_loop3A_978 = tpu.vector_load %arg9[%parallel_loop3A_974, %parallel_loop3A_975, %parallel_loop3A_976, %parallel_loop3A_977] {strides = array<i32>} : memref<4x4x8x128xf32, #tpu.memory_space<vmem>>, vector<16xf32>,
        tpu.vector_store %arg9[%parallel_loop3A_974, %parallel_loop3A_975, %parallel_loop3A_976, %parallel_loop3A_977], %parallel_loop3A_972 {strides = array<i32>} : memref<4x4x8x128xf32, #tpu.memory_space<vmem>>, vector<16xf32>,
        %parallel_loop3A_979 = tpu.vector_load_idx %arg7[%add3A_16, %parallel_loop3A_931] : memref<512x32xf32, #tpu.memory_space<vmem>>[vector<16xi32>, vector<16xi32>], vector<16xf32>,
        %parallel_loop3A_980 = arith.constant 0 : i32
        %parallel_loop3A_981 = arith.index_cast %parallel_loop3A_955 : i32 to index
        %parallel_loop3A_982 = arith.index_cast %parallel_loop3A_980 : i32 to index
        %parallel_loop3A_983 = arith.index_cast %parallel_loop3A_957 : i32 to index
        %parallel_loop3A_984 = arith.constant 48 : index
        %parallel_loop3A_985 = tpu.vector_load %arg9[%parallel_loop3A_981, %parallel_loop3A_982, %parallel_loop3A_983, %parallel_loop3A_984] {strides = array<i32>} : memref<4x4x8x128xf32, #tpu.memory_space<vmem>>, vector<16xf32>,
        tpu.vector_store %arg9[%parallel_loop3A_981, %parallel_loop3A_982, %parallel_loop3A_983, %parallel_loop3A_984], %parallel_loop3A_979 {strides = array<i32>} : memref<4x4x8x128xf32, #tpu.memory_space<vmem>>, vector<16xf32>,
        %parallel_loop3A_986 = tpu.vector_load_idx %arg7[%add3A_19, %parallel_loop3A_931] : memref<512x32xf32, #tpu.memory_space<vmem>>[vector<16xi32>, vector<16xi32>], vector<16xf32>,
        %parallel_loop3A_987 = arith.constant 0 : i32
        %parallel_loop3A_988 = arith.index_cast %parallel_loop3A_955 : i32 to index
        %parallel_loop3A_989 = arith.index_cast %parallel_loop3A_987 : i32 to index
        %parallel_loop3A_990 = arith.index_cast %parallel_loop3A_957 : i32 to index
        %parallel_loop3A_991 = arith.constant 64 : index
        %parallel_loop3A_992 = tpu.vector_load %arg9[%parallel_loop3A_988, %parallel_loop3A_989, %parallel_loop3A_990, %parallel_loop3A_991] {strides = array<i32>} : memref<4x4x8x128xf32, #tpu.memory_space<vmem>>, vector<16xf32>,
        tpu.vector_store %arg9[%parallel_loop3A_988, %parallel_loop3A_989, %parallel_loop3A_990, %parallel_loop3A_991], %parallel_loop3A_986 {strides = array<i32>} : memref<4x4x8x128xf32, #tpu.memory_space<vmem>>, vector<16xf32>,
        %parallel_loop3A_993 = tpu.vector_load_idx %arg7[%add3A_22, %parallel_loop3A_931] : memref<512x32xf32, #tpu.memory_space<vmem>>[vector<16xi32>, vector<16xi32>], vector<16xf32>,
        %parallel_loop3A_994 = arith.constant 0 : i32
        %parallel_loop3A_995 = arith.index_cast %parallel_loop3A_955 : i32 to index
        %parallel_loop3A_996 = arith.index_cast %parallel_loop3A_994 : i32 to index
        %parallel_loop3A_997 = arith.index_cast %parallel_loop3A_957 : i32 to index
        %parallel_loop3A_998 = arith.constant 80 : index
        %parallel_loop3A_999 = tpu.vector_load %arg9[%parallel_loop3A_995, %parallel_loop3A_996, %parallel_loop3A_997, %parallel_loop3A_998] {strides = array<i32>} : memref<4x4x8x128xf32, #tpu.memory_space<vmem>>, vector<16xf32>,
        tpu.vector_store %arg9[%parallel_loop3A_995, %parallel_loop3A_996, %parallel_loop3A_997, %parallel_loop3A_998], %parallel_loop3A_993 {strides = array<i32>} : memref<4x4x8x128xf32, #tpu.memory_space<vmem>>, vector<16xf32>,
        %parallel_loop3A_1000 = tpu.vector_load_idx %arg7[%add3A_25, %parallel_loop3A_931] : memref<512x32xf32, #tpu.memory_space<vmem>>[vector<16xi32>, vector<16xi32>], vector<16xf32>,
        %parallel_loop3A_1001 = arith.constant 0 : i32
        %parallel_loop3A_1002 = arith.index_cast %parallel_loop3A_955 : i32 to index
        %parallel_loop3A_1003 = arith.index_cast %parallel_loop3A_1001 : i32 to index
        %parallel_loop3A_1004 = arith.index_cast %parallel_loop3A_957 : i32 to index
        %parallel_loop3A_1005 = arith.constant 96 : index
        %parallel_loop3A_1006 = tpu.vector_load %arg9[%parallel_loop3A_1002, %parallel_loop3A_1003, %parallel_loop3A_1004, %parallel_loop3A_1005] {strides = array<i32>} : memref<4x4x8x128xf32, #tpu.memory_space<vmem>>, vector<16xf32>,
        tpu.vector_store %arg9[%parallel_loop3A_1002, %parallel_loop3A_1003, %parallel_loop3A_1004, %parallel_loop3A_1005], %parallel_loop3A_1000 {strides = array<i32>} : memref<4x4x8x128xf32, #tpu.memory_space<vmem>>, vector<16xf32>,
        %parallel_loop3A_1007 = tpu.vector_load_idx %arg7[%add3A_28, %parallel_loop3A_931] : memref<512x32xf32, #tpu.memory_space<vmem>>[vector<16xi32>, vector<16xi32>], vector<16xf32>,
        %parallel_loop3A_1008 = arith.constant 0 : i32
        %parallel_loop3A_1009 = arith.index_cast %parallel_loop3A_955 : i32 to index
        %parallel_loop3A_1010 = arith.index_cast %parallel_loop3A_1008 : i32 to index
        %parallel_loop3A_1011 = arith.index_cast %parallel_loop3A_957 : i32 to index
        %parallel_loop3A_1012 = arith.constant 112 : index
        %parallel_loop3A_1013 = tpu.vector_load %arg9[%parallel_loop3A_1009, %parallel_loop3A_1010, %parallel_loop3A_1011, %parallel_loop3A_1012] {strides = array<i32>} : memref<4x4x8x128xf32, #tpu.memory_space<vmem>>, vector<16xf32>,
        tpu.vector_store %arg9[%parallel_loop3A_1009, %parallel_loop3A_1010, %parallel_loop3A_1011, %parallel_loop3A_1012], %parallel_loop3A_1007 {strides = array<i32>} : memref<4x4x8x128xf32, #tpu.memory_space<vmem>>, vector<16xf32>,
        %parallel_loop3A_1014 = tpu.vector_load_idx %arg7[%add3A_31, %parallel_loop3A_931] : memref<512x32xf32, #tpu.memory_space<vmem>>[vector<16xi32>, vector<16xi32>], vector<16xf32>,
        %parallel_loop3A_1015 = arith.constant 1 : i32
        %parallel_loop3A_1016 = arith.index_cast %parallel_loop3A_955 : i32 to index
        %parallel_loop3A_1017 = arith.index_cast %parallel_loop3A_1015 : i32 to index
        %parallel_loop3A_1018 = arith.index_cast %parallel_loop3A_957 : i32 to index
        %parallel_loop3A_1019 = arith.constant 0 : index
        %parallel_loop3A_1020 = tpu.vector_load %arg9[%parallel_loop3A_1016, %parallel_loop3A_1017, %parallel_loop3A_1018, %parallel_loop3A_1019] {strides = array<i32>} : memref<4x4x8x128xf32, #tpu.memory_space<vmem>>, vector<16xf32>,
        tpu.vector_store %arg9[%parallel_loop3A_1016, %parallel_loop3A_1017, %parallel_loop3A_1018, %parallel_loop3A_1019], %parallel_loop3A_1014 {strides = array<i32>} : memref<4x4x8x128xf32, #tpu.memory_space<vmem>>, vector<16xf32>,
        %parallel_loop3A_1021 = tpu.vector_load_idx %arg7[%add3A_34, %parallel_loop3A_931] : memref<512x32xf32, #tpu.memory_space<vmem>>[vector<16xi32>, vector<16xi32>], vector<16xf32>,
        %parallel_loop3A_1022 = arith.constant 1 : i32
        %parallel_loop3A_1023 = arith.index_cast %parallel_loop3A_955 : i32 to index
        %parallel_loop3A_1024 = arith.index_cast %parallel_loop3A_1022 : i32 to index
        %parallel_loop3A_1025 = arith.index_cast %parallel_loop3A_957 : i32 to index
        %parallel_loop3A_1026 = arith.constant 16 : index
        %parallel_loop3A_1027 = tpu.vector_load %arg9[%parallel_loop3A_1023, %parallel_loop3A_1024, %parallel_loop3A_1025, %parallel_loop3A_1026] {strides = array<i32>} : memref<4x4x8x128xf32, #tpu.memory_space<vmem>>, vector<16xf32>,
        tpu.vector_store %arg9[%parallel_loop3A_1023, %parallel_loop3A_1024, %parallel_loop3A_1025, %parallel_loop3A_1026], %parallel_loop3A_1021 {strides = array<i32>} : memref<4x4x8x128xf32, #tpu.memory_space<vmem>>, vector<16xf32>,
        %parallel_loop3A_1028 = tpu.vector_load_idx %arg7[%add3A_37, %parallel_loop3A_931] : memref<512x32xf32, #tpu.memory_space<vmem>>[vector<16xi32>, vector<16xi32>], vector<16xf32>,
        %parallel_loop3A_1029 = arith.constant 1 : i32
        %parallel_loop3A_1030 = arith.index_cast %parallel_loop3A_955 : i32 to index
        %parallel_loop3A_1031 = arith.index_cast %parallel_loop3A_1029 : i32 to index
        %parallel_loop3A_1032 = arith.index_cast %parallel_loop3A_957 : i32 to index
        %parallel_loop3A_1033 = arith.constant 32 : index
        %parallel_loop3A_1034 = tpu.vector_load %arg9[%parallel_loop3A_1030, %parallel_loop3A_1031, %parallel_loop3A_1032, %parallel_loop3A_1033] {strides = array<i32>} : memref<4x4x8x128xf32, #tpu.memory_space<vmem>>, vector<16xf32>,
        tpu.vector_store %arg9[%parallel_loop3A_1030, %parallel_loop3A_1031, %parallel_loop3A_1032, %parallel_loop3A_1033], %parallel_loop3A_1028 {strides = array<i32>} : memref<4x4x8x128xf32, #tpu.memory_space<vmem>>, vector<16xf32>,
        %parallel_loop3A_1035 = tpu.vector_load_idx %arg7[%add3A_40, %parallel_loop3A_931] : memref<512x32xf32, #tpu.memory_space<vmem>>[vector<16xi32>, vector<16xi32>], vector<16xf32>,
        %parallel_loop3A_1036 = arith.constant 1 : i32
        %parallel_loop3A_1037 = arith.index_cast %parallel_loop3A_955 : i32 to index
        %parallel_loop3A_1038 = arith.index_cast %parallel_loop3A_1036 : i32 to index
        %parallel_loop3A_1039 = arith.index_cast %parallel_loop3A_957 : i32 to index
        %parallel_loop3A_1040 = arith.constant 48 : index
        %parallel_loop3A_1041 = tpu.vector_load %arg9[%parallel_loop3A_1037, %parallel_loop3A_1038, %parallel_loop3A_1039, %parallel_loop3A_1040] {strides = array<i32>} : memref<4x4x8x128xf32, #tpu.memory_space<vmem>>, vector<16xf32>,
        tpu.vector_store %arg9[%parallel_loop3A_1037, %parallel_loop3A_1038, %parallel_loop3A_1039, %parallel_loop3A_1040], %parallel_loop3A_1035 {strides = array<i32>} : memref<4x4x8x128xf32, #tpu.memory_space<vmem>>, vector<16xf32>,
        %parallel_loop3A_1042 = tpu.vector_load_idx %arg7[%add3A_43, %parallel_loop3A_931] : memref<512x32xf32, #tpu.memory_space<vmem>>[vector<16xi32>, vector<16xi32>], vector<16xf32>,
        %parallel_loop3A_1043 = arith.constant 1 : i32
        %parallel_loop3A_1044 = arith.index_cast %parallel_loop3A_955 : i32 to index
        %parallel_loop3A_1045 = arith.index_cast %parallel_loop3A_1043 : i32 to index
        %parallel_loop3A_1046 = arith.index_cast %parallel_loop3A_957 : i32 to index
        %parallel_loop3A_1047 = arith.constant 64 : index
        %parallel_loop3A_1048 = tpu.vector_load %arg9[%parallel_loop3A_1044, %parallel_loop3A_1045, %parallel_loop3A_1046, %parallel_loop3A_1047] {strides = array<i32>} : memref<4x4x8x128xf32, #tpu.memory_space<vmem>>, vector<16xf32>,
        tpu.vector_store %arg9[%parallel_loop3A_1044, %parallel_loop3A_1045, %parallel_loop3A_1046, %parallel_loop3A_1047], %parallel_loop3A_1042 {strides = array<i32>} : memref<4x4x8x128xf32, #tpu.memory_space<vmem>>, vector<16xf32>,
        %parallel_loop3A_1049 = tpu.vector_load_idx %arg7[%add3A_46, %parallel_loop3A_931] : memref<512x32xf32, #tpu.memory_space<vmem>>[vector<16xi32>, vector<16xi32>], vector<16xf32>,
        %parallel_loop3A_1050 = arith.constant 1 : i32
        %parallel_loop3A_1051 = arith.index_cast %parallel_loop3A_955 : i32 to index
        %parallel_loop3A_1052 = arith.index_cast %parallel_loop3A_1050 : i32 to index
        %parallel_loop3A_1053 = arith.index_cast %parallel_loop3A_957 : i32 to index
        %parallel_loop3A_1054 = arith.constant 80 : index
        %parallel_loop3A_1055 = tpu.vector_load %arg9[%parallel_loop3A_1051, %parallel_loop3A_1052, %parallel_loop3A_1053, %parallel_loop3A_1054] {strides = array<i32>} : memref<4x4x8x128xf32, #tpu.memory_space<vmem>>, vector<16xf32>,
        tpu.vector_store %arg9[%parallel_loop3A_1051, %parallel_loop3A_1052, %parallel_loop3A_1053, %parallel_loop3A_1054], %parallel_loop3A_1049 {strides = array<i32>} : memref<4x4x8x128xf32, #tpu.memory_space<vmem>>, vector<16xf32>,
        %parallel_loop3A_1056 = tpu.vector_load_idx %arg7[%add3A_49, %parallel_loop3A_931] : memref<512x32xf32, #tpu.memory_space<vmem>>[vector<16xi32>, vector<16xi32>], vector<16xf32>,
        %parallel_loop3A_1057 = arith.constant 1 : i32
        %parallel_loop3A_1058 = arith.index_cast %parallel_loop3A_955 : i32 to index
        %parallel_loop3A_1059 = arith.index_cast %parallel_loop3A_1057 : i32 to index
        %parallel_loop3A_1060 = arith.index_cast %parallel_loop3A_957 : i32 to index
        %parallel_loop3A_1061 = arith.constant 96 : index
        %parallel_loop3A_1062 = tpu.vector_load %arg9[%parallel_loop3A_1058, %parallel_loop3A_1059, %parallel_loop3A_1060, %parallel_loop3A_1061] {strides = array<i32>} : memref<4x4x8x128xf32, #tpu.memory_space<vmem>>, vector<16xf32>,
        tpu.vector_store %arg9[%parallel_loop3A_1058, %parallel_loop3A_1059, %parallel_loop3A_1060, %parallel_loop3A_1061], %parallel_loop3A_1056 {strides = array<i32>} : memref<4x4x8x128xf32, #tpu.memory_space<vmem>>, vector<16xf32>,
        %parallel_loop3A_1063 = tpu.vector_load_idx %arg7[%add3A_52, %parallel_loop3A_931] : memref<512x32xf32, #tpu.memory_space<vmem>>[vector<16xi32>, vector<16xi32>], vector<16xf32>,
        %parallel_loop3A_1064 = arith.constant 1 : i32
        %parallel_loop3A_1065 = arith.index_cast %parallel_loop3A_955 : i32 to index
        %parallel_loop3A_1066 = arith.index_cast %parallel_loop3A_1064 : i32 to index
        %parallel_loop3A_1067 = arith.index_cast %parallel_loop3A_957 : i32 to index
        %parallel_loop3A_1068 = arith.constant 112 : index
        %parallel_loop3A_1069 = tpu.vector_load %arg9[%parallel_loop3A_1065, %parallel_loop3A_1066, %parallel_loop3A_1067, %parallel_loop3A_1068] {strides = array<i32>} : memref<4x4x8x128xf32, #tpu.memory_space<vmem>>, vector<16xf32>,
        tpu.vector_store %arg9[%parallel_loop3A_1065, %parallel_loop3A_1066, %parallel_loop3A_1067, %parallel_loop3A_1068], %parallel_loop3A_1063 {strides = array<i32>} : memref<4x4x8x128xf32, #tpu.memory_space<vmem>>, vector<16xf32>,
        %parallel_loop3A_1070 = tpu.vector_load_idx %arg7[%add3A_55, %parallel_loop3A_931] : memref<512x32xf32, #tpu.memory_space<vmem>>[vector<16xi32>, vector<16xi32>], vector<16xf32>,
        %parallel_loop3A_1071 = arith.constant 2 : i32
        %parallel_loop3A_1072 = arith.index_cast %parallel_loop3A_955 : i32 to index
        %parallel_loop3A_1073 = arith.index_cast %parallel_loop3A_1071 : i32 to index
        %parallel_loop3A_1074 = arith.index_cast %parallel_loop3A_957 : i32 to index
        %parallel_loop3A_1075 = arith.constant 0 : index
        %parallel_loop3A_1076 = tpu.vector_load %arg9[%parallel_loop3A_1072, %parallel_loop3A_1073, %parallel_loop3A_1074, %parallel_loop3A_1075] {strides = array<i32>} : memref<4x4x8x128xf32, #tpu.memory_space<vmem>>, vector<16xf32>,
        tpu.vector_store %arg9[%parallel_loop3A_1072, %parallel_loop3A_1073, %parallel_loop3A_1074, %parallel_loop3A_1075], %parallel_loop3A_1070 {strides = array<i32>} : memref<4x4x8x128xf32, #tpu.memory_space<vmem>>, vector<16xf32>,
        %parallel_loop3A_1077 = tpu.vector_load_idx %arg7[%add3A_58, %parallel_loop3A_931] : memref<512x32xf32, #tpu.memory_space<vmem>>[vector<16xi32>, vector<16xi32>], vector<16xf32>,
        %parallel_loop3A_1078 = arith.constant 2 : i32
        %parallel_loop3A_1079 = arith.index_cast %parallel_loop3A_955 : i32 to index
        %parallel_loop3A_1080 = arith.index_cast %parallel_loop3A_1078 : i32 to index
        %parallel_loop3A_1081 = arith.index_cast %parallel_loop3A_957 : i32 to index
        %parallel_loop3A_1082 = arith.constant 16 : index
        %parallel_loop3A_1083 = tpu.vector_load %arg9[%parallel_loop3A_1079, %parallel_loop3A_1080, %parallel_loop3A_1081, %parallel_loop3A_1082] {strides = array<i32>} : memref<4x4x8x128xf32, #tpu.memory_space<vmem>>, vector<16xf32>,
        tpu.vector_store %arg9[%parallel_loop3A_1079, %parallel_loop3A_1080, %parallel_loop3A_1081, %parallel_loop3A_1082], %parallel_loop3A_1077 {strides = array<i32>} : memref<4x4x8x128xf32, #tpu.memory_space<vmem>>, vector<16xf32>,
        %parallel_loop3A_1084 = tpu.vector_load_idx %arg7[%add3A_61, %parallel_loop3A_931] : memref<512x32xf32, #tpu.memory_space<vmem>>[vector<16xi32>, vector<16xi32>], vector<16xf32>,
        %parallel_loop3A_1085 = arith.constant 2 : i32
        %parallel_loop3A_1086 = arith.index_cast %parallel_loop3A_955 : i32 to index
        %parallel_loop3A_1087 = arith.index_cast %parallel_loop3A_1085 : i32 to index
        %parallel_loop3A_1088 = arith.index_cast %parallel_loop3A_957 : i32 to index
        %parallel_loop3A_1089 = arith.constant 32 : index
        %parallel_loop3A_1090 = tpu.vector_load %arg9[%parallel_loop3A_1086, %parallel_loop3A_1087, %parallel_loop3A_1088, %parallel_loop3A_1089] {strides = array<i32>} : memref<4x4x8x128xf32, #tpu.memory_space<vmem>>, vector<16xf32>,
        tpu.vector_store %arg9[%parallel_loop3A_1086, %parallel_loop3A_1087, %parallel_loop3A_1088, %parallel_loop3A_1089], %parallel_loop3A_1084 {strides = array<i32>} : memref<4x4x8x128xf32, #tpu.memory_space<vmem>>, vector<16xf32>,
        %parallel_loop3A_1091 = tpu.vector_load_idx %arg7[%add3A_64, %parallel_loop3A_931] : memref<512x32xf32, #tpu.memory_space<vmem>>[vector<16xi32>, vector<16xi32>], vector<16xf32>,
        %parallel_loop3A_1092 = arith.constant 2 : i32
        %parallel_loop3A_1093 = arith.index_cast %parallel_loop3A_955 : i32 to index
        %parallel_loop3A_1094 = arith.index_cast %parallel_loop3A_1092 : i32 to index
        %parallel_loop3A_1095 = arith.index_cast %parallel_loop3A_957 : i32 to index
        %parallel_loop3A_1096 = arith.constant 48 : index
        %parallel_loop3A_1097 = tpu.vector_load %arg9[%parallel_loop3A_1093, %parallel_loop3A_1094, %parallel_loop3A_1095, %parallel_loop3A_1096] {strides = array<i32>} : memref<4x4x8x128xf32, #tpu.memory_space<vmem>>, vector<16xf32>,
        tpu.vector_store %arg9[%parallel_loop3A_1093, %parallel_loop3A_1094, %parallel_loop3A_1095, %parallel_loop3A_1096], %parallel_loop3A_1091 {strides = array<i32>} : memref<4x4x8x128xf32, #tpu.memory_space<vmem>>, vector<16xf32>,
        %parallel_loop3A_1098 = tpu.vector_load_idx %arg7[%add3A_67, %parallel_loop3A_931] : memref<512x32xf32, #tpu.memory_space<vmem>>[vector<16xi32>, vector<16xi32>], vector<16xf32>,
        %parallel_loop3A_1099 = arith.constant 2 : i32
        %parallel_loop3A_1100 = arith.index_cast %parallel_loop3A_955 : i32 to index
        %parallel_loop3A_1101 = arith.index_cast %parallel_loop3A_1099 : i32 to index
        %parallel_loop3A_1102 = arith.index_cast %parallel_loop3A_957 : i32 to index
        %parallel_loop3A_1103 = arith.constant 64 : index
        %parallel_loop3A_1104 = tpu.vector_load %arg9[%parallel_loop3A_1100, %parallel_loop3A_1101, %parallel_loop3A_1102, %parallel_loop3A_1103] {strides = array<i32>} : memref<4x4x8x128xf32, #tpu.memory_space<vmem>>, vector<16xf32>,
        tpu.vector_store %arg9[%parallel_loop3A_1100, %parallel_loop3A_1101, %parallel_loop3A_1102, %parallel_loop3A_1103], %parallel_loop3A_1098 {strides = array<i32>} : memref<4x4x8x128xf32, #tpu.memory_space<vmem>>, vector<16xf32>,
        %parallel_loop3A_1105 = tpu.vector_load_idx %arg7[%add3A_70, %parallel_loop3A_931] : memref<512x32xf32, #tpu.memory_space<vmem>>[vector<16xi32>, vector<16xi32>], vector<16xf32>,
        %parallel_loop3A_1106 = arith.constant 2 : i32
        %parallel_loop3A_1107 = arith.index_cast %parallel_loop3A_955 : i32 to index
        %parallel_loop3A_1108 = arith.index_cast %parallel_loop3A_1106 : i32 to index
        %parallel_loop3A_1109 = arith.index_cast %parallel_loop3A_957 : i32 to index
        %parallel_loop3A_1110 = arith.constant 80 : index
        %parallel_loop3A_1111 = tpu.vector_load %arg9[%parallel_loop3A_1107, %parallel_loop3A_1108, %parallel_loop3A_1109, %parallel_loop3A_1110] {strides = array<i32>} : memref<4x4x8x128xf32, #tpu.memory_space<vmem>>, vector<16xf32>,
        tpu.vector_store %arg9[%parallel_loop3A_1107, %parallel_loop3A_1108, %parallel_loop3A_1109, %parallel_loop3A_1110], %parallel_loop3A_1105 {strides = array<i32>} : memref<4x4x8x128xf32, #tpu.memory_space<vmem>>, vector<16xf32>,
        %parallel_loop3A_1112 = tpu.vector_load_idx %arg7[%add3A_73, %parallel_loop3A_931] : memref<512x32xf32, #tpu.memory_space<vmem>>[vector<16xi32>, vector<16xi32>], vector<16xf32>,
        %parallel_loop3A_1113 = arith.constant 2 : i32
        %parallel_loop3A_1114 = arith.index_cast %parallel_loop3A_955 : i32 to index
        %parallel_loop3A_1115 = arith.index_cast %parallel_loop3A_1113 : i32 to index
        %parallel_loop3A_1116 = arith.index_cast %parallel_loop3A_957 : i32 to index
        %parallel_loop3A_1117 = arith.constant 96 : index
        %parallel_loop3A_1118 = tpu.vector_load %arg9[%parallel_loop3A_1114, %parallel_loop3A_1115, %parallel_loop3A_1116, %parallel_loop3A_1117] {strides = array<i32>} : memref<4x4x8x128xf32, #tpu.memory_space<vmem>>, vector<16xf32>,
        tpu.vector_store %arg9[%parallel_loop3A_1114, %parallel_loop3A_1115, %parallel_loop3A_1116, %parallel_loop3A_1117], %parallel_loop3A_1112 {strides = array<i32>} : memref<4x4x8x128xf32, #tpu.memory_space<vmem>>, vector<16xf32>,
        %parallel_loop3A_1119 = tpu.vector_load_idx %arg7[%add3A_76, %parallel_loop3A_931] : memref<512x32xf32, #tpu.memory_space<vmem>>[vector<16xi32>, vector<16xi32>], vector<16xf32>,
        %parallel_loop3A_1120 = arith.constant 2 : i32
        %parallel_loop3A_1121 = arith.index_cast %parallel_loop3A_955 : i32 to index
        %parallel_loop3A_1122 = arith.index_cast %parallel_loop3A_1120 : i32 to index
        %parallel_loop3A_1123 = arith.index_cast %parallel_loop3A_957 : i32 to index
        %parallel_loop3A_1124 = arith.constant 112 : index
        %parallel_loop3A_1125 = tpu.vector_load %arg9[%parallel_loop3A_1121, %parallel_loop3A_1122, %parallel_loop3A_1123, %parallel_loop3A_1124] {strides = array<i32>} : memref<4x4x8x128xf32, #tpu.memory_space<vmem>>, vector<16xf32>,
        tpu.vector_store %arg9[%parallel_loop3A_1121, %parallel_loop3A_1122, %parallel_loop3A_1123, %parallel_loop3A_1124], %parallel_loop3A_1119 {strides = array<i32>} : memref<4x4x8x128xf32, #tpu.memory_space<vmem>>, vector<16xf32>,
        %parallel_loop3A_1126 = tpu.vector_load_idx %arg7[%add3A_79, %parallel_loop3A_931] : memref<512x32xf32, #tpu.memory_space<vmem>>[vector<16xi32>, vector<16xi32>], vector<16xf32>,
        %parallel_loop3A_1127 = arith.constant 3 : i32
        %parallel_loop3A_1128 = arith.index_cast %parallel_loop3A_955 : i32 to index
        %parallel_loop3A_1129 = arith.index_cast %parallel_loop3A_1127 : i32 to index
        %parallel_loop3A_1130 = arith.index_cast %parallel_loop3A_957 : i32 to index
        %parallel_loop3A_1131 = arith.constant 0 : index
        %parallel_loop3A_1132 = tpu.vector_load %arg9[%parallel_loop3A_1128, %parallel_loop3A_1129, %parallel_loop3A_1130, %parallel_loop3A_1131] {strides = array<i32>} : memref<4x4x8x128xf32, #tpu.memory_space<vmem>>, vector<16xf32>,
        tpu.vector_store %arg9[%parallel_loop3A_1128, %parallel_loop3A_1129, %parallel_loop3A_1130, %parallel_loop3A_1131], %parallel_loop3A_1126 {strides = array<i32>} : memref<4x4x8x128xf32, #tpu.memory_space<vmem>>, vector<16xf32>,
        %parallel_loop3A_1133 = tpu.vector_load_idx %arg7[%add3A_82, %parallel_loop3A_931] : memref<512x32xf32, #tpu.memory_space<vmem>>[vector<16xi32>, vector<16xi32>], vector<16xf32>,
        %parallel_loop3A_1134 = arith.constant 3 : i32
        %parallel_loop3A_1135 = arith.index_cast %parallel_loop3A_955 : i32 to index
        %parallel_loop3A_1136 = arith.index_cast %parallel_loop3A_1134 : i32 to index
        %parallel_loop3A_1137 = arith.index_cast %parallel_loop3A_957 : i32 to index
        %parallel_loop3A_1138 = arith.constant 16 : index
        %parallel_loop3A_1139 = tpu.vector_load %arg9[%parallel_loop3A_1135, %parallel_loop3A_1136, %parallel_loop3A_1137, %parallel_loop3A_1138] {strides = array<i32>} : memref<4x4x8x128xf32, #tpu.memory_space<vmem>>, vector<16xf32>,
        tpu.vector_store %arg9[%parallel_loop3A_1135, %parallel_loop3A_1136, %parallel_loop3A_1137, %parallel_loop3A_1138], %parallel_loop3A_1133 {strides = array<i32>} : memref<4x4x8x128xf32, #tpu.memory_space<vmem>>, vector<16xf32>,
        %parallel_loop3A_1140 = tpu.vector_load_idx %arg7[%add3A_85, %parallel_loop3A_931] : memref<512x32xf32, #tpu.memory_space<vmem>>[vector<16xi32>, vector<16xi32>], vector<16xf32>,
        %parallel_loop3A_1141 = arith.constant 3 : i32
        %parallel_loop3A_1142 = arith.index_cast %parallel_loop3A_955 : i32 to index
        %parallel_loop3A_1143 = arith.index_cast %parallel_loop3A_1141 : i32 to index
        %parallel_loop3A_1144 = arith.index_cast %parallel_loop3A_957 : i32 to index
        %parallel_loop3A_1145 = arith.constant 32 : index
        %parallel_loop3A_1146 = tpu.vector_load %arg9[%parallel_loop3A_1142, %parallel_loop3A_1143, %parallel_loop3A_1144, %parallel_loop3A_1145] {strides = array<i32>} : memref<4x4x8x128xf32, #tpu.memory_space<vmem>>, vector<16xf32>,
        tpu.vector_store %arg9[%parallel_loop3A_1142, %parallel_loop3A_1143, %parallel_loop3A_1144, %parallel_loop3A_1145], %parallel_loop3A_1140 {strides = array<i32>} : memref<4x4x8x128xf32, #tpu.memory_space<vmem>>, vector<16xf32>,
        %parallel_loop3A_1147 = tpu.vector_load_idx %arg7[%add3A_88, %parallel_loop3A_931] : memref<512x32xf32, #tpu.memory_space<vmem>>[vector<16xi32>, vector<16xi32>], vector<16xf32>,
        %parallel_loop3A_1148 = arith.constant 3 : i32
        %parallel_loop3A_1149 = arith.index_cast %parallel_loop3A_955 : i32 to index
        %parallel_loop3A_1150 = arith.index_cast %parallel_loop3A_1148 : i32 to index
        %parallel_loop3A_1151 = arith.index_cast %parallel_loop3A_957 : i32 to index
        %parallel_loop3A_1152 = arith.constant 48 : index
        %parallel_loop3A_1153 = tpu.vector_load %arg9[%parallel_loop3A_1149, %parallel_loop3A_1150, %parallel_loop3A_1151, %parallel_loop3A_1152] {strides = array<i32>} : memref<4x4x8x128xf32, #tpu.memory_space<vmem>>, vector<16xf32>,
        tpu.vector_store %arg9[%parallel_loop3A_1149, %parallel_loop3A_1150, %parallel_loop3A_1151, %parallel_loop3A_1152], %parallel_loop3A_1147 {strides = array<i32>} : memref<4x4x8x128xf32, #tpu.memory_space<vmem>>, vector<16xf32>,
        %parallel_loop3A_1154 = tpu.vector_load_idx %arg7[%add3A_91, %parallel_loop3A_931] : memref<512x32xf32, #tpu.memory_space<vmem>>[vector<16xi32>, vector<16xi32>], vector<16xf32>,
        %parallel_loop3A_1155 = arith.constant 3 : i32
        %parallel_loop3A_1156 = arith.index_cast %parallel_loop3A_955 : i32 to index
        %parallel_loop3A_1157 = arith.index_cast %parallel_loop3A_1155 : i32 to index
        %parallel_loop3A_1158 = arith.index_cast %parallel_loop3A_957 : i32 to index
        %parallel_loop3A_1159 = arith.constant 64 : index
        %parallel_loop3A_1160 = tpu.vector_load %arg9[%parallel_loop3A_1156, %parallel_loop3A_1157, %parallel_loop3A_1158, %parallel_loop3A_1159] {strides = array<i32>} : memref<4x4x8x128xf32, #tpu.memory_space<vmem>>, vector<16xf32>,
        tpu.vector_store %arg9[%parallel_loop3A_1156, %parallel_loop3A_1157, %parallel_loop3A_1158, %parallel_loop3A_1159], %parallel_loop3A_1154 {strides = array<i32>} : memref<4x4x8x128xf32, #tpu.memory_space<vmem>>, vector<16xf32>,
        %parallel_loop3A_1161 = tpu.vector_load_idx %arg7[%add3A_94, %parallel_loop3A_931] : memref<512x32xf32, #tpu.memory_space<vmem>>[vector<16xi32>, vector<16xi32>], vector<16xf32>,
        %parallel_loop3A_1162 = arith.constant 3 : i32
        %parallel_loop3A_1163 = arith.index_cast %parallel_loop3A_955 : i32 to index
        %parallel_loop3A_1164 = arith.index_cast %parallel_loop3A_1162 : i32 to index
        %parallel_loop3A_1165 = arith.index_cast %parallel_loop3A_957 : i32 to index
        %parallel_loop3A_1166 = arith.constant 80 : index
        %parallel_loop3A_1167 = tpu.vector_load %arg9[%parallel_loop3A_1163, %parallel_loop3A_1164, %parallel_loop3A_1165, %parallel_loop3A_1166] {strides = array<i32>} : memref<4x4x8x128xf32, #tpu.memory_space<vmem>>, vector<16xf32>,
        tpu.vector_store %arg9[%parallel_loop3A_1163, %parallel_loop3A_1164, %parallel_loop3A_1165, %parallel_loop3A_1166], %parallel_loop3A_1161 {strides = array<i32>} : memref<4x4x8x128xf32, #tpu.memory_space<vmem>>, vector<16xf32>,
        %parallel_loop3A_1168 = tpu.vector_load_idx %arg7[%add3A_97, %parallel_loop3A_931] : memref<512x32xf32, #tpu.memory_space<vmem>>[vector<16xi32>, vector<16xi32>], vector<16xf32>,
        %parallel_loop3A_1169 = arith.constant 3 : i32
        %parallel_loop3A_1170 = arith.index_cast %parallel_loop3A_955 : i32 to index
        %parallel_loop3A_1171 = arith.index_cast %parallel_loop3A_1169 : i32 to index
        %parallel_loop3A_1172 = arith.index_cast %parallel_loop3A_957 : i32 to index
        %parallel_loop3A_1173 = arith.constant 96 : index
        %parallel_loop3A_1174 = tpu.vector_load %arg9[%parallel_loop3A_1170, %parallel_loop3A_1171, %parallel_loop3A_1172, %parallel_loop3A_1173] {strides = array<i32>} : memref<4x4x8x128xf32, #tpu.memory_space<vmem>>, vector<16xf32>,
        tpu.vector_store %arg9[%parallel_loop3A_1170, %parallel_loop3A_1171, %parallel_loop3A_1172, %parallel_loop3A_1173], %parallel_loop3A_1168 {strides = array<i32>} : memref<4x4x8x128xf32, #tpu.memory_space<vmem>>, vector<16xf32>,
        %parallel_loop3A_1175 = tpu.vector_load_idx %arg7[%add3A_100, %parallel_loop3A_931] : memref<512x32xf32, #tpu.memory_space<vmem>>[vector<16xi32>, vector<16xi32>], vector<16xf32>,
        %parallel_loop3A_1176 = arith.constant 3 : i32
        %parallel_loop3A_1177 = arith.index_cast %parallel_loop3A_955 : i32 to index
        %parallel_loop3A_1178 = arith.index_cast %parallel_loop3A_1176 : i32 to index
        %parallel_loop3A_1179 = arith.index_cast %parallel_loop3A_957 : i32 to index
        %parallel_loop3A_1180 = arith.constant 112 : index
        %parallel_loop3A_1181 = tpu.vector_load %arg9[%parallel_loop3A_1177, %parallel_loop3A_1178, %parallel_loop3A_1179, %parallel_loop3A_1180] {strides = array<i32>} : memref<4x4x8x128xf32, #tpu.memory_space<vmem>>, vector<16xf32>,
        tpu.vector_store %arg9[%parallel_loop3A_1177, %parallel_loop3A_1178, %parallel_loop3A_1179, %parallel_loop3A_1180], %parallel_loop3A_1175 {strides = array<i32>} : memref<4x4x8x128xf32, #tpu.memory_space<vmem>>, vector<16xf32>,
      } {sc.loop_unroll_factor = 4 : i64, sc.parallel_access}
      %jit3A_733 = arith.constant 32 : i32
      %div3A_734 = arith.divsi %add3A_718, %jit3A_733 : i32
      %sign3A_735 = arith.constant 0 : i32
      %sign3A_736 = arith.cmpi sgt, %add3A_718, %sign3A_735 : i32
      %sign3A_737 = arith.extui %sign3A_736 : i1 to i32
      %sign3A_738 = arith.constant 0 : i32
      %sign3A_739 = arith.cmpi slt, %add3A_718, %sign3A_738 : i32
      %sign3A_740 = arith.extui %sign3A_739 : i1 to i32
      %sign3A_741 = arith.subi %sign3A_737, %sign3A_740 : i32
      %sign3A_742 = arith.constant 0 : i32
      %sign3A_743 = arith.cmpi sgt, %jit3A_733, %sign3A_742 : i32
      %sign3A_744 = arith.extui %sign3A_743 : i1 to i32
      %sign3A_745 = arith.constant 0 : i32
      %sign3A_746 = arith.cmpi slt, %jit3A_733, %sign3A_745 : i32
      %sign3A_747 = arith.extui %sign3A_746 : i1 to i32
      %sign3A_748 = arith.subi %sign3A_744, %sign3A_747 : i32
      %ne3A_749 = arith.cmpi ne, %sign3A_741, %sign3A_748 : i32
      %rem3A_750 = arith.remsi %add3A_718, %jit3A_733 : i32
      %ne3A_751 = arith.constant 0 : i32
      %ne3A_752 = arith.cmpi ne, %rem3A_750, %ne3A_751 : i32
      %and3A_753 = arith.andi %ne3A_749, %ne3A_752 : i1
      %sub3A_754 = arith.constant 1 : i32
      %sub3A_755 = arith.subi %div3A_734, %sub3A_754 : i32
      %select_n3A_756 = arith.select %and3A_753, %sub3A_755, %div3A_734 : i32
      %rem3A_757 = arith.constant 32 : i32
      %rem3A_758 = arith.remsi %add3A_718, %rem3A_757 : i32
      %mul3A_759 = arith.constant 4 : i32
      %mul3A_760 = arith.muli %rem3A_758, %mul3A_759 : i32
      %dma_start3A_761 = arith.constant 0 : i32
      %dma_start3A_762 = arith.constant 0 : i32
      %dma_start3A_763 = arith.constant 0 : i32
      %dma_start3A_764 = arith.constant 0 : i32
      %dma_start3A_765 = arith.constant 0 : i32
      %dma_start3A_766 = tpu.memref_slice %arg9[%dma_start3A_761, %dma_start3A_763, %dma_start3A_764, %dma_start3A_765] : memref<4x4x8x128xf32, #tpu.memory_space<vmem>> -> memref<1x4x8x128xf32, #tpu.memory_space<vmem>>
      %dma_start3A_767 = tpu.memref_squeeze %dma_start3A_766 : memref<1x4x8x128xf32, #tpu.memory_space<vmem>> -> memref<4x8x128xf32, #tpu.memory_space<vmem>>
      %dma_start3A_768 = arith.constant 0 : i32
      %dma_start3A_769 = arith.constant 0 : i32
      %dma_start3A_770 = tpu.memref_slice %arg4[%select_n3A_756, %dma_start3A_762, %mul3A_760, %dma_start3A_768, %dma_start3A_769] : memref<26x4x128x8x128xf32, #tpu.memory_space<hbm>> -> memref<1x1x4x8x128xf32, #tpu.memory_space<hbm>>
      %dma_start3A_771 = tpu.memref_squeeze %dma_start3A_770 : memref<1x1x4x8x128xf32, #tpu.memory_space<hbm>> -> memref<4x8x128xf32, #tpu.memory_space<hbm>>
      %dma_start3A_772 = arith.constant 0 : i32
      %dma_start3A_773 = arith.constant 0 : i32
      %dma_start3A_774 = tpu.memref_slice %arg4[%select_n3A_756, %dma_start3A_762, %mul3A_760, %dma_start3A_772, %dma_start3A_773] : memref<26x4x128x8x128xf32, #tpu.memory_space<hbm>> -> memref<1x1x4x8x128xf32, #tpu.memory_space<hbm>>
      %dma_start3A_775 = tpu.memref_squeeze %dma_start3A_774 : memref<1x1x4x8x128xf32, #tpu.memory_space<hbm>> -> memref<4x8x128xf32, #tpu.memory_space<hbm>>
      %dma_start3A_776 = arith.constant 0 : i32
      %dma_start3A_777 = arith.constant 0 : i32
      %dma_start3A_778 = arith.constant 0 : i32
      %dma_start3A_779 = tpu.memref_slice %arg9[%dma_start3A_761, %dma_start3A_776, %dma_start3A_777, %dma_start3A_778] : memref<4x4x8x128xf32, #tpu.memory_space<vmem>> -> memref<1x4x8x128xf32, #tpu.memory_space<vmem>>
      %dma_start3A_780 = tpu.memref_squeeze %dma_start3A_779 : memref<1x4x8x128xf32, #tpu.memory_space<vmem>> -> memref<4x8x128xf32, #tpu.memory_space<vmem>>
      tpu.enqueue_dma source(%dma_start3A_780 : memref<4x8x128xf32, #tpu.memory_space<vmem>>) target(%dma_start3A_775 : memref<4x8x128xf32, #tpu.memory_space<hbm>>) target_semaphore(%arg13 : memref<!tpu.dma_semaphore, #tpu.memory_space<semaphore_mem>>)
      %jit3A_781 = arith.constant 32 : i32
      %div3A_782 = arith.divsi %add3A_718, %jit3A_781 : i32
      %sign3A_783 = arith.constant 0 : i32
      %sign3A_784 = arith.cmpi sgt, %add3A_718, %sign3A_783 : i32
      %sign3A_785 = arith.extui %sign3A_784 : i1 to i32
      %sign3A_786 = arith.constant 0 : i32
      %sign3A_787 = arith.cmpi slt, %add3A_718, %sign3A_786 : i32
      %sign3A_788 = arith.extui %sign3A_787 : i1 to i32
      %sign3A_789 = arith.subi %sign3A_785, %sign3A_788 : i32
      %sign3A_790 = arith.constant 0 : i32
      %sign3A_791 = arith.cmpi sgt, %jit3A_781, %sign3A_790 : i32
      %sign3A_792 = arith.extui %sign3A_791 : i1 to i32
      %sign3A_793 = arith.constant 0 : i32
      %sign3A_794 = arith.cmpi slt, %jit3A_781, %sign3A_793 : i32
      %sign3A_795 = arith.extui %sign3A_794 : i1 to i32
      %sign3A_796 = arith.subi %sign3A_792, %sign3A_795 : i32
      %ne3A_797 = arith.cmpi ne, %sign3A_789, %sign3A_796 : i32
      %rem3A_798 = arith.remsi %add3A_718, %jit3A_781 : i32
      %ne3A_799 = arith.constant 0 : i32
      %ne3A_800 = arith.cmpi ne, %rem3A_798, %ne3A_799 : i32
      %and3A_801 = arith.andi %ne3A_797, %ne3A_800 : i1
      %sub3A_802 = arith.constant 1 : i32
      %sub3A_803 = arith.subi %div3A_782, %sub3A_802 : i32
      %select_n3A_804 = arith.select %and3A_801, %sub3A_803, %div3A_782 : i32
      %rem3A_805 = arith.constant 32 : i32
      %rem3A_806 = arith.remsi %add3A_718, %rem3A_805 : i32
      %mul3A_807 = arith.constant 4 : i32
      %mul3A_808 = arith.muli %rem3A_806, %mul3A_807 : i32
      %dma_start3A_809 = arith.constant 1 : i32
      %dma_start3A_810 = arith.constant 1 : i32
      %dma_start3A_811 = arith.constant 0 : i32
      %dma_start3A_812 = arith.constant 0 : i32
      %dma_start3A_813 = arith.constant 0 : i32
      %dma_start3A_814 = tpu.memref_slice %arg9[%dma_start3A_809, %dma_start3A_811, %dma_start3A_812, %dma_start3A_813] : memref<4x4x8x128xf32, #tpu.memory_space<vmem>> -> memref<1x4x8x128xf32, #tpu.memory_space<vmem>>
      %dma_start3A_815 = tpu.memref_squeeze %dma_start3A_814 : memref<1x4x8x128xf32, #tpu.memory_space<vmem>> -> memref<4x8x128xf32, #tpu.memory_space<vmem>>
      %dma_start3A_816 = arith.constant 0 : i32
      %dma_start3A_817 = arith.constant 0 : i32
      %dma_start3A_818 = tpu.memref_slice %arg4[%select_n3A_804, %dma_start3A_810, %mul3A_808, %dma_start3A_816, %dma_start3A_817] : memref<26x4x128x8x128xf32, #tpu.memory_space<hbm>> -> memref<1x1x4x8x128xf32, #tpu.memory_space<hbm>>
      %dma_start3A_819 = tpu.memref_squeeze %dma_start3A_818 : memref<1x1x4x8x128xf32, #tpu.memory_space<hbm>> -> memref<4x8x128xf32, #tpu.memory_space<hbm>>
      %dma_start3A_820 = arith.constant 0 : i32
      %dma_start3A_821 = arith.constant 0 : i32
      %dma_start3A_822 = tpu.memref_slice %arg4[%select_n3A_804, %dma_start3A_810, %mul3A_808, %dma_start3A_820, %dma_start3A_821] : memref<26x4x128x8x128xf32, #tpu.memory_space<hbm>> -> memref<1x1x4x8x128xf32, #tpu.memory_space<hbm>>
      %dma_start3A_823 = tpu.memref_squeeze %dma_start3A_822 : memref<1x1x4x8x128xf32, #tpu.memory_space<hbm>> -> memref<4x8x128xf32, #tpu.memory_space<hbm>>
      %dma_start3A_824 = arith.constant 0 : i32
      %dma_start3A_825 = arith.constant 0 : i32
      %dma_start3A_826 = arith.constant 0 : i32
      %dma_start3A_827 = tpu.memref_slice %arg9[%dma_start3A_809, %dma_start3A_824, %dma_start3A_825, %dma_start3A_826] : memref<4x4x8x128xf32, #tpu.memory_space<vmem>> -> memref<1x4x8x128xf32, #tpu.memory_space<vmem>>
      %dma_start3A_828 = tpu.memref_squeeze %dma_start3A_827 : memref<1x4x8x128xf32, #tpu.memory_space<vmem>> -> memref<4x8x128xf32, #tpu.memory_space<vmem>>
      tpu.enqueue_dma source(%dma_start3A_828 : memref<4x8x128xf32, #tpu.memory_space<vmem>>) target(%dma_start3A_823 : memref<4x8x128xf32, #tpu.memory_space<hbm>>) target_semaphore(%arg13 : memref<!tpu.dma_semaphore, #tpu.memory_space<semaphore_mem>>)
      %jit3A_829 = arith.constant 32 : i32
      %div3A_830 = arith.divsi %add3A_718, %jit3A_829 : i32
      %sign3A_831 = arith.constant 0 : i32
      %sign3A_832 = arith.cmpi sgt, %add3A_718, %sign3A_831 : i32
      %sign3A_833 = arith.extui %sign3A_832 : i1 to i32
      %sign3A_834 = arith.constant 0 : i32
      %sign3A_835 = arith.cmpi slt, %add3A_718, %sign3A_834 : i32
      %sign3A_836 = arith.extui %sign3A_835 : i1 to i32
      %sign3A_837 = arith.subi %sign3A_833, %sign3A_836 : i32
      %sign3A_838 = arith.constant 0 : i32
      %sign3A_839 = arith.cmpi sgt, %jit3A_829, %sign3A_838 : i32
      %sign3A_840 = arith.extui %sign3A_839 : i1 to i32
      %sign3A_841 = arith.constant 0 : i32
      %sign3A_842 = arith.cmpi slt, %jit3A_829, %sign3A_841 : i32
      %sign3A_843 = arith.extui %sign3A_842 : i1 to i32
      %sign3A_844 = arith.subi %sign3A_840, %sign3A_843 : i32
      %ne3A_845 = arith.cmpi ne, %sign3A_837, %sign3A_844 : i32
      %rem3A_846 = arith.remsi %add3A_718, %jit3A_829 : i32
      %ne3A_847 = arith.constant 0 : i32
      %ne3A_848 = arith.cmpi ne, %rem3A_846, %ne3A_847 : i32
      %and3A_849 = arith.andi %ne3A_845, %ne3A_848 : i1
      %sub3A_850 = arith.constant 1 : i32
      %sub3A_851 = arith.subi %div3A_830, %sub3A_850 : i32
      %select_n3A_852 = arith.select %and3A_849, %sub3A_851, %div3A_830 : i32
      %rem3A_853 = arith.constant 32 : i32
      %rem3A_854 = arith.remsi %add3A_718, %rem3A_853 : i32
      %mul3A_855 = arith.constant 4 : i32
      %mul3A_856 = arith.muli %rem3A_854, %mul3A_855 : i32
      %dma_start3A_857 = arith.constant 2 : i32
      %dma_start3A_858 = arith.constant 2 : i32
      %dma_start3A_859 = arith.constant 0 : i32
      %dma_start3A_860 = arith.constant 0 : i32
      %dma_start3A_861 = arith.constant 0 : i32
      %dma_start3A_862 = tpu.memref_slice %arg9[%dma_start3A_857, %dma_start3A_859, %dma_start3A_860, %dma_start3A_861] : memref<4x4x8x128xf32, #tpu.memory_space<vmem>> -> memref<1x4x8x128xf32, #tpu.memory_space<vmem>>
      %dma_start3A_863 = tpu.memref_squeeze %dma_start3A_862 : memref<1x4x8x128xf32, #tpu.memory_space<vmem>> -> memref<4x8x128xf32, #tpu.memory_space<vmem>>
      %dma_start3A_864 = arith.constant 0 : i32
      %dma_start3A_865 = arith.constant 0 : i32
      %dma_start3A_866 = tpu.memref_slice %arg4[%select_n3A_852, %dma_start3A_858, %mul3A_856, %dma_start3A_864, %dma_start3A_865] : memref<26x4x128x8x128xf32, #tpu.memory_space<hbm>> -> memref<1x1x4x8x128xf32, #tpu.memory_space<hbm>>
      %dma_start3A_867 = tpu.memref_squeeze %dma_start3A_866 : memref<1x1x4x8x128xf32, #tpu.memory_space<hbm>> -> memref<4x8x128xf32, #tpu.memory_space<hbm>>
      %dma_start3A_868 = arith.constant 0 : i32
      %dma_start3A_869 = arith.constant 0 : i32
      %dma_start3A_870 = tpu.memref_slice %arg4[%select_n3A_852, %dma_start3A_858, %mul3A_856, %dma_start3A_868, %dma_start3A_869] : memref<26x4x128x8x128xf32, #tpu.memory_space<hbm>> -> memref<1x1x4x8x128xf32, #tpu.memory_space<hbm>>
      %dma_start3A_871 = tpu.memref_squeeze %dma_start3A_870 : memref<1x1x4x8x128xf32, #tpu.memory_space<hbm>> -> memref<4x8x128xf32, #tpu.memory_space<hbm>>
      %dma_start3A_872 = arith.constant 0 : i32
      %dma_start3A_873 = arith.constant 0 : i32
      %dma_start3A_874 = arith.constant 0 : i32
      %dma_start3A_875 = tpu.memref_slice %arg9[%dma_start3A_857, %dma_start3A_872, %dma_start3A_873, %dma_start3A_874] : memref<4x4x8x128xf32, #tpu.memory_space<vmem>> -> memref<1x4x8x128xf32, #tpu.memory_space<vmem>>
      %dma_start3A_876 = tpu.memref_squeeze %dma_start3A_875 : memref<1x4x8x128xf32, #tpu.memory_space<vmem>> -> memref<4x8x128xf32, #tpu.memory_space<vmem>>
      tpu.enqueue_dma source(%dma_start3A_876 : memref<4x8x128xf32, #tpu.memory_space<vmem>>) target(%dma_start3A_871 : memref<4x8x128xf32, #tpu.memory_space<hbm>>) target_semaphore(%arg13 : memref<!tpu.dma_semaphore, #tpu.memory_space<semaphore_mem>>)
      %jit3A_877 = arith.constant 32 : i32
      %div3A_878 = arith.divsi %add3A_718, %jit3A_877 : i32
      %sign3A_879 = arith.constant 0 : i32
      %sign3A_880 = arith.cmpi sgt, %add3A_718, %sign3A_879 : i32
      %sign3A_881 = arith.extui %sign3A_880 : i1 to i32
      %sign3A_882 = arith.constant 0 : i32
      %sign3A_883 = arith.cmpi slt, %add3A_718, %sign3A_882 : i32
      %sign3A_884 = arith.extui %sign3A_883 : i1 to i32
      %sign3A_885 = arith.subi %sign3A_881, %sign3A_884 : i32
      %sign3A_886 = arith.constant 0 : i32
      %sign3A_887 = arith.cmpi sgt, %jit3A_877, %sign3A_886 : i32
      %sign3A_888 = arith.extui %sign3A_887 : i1 to i32
      %sign3A_889 = arith.constant 0 : i32
      %sign3A_890 = arith.cmpi slt, %jit3A_877, %sign3A_889 : i32
      %sign3A_891 = arith.extui %sign3A_890 : i1 to i32
      %sign3A_892 = arith.subi %sign3A_888, %sign3A_891 : i32
      %ne3A_893 = arith.cmpi ne, %sign3A_885, %sign3A_892 : i32
      %rem3A_894 = arith.remsi %add3A_718, %jit3A_877 : i32
      %ne3A_895 = arith.constant 0 : i32
      %ne3A_896 = arith.cmpi ne, %rem3A_894, %ne3A_895 : i32
      %and3A_897 = arith.andi %ne3A_893, %ne3A_896 : i1
      %sub3A_898 = arith.constant 1 : i32
      %sub3A_899 = arith.subi %div3A_878, %sub3A_898 : i32
      %select_n3A_900 = arith.select %and3A_897, %sub3A_899, %div3A_878 : i32
      %rem3A_901 = arith.constant 32 : i32
      %rem3A_902 = arith.remsi %add3A_718, %rem3A_901 : i32
      %mul3A_903 = arith.constant 4 : i32
      %mul3A_904 = arith.muli %rem3A_902, %mul3A_903 : i32
      %dma_start3A_905 = arith.constant 3 : i32
      %dma_start3A_906 = arith.constant 3 : i32
      %dma_start3A_907 = arith.constant 0 : i32
      %dma_start3A_908 = arith.constant 0 : i32
      %dma_start3A_909 = arith.constant 0 : i32
      %dma_start3A_910 = tpu.memref_slice %arg9[%dma_start3A_905, %dma_start3A_907, %dma_start3A_908, %dma_start3A_909] : memref<4x4x8x128xf32, #tpu.memory_space<vmem>> -> memref<1x4x8x128xf32, #tpu.memory_space<vmem>>
      %dma_start3A_911 = tpu.memref_squeeze %dma_start3A_910 : memref<1x4x8x128xf32, #tpu.memory_space<vmem>> -> memref<4x8x128xf32, #tpu.memory_space<vmem>>
      %dma_start3A_912 = arith.constant 0 : i32
      %dma_start3A_913 = arith.constant 0 : i32
      %dma_start3A_914 = tpu.memref_slice %arg4[%select_n3A_900, %dma_start3A_906, %mul3A_904, %dma_start3A_912, %dma_start3A_913] : memref<26x4x128x8x128xf32, #tpu.memory_space<hbm>> -> memref<1x1x4x8x128xf32, #tpu.memory_space<hbm>>
      %dma_start3A_915 = tpu.memref_squeeze %dma_start3A_914 : memref<1x1x4x8x128xf32, #tpu.memory_space<hbm>> -> memref<4x8x128xf32, #tpu.memory_space<hbm>>
      %dma_start3A_916 = arith.constant 0 : i32
      %dma_start3A_917 = arith.constant 0 : i32
      %dma_start3A_918 = tpu.memref_slice %arg4[%select_n3A_900, %dma_start3A_906, %mul3A_904, %dma_start3A_916, %dma_start3A_917] : memref<26x4x128x8x128xf32, #tpu.memory_space<hbm>> -> memref<1x1x4x8x128xf32, #tpu.memory_space<hbm>>
      %dma_start3A_919 = tpu.memref_squeeze %dma_start3A_918 : memref<1x1x4x8x128xf32, #tpu.memory_space<hbm>> -> memref<4x8x128xf32, #tpu.memory_space<hbm>>
      %dma_start3A_920 = arith.constant 0 : i32
      %dma_start3A_921 = arith.constant 0 : i32
      %dma_start3A_922 = arith.constant 0 : i32
      %dma_start3A_923 = tpu.memref_slice %arg9[%dma_start3A_905, %dma_start3A_920, %dma_start3A_921, %dma_start3A_922] : memref<4x4x8x128xf32, #tpu.memory_space<vmem>> -> memref<1x4x8x128xf32, #tpu.memory_space<vmem>>
      %dma_start3A_924 = tpu.memref_squeeze %dma_start3A_923 : memref<1x4x8x128xf32, #tpu.memory_space<vmem>> -> memref<4x8x128xf32, #tpu.memory_space<vmem>>
      tpu.enqueue_dma source(%dma_start3A_924 : memref<4x8x128xf32, #tpu.memory_space<vmem>>) target(%dma_start3A_919 : memref<4x8x128xf32, #tpu.memory_space<hbm>>) target_semaphore(%arg13 : memref<!tpu.dma_semaphore, #tpu.memory_space<semaphore_mem>>)
      %lt3A_925 = arith.constant 12 : i32
      %lt3A_926 = arith.cmpi slt, %scan3A_502, %lt3A_925 : i32
      %convert_element_type3A_927 = arith.extui %lt3A_926 : i1 to i32
      %cond3A_928 = arith.constant 0 : i32
      %cond3A_929 = arith.cmpi ne, %convert_element_type3A_927, %cond3A_928 : i32
      scf.if %cond3A_929 {
        %add3A_930 = arith.constant 2 : i32
        %add3A_931 = arith.addi %add3A_717, %add3A_930 : i32
        %mul3A_932 = arith.constant 512 : i32
        %mul3A_933 = arith.muli %add3A_931, %mul3A_932 : i32
        %dma_start3A_934 = tpu.memref_slice %arg5[%mul3A_933] : memref<13312xi32, #tpu.memory_space<vmem>> -> memref<512xi32, #tpu.memory_space<vmem>>
        %dma_start3A_935 = arith.constant 0 : i32
        %dma_start3A_936 = arith.constant 0 : i32
        %dma_start3A_937 = tpu.memref_slice %arg3[%dma_start3A_935, %dma_start3A_936] : memref<1000000x32xf32, #tpu.memory_space<hbm>> -> memref<1000000x32xf32, #tpu.memory_space<hbm>>
        tpu.enqueue_indirect_dma source(%dma_start3A_937 : memref<1000000x32xf32, #tpu.memory_space<hbm>>) target(%arg7 : memref<512x32xf32, #tpu.memory_space<vmem>>) offsets(%dma_start3A_934 : memref<512xi32, #tpu.memory_space<vmem>>) semaphore(%arg11 : memref<!tpu.dma_semaphore, #tpu.memory_space<semaphore_mem>>)
      } else {
      }
    }
    %scan3A_114 = arith.constant 13 : i32
    %add3A_115 = arith.constant 26 : i32
    %add3A_116 = arith.addi %mul3A_2, %add3A_115 : i32
    %sub3A = arith.constant 2 : i32
    %sub3A_117 = arith.subi %add3A_116, %sub3A : i32
    %add3A_118 = arith.constant 0 : i32
    %add3A_119 = arith.addi %sub3A_117, %add3A_118 : i32
    %jit3A = arith.constant 32 : i32
    %div3A = arith.divsi %add3A_119, %jit3A : i32
    %sign3A = arith.constant 0 : i32
    %sign3A_120 = arith.cmpi sgt, %add3A_119, %sign3A : i32
    %sign3A_121 = arith.extui %sign3A_120 : i1 to i32
    %sign3A_122 = arith.constant 0 : i32
    %sign3A_123 = arith.cmpi slt, %add3A_119, %sign3A_122 : i32
    %sign3A_124 = arith.extui %sign3A_123 : i1 to i32
    %sign3A_125 = arith.subi %sign3A_121, %sign3A_124 : i32
    %sign3A_126 = arith.constant 0 : i32
    %sign3A_127 = arith.cmpi sgt, %jit3A, %sign3A_126 : i32
    %sign3A_128 = arith.extui %sign3A_127 : i1 to i32
    %sign3A_129 = arith.constant 0 : i32
    %sign3A_130 = arith.cmpi slt, %jit3A, %sign3A_129 : i32
    %sign3A_131 = arith.extui %sign3A_130 : i1 to i32
    %sign3A_132 = arith.subi %sign3A_128, %sign3A_131 : i32
    %ne3A = arith.cmpi ne, %sign3A_125, %sign3A_132 : i32
    %rem3A = arith.remsi %add3A_119, %jit3A : i32
    %ne3A_133 = arith.constant 0 : i32
    %ne3A_134 = arith.cmpi ne, %rem3A, %ne3A_133 : i32
    %and3A = arith.andi %ne3A, %ne3A_134 : i1
    %sub3A_135 = arith.constant 1 : i32
    %sub3A_136 = arith.subi %div3A, %sub3A_135 : i32
    %select_n3A = arith.select %and3A, %sub3A_136, %div3A : i32
    %rem3A_137 = arith.constant 32 : i32
    %rem3A_138 = arith.remsi %add3A_119, %rem3A_137 : i32
    %mul3A_139 = arith.constant 4 : i32
    %mul3A_140 = arith.muli %rem3A_138, %mul3A_139 : i32
    %dma_wait3A = arith.constant 0 : i32
    %dma_wait3A_141 = arith.constant 0 : i32
    %dma_wait3A_142 = arith.constant 0 : i32
    %dma_wait3A_143 = arith.constant 0 : i32
    %dma_wait3A_144 = arith.constant 0 : i32
    %dma_wait3A_145 = tpu.memref_slice %arg8[%dma_wait3A, %dma_wait3A_142, %dma_wait3A_143, %dma_wait3A_144] : memref<4x4x8x128xf32, #tpu.memory_space<vmem>> -> memref<1x4x8x128xf32, #tpu.memory_space<vmem>>
    %dma_wait3A_146 = tpu.memref_squeeze %dma_wait3A_145 : memref<1x4x8x128xf32, #tpu.memory_space<vmem>> -> memref<4x8x128xf32, #tpu.memory_space<vmem>>
    %dma_wait3A_147 = arith.constant 0 : i32
    %dma_wait3A_148 = arith.constant 0 : i32
    %dma_wait3A_149 = tpu.memref_slice %arg4[%select_n3A, %dma_wait3A_141, %mul3A_140, %dma_wait3A_147, %dma_wait3A_148] : memref<26x4x128x8x128xf32, #tpu.memory_space<hbm>> -> memref<1x1x4x8x128xf32, #tpu.memory_space<hbm>>
    %dma_wait3A_150 = tpu.memref_squeeze %dma_wait3A_149 : memref<1x1x4x8x128xf32, #tpu.memory_space<hbm>> -> memref<4x8x128xf32, #tpu.memory_space<hbm>>
    %dma_wait3A_151 = arith.constant 0 : i32
    %dma_wait3A_152 = arith.constant 0 : i32
    %dma_wait3A_153 = tpu.memref_slice %arg4[%select_n3A, %dma_wait3A_141, %mul3A_140, %dma_wait3A_151, %dma_wait3A_152] : memref<26x4x128x8x128xf32, #tpu.memory_space<hbm>> -> memref<1x1x4x8x128xf32, #tpu.memory_space<hbm>>
    %dma_wait3A_154 = tpu.memref_squeeze %dma_wait3A_153 : memref<1x1x4x8x128xf32, #tpu.memory_space<hbm>> -> memref<4x8x128xf32, #tpu.memory_space<hbm>>
    %dma_wait3A_155 = arith.constant 0 : i32
    %dma_wait3A_156 = arith.constant 0 : i32
    %dma_wait3A_157 = arith.constant 0 : i32
    %dma_wait3A_158 = tpu.memref_slice %arg8[%dma_wait3A, %dma_wait3A_155, %dma_wait3A_156, %dma_wait3A_157] : memref<4x4x8x128xf32, #tpu.memory_space<vmem>> -> memref<1x4x8x128xf32, #tpu.memory_space<vmem>>
    %dma_wait3A_159 = tpu.memref_squeeze %dma_wait3A_158 : memref<1x4x8x128xf32, #tpu.memory_space<vmem>> -> memref<4x8x128xf32, #tpu.memory_space<vmem>>
    tpu.wait_dma2 semaphore(%arg12 : memref<!tpu.dma_semaphore, #tpu.memory_space<semaphore_mem>>) src(%dma_wait3A_159 : memref<4x8x128xf32, #tpu.memory_space<vmem>>) dst(%dma_wait3A_154 : memref<4x8x128xf32, #tpu.memory_space<hbm>>)
    %jit3A_160 = arith.constant 32 : i32
    %div3A_161 = arith.divsi %add3A_119, %jit3A_160 : i32
    %sign3A_162 = arith.constant 0 : i32
    %sign3A_163 = arith.cmpi sgt, %add3A_119, %sign3A_162 : i32
    %sign3A_164 = arith.extui %sign3A_163 : i1 to i32
    %sign3A_165 = arith.constant 0 : i32
    %sign3A_166 = arith.cmpi slt, %add3A_119, %sign3A_165 : i32
    %sign3A_167 = arith.extui %sign3A_166 : i1 to i32
    %sign3A_168 = arith.subi %sign3A_164, %sign3A_167 : i32
    %sign3A_169 = arith.constant 0 : i32
    %sign3A_170 = arith.cmpi sgt, %jit3A_160, %sign3A_169 : i32
    %sign3A_171 = arith.extui %sign3A_170 : i1 to i32
    %sign3A_172 = arith.constant 0 : i32
    %sign3A_173 = arith.cmpi slt, %jit3A_160, %sign3A_172 : i32
    %sign3A_174 = arith.extui %sign3A_173 : i1 to i32
    %sign3A_175 = arith.subi %sign3A_171, %sign3A_174 : i32
    %ne3A_176 = arith.cmpi ne, %sign3A_168, %sign3A_175 : i32
    %rem3A_177 = arith.remsi %add3A_119, %jit3A_160 : i32
    %ne3A_178 = arith.constant 0 : i32
    %ne3A_179 = arith.cmpi ne, %rem3A_177, %ne3A_178 : i32
    %and3A_180 = arith.andi %ne3A_176, %ne3A_179 : i1
    %sub3A_181 = arith.constant 1 : i32
    %sub3A_182 = arith.subi %div3A_161, %sub3A_181 : i32
    %select_n3A_183 = arith.select %and3A_180, %sub3A_182, %div3A_161 : i32
    %rem3A_184 = arith.constant 32 : i32
    %rem3A_185 = arith.remsi %add3A_119, %rem3A_184 : i32
    %mul3A_186 = arith.constant 4 : i32
    %mul3A_187 = arith.muli %rem3A_185, %mul3A_186 : i32
    %dma_wait3A_188 = arith.constant 1 : i32
    %dma_wait3A_189 = arith.constant 1 : i32
    %dma_wait3A_190 = arith.constant 0 : i32
    %dma_wait3A_191 = arith.constant 0 : i32
    %dma_wait3A_192 = arith.constant 0 : i32
    %dma_wait3A_193 = tpu.memref_slice %arg8[%dma_wait3A_188, %dma_wait3A_190, %dma_wait3A_191, %dma_wait3A_192] : memref<4x4x8x128xf32, #tpu.memory_space<vmem>> -> memref<1x4x8x128xf32, #tpu.memory_space<vmem>>
    %dma_wait3A_194 = tpu.memref_squeeze %dma_wait3A_193 : memref<1x4x8x128xf32, #tpu.memory_space<vmem>> -> memref<4x8x128xf32, #tpu.memory_space<vmem>>
    %dma_wait3A_195 = arith.constant 0 : i32
    %dma_wait3A_196 = arith.constant 0 : i32
    %dma_wait3A_197 = tpu.memref_slice %arg4[%select_n3A_183, %dma_wait3A_189, %mul3A_187, %dma_wait3A_195, %dma_wait3A_196] : memref<26x4x128x8x128xf32, #tpu.memory_space<hbm>> -> memref<1x1x4x8x128xf32, #tpu.memory_space<hbm>>
    %dma_wait3A_198 = tpu.memref_squeeze %dma_wait3A_197 : memref<1x1x4x8x128xf32, #tpu.memory_space<hbm>> -> memref<4x8x128xf32, #tpu.memory_space<hbm>>
    %dma_wait3A_199 = arith.constant 0 : i32
    %dma_wait3A_200 = arith.constant 0 : i32
    %dma_wait3A_201 = tpu.memref_slice %arg4[%select_n3A_183, %dma_wait3A_189, %mul3A_187, %dma_wait3A_199, %dma_wait3A_200] : memref<26x4x128x8x128xf32, #tpu.memory_space<hbm>> -> memref<1x1x4x8x128xf32, #tpu.memory_space<hbm>>
    %dma_wait3A_202 = tpu.memref_squeeze %dma_wait3A_201 : memref<1x1x4x8x128xf32, #tpu.memory_space<hbm>> -> memref<4x8x128xf32, #tpu.memory_space<hbm>>
    %dma_wait3A_203 = arith.constant 0 : i32
    %dma_wait3A_204 = arith.constant 0 : i32
    %dma_wait3A_205 = arith.constant 0 : i32
    %dma_wait3A_206 = tpu.memref_slice %arg8[%dma_wait3A_188, %dma_wait3A_203, %dma_wait3A_204, %dma_wait3A_205] : memref<4x4x8x128xf32, #tpu.memory_space<vmem>> -> memref<1x4x8x128xf32, #tpu.memory_space<vmem>>
    %dma_wait3A_207 = tpu.memref_squeeze %dma_wait3A_206 : memref<1x4x8x128xf32, #tpu.memory_space<vmem>> -> memref<4x8x128xf32, #tpu.memory_space<vmem>>
    tpu.wait_dma2 semaphore(%arg12 : memref<!tpu.dma_semaphore, #tpu.memory_space<semaphore_mem>>) src(%dma_wait3A_207 : memref<4x8x128xf32, #tpu.memory_space<vmem>>) dst(%dma_wait3A_202 : memref<4x8x128xf32, #tpu.memory_space<hbm>>)
    %jit3A_208 = arith.constant 32 : i32
    %div3A_209 = arith.divsi %add3A_119, %jit3A_208 : i32
    %sign3A_210 = arith.constant 0 : i32
    %sign3A_211 = arith.cmpi sgt, %add3A_119, %sign3A_210 : i32
    %sign3A_212 = arith.extui %sign3A_211 : i1 to i32
    %sign3A_213 = arith.constant 0 : i32
    %sign3A_214 = arith.cmpi slt, %add3A_119, %sign3A_213 : i32
    %sign3A_215 = arith.extui %sign3A_214 : i1 to i32
    %sign3A_216 = arith.subi %sign3A_212, %sign3A_215 : i32
    %sign3A_217 = arith.constant 0 : i32
    %sign3A_218 = arith.cmpi sgt, %jit3A_208, %sign3A_217 : i32
    %sign3A_219 = arith.extui %sign3A_218 : i1 to i32
    %sign3A_220 = arith.constant 0 : i32
    %sign3A_221 = arith.cmpi slt, %jit3A_208, %sign3A_220 : i32
    %sign3A_222 = arith.extui %sign3A_221 : i1 to i32
    %sign3A_223 = arith.subi %sign3A_219, %sign3A_222 : i32
    %ne3A_224 = arith.cmpi ne, %sign3A_216, %sign3A_223 : i32
    %rem3A_225 = arith.remsi %add3A_119, %jit3A_208 : i32
    %ne3A_226 = arith.constant 0 : i32
    %ne3A_227 = arith.cmpi ne, %rem3A_225, %ne3A_226 : i32
    %and3A_228 = arith.andi %ne3A_224, %ne3A_227 : i1
    %sub3A_229 = arith.constant 1 : i32
    %sub3A_230 = arith.subi %div3A_209, %sub3A_229 : i32
    %select_n3A_231 = arith.select %and3A_228, %sub3A_230, %div3A_209 : i32
    %rem3A_232 = arith.constant 32 : i32
    %rem3A_233 = arith.remsi %add3A_119, %rem3A_232 : i32
    %mul3A_234 = arith.constant 4 : i32
    %mul3A_235 = arith.muli %rem3A_233, %mul3A_234 : i32
    %dma_wait3A_236 = arith.constant 2 : i32
    %dma_wait3A_237 = arith.constant 2 : i32
    %dma_wait3A_238 = arith.constant 0 : i32
    %dma_wait3A_239 = arith.constant 0 : i32
    %dma_wait3A_240 = arith.constant 0 : i32
    %dma_wait3A_241 = tpu.memref_slice %arg8[%dma_wait3A_236, %dma_wait3A_238, %dma_wait3A_239, %dma_wait3A_240] : memref<4x4x8x128xf32, #tpu.memory_space<vmem>> -> memref<1x4x8x128xf32, #tpu.memory_space<vmem>>
    %dma_wait3A_242 = tpu.memref_squeeze %dma_wait3A_241 : memref<1x4x8x128xf32, #tpu.memory_space<vmem>> -> memref<4x8x128xf32, #tpu.memory_space<vmem>>
    %dma_wait3A_243 = arith.constant 0 : i32
    %dma_wait3A_244 = arith.constant 0 : i32
    %dma_wait3A_245 = tpu.memref_slice %arg4[%select_n3A_231, %dma_wait3A_237, %mul3A_235, %dma_wait3A_243, %dma_wait3A_244] : memref<26x4x128x8x128xf32, #tpu.memory_space<hbm>> -> memref<1x1x4x8x128xf32, #tpu.memory_space<hbm>>
    %dma_wait3A_246 = tpu.memref_squeeze %dma_wait3A_245 : memref<1x1x4x8x128xf32, #tpu.memory_space<hbm>> -> memref<4x8x128xf32, #tpu.memory_space<hbm>>
    %dma_wait3A_247 = arith.constant 0 : i32
    %dma_wait3A_248 = arith.constant 0 : i32
    %dma_wait3A_249 = tpu.memref_slice %arg4[%select_n3A_231, %dma_wait3A_237, %mul3A_235, %dma_wait3A_247, %dma_wait3A_248] : memref<26x4x128x8x128xf32, #tpu.memory_space<hbm>> -> memref<1x1x4x8x128xf32, #tpu.memory_space<hbm>>
    %dma_wait3A_250 = tpu.memref_squeeze %dma_wait3A_249 : memref<1x1x4x8x128xf32, #tpu.memory_space<hbm>> -> memref<4x8x128xf32, #tpu.memory_space<hbm>>
    %dma_wait3A_251 = arith.constant 0 : i32
    %dma_wait3A_252 = arith.constant 0 : i32
    %dma_wait3A_253 = arith.constant 0 : i32
    %dma_wait3A_254 = tpu.memref_slice %arg8[%dma_wait3A_236, %dma_wait3A_251, %dma_wait3A_252, %dma_wait3A_253] : memref<4x4x8x128xf32, #tpu.memory_space<vmem>> -> memref<1x4x8x128xf32, #tpu.memory_space<vmem>>
    %dma_wait3A_255 = tpu.memref_squeeze %dma_wait3A_254 : memref<1x4x8x128xf32, #tpu.memory_space<vmem>> -> memref<4x8x128xf32, #tpu.memory_space<vmem>>
    tpu.wait_dma2 semaphore(%arg12 : memref<!tpu.dma_semaphore, #tpu.memory_space<semaphore_mem>>) src(%dma_wait3A_255 : memref<4x8x128xf32, #tpu.memory_space<vmem>>) dst(%dma_wait3A_250 : memref<4x8x128xf32, #tpu.memory_space<hbm>>)
    %jit3A_256 = arith.constant 32 : i32
    %div3A_257 = arith.divsi %add3A_119, %jit3A_256 : i32
    %sign3A_258 = arith.constant 0 : i32
    %sign3A_259 = arith.cmpi sgt, %add3A_119, %sign3A_258 : i32
    %sign3A_260 = arith.extui %sign3A_259 : i1 to i32
    %sign3A_261 = arith.constant 0 : i32
    %sign3A_262 = arith.cmpi slt, %add3A_119, %sign3A_261 : i32
    %sign3A_263 = arith.extui %sign3A_262 : i1 to i32
    %sign3A_264 = arith.subi %sign3A_260, %sign3A_263 : i32
    %sign3A_265 = arith.constant 0 : i32
    %sign3A_266 = arith.cmpi sgt, %jit3A_256, %sign3A_265 : i32
    %sign3A_267 = arith.extui %sign3A_266 : i1 to i32
    %sign3A_268 = arith.constant 0 : i32
    %sign3A_269 = arith.cmpi slt, %jit3A_256, %sign3A_268 : i32
    %sign3A_270 = arith.extui %sign3A_269 : i1 to i32
    %sign3A_271 = arith.subi %sign3A_267, %sign3A_270 : i32
    %ne3A_272 = arith.cmpi ne, %sign3A_264, %sign3A_271 : i32
    %rem3A_273 = arith.remsi %add3A_119, %jit3A_256 : i32
    %ne3A_274 = arith.constant 0 : i32
    %ne3A_275 = arith.cmpi ne, %rem3A_273, %ne3A_274 : i32
    %and3A_276 = arith.andi %ne3A_272, %ne3A_275 : i1
    %sub3A_277 = arith.constant 1 : i32
    %sub3A_278 = arith.subi %div3A_257, %sub3A_277 : i32
    %select_n3A_279 = arith.select %and3A_276, %sub3A_278, %div3A_257 : i32
    %rem3A_280 = arith.constant 32 : i32
    %rem3A_281 = arith.remsi %add3A_119, %rem3A_280 : i32
    %mul3A_282 = arith.constant 4 : i32
    %mul3A_283 = arith.muli %rem3A_281, %mul3A_282 : i32
    %dma_wait3A_284 = arith.constant 3 : i32
    %dma_wait3A_285 = arith.constant 3 : i32
    %dma_wait3A_286 = arith.constant 0 : i32
    %dma_wait3A_287 = arith.constant 0 : i32
    %dma_wait3A_288 = arith.constant 0 : i32
    %dma_wait3A_289 = tpu.memref_slice %arg8[%dma_wait3A_284, %dma_wait3A_286, %dma_wait3A_287, %dma_wait3A_288] : memref<4x4x8x128xf32, #tpu.memory_space<vmem>> -> memref<1x4x8x128xf32, #tpu.memory_space<vmem>>
    %dma_wait3A_290 = tpu.memref_squeeze %dma_wait3A_289 : memref<1x4x8x128xf32, #tpu.memory_space<vmem>> -> memref<4x8x128xf32, #tpu.memory_space<vmem>>
    %dma_wait3A_291 = arith.constant 0 : i32
    %dma_wait3A_292 = arith.constant 0 : i32
    %dma_wait3A_293 = tpu.memref_slice %arg4[%select_n3A_279, %dma_wait3A_285, %mul3A_283, %dma_wait3A_291, %dma_wait3A_292] : memref<26x4x128x8x128xf32, #tpu.memory_space<hbm>> -> memref<1x1x4x8x128xf32, #tpu.memory_space<hbm>>
    %dma_wait3A_294 = tpu.memref_squeeze %dma_wait3A_293 : memref<1x1x4x8x128xf32, #tpu.memory_space<hbm>> -> memref<4x8x128xf32, #tpu.memory_space<hbm>>
    %dma_wait3A_295 = arith.constant 0 : i32
    %dma_wait3A_296 = arith.constant 0 : i32
    %dma_wait3A_297 = tpu.memref_slice %arg4[%select_n3A_279, %dma_wait3A_285, %mul3A_283, %dma_wait3A_295, %dma_wait3A_296] : memref<26x4x128x8x128xf32, #tpu.memory_space<hbm>> -> memref<1x1x4x8x128xf32, #tpu.memory_space<hbm>>
    %dma_wait3A_298 = tpu.memref_squeeze %dma_wait3A_297 : memref<1x1x4x8x128xf32, #tpu.memory_space<hbm>> -> memref<4x8x128xf32, #tpu.memory_space<hbm>>
    %dma_wait3A_299 = arith.constant 0 : i32
    %dma_wait3A_300 = arith.constant 0 : i32
    %dma_wait3A_301 = arith.constant 0 : i32
    %dma_wait3A_302 = tpu.memref_slice %arg8[%dma_wait3A_284, %dma_wait3A_299, %dma_wait3A_300, %dma_wait3A_301] : memref<4x4x8x128xf32, #tpu.memory_space<vmem>> -> memref<1x4x8x128xf32, #tpu.memory_space<vmem>>
    %dma_wait3A_303 = tpu.memref_squeeze %dma_wait3A_302 : memref<1x4x8x128xf32, #tpu.memory_space<vmem>> -> memref<4x8x128xf32, #tpu.memory_space<vmem>>
    tpu.wait_dma2 semaphore(%arg12 : memref<!tpu.dma_semaphore, #tpu.memory_space<semaphore_mem>>) src(%dma_wait3A_303 : memref<4x8x128xf32, #tpu.memory_space<vmem>>) dst(%dma_wait3A_298 : memref<4x8x128xf32, #tpu.memory_space<hbm>>)
    %add3A_304 = arith.constant 26 : i32
    %add3A_305 = arith.addi %mul3A_2, %add3A_304 : i32
    %sub3A_306 = arith.constant 2 : i32
    %sub3A_307 = arith.subi %add3A_305, %sub3A_306 : i32
    %add3A_308 = arith.constant 1 : i32
    %add3A_309 = arith.addi %sub3A_307, %add3A_308 : i32
    %jit3A_310 = arith.constant 32 : i32
    %div3A_311 = arith.divsi %add3A_309, %jit3A_310 : i32
    %sign3A_312 = arith.constant 0 : i32
    %sign3A_313 = arith.cmpi sgt, %add3A_309, %sign3A_312 : i32
    %sign3A_314 = arith.extui %sign3A_313 : i1 to i32
    %sign3A_315 = arith.constant 0 : i32
    %sign3A_316 = arith.cmpi slt, %add3A_309, %sign3A_315 : i32
    %sign3A_317 = arith.extui %sign3A_316 : i1 to i32
    %sign3A_318 = arith.subi %sign3A_314, %sign3A_317 : i32
    %sign3A_319 = arith.constant 0 : i32
    %sign3A_320 = arith.cmpi sgt, %jit3A_310, %sign3A_319 : i32
    %sign3A_321 = arith.extui %sign3A_320 : i1 to i32
    %sign3A_322 = arith.constant 0 : i32
    %sign3A_323 = arith.cmpi slt, %jit3A_310, %sign3A_322 : i32
    %sign3A_324 = arith.extui %sign3A_323 : i1 to i32
    %sign3A_325 = arith.subi %sign3A_321, %sign3A_324 : i32
    %ne3A_326 = arith.cmpi ne, %sign3A_318, %sign3A_325 : i32
    %rem3A_327 = arith.remsi %add3A_309, %jit3A_310 : i32
    %ne3A_328 = arith.constant 0 : i32
    %ne3A_329 = arith.cmpi ne, %rem3A_327, %ne3A_328 : i32
    %and3A_330 = arith.andi %ne3A_326, %ne3A_329 : i1
    %sub3A_331 = arith.constant 1 : i32
    %sub3A_332 = arith.subi %div3A_311, %sub3A_331 : i32
    %select_n3A_333 = arith.select %and3A_330, %sub3A_332, %div3A_311 : i32
    %rem3A_334 = arith.constant 32 : i32
    %rem3A_335 = arith.remsi %add3A_309, %rem3A_334 : i32
    %mul3A_336 = arith.constant 4 : i32
    %mul3A_337 = arith.muli %rem3A_335, %mul3A_336 : i32
    %dma_wait3A_338 = arith.constant 0 : i32
    %dma_wait3A_339 = arith.constant 0 : i32
    %dma_wait3A_340 = arith.constant 0 : i32
    %dma_wait3A_341 = arith.constant 0 : i32
    %dma_wait3A_342 = arith.constant 0 : i32
    %dma_wait3A_343 = tpu.memref_slice %arg9[%dma_wait3A_338, %dma_wait3A_340, %dma_wait3A_341, %dma_wait3A_342] : memref<4x4x8x128xf32, #tpu.memory_space<vmem>> -> memref<1x4x8x128xf32, #tpu.memory_space<vmem>>
    %dma_wait3A_344 = tpu.memref_squeeze %dma_wait3A_343 : memref<1x4x8x128xf32, #tpu.memory_space<vmem>> -> memref<4x8x128xf32, #tpu.memory_space<vmem>>
    %dma_wait3A_345 = arith.constant 0 : i32
    %dma_wait3A_346 = arith.constant 0 : i32
    %dma_wait3A_347 = tpu.memref_slice %arg4[%select_n3A_333, %dma_wait3A_339, %mul3A_337, %dma_wait3A_345, %dma_wait3A_346] : memref<26x4x128x8x128xf32, #tpu.memory_space<hbm>> -> memref<1x1x4x8x128xf32, #tpu.memory_space<hbm>>
    %dma_wait3A_348 = tpu.memref_squeeze %dma_wait3A_347 : memref<1x1x4x8x128xf32, #tpu.memory_space<hbm>> -> memref<4x8x128xf32, #tpu.memory_space<hbm>>
    %dma_wait3A_349 = arith.constant 0 : i32
    %dma_wait3A_350 = arith.constant 0 : i32
    %dma_wait3A_351 = tpu.memref_slice %arg4[%select_n3A_333, %dma_wait3A_339, %mul3A_337, %dma_wait3A_349, %dma_wait3A_350] : memref<26x4x128x8x128xf32, #tpu.memory_space<hbm>> -> memref<1x1x4x8x128xf32, #tpu.memory_space<hbm>>
    %dma_wait3A_352 = tpu.memref_squeeze %dma_wait3A_351 : memref<1x1x4x8x128xf32, #tpu.memory_space<hbm>> -> memref<4x8x128xf32, #tpu.memory_space<hbm>>
    %dma_wait3A_353 = arith.constant 0 : i32
    %dma_wait3A_354 = arith.constant 0 : i32
    %dma_wait3A_355 = arith.constant 0 : i32
    %dma_wait3A_356 = tpu.memref_slice %arg9[%dma_wait3A_338, %dma_wait3A_353, %dma_wait3A_354, %dma_wait3A_355] : memref<4x4x8x128xf32, #tpu.memory_space<vmem>> -> memref<1x4x8x128xf32, #tpu.memory_space<vmem>>
    %dma_wait3A_357 = tpu.memref_squeeze %dma_wait3A_356 : memref<1x4x8x128xf32, #tpu.memory_space<vmem>> -> memref<4x8x128xf32, #tpu.memory_space<vmem>>
    tpu.wait_dma2 semaphore(%arg13 : memref<!tpu.dma_semaphore, #tpu.memory_space<semaphore_mem>>) src(%dma_wait3A_357 : memref<4x8x128xf32, #tpu.memory_space<vmem>>) dst(%dma_wait3A_352 : memref<4x8x128xf32, #tpu.memory_space<hbm>>)
    %jit3A_358 = arith.constant 32 : i32
    %div3A_359 = arith.divsi %add3A_309, %jit3A_358 : i32
    %sign3A_360 = arith.constant 0 : i32
    %sign3A_361 = arith.cmpi sgt, %add3A_309, %sign3A_360 : i32
    %sign3A_362 = arith.extui %sign3A_361 : i1 to i32
    %sign3A_363 = arith.constant 0 : i32
    %sign3A_364 = arith.cmpi slt, %add3A_309, %sign3A_363 : i32
    %sign3A_365 = arith.extui %sign3A_364 : i1 to i32
    %sign3A_366 = arith.subi %sign3A_362, %sign3A_365 : i32
    %sign3A_367 = arith.constant 0 : i32
    %sign3A_368 = arith.cmpi sgt, %jit3A_358, %sign3A_367 : i32
    %sign3A_369 = arith.extui %sign3A_368 : i1 to i32
    %sign3A_370 = arith.constant 0 : i32
    %sign3A_371 = arith.cmpi slt, %jit3A_358, %sign3A_370 : i32
    %sign3A_372 = arith.extui %sign3A_371 : i1 to i32
    %sign3A_373 = arith.subi %sign3A_369, %sign3A_372 : i32
    %ne3A_374 = arith.cmpi ne, %sign3A_366, %sign3A_373 : i32
    %rem3A_375 = arith.remsi %add3A_309, %jit3A_358 : i32
    %ne3A_376 = arith.constant 0 : i32
    %ne3A_377 = arith.cmpi ne, %rem3A_375, %ne3A_376 : i32
    %and3A_378 = arith.andi %ne3A_374, %ne3A_377 : i1
    %sub3A_379 = arith.constant 1 : i32
    %sub3A_380 = arith.subi %div3A_359, %sub3A_379 : i32
    %select_n3A_381 = arith.select %and3A_378, %sub3A_380, %div3A_359 : i32
    %rem3A_382 = arith.constant 32 : i32
    %rem3A_383 = arith.remsi %add3A_309, %rem3A_382 : i32
    %mul3A_384 = arith.constant 4 : i32
    %mul3A_385 = arith.muli %rem3A_383, %mul3A_384 : i32
    %dma_wait3A_386 = arith.constant 1 : i32
    %dma_wait3A_387 = arith.constant 1 : i32
    %dma_wait3A_388 = arith.constant 0 : i32
    %dma_wait3A_389 = arith.constant 0 : i32
    %dma_wait3A_390 = arith.constant 0 : i32
    %dma_wait3A_391 = tpu.memref_slice %arg9[%dma_wait3A_386, %dma_wait3A_388, %dma_wait3A_389, %dma_wait3A_390] : memref<4x4x8x128xf32, #tpu.memory_space<vmem>> -> memref<1x4x8x128xf32, #tpu.memory_space<vmem>>
    %dma_wait3A_392 = tpu.memref_squeeze %dma_wait3A_391 : memref<1x4x8x128xf32, #tpu.memory_space<vmem>> -> memref<4x8x128xf32, #tpu.memory_space<vmem>>
    %dma_wait3A_393 = arith.constant 0 : i32
    %dma_wait3A_394 = arith.constant 0 : i32
    %dma_wait3A_395 = tpu.memref_slice %arg4[%select_n3A_381, %dma_wait3A_387, %mul3A_385, %dma_wait3A_393, %dma_wait3A_394] : memref<26x4x128x8x128xf32, #tpu.memory_space<hbm>> -> memref<1x1x4x8x128xf32, #tpu.memory_space<hbm>>
    %dma_wait3A_396 = tpu.memref_squeeze %dma_wait3A_395 : memref<1x1x4x8x128xf32, #tpu.memory_space<hbm>> -> memref<4x8x128xf32, #tpu.memory_space<hbm>>
    %dma_wait3A_397 = arith.constant 0 : i32
    %dma_wait3A_398 = arith.constant 0 : i32
    %dma_wait3A_399 = tpu.memref_slice %arg4[%select_n3A_381, %dma_wait3A_387, %mul3A_385, %dma_wait3A_397, %dma_wait3A_398] : memref<26x4x128x8x128xf32, #tpu.memory_space<hbm>> -> memref<1x1x4x8x128xf32, #tpu.memory_space<hbm>>
    %dma_wait3A_400 = tpu.memref_squeeze %dma_wait3A_399 : memref<1x1x4x8x128xf32, #tpu.memory_space<hbm>> -> memref<4x8x128xf32, #tpu.memory_space<hbm>>
    %dma_wait3A_401 = arith.constant 0 : i32
    %dma_wait3A_402 = arith.constant 0 : i32
    %dma_wait3A_403 = arith.constant 0 : i32
    %dma_wait3A_404 = tpu.memref_slice %arg9[%dma_wait3A_386, %dma_wait3A_401, %dma_wait3A_402, %dma_wait3A_403] : memref<4x4x8x128xf32, #tpu.memory_space<vmem>> -> memref<1x4x8x128xf32, #tpu.memory_space<vmem>>
    %dma_wait3A_405 = tpu.memref_squeeze %dma_wait3A_404 : memref<1x4x8x128xf32, #tpu.memory_space<vmem>> -> memref<4x8x128xf32, #tpu.memory_space<vmem>>
    tpu.wait_dma2 semaphore(%arg13 : memref<!tpu.dma_semaphore, #tpu.memory_space<semaphore_mem>>) src(%dma_wait3A_405 : memref<4x8x128xf32, #tpu.memory_space<vmem>>) dst(%dma_wait3A_400 : memref<4x8x128xf32, #tpu.memory_space<hbm>>)
    %jit3A_406 = arith.constant 32 : i32
    %div3A_407 = arith.divsi %add3A_309, %jit3A_406 : i32
    %sign3A_408 = arith.constant 0 : i32
    %sign3A_409 = arith.cmpi sgt, %add3A_309, %sign3A_408 : i32
    %sign3A_410 = arith.extui %sign3A_409 : i1 to i32
    %sign3A_411 = arith.constant 0 : i32
    %sign3A_412 = arith.cmpi slt, %add3A_309, %sign3A_411 : i32
    %sign3A_413 = arith.extui %sign3A_412 : i1 to i32
    %sign3A_414 = arith.subi %sign3A_410, %sign3A_413 : i32
    %sign3A_415 = arith.constant 0 : i32
    %sign3A_416 = arith.cmpi sgt, %jit3A_406, %sign3A_415 : i32
    %sign3A_417 = arith.extui %sign3A_416 : i1 to i32
    %sign3A_418 = arith.constant 0 : i32
    %sign3A_419 = arith.cmpi slt, %jit3A_406, %sign3A_418 : i32
    %sign3A_420 = arith.extui %sign3A_419 : i1 to i32
    %sign3A_421 = arith.subi %sign3A_417, %sign3A_420 : i32
    %ne3A_422 = arith.cmpi ne, %sign3A_414, %sign3A_421 : i32
    %rem3A_423 = arith.remsi %add3A_309, %jit3A_406 : i32
    %ne3A_424 = arith.constant 0 : i32
    %ne3A_425 = arith.cmpi ne, %rem3A_423, %ne3A_424 : i32
    %and3A_426 = arith.andi %ne3A_422, %ne3A_425 : i1
    %sub3A_427 = arith.constant 1 : i32
    %sub3A_428 = arith.subi %div3A_407, %sub3A_427 : i32
    %select_n3A_429 = arith.select %and3A_426, %sub3A_428, %div3A_407 : i32
    %rem3A_430 = arith.constant 32 : i32
    %rem3A_431 = arith.remsi %add3A_309, %rem3A_430 : i32
    %mul3A_432 = arith.constant 4 : i32
    %mul3A_433 = arith.muli %rem3A_431, %mul3A_432 : i32
    %dma_wait3A_434 = arith.constant 2 : i32
    %dma_wait3A_435 = arith.constant 2 : i32
    %dma_wait3A_436 = arith.constant 0 : i32
    %dma_wait3A_437 = arith.constant 0 : i32
    %dma_wait3A_438 = arith.constant 0 : i32
    %dma_wait3A_439 = tpu.memref_slice %arg9[%dma_wait3A_434, %dma_wait3A_436, %dma_wait3A_437, %dma_wait3A_438] : memref<4x4x8x128xf32, #tpu.memory_space<vmem>> -> memref<1x4x8x128xf32, #tpu.memory_space<vmem>>
    %dma_wait3A_440 = tpu.memref_squeeze %dma_wait3A_439 : memref<1x4x8x128xf32, #tpu.memory_space<vmem>> -> memref<4x8x128xf32, #tpu.memory_space<vmem>>
    %dma_wait3A_441 = arith.constant 0 : i32
    %dma_wait3A_442 = arith.constant 0 : i32
    %dma_wait3A_443 = tpu.memref_slice %arg4[%select_n3A_429, %dma_wait3A_435, %mul3A_433, %dma_wait3A_441, %dma_wait3A_442] : memref<26x4x128x8x128xf32, #tpu.memory_space<hbm>> -> memref<1x1x4x8x128xf32, #tpu.memory_space<hbm>>
    %dma_wait3A_444 = tpu.memref_squeeze %dma_wait3A_443 : memref<1x1x4x8x128xf32, #tpu.memory_space<hbm>> -> memref<4x8x128xf32, #tpu.memory_space<hbm>>
    %dma_wait3A_445 = arith.constant 0 : i32
    %dma_wait3A_446 = arith.constant 0 : i32
    %dma_wait3A_447 = tpu.memref_slice %arg4[%select_n3A_429, %dma_wait3A_435, %mul3A_433, %dma_wait3A_445, %dma_wait3A_446] : memref<26x4x128x8x128xf32, #tpu.memory_space<hbm>> -> memref<1x1x4x8x128xf32, #tpu.memory_space<hbm>>
    %dma_wait3A_448 = tpu.memref_squeeze %dma_wait3A_447 : memref<1x1x4x8x128xf32, #tpu.memory_space<hbm>> -> memref<4x8x128xf32, #tpu.memory_space<hbm>>
    %dma_wait3A_449 = arith.constant 0 : i32
    %dma_wait3A_450 = arith.constant 0 : i32
    %dma_wait3A_451 = arith.constant 0 : i32
    %dma_wait3A_452 = tpu.memref_slice %arg9[%dma_wait3A_434, %dma_wait3A_449, %dma_wait3A_450, %dma_wait3A_451] : memref<4x4x8x128xf32, #tpu.memory_space<vmem>> -> memref<1x4x8x128xf32, #tpu.memory_space<vmem>>
    %dma_wait3A_453 = tpu.memref_squeeze %dma_wait3A_452 : memref<1x4x8x128xf32, #tpu.memory_space<vmem>> -> memref<4x8x128xf32, #tpu.memory_space<vmem>>
    tpu.wait_dma2 semaphore(%arg13 : memref<!tpu.dma_semaphore, #tpu.memory_space<semaphore_mem>>) src(%dma_wait3A_453 : memref<4x8x128xf32, #tpu.memory_space<vmem>>) dst(%dma_wait3A_448 : memref<4x8x128xf32, #tpu.memory_space<hbm>>)
    %jit3A_454 = arith.constant 32 : i32
    %div3A_455 = arith.divsi %add3A_309, %jit3A_454 : i32
    %sign3A_456 = arith.constant 0 : i32
    %sign3A_457 = arith.cmpi sgt, %add3A_309, %sign3A_456 : i32
    %sign3A_458 = arith.extui %sign3A_457 : i1 to i32
    %sign3A_459 = arith.constant 0 : i32
    %sign3A_460 = arith.cmpi slt, %add3A_309, %sign3A_459 : i32
    %sign3A_461 = arith.extui %sign3A_460 : i1 to i32
    %sign3A_462 = arith.subi %sign3A_458, %sign3A_461 : i32
    %sign3A_463 = arith.constant 0 : i32
    %sign3A_464 = arith.cmpi sgt, %jit3A_454, %sign3A_463 : i32
    %sign3A_465 = arith.extui %sign3A_464 : i1 to i32
    %sign3A_466 = arith.constant 0 : i32
    %sign3A_467 = arith.cmpi slt, %jit3A_454, %sign3A_466 : i32
    %sign3A_468 = arith.extui %sign3A_467 : i1 to i32
    %sign3A_469 = arith.subi %sign3A_465, %sign3A_468 : i32
    %ne3A_470 = arith.cmpi ne, %sign3A_462, %sign3A_469 : i32
    %rem3A_471 = arith.remsi %add3A_309, %jit3A_454 : i32
    %ne3A_472 = arith.constant 0 : i32
    %ne3A_473 = arith.cmpi ne, %rem3A_471, %ne3A_472 : i32
    %and3A_474 = arith.andi %ne3A_470, %ne3A_473 : i1
    %sub3A_475 = arith.constant 1 : i32
    %sub3A_476 = arith.subi %div3A_455, %sub3A_475 : i32
    %select_n3A_477 = arith.select %and3A_474, %sub3A_476, %div3A_455 : i32
    %rem3A_478 = arith.constant 32 : i32
    %rem3A_479 = arith.remsi %add3A_309, %rem3A_478 : i32
    %mul3A_480 = arith.constant 4 : i32
    %mul3A_481 = arith.muli %rem3A_479, %mul3A_480 : i32
    %dma_wait3A_482 = arith.constant 3 : i32
    %dma_wait3A_483 = arith.constant 3 : i32
    %dma_wait3A_484 = arith.constant 0 : i32
    %dma_wait3A_485 = arith.constant 0 : i32
    %dma_wait3A_486 = arith.constant 0 : i32
    %dma_wait3A_487 = tpu.memref_slice %arg9[%dma_wait3A_482, %dma_wait3A_484, %dma_wait3A_485, %dma_wait3A_486] : memref<4x4x8x128xf32, #tpu.memory_space<vmem>> -> memref<1x4x8x128xf32, #tpu.memory_space<vmem>>
    %dma_wait3A_488 = tpu.memref_squeeze %dma_wait3A_487 : memref<1x4x8x128xf32, #tpu.memory_space<vmem>> -> memref<4x8x128xf32, #tpu.memory_space<vmem>>
    %dma_wait3A_489 = arith.constant 0 : i32
    %dma_wait3A_490 = arith.constant 0 : i32
    %dma_wait3A_491 = tpu.memref_slice %arg4[%select_n3A_477, %dma_wait3A_483, %mul3A_481, %dma_wait3A_489, %dma_wait3A_490] : memref<26x4x128x8x128xf32, #tpu.memory_space<hbm>> -> memref<1x1x4x8x128xf32, #tpu.memory_space<hbm>>
    %dma_wait3A_492 = tpu.memref_squeeze %dma_wait3A_491 : memref<1x1x4x8x128xf32, #tpu.memory_space<hbm>> -> memref<4x8x128xf32, #tpu.memory_space<hbm>>
    %dma_wait3A_493 = arith.constant 0 : i32
    %dma_wait3A_494 = arith.constant 0 : i32
    %dma_wait3A_495 = tpu.memref_slice %arg4[%select_n3A_477, %dma_wait3A_483, %mul3A_481, %dma_wait3A_493, %dma_wait3A_494] : memref<26x4x128x8x128xf32, #tpu.memory_space<hbm>> -> memref<1x1x4x8x128xf32, #tpu.memory_space<hbm>>
    %dma_wait3A_496 = tpu.memref_squeeze %dma_wait3A_495 : memref<1x1x4x8x128xf32, #tpu.memory_space<hbm>> -> memref<4x8x128xf32, #tpu.memory_space<hbm>>
    %dma_wait3A_497 = arith.constant 0 : i32
    %dma_wait3A_498 = arith.constant 0 : i32
    %dma_wait3A_499 = arith.constant 0 : i32
    %dma_wait3A_500 = tpu.memref_slice %arg9[%dma_wait3A_482, %dma_wait3A_497, %dma_wait3A_498, %dma_wait3A_499] : memref<4x4x8x128xf32, #tpu.memory_space<vmem>> -> memref<1x4x8x128xf32, #tpu.memory_space<vmem>>
    %dma_wait3A_501 = tpu.memref_squeeze %dma_wait3A_500 : memref<1x4x8x128xf32, #tpu.memory_space<vmem>> -> memref<4x8x128xf32, #tpu.memory_space<vmem>>
    tpu.wait_dma2 semaphore(%arg13 : memref<!tpu.dma_semaphore, #tpu.memory_space<semaphore_mem>>) src(%dma_wait3A_501 : memref<4x8x128xf32, #tpu.memory_space<vmem>>) dst(%dma_wait3A_496 : memref<4x8x128xf32, #tpu.memory_space<hbm>>)
    return
  }
}

</mosaic_0001>

<sc_bundles>
// kernel: kernel.4.cloned.1.call-start
scs
__scs_entry_jumppad:
0x0: {  	(pc) =	sbr.rel $0x88, $3  }
0x1: {  	(tag) =	ssettag $0x0;
	lr =	simm.s32 $0x1  }
0x2: {  	[smem:$0x3F9F] =	sst lr;
	_ =	strace $0xD0000000  }
0x3: {  	_ = 	snop  }
0x4: {  	_ = 	snop  }
0x5: {  	_ = 	snop  }
0x6: {  	_ = 	snop  }
0x7: {  	_ = 	snop  }
__scs_overlays_trampoline_lowered:
0x8: {  	[smem:$0x3FAE] =	sst s0  }
0x9: {  	[smem:$0x3FAF] =	sst s1  }
0xa: {  	[smem:$0x3FB0] =	sst s2  }
0xb: {  	[smem:$0x3FB1] =	sst s3  }
0xc: {  	[smem:$0x3FB2] =	sst s4  }
0xd: {  	[smem:$0x3FB3] =	sst s5  }
0xe: {  	[smem:$0x3FB4] =	sst s6  }
0xf: {  	[smem:$0x3FB5] =	sst s7  }
0x10: {  	[smem:$0x3FB6] =	sst s8  }
0x11: {  	[smem:$0x3FB7] =	sst s9;
	s0 =	simm.s32 @!p0 $0x0  }
0x12: {  	s1 =	sld [smem:$0x3F9D];
	s0 =	simm.s32 @p0 $0x1  }
0x13: {  	[smem:$0x3FB8] =	sst s0;
	s0 =	simm.s32 @!p1 $0x0  }
0x14: {  	s2 =	sld [smem:$0x3F9C];
	s0 =	simm.s32 @p1 $0x1  }
0x15: {  	[smem:$0x3FB9] =	sst s0;
	s0 =	simm.s32 @!p2 $0x0  }
0x16: {  	s3 =	sld [smem:$0x3FDB];
	s0 =	simm.s32 @p2 $0x1  }
0x17: {  	s4 =	simm.s32 $0x1BF5;
	[smem:$0x3FBB] =	sst s0  }
0x18: {  	s0 =	sld [smem:$0x3F9E];
	_ =	swait.ge [sflag:s4], $0x0  }
0x19: {  	s7 =	sld [smem:$0x3F9F]  }
0x1a: {  	s8 =	sadd.s32 $0xFFFFE003, lr  }
0x1b: {  	s9 =	sadd.s32 $0xFFFFFEF7, lr;
	s5 =	simm.s32 $0xFFFFFFFF;
	p2 =	slt.u32 s8, $0xFFFFF086  }
0x1c: {  	p1 =	slt.u32 s9, $0xF7A;
	s5 =	simm.s32 @!p2 $0x0  }
0x1d: {  	s5 =	simm.s32 @p1 $0x1;
	p0 =	seq.s32 s7, s2  }
0x1e: {  	s7 =	smul.u32 @!p0 $0xF7A, s2;
	p2 =	seq.s32 @!p0 s5, $0x0  }
0x1f: {  	s9 =	smul.u32 $0xF7A, s1;
	s8 =	simm.s32 @!p0 $0x1BF5;
	p2 =	por !p2, p0  }
0x20: {  	[sflag:s8] =	ssyncset.s32 @!p0 $0xFFFFF086;
	s6 =	sadd.s32 @!p0 s3, s7;
	s7 =	simm.s32 @!p0 $0x108  }
0x21: {  	s3 =	sadd.s32 s3, s9;
	s6 =	sadd.s32 @!p0 $0x88, s6;
	s7 =	simm.s32 @p2 $0x1082  }
0x22: {  	[simem:s7], [sflag:s8] =	dma.local @!p0 [hbm:s6], $0xF7A  }
0x23: {  	s9 =	sor.u32 $0xD0000000, s2;
	s6 =	simm.s32 $0x108;
	_ =	swait.ge @!p0 [sflag:s8], $0x0  }
0x24: {  	s3 =	sadd.s32 $0x88, s3;
	s6 =	simm.s32 @!p1 $0x1082;
	[sflag:s4] =	ssyncset.s32 $0xFFFFF086  }
0x25: {  	[simem:s6], [sflag:s4] =	dma.local [hbm:s3], $0xF7A  }
0x26: {  	[smem:$0x3F9F] =	sst s1;
	(tag) =	ssettag s2;
	_ =	strace s9  }
0x27: {  	s1 =	sld [smem:$0x3FAF]  }
0x28: {  	s2 =	sld [smem:$0x3FB0]  }
0x29: {  	s4 =	sld [smem:$0x3FB2]  }
0x2a: {  	p0 =	seq.s32 s5, $0x0;
	s5 =	sld [smem:$0x3FB3]  }
0x2b: {  	s6 =	sld [smem:$0x3FB4]  }
0x2c: {  	s7 =	sld [smem:$0x3FB5]  }
0x2d: {  	s3 =	simm.s32 $0x108;
	s8 =	sld [smem:$0x3FB6]  }
0x2e: {  	s3 =	simm.s32 @!p0 $0x1082;
	s9 =	sld [smem:$0x3FB7]  }
0x2f: {  	lr =	sadd.s32 s0, s3;
	s0 =	sld [smem:$0x3FAE]  }
0x30: {  	s3 =	sld [smem:$0x3FB1]  }
0x31: {  	[smem:$0x3FBA] =	sst s10  }
0x32: {  	s10 =	sld [smem:$0x3FB8];
	_ =	sdelay $0x3  }
0x33: {  	p0 =	seq.s32 s10, $0x1;
	s10 =	sld [smem:$0x3FBA];
	_ =	sdelay $0x3  }
0x34: {  	[smem:$0x3FBA] =	sst s10  }
0x35: {  	s10 =	sld [smem:$0x3FB9];
	_ =	sdelay $0x3  }
0x36: {  	p1 =	seq.s32 s10, $0x1;
	s10 =	sld [smem:$0x3FBA];
	_ =	sdelay $0x3  }
0x37: {  	[smem:$0x3FBA] =	sst s10  }
0x38: {  	s10 =	sld [smem:$0x3FBB]  }
0x39: {  	_ = 	snop;
	(pc) =	sbr.ind lr, $3  }
0x3a: {  	_ = 	snop  }
0x3b: {  	_ = 	snop  }
0x3c: {  	p2 =	seq.s32 s10, $0x1;
	s10 =	sld [smem:$0x3FBA]  }
0x3d: {  	_ =	shalt  }
0x3e: {  	_ =	shalt  }
0x3f: {  	_ =	shalt  }
0x40: {  	_ =	shalt  }
0x41: {  	_ =	shalt  }
0x42: {  	_ =	shalt  }
0x43: {  	_ =	shalt  }
0x44: {  	_ =	shalt  }
0x45: {  	_ =	shalt  }
0x46: {  	_ =	shalt  }
0x47: {  	_ =	shalt  }
0x48: {  	_ =	shalt  }
0x49: {  	_ =	shalt  }
0x4a: {  	_ =	shalt  }
0x4b: {  	_ =	shalt  }
0x4c: {  	_ =	shalt  }
0x4d: {  	_ =	shalt  }
0x4e: {  	_ =	shalt  }
0x4f: {  	_ =	shalt  }
0x50: {  	_ =	shalt  }
0x51: {  	_ =	shalt  }
0x52: {  	_ =	shalt  }
0x53: {  	_ =	shalt  }
0x54: {  	_ =	shalt  }
0x55: {  	_ =	shalt  }
0x56: {  	_ =	shalt  }
0x57: {  	_ =	shalt  }
0x58: {  	_ =	shalt  }
0x59: {  	_ =	shalt  }
0x5a: {  	_ =	shalt  }
0x5b: {  	_ =	shalt  }
0x5c: {  	_ =	shalt  }
0x5d: {  	_ =	shalt  }
0x5e: {  	_ =	shalt  }
0x5f: {  	_ =	shalt  }
0x60: {  	_ =	shalt  }
0x61: {  	_ =	shalt  }
0x62: {  	_ =	shalt  }
0x63: {  	_ =	shalt  }
0x64: {  	_ =	shalt  }
0x65: {  	_ =	shalt  }
0x66: {  	_ =	shalt  }
0x67: {  	_ =	shalt  }
0x68: {  	_ =	shalt  }
0x69: {  	_ =	shalt  }
0x6a: {  	_ =	shalt  }
0x6b: {  	_ =	shalt  }
0x6c: {  	_ =	shalt  }
0x6d: {  	_ =	shalt  }
0x6e: {  	_ =	shalt  }
0x6f: {  	_ =	shalt  }
0x70: {  	_ =	shalt  }
0x71: {  	_ =	shalt  }
0x72: {  	_ =	shalt  }
0x73: {  	_ =	shalt  }
0x74: {  	_ =	shalt  }
0x75: {  	_ =	shalt  }
0x76: {  	_ =	shalt  }
0x77: {  	_ =	shalt  }
0x78: {  	_ =	shalt  }
0x79: {  	_ =	shalt  }
0x7a: {  	_ =	shalt  }
0x7b: {  	_ =	shalt  }
0x7c: {  	_ =	shalt  }
0x7d: {  	_ =	shalt  }
0x7e: {  	_ =	shalt  }
0x7f: {  	_ =	shalt  }
0x80: {  	_ =	shalt  }
0x81: {  	_ =	shalt  }
0x82: {  	_ =	shalt  }
0x83: {  	_ =	shalt  }
0x84: {  	_ =	shalt  }
0x85: {  	_ =	shalt  }
0x86: {  	_ =	shalt  }
0x87: {  	_ =	shalt  }
.Lfunc_end0:
.L_simem_size_0:
called_computation_lowered:
.L_overlay_start_0:
0x88: {  	s2 =	sld [smem:$0x3FD9]  }
0x89: {  	s3 =	sld [smem:$0x3FFE];
	_ =	sdelay $0x1  }
0x8a: {  	s1 =	srdreg.scid  }
0x8b: {  	s0 =	sand.u32 $0x1, s1  }
0x8c: {  	s17 =	sshll.u32 s0, $0xA;
	s2 =	sadd.s32 s3, s2  }
0x8d: {  	s2 =	sadd.s32 s2, s17  }
0x8e: {  	[smem:$0x3FC6] =	sst s2  }
0x8f: {  	_ = 	snop  }
0x90: {  	s2 =	sld [smem:$0x3FC8]  }
0x91: {  	s18 =	sld [smem:$0x3FD0];
	(tm) =	ssettm $0x1  }
0x92: {  	s4 =	sld [smem:$0x3FFB];
	_ =	sdelay $0x3  }
0x93: {  	_ =	strace s4  }
0x94: {  	s4 =	sld [smem:$0x3FFC];
	_ =	sdelay $0x3  }
0x95: {  	_ =	strace s4  }
0x96: {  	s4 =	sld [smem:$0x3FFD];
	_ =	sdelay $0x3  }
0x97: {  	_ =	strace s4  }
0x98: {  	_ =	strace $0x8FFFFFFF  }
0x99: {  	s19 =	sld [smem:$0x3FDB];
	_ =	sdelay $0x1  }
0x9a: {  	s5 =	simm.s32 $_scs_section_size  }
0x9b: {  	s6 =	simm.s32 $_size__tile_overlayer_lowered;
	s7 =	simm.s32 $_tile_overlayer_lowered  }
0x9c: {  	s22 =	simm.s32 $0x1BFF;
	s21 =	sshll.u32 s7, $0x1;
	s4 =	sadd.s32 s5, s19  }
0x9d: {  	s8 =	simm.s32 $0x0;
	s20 =	sshll.u32 s6, $0x1;
	s6 =	sadd.s32 s21, s4  }
0x9e: {  	[timem:s8], [sflag:s22] =	dma.local [hbm:s6], s20  }
0x9f: {  	_ =	swait.ge [sflag:s22], s20  }
0xa0: {  	s5 =	ssub.s32 $0x0, s20;
	[sflag:s22] =	ssyncset.done $0x0  }
0xa1: {  	[sflag:s22] =	ssyncadd.s32 s5;
	_ =	sdelay $0x1  }
0xa2: {  	s23 =	simm.s32 $0x1B8B  }
0xa3: {  	_ =	swait.ge [sflag:s23], $0x1  }
0xa4: {  	[sflag:s23] =	ssyncset.done $0x0  }
0xa5: {  	s25 =	simm.s32 $0x1B8E;
	s24 =	sld [smem:$0x3FFE];
	[sflag:s23] =	ssyncadd.s32 $0xFFFFFFFF  }
0xa6: {  	s26 =	simm.s32 $execute0_lowered;
	[smem:$0x3FD2] =	sst s25  }
0xa7: {  	s6 =	sshll.u32 s26, $0x1;
	_ =	strace $0x80000046;
	[dreg:$0x1] =	wrdreg $0xFFFFFFFF  }
0xa8: {  	s28 =	simm.s32 $_size_execute0_lowered;
	s4 =	sadd.s32 s4, s6;
	[dreg:$0x0] =	wrdreg $0x0  }
0xa9: {  	s6 =	sshll.u32 s28, $0x1;
	[dreg:$0x2] =	wrdreg s4  }
0xaa: {  	[dreg:$0x3] =	wrdreg s6  }
0xab: {  	[dreg:$0x4] =	wrdreg $0xC0  }
0xac: {  	_ =	task [dreg:s8], $0x5FFFF  }
0xad: {  	[dreg:$0x1] =	wrdreg $0xFFFFFFFF  }
0xae: {  	[dreg:$0x0] =	wrdreg $0x60  }
0xaf: {  	[dreg:$0x2] =	wrdreg s2  }
0xb0: {  	[dreg:$0x3] =	wrdreg s18  }
0xb1: {  	[dreg:$0x4] =	wrdreg s24  }
0xb2: {  	[dreg:$0x5] =	wrdreg $0x9  }
0xb3: {  	_ =	task.clear_ibuf [dreg:s8], $0x6FFFF;
	_ =	strace $0x90000046  }
0xb4: {  	s29 =	simm.s32 $0x9;
	_ =	strace $0x80000048  }
0xb5: {  	_ =	swait.ge [sflag:s29], $0x1  }
0xb6: {  	[sflag:s29] =	ssyncadd.s32 $0xFFFFFFFF  }
0xb7: {  	_ =	strace $0x90000048  }
0xb8: {  	_ =	sfence  }
0xb9: {  	s30 =	sld [smem:$0x0];
	_ =	sdelay $0x2  }
0xba: {  	s31 =	sshll.u32 s1, $0xD;
	s1 =	sshrl.u32 s1, $0x2  }
0xbb: {  	s3 =	sand.u32 $0x4000, s31;
	s1 =	sadd.s32 s1, s30  }
0xbc: {  	s0 =	sor.u32 s3, s0;
	s1 =	sshll.u32 s1, $0x11  }
0xbd: {  	s0 =	sor.u32 s1, s0  }
0xbe: {  	s0 =	sadd.s32 $0x8F2B, s0  }
0xbf: {  	[sflag:s0] =	ssyncadd.remote.s32 $0x1  }
0xc0: {  	_ =	sfence.sel $0xFFFF  }
0xc1: {  	[dreg:$0x0] =	wrdreg $0xFFFFFFFF;
	(pc) =	sbr.abs _section_cstart, $3  }
0xc2: {  	[dreg:$0x1] =	wrdreg $0xFFFFFFFF  }
0xc3: {  	_ =	task.clear_ibuf [dreg:s8], $0x2FFFF;
	_ =	strace $0x9FFFFFFF  }
0xc4: {  	(tm) =	ssettm $0x7FFFFFFF  }
0xc5: {  	_ =	shalt  }
tec
execute0_lowered:
.L_overlay_start_1:
0x0: {  	(tag) =	ssettag $0x1  }
0x1: {  	s0 =	rddreg [dreg:$0x0];
	s1 =	srdreg.scid  }
0x2: {  	s9 =	stileid.u32;
	s7 =	rddreg [dreg:$0x2]  }
0x3: {  	s3 =	simm.s32 $0x0;
	s16 =	simm.s32 $0x1000;
	s17 =	simm.s32 $0x1  }
0x4: {  	s18 =	simm.s32 $0x2000;
	s19 =	simm.s32 $0x2;
	s20 =	simm.s32 $0x3000  }
0x5: {  	s1 =	sand.u32 $0x1, s1;
	s2 =	sshll.u32 s9, $0x1;
	[smem:$0x7FF] =	sst s3  }
0x6: {  	p0 =	slt.u32 s9, $0x2;
	s2 =	sor.u32 s1, s2;
	s1 =	ssub.s32 $0x2, s1  }
0x7: {  	s12 =	sadd.s32 $0x100, s0;
	s4 =	smul.u32 $0xF4, s2;
	s6 =	sshrl.u32 s1, $0x1  }
0x8: {  	_ =	strace $0x80000047;
	s5 =	smin.u32 s2, $0x4;
	s1 =	ssub.s32 s1, s6  }
0x9: {  	v0 =	vlaneseq.u32;
	s6 =	simm.s32 $0xF5;
	s4 =	sadd.s32 s5, s4;
	s5 =	sadd.s32 $0xA00, s7  }
.Ltmp0:
0xa: {  	v0 =	vmul.u32 $0x80, v0;
	s6 =	simm.s32 @!p0 $0xF4;
	s7 =	sadd.s32 $0x3D1200, s7;
	(pc) =	sbr.rel .LBB2_1-.Ltmp0, $4  }
0xb: {  	s31 =	smax.u32 s1, $0x1;
	s8 =	sshll.u32 s4, $0x7;
	[dreg:$0x5] =	wrdreg s7  }
0xc: {  	v1 =	vor.u32 $0x800, v0;
	p0 =	sne.s32 s2, $0x0;
	[dreg:$0x7] =	wrdreg s31;
	s8 =	sadd.s32 s0, s8  }
0xd: {  	v2 =	vor.u32 $0x1, v0;
	v3 =	vor.u32 $0x801, v0;
	v4 =	vor.u32 $0x2, v0;
	s2 =	simm.s32 $0x0;
	[dreg:$0x4] =	wrdreg s8;
	s30 =	sadd.s32 $0x80, s8  }
0xe: {  	v5 =	vor.u32 $0x802, v0;
	v6 =	vor.u32 $0x3, v0;
	v7 =	vor.u32 $0x803, v0;
	s10 =	sadd.s32 $0xFFFFFFFE, s6;
	s11 =	sadd.s32 $0xFFFFFFFD, s6;
	[dreg:$0x6] =	wrdreg s30  }
.LBB2_11:
0xf: {  	s0 =	simm.s32 $0x3  }
0x10: {  	_ =	swait.ge [sflag:s0], $0x1000  }
0x11: {  	[sflag:s0] =	ssyncset.done $0x0  }
0x12: {  	s1 =	simm.s32 $0x4;
	[sflag:s0] =	ssyncadd.s32 $0xFFFFF000  }
0x13: {  	_ =	swait.ge [sflag:s1], $0x1000  }
0x14: {  	s2 =	rddreg [dreg:$0x8]  }
0x15: {  	s31 =	rddreg [dreg:$0x7];
	s2 =	sadd.s32 $0x1, s2  }
0x16: {  	p1 =	sne.s32 s2, s31  }
.Ltmp1:
0x17: {  	_ = 	snop;
	(pc) =	sbr.rel @!p1 .LBB2_12-.Ltmp1, $3  }
0x18: {  	_ =	sdelay $0x1  }
0x19: {  	[sflag:s1] =	ssyncset.done $0x0  }
0x1a: {  	[sflag:s1] =	ssyncadd.s32 $0xFFFFF000  }
.LBB2_1:
0x1b: {  	[dreg:$0x8] =	wrdreg s2  }
0x1c: {  	s0 =	simm.s32 @!p0 $0x0;
	s1 =	simm.s32 @!p0 $0x2000;
	s2 =	rddreg [dreg:$0x1]  }
0x1d: {  	[tilespmem:s1], [sflag:$0x5] =	stream.linear.gather @!p0 [hbm4b:s2+s0], $0x800, $0x38;
	[tilespmem:$0x4000] =	vst v63  }
0x1e: {  	s2 =	simm.s32 @!p0 $0x5  }
0x1f: {  	_ =	swait.ge @!p0 [sflag:s2], $0x800  }
0x20: {  	[sflag:s2] =	ssyncset.done @!p0 $0x0  }
0x21: {  	s7 =	rddreg [dreg:$0x5];
	[sflag:s2] =	ssyncadd.s32 @!p0 $0xFFFFF800  }
0x22: {  	[hbm4b:s7+s0] =	stream.linear.scatter @!p0 [tilespmem:s1], [sflag:$0x5], $0x800, $0x38;
	[tilespmem:$0x4000] =	vst v63  }
0x23: {  	_ =	swait.ge @!p0 [sflag:s2], $0x800  }
.Ltmp2:
0x24: {  	s29 =	simm.s32 $0x400;
	[sflag:s2] =	ssyncset.done @!p0 $0x0;
	(pc) =	sbr.rel .LBB2_2-.Ltmp2, $4  }
0x25: {  	s30 =	simm.s32 $0x7A1400;
	s28 =	rddreg [dreg:$0x4];
	[sflag:s2] =	ssyncadd.s32 @!p0 $0xFFFFF800  }
0x26: {  	[tilespmem:s3], [sflag:$0x1] =	stream.strided.gather [hbm4b:s28+s29], $0x1000, s30, s29, $0x38;
	[tilespmem:$0x4000] =	vst v63  }
0x27: {  	s24 =	simm.s32 $0x0;
	s31 =	rddreg [dreg:$0x6]  }
0x28: {  	[tilespmem:s16], [sflag:$0x2] =	stream.strided.gather [hbm4b:s31+s29], $0x1000, s30, s29, $0x38;
	[tilespmem:$0x4000] =	vst v63  }
.LBB2_10:
0x29: {  	s24 =	sadd.s32 $0x1, s24  }
0x2a: {  	p1 =	sne.s32 s24, $0x7B  }
.Ltmp3:
0x2b: {  	_ = 	snop;
	(pc) =	sbr.rel @!p1 .LBB2_11-.Ltmp3, $1  }
0x2c: {  	_ =	sdelay $0x3  }
.LBB2_2:
0x2d: {  	s25 =	sshll.u32 s24, $0x1  }
0x2e: {  	p2 =	sge.u32 s25, s6  }
.Ltmp4:
0x2f: {  	_ = 	snop;
	(pc) =	sbr.rel @p2 .LBB2_6-.Ltmp4, $2  }
0x30: {  	_ =	sdelay $0x2  }
0x31: {  	p1 =	seq.s32 s24, $0x0  }
0x32: {  	s0 =	simm.s32 @!p1 $0x3  }
0x33: {  	s9 =	simm.s32 $0x8;
	_ =	swait.ge @!p1 [sflag:s0], $0x1000  }
0x34: {  	v8 =	vor.u32 s9, v0;
	[sflag:s0] =	ssyncset.done @!p1 $0x0  }
0x35: {  	s13 =	simm.s32 $0x0;
	[sflag:s0] =	ssyncadd.s32 @!p1 $0xFFFFF000  }
0x36: {  	s7 =	simm.s32 $0x4;
	v9 =	vor.u32 s13, v0;
	_ =	swait.ge [sflag:s17], $0x1000  }
0x37: {  	v10 =	vor.u32 s7, v0;
	[sflag:s17] =	ssyncset.done $0x0  }
0x38: {  	[sflag:s17] =	ssyncadd.s32 $0xFFFFF000  }
0x39: {  	v8 =	vld.idx.msk [tilespmem:v8+s3+$0x0], $0xffff  }
0x3a: {  	v11 =	vor.u32 s9, v1  }
0x3b: {  	v9 =	vld.idx.msk [tilespmem:v9+s3+$0x0], $0xffff  }
0x3c: {  	v10 =	vld.idx.msk [tilespmem:v10+s3+$0x0], $0xffff  }
0x3d: {  	s14 =	simm.s32 $0x2100;
	v13 =	vor.u32 s7, v1  }
0x3e: {  	v12 =	vor.u32 s13, v1;
	[tilespmem:s14+$0x0] =	vst v8  }
0x3f: {  	s21 =	simm.s32 $0xC;
	v8 =	vld.idx.msk [tilespmem:v11+s3+$0x0], $0xffff  }
0x40: {  	[tilespmem:s14+$0xFFFFFF00] =	vst v9;
	v11 =	vor.u32 s21, v0  }
0x41: {  	s31 =	simm.s32 $0x14;
	v9 =	vor.u32 s9, v2;
	[tilespmem:s14+$0xFFFFFF80] =	vst v10  }
0x42: {  	v18 =	vor.u32 s31, v0;
	v13 =	vld.idx.msk [tilespmem:v13+s3+$0x0], $0xffff  }
0x43: {  	s26 =	simm.s32 $0x10;
	v14 =	vor.u32 s7, v2;
	v12 =	vld.idx.msk [tilespmem:v12+s3+$0x0], $0xffff  }
0x44: {  	[tilespmem:s14+$0x10] =	vst v8;
	v8 =	vor.u32 s26, v0  }
0x45: {  	s30 =	simm.s32 $0x18;
	v10 =	vor.u32 s13, v2;
	v11 =	vld.idx.msk [tilespmem:v11+s3+$0x0], $0xffff  }
0x46: {  	v15 =	vor.u32 s30, v0;
	v9 =	vld.idx.msk [tilespmem:v9+s3+$0x0], $0xffff  }
0x47: {  	v16 =	vor.u32 s21, v1;
	v18 =	vld.idx.msk [tilespmem:v18+s3+$0x0], $0xffff;
	[tilespmem:s14+$0xFFFFFF90] =	vst v13  }
0x48: {  	[tilespmem:s14+$0xFFFFFF10] =	vst v12;
	v12 =	vor.u32 s9, v3;
	v14 =	vld.idx.msk [tilespmem:v14+s3+$0x0], $0xffff  }
0x49: {  	v17 =	vor.u32 s7, v3;
	v8 =	vld.idx.msk [tilespmem:v8+s3+$0x0], $0xffff  }
0x4a: {  	v19 =	vor.u32 s26, v1;
	v10 =	vld.idx.msk [tilespmem:v10+s3+$0x0], $0xffff;
	[tilespmem:s14+$0x80] =	vst v11  }
0x4b: {  	s28 =	simm.s32 $0x2300;
	v20 =	vor.u32 s31, v1;
	[tilespmem:s14+$0x20] =	vst v9;
	v9 =	vld.idx.msk [tilespmem:v15+s3+$0x0], $0xffff  }
0x4c: {  	[tilespmem:s28+$0xFFFFFF80] =	vst v18;
	v11 =	vor.u32 s30, v1;
	v15 =	vld.idx.msk [tilespmem:v16+s3+$0x0], $0xffff  }
0x4d: {  	[tilespmem:s14+$0xFFFFFFA0] =	vst v14;
	v14 =	vor.u32 s21, v2;
	v12 =	vld.idx.msk [tilespmem:v12+s3+$0x0], $0xffff  }
0x4e: {  	s29 =	simm.s32 $0x1C;
	v16 =	vor.u32 s9, v4;
	v17 =	vld.idx.msk [tilespmem:v17+s3+$0x0], $0xffff;
	[tilespmem:s28+$0xFFFFFF00] =	vst v8  }
0x4f: {  	v13 =	vor.u32 s29, v0;
	[tilespmem:s14+$0xFFFFFF20] =	vst v10;
	v10 =	vld.idx.msk [tilespmem:v19+s3+$0x0], $0xffff  }
0x50: {  	[tilespmem:s28+$0x0] =	vst v9;
	v9 =	vor.u32 s13, v3;
	v19 =	vld.idx.msk [tilespmem:v20+s3+$0x0], $0xffff  }
0x51: {  	[tilespmem:s14+$0x90] =	vst v15;
	v20 =	vor.u32 s7, v4;
	v11 =	vld.idx.msk [tilespmem:v11+s3+$0x0], $0xffff  }
0x52: {  	v15 =	vor.u32 s30, v2;
	[tilespmem:s14+$0x30] =	vst v12;
	v8 =	vld.idx.msk [tilespmem:v14+s3+$0x0], $0xffff  }
0x53: {  	v12 =	vld.idx.msk [tilespmem:v16+s3+$0x0], $0xffff;
	v16 =	vor.u32 s21, v3  }
0x54: {  	v13 =	vld.idx.msk [tilespmem:v13+s3+$0x0], $0xffff;
	v14 =	vor.u32 s9, v5;
	[tilespmem:s14+$0xFFFFFFB0] =	vst v17  }
0x55: {  	v18 =	vor.u32 s26, v2;
	v9 =	vld.idx.msk [tilespmem:v9+s3+$0x0], $0xffff;
	[tilespmem:s28+$0xFFFFFF10] =	vst v10  }
0x56: {  	s1 =	simm.s32 $0x20;
	v20 =	vld.idx.msk [tilespmem:v20+s3+$0x0], $0xffff;
	[tilespmem:s28+$0x10] =	vst v11;
	v11 =	vor.u32 s13, v4  }
0x57: {  	s0 =	simm.s32 $0x2C;
	[tilespmem:s14+$0xA0] =	vst v8;
	v8 =	vor.u32 s1, v0;
	v15 =	vld.idx.msk [tilespmem:v15+s3+$0x0], $0xffff  }
0x58: {  	v17 =	vor.u32 s0, v0;
	[tilespmem:s14+$0x40] =	vst v12;
	v10 =	vld.idx.msk [tilespmem:v16+s3+$0x0], $0xffff  }
0x59: {  	v12 =	vor.u32 s31, v2;
	v14 =	vld.idx.msk [tilespmem:v14+s3+$0x0], $0xffff  }
0x5a: {  	v16 =	vor.u32 s29, v1;
	[tilespmem:s14+$0xFFFFFF30] =	vst v9;
	v9 =	vld.idx.msk [tilespmem:v18+s3+$0x0], $0xffff  }
0x5b: {  	[tilespmem:s28+$0xFFFFFF90] =	vst v19;
	v19 =	vor.u32 s30, v3;
	v11 =	vld.idx.msk [tilespmem:v11+s3+$0x0], $0xffff  }
0x5c: {  	[tilespmem:s28+$0x80] =	vst v13;
	v18 =	vor.u32 s21, v4;
	v21 =	vld.idx.msk [tilespmem:v8+s3+$0x0], $0xffff  }
0x5d: {  	v22 =	vor.u32 s7, v5;
	[tilespmem:s14+$0xFFFFFFC0] =	vst v20;
	v8 =	vld.idx.msk [tilespmem:v17+s3+$0x0], $0xffff  }
0x5e: {  	s15 =	simm.s32 $0x28;
	v13 =	vor.u32 s13, v5;
	v12 =	vld.idx.msk [tilespmem:v12+s3+$0x0], $0xffff;
	[tilespmem:s14+$0xB0] =	vst v10  }
0x5f: {  	v16 =	vld.idx.msk [tilespmem:v16+s3+$0x0], $0xffff;
	v10 =	vor.u32 s15, v0;
	[tilespmem:s28+$0x20] =	vst v15  }
0x60: {  	s8 =	simm.s32 $0x24;
	v17 =	vor.u32 s31, v3;
	v15 =	vld.idx.msk [tilespmem:v19+s3+$0x0], $0xffff;
	[tilespmem:s14+$0x50] =	vst v14  }
0x61: {  	[tilespmem:s28+$0xFFFFFF20] =	vst v9;
	v9 =	vld.idx.msk [tilespmem:v18+s3+$0x0], $0xffff;
	v18 =	vor.u32 s8, v0  }
0x62: {  	s2 =	simm.s32 $0x2500;
	v20 =	vld.idx.msk [tilespmem:v22+s3+$0x0], $0xffff;
	v19 =	vor.u32 s1, v1;
	[tilespmem:s14+$0xFFFFFF40] =	vst v11  }
0x63: {  	v11 =	vor.u32 s21, v5;
	[tilespmem:s2+$0xFFFFFF00] =	vst v21;
	v13 =	vld.idx.msk [tilespmem:v13+s3+$0x0], $0xffff  }
0x64: {  	v21 =	vor.u32 s7, v6;
	v10 =	vld.idx.msk [tilespmem:v10+s3+$0x0], $0xffff;
	[tilespmem:s28+$0xFFFFFFA0] =	vst v12  }
0x65: {  	v12 =	vor.u32 s13, v6;
	[tilespmem:s28+$0x90] =	vst v16;
	v17 =	vld.idx.msk [tilespmem:v17+s3+$0x0], $0xffff  }
0x66: {  	[tilespmem:s28+$0x30] =	vst v15;
	v15 =	vor.u32 s9, v6;
	v16 =	vld.idx.msk [tilespmem:v18+s3+$0x0], $0xffff  }
0x67: {  	v14 =	vor.u32 s26, v3;
	[tilespmem:s14+$0xC0] =	vst v9;
	v18 =	vld.idx.msk [tilespmem:v19+s3+$0x0], $0xffff  }
0x68: {  	[tilespmem:s14+$0xFFFFFFD0] =	vst v20;
	v9 =	vor.u32 s15, v1;
	v11 =	vld.idx.msk [tilespmem:v11+s3+$0x0], $0xffff  }
0x69: {  	v19 =	vor.u32 s30, v4;
	v20 =	vld.idx.msk [tilespmem:v21+s3+$0x0], $0xffff;
	[tilespmem:s14+$0xFFFFFF50] =	vst v13  }
0x6a: {  	v13 =	vor.u32 s21, v6;
	v12 =	vld.idx.msk [tilespmem:v12+s3+$0x0], $0xffff  }
0x6b: {  	v21 =	vor.u32 s13, v7;
	[tilespmem:s2+$0x0] =	vst v10;
	v22 =	vld.idx.msk [tilespmem:v15+s3+$0x0], $0xffff  }
0x6c: {  	v10 =	vor.u32 s29, v2;
	[tilespmem:s28+$0xFFFFFFB0] =	vst v17;
	v17 =	vld.idx.msk [tilespmem:v14+s3+$0x0], $0xffff  }
0x6d: {  	v23 =	vor.u32 s8, v1;
	v9 =	vld.idx.msk [tilespmem:v9+s3+$0x0], $0xffff;
	[tilespmem:s2+$0xFFFFFF80] =	vst v16  }
0x6e: {  	v19 =	vld.idx.msk [tilespmem:v19+s3+$0x0], $0xffff;
	[tilespmem:s14+$0xD0] =	vst v11;
	v11 =	vor.u32 s7, v7  }
0x6f: {  	v16 =	vor.u32 s9, v7;
	v13 =	vld.idx.msk [tilespmem:v13+s3+$0x0], $0xffff;
	[tilespmem:s14+$0xFFFFFF60] =	vst v12  }
0x70: {  	[tilespmem:s2+$0xFFFFFF10] =	vst v18;
	v12 =	vld.idx.msk [tilespmem:v21+s3+$0x0], $0xffff;
	v21 =	vor.u32 s21, v7  }
0x71: {  	v25 =	vor.u32 s15, v2;
	[tilespmem:s14+$0xFFFFFFE0] =	vst v20;
	v24 =	vld.idx.msk [tilespmem:v10+s3+$0x0], $0xffff  }
0x72: {  	v14 =	vor.u32 s30, v5;
	v18 =	vld.idx.msk [tilespmem:v23+s3+$0x0], $0xffff;
	[tilespmem:s14+$0x60] =	vst v22  }
0x73: {  	v23 =	vor.u32 s29, v3;
	[tilespmem:s2+$0x10] =	vst v9;
	v15 =	vld.idx.msk [tilespmem:v11+s3+$0x0], $0xffff  }
0x74: {  	v22 =	vor.u32 s1, v2;
	v16 =	vld.idx.msk [tilespmem:v16+s3+$0x0], $0xffff;
	[tilespmem:s14+$0xE0] =	vst v13  }
0x75: {  	v10 =	vor.u32 s31, v4;
	[tilespmem:s28+$0x40] =	vst v19;
	v20 =	vld.idx.msk [tilespmem:v21+s3+$0x0], $0xffff;
	v21 =	vor.u32 s26, v4  }
0x76: {  	s13 =	simm.s32 $0x8;
	s9 =	sadd.s32 s4, s25;
	s7 =	simm.s32 $0x30;
	v9 =	vor.u32 s8, v4;
	v19 =	vor.u32 s8, v2;
	v11 =	vor.u32 s0, v1;
	v13 =	vld.idx.msk [tilespmem:v25+s3+$0x0], $0xffff;
	[tilespmem:s28+$0xA0] =	vst v24  }
.LBB2_4:
0x77: {  	v24 =	vor.u32 s7, v0;
	s22 =	sadd.s32 $0x4, s7;
	s13 =	sadd.s32 $0x4, s13;
	[tilespmem:s28+$0xFFFFFF30] =	vst v17;
	v14 =	vld.idx.msk [tilespmem:v14+s3+$0x0], $0xffff  }
0x78: {  	s23 =	sadd.s32 $0x8, s7;
	v17 =	vor.u32 s22, v0;
	v25 =	vor.u32 s22, v4;
	p2 =	slt.u32 s13, $0x1C;
	v23 =	vld.idx.msk [tilespmem:v23+s3+$0x0], $0xffff;
	[tilespmem:s14+$0xFFFFFFF0] =	vst v15  }
0x79: {  	s21 =	sadd.s32 $0xC, s7;
	v15 =	vor.u32 s23, v0;
	v22 =	vld.idx.msk [tilespmem:v22+s3+$0x0], $0xffff;
	[tilespmem:s14+$0x70] =	vst v16  }
0x7a: {  	v16 =	vor.u32 s21, v0;
	[tilespmem:s2+$0xFFFFFF90] =	vst v18;
	v18 =	vld.idx.msk [tilespmem:v21+s3+$0x0], $0xffff;
	v21 =	vor.u32 s29, v4  }
0x7b: {  	v19 =	vld.idx.msk [tilespmem:v19+s3+$0x0], $0xffff;
	[tilespmem:s14+$0xF0] =	vst v20  }
0x7c: {  	v20 =	vor.u32 s15, v3;
	v26 =	vld.idx.msk [tilespmem:v10+s3+$0x0], $0xffff;
	[tilespmem:s14+$0xFFFFFF70] =	vst v12;
	v10 =	vmov v9;
	v9 =	vmov v25;
	s14 =	smov.u32 s28;
	s28 =	smov.u32 s2  }
0x7d: {  	v12 =	vld.idx.msk [tilespmem:v24+s3+$0x0], $0xffff;
	[tilespmem:s2+$0x80] =	vst v8;
	v24 =	vor.u32 s26, v5  }
0x7e: {  	v28 =	vor.u32 s31, v5;
	v25 =	vor.u32 s7, v1;
	v27 =	vld.idx.msk [tilespmem:v11+s3+$0x0], $0xffff;
	[tilespmem:s14+$0xB0] =	vst v23  }
0x7f: {  	v29 =	vor.u32 s22, v1;
	[tilespmem:s2+$0xFFFFFF20] =	vst v22;
	v21 =	vld.idx.msk [tilespmem:v21+s3+$0x0], $0xffff  }
0x80: {  	v22 =	vor.u32 s23, v1;
	v8 =	vld.idx.msk [tilespmem:v16+s3+$0x0], $0xffff;
	v16 =	vor.u32 s8, v3;
	[tilespmem:s2+$0x20] =	vst v13  }
0x81: {  	v11 =	vor.u32 s21, v1;
	s2 =	sadd.s32 $0x200, s2;
	v13 =	vld.idx.msk [tilespmem:v20+s3+$0x0], $0xffff;
	[tilespmem:s14+$0xFFFFFF40] =	vst v18;
	v18 =	vor.u32 s29, v5  }
0x82: {  	v20 =	vld.idx.msk [tilespmem:v24+s3+$0x0], $0xffff;
	[tilespmem:s14+$0xFFFFFFC0] =	vst v26  }
0x83: {  	[tilespmem:s2+$0xFFFFFF00] =	vst v12;
	v12 =	vld.idx.msk [tilespmem:v28+s3+$0x0], $0xffff  }
0x84: {  	v15 =	vld.idx.msk [tilespmem:v15+s3+$0x0], $0xffff;
	[tilespmem:s28+$0xFFFFFFA0] =	vst v19;
	v19 =	vor.u32 s26, v6  }
0x85: {  	v23 =	vor.u32 s31, v6;
	v16 =	vld.idx.msk [tilespmem:v16+s3+$0x0], $0xffff;
	[tilespmem:s14+$0xC0] =	vst v21  }
0x86: {  	[tilespmem:s28+$0x90] =	vst v27;
	v18 =	vld.idx.msk [tilespmem:v18+s3+$0x0], $0xffff  }
0x87: {  	v17 =	vld.idx.msk [tilespmem:v17+s3+$0x0], $0xffff;
	[tilespmem:s28+$0x30] =	vst v13;
	v13 =	vor.u32 s30, v6  }
0x88: {  	v21 =	vld.idx.msk [tilespmem:v25+s3+$0x0], $0xffff;
	[tilespmem:s14+$0xFFFFFF50] =	vst v20;
	v20 =	vor.u32 s29, v6  }
0x89: {  	v24 =	vor.u32 s15, v4;
	v19 =	vld.idx.msk [tilespmem:v19+s3+$0x0], $0xffff;
	[tilespmem:s14+$0xFFFFFFD0] =	vst v12  }
0x8a: {  	v12 =	vor.u32 s0, v2;
	[tilespmem:s2+$0x0] =	vst v15;
	v15 =	vld.idx.msk [tilespmem:v23+s3+$0x0], $0xffff  }
0x8b: {  	v25 =	vld.idx.msk [tilespmem:v22+s3+$0x0], $0xffff;
	v22 =	vor.u32 s26, v7;
	[tilespmem:s14+$0x50] =	vst v14;
	s26 =	smov.u32 s1;
	s1 =	smov.u32 s7  }
0x8c: {  	v14 =	vor.u32 s26, v3;
	v13 =	vld.idx.msk [tilespmem:v13+s3+$0x0], $0xffff;
	[tilespmem:s14+$0xD0] =	vst v18  }
0x8d: {  	[tilespmem:s28+$0xFFFFFFB0] =	vst v16;
	v16 =	vor.u32 s31, v7;
	v18 =	vld.idx.msk [tilespmem:v20+s3+$0x0], $0xffff;
	s31 =	smov.u32 s8;
	s8 =	smov.u32 s22  }
0x8e: {  	[tilespmem:s2+$0xFFFFFF80] =	vst v17;
	v20 =	vld.idx.msk [tilespmem:v24+s3+$0x0], $0xffff;
	v24 =	vor.u32 s30, v7;
	s30 =	smov.u32 s15;
	s15 =	smov.u32 s23  }
0x8f: {  	v26 =	vld.idx.msk [tilespmem:v12+s3+$0x0], $0xffff;
	[tilespmem:s14+$0xFFFFFF60] =	vst v19  }
0x90: {  	v19 =	vor.u32 s29, v7;
	s29 =	smov.u32 s0;
	s0 =	smov.u32 s21;
	[tilespmem:s2+$0xFFFFFF10] =	vst v21;
	v12 =	vld.idx.msk [tilespmem:v22+s3+$0x0], $0xffff  }
0x91: {  	v27 =	vor.u32 s15, v2;
	v17 =	vld.idx.msk [tilespmem:v14+s3+$0x0], $0xffff;
	[tilespmem:s14+$0xFFFFFFE0] =	vst v15  }
.Ltmp5:
0x92: {  	v14 =	vor.u32 s30, v5;
	v15 =	vld.idx.msk [tilespmem:v16+s3+$0x0], $0xffff;
	[tilespmem:s14+$0x60] =	vst v13;
	(pc) =	sbr.rel @p2 .LBB2_4-.Ltmp5, $4  }
0x93: {  	v23 =	vor.u32 s29, v3;
	v16 =	vld.idx.msk [tilespmem:v24+s3+$0x0], $0xffff;
	[tilespmem:s14+$0xE0] =	vst v18  }
0x94: {  	v22 =	vor.u32 s7, v2;
	v18 =	vld.idx.msk [tilespmem:v29+s3+$0x0], $0xffff;
	[tilespmem:s2+$0x10] =	vst v25  }
0x95: {  	v21 =	vor.u32 s26, v4;
	[tilespmem:s28+$0x40] =	vst v20;
	v20 =	vld.idx.msk [tilespmem:v19+s3+$0x0], $0xffff  }
0x96: {  	s7 =	sadd.s32 $0x10, s7;
	v19 =	vor.u32 s8, v2;
	v13 =	vld.idx.msk [tilespmem:v27+s3+$0x0], $0xffff;
	[tilespmem:s28+$0xA0] =	vst v26  }
0x97: {  	_ = 	snop  }
0x98: {  	[tilespmem:s28+$0xFFFFFF30] =	vst v17  }
0x99: {  	[tilespmem:s14+$0xFFFFFFF0] =	vst v15  }
0x9a: {  	[tilespmem:s2+$0x80] =	vst v8  }
0x9b: {  	v58 =	vld.idx.msk [tilespmem:v23+s3+$0x0], $0xffff;
	[tilespmem:s14+$0xFFFFFF70] =	vst v12  }
0x9c: {  	v59 =	vld.idx.msk [tilespmem:v22+s3+$0x0], $0xffff;
	v8 =	vor.u32 s15, v3;
	[tilespmem:s14+$0x70] =	vst v16  }
0x9d: {  	v60 =	vor.u32 s29, v4;
	v11 =	vld.idx.msk [tilespmem:v11+s3+$0x0], $0xffff;
	[tilespmem:s2+$0xFFFFFF90] =	vst v18  }
0x9e: {  	v62 =	vor.u32 s0, v2;
	v10 =	vld.idx.msk [tilespmem:v10+s3+$0x0], $0xffff;
	[tilespmem:s14+$0xF0] =	vst v20  }
0x9f: {  	v14 =	vld.idx.msk [tilespmem:v14+s3+$0x0], $0xffff;
	[tilespmem:s2+$0x20] =	vst v13  }
0xa0: {  	v25 =	vor.u32 s31, v5;
	v24 =	vld.idx.msk [tilespmem:v19+s3+$0x0], $0xffff;
	[tilespmem:s28+$0xB0] =	vst v58  }
0xa1: {  	v32 =	vor.u32 s1, v3;
	[tilespmem:s2+$0xFFFFFF20] =	vst v59;
	v8 =	vld.idx.msk [tilespmem:v8+s3+$0x0], $0xffff  }
0xa2: {  	v27 =	vor.u32 s8, v3;
	v26 =	vld.idx.msk [tilespmem:v60+s3+$0x0], $0xffff;
	[tilespmem:s2+$0x90] =	vst v11  }
0xa3: {  	v28 =	vor.u32 s29, v5;
	[tilespmem:s28+$0xFFFFFFC0] =	vst v10;
	v12 =	vld.idx.msk [tilespmem:v62+s3+$0x0], $0xffff  }
0xa4: {  	v30 =	vor.u32 s0, v3;
	v61 =	vld.idx.msk [tilespmem:v21+s3+$0x0], $0xffff;
	[tilespmem:s28+$0x50] =	vst v14  }
0xa5: {  	v39 =	vor.u32 s30, v6;
	v31 =	vld.idx.msk [tilespmem:v25+s3+$0x0], $0xffff;
	[tilespmem:s2+$0xFFFFFFA0] =	vst v24  }
0xa6: {  	v63 =	vor.u32 s26, v5;
	v36 =	vld.idx.msk [tilespmem:v32+s3+$0x0], $0xffff;
	[tilespmem:s2+$0x30] =	vst v8  }
0xa7: {  	v35 =	vor.u32 s15, v4;
	v13 =	vld.idx.msk [tilespmem:v27+s3+$0x0], $0xffff;
	[tilespmem:s28+$0xC0] =	vst v26  }
0xa8: {  	v34 =	vor.u32 s31, v6;
	v8 =	vld.idx.msk [tilespmem:v28+s3+$0x0], $0xffff;
	[tilespmem:s2+$0xA0] =	vst v12  }
0xa9: {  	[tilespmem:s28+$0xFFFFFF40] =	vst v61;
	v10 =	vld.idx.msk [tilespmem:v30+s3+$0x0], $0xffff  }
0xaa: {  	v37 =	vor.u32 s0, v4;
	v46 =	vld.idx.msk [tilespmem:v39+s3+$0x0], $0xffff;
	[tilespmem:s28+$0xFFFFFFD0] =	vst v31  }
0xab: {  	v38 =	vor.u32 s1, v4;
	v29 =	vld.idx.msk [tilespmem:v63+s3+$0x0], $0xffff;
	[tilespmem:s2+$0xFFFFFF30] =	vst v36  }
0xac: {  	v33 =	vor.u32 s26, v6;
	v41 =	vld.idx.msk [tilespmem:v35+s3+$0x0], $0xffff;
	[tilespmem:s2+$0xFFFFFFB0] =	vst v13  }
0xad: {  	v40 =	vor.u32 s29, v6;
	v16 =	vld.idx.msk [tilespmem:v34+s3+$0x0], $0xffff;
	[tilespmem:s28+$0xD0] =	vst v8  }
0xae: {  	v43 =	vor.u32 s15, v5;
	v8 =	vld.idx.msk [tilespmem:v9+s3+$0x0], $0xffff;
	[tilespmem:s2+$0xB0] =	vst v10  }
0xaf: {  	v42 =	vor.u32 s8, v5;
	[tilespmem:s28+$0x60] =	vst v46;
	v44 =	vld.idx.msk [tilespmem:v37+s3+$0x0], $0xffff  }
0xb0: {  	v45 =	vor.u32 s0, v5;
	[tilespmem:s28+$0xFFFFFF50] =	vst v29;
	v14 =	vld.idx.msk [tilespmem:v38+s3+$0x0], $0xffff  }
0xb1: {  	v47 =	vor.u32 s1, v5;
	v17 =	vld.idx.msk [tilespmem:v33+s3+$0x0], $0xffff;
	[tilespmem:s2+$0x40] =	vst v41  }
0xb2: {  	v48 =	vor.u32 s31, v7;
	[tilespmem:s28+$0xFFFFFFE0] =	vst v16;
	v13 =	vld.idx.msk [tilespmem:v40+s3+$0x0], $0xffff  }
0xb3: {  	v10 =	vld.idx.msk [tilespmem:v43+s3+$0x0], $0xffff;
	[tilespmem:s2+$0xFFFFFFC0] =	vst v8;
	v8 =	vor.u32 s30, v7  }
0xb4: {  	v51 =	vor.u32 s15, v6;
	v49 =	vld.idx.msk [tilespmem:v42+s3+$0x0], $0xffff;
	[tilespmem:s2+$0xC0] =	vst v44  }
0xb5: {  	v50 =	vor.u32 s8, v6;
	[tilespmem:s2+$0xFFFFFF40] =	vst v14;
	v12 =	vld.idx.msk [tilespmem:v45+s3+$0x0], $0xffff  }
0xb6: {  	v53 =	vor.u32 s0, v6;
	[tilespmem:s28+$0xFFFFFF60] =	vst v17;
	v52 =	vld.idx.msk [tilespmem:v47+s3+$0x0], $0xffff  }
0xb7: {  	v55 =	vor.u32 s1, v6;
	v54 =	vld.idx.msk [tilespmem:v48+s3+$0x0], $0xffff;
	[tilespmem:s28+$0xE0] =	vst v13  }
0xb8: {  	v57 =	vor.u32 s26, v7;
	[tilespmem:s2+$0x50] =	vst v10;
	v8 =	vld.idx.msk [tilespmem:v8+s3+$0x0], $0xffff  }
0xb9: {  	v56 =	vor.u32 s29, v7;
	v10 =	vld.idx.msk [tilespmem:v51+s3+$0x0], $0xffff;
	[tilespmem:s2+$0xFFFFFFD0] =	vst v49  }
0xba: {  	v60 =	vor.u32 s15, v7;
	v11 =	vld.idx.msk [tilespmem:v50+s3+$0x0], $0xffff;
	[tilespmem:s2+$0xD0] =	vst v12  }
0xbb: {  	v58 =	vor.u32 s8, v7;
	[tilespmem:s2+$0xFFFFFF50] =	vst v52;
	v59 =	vld.idx.msk [tilespmem:v53+s3+$0x0], $0xffff  }
0xbc: {  	v61 =	vor.u32 s0, v7;
	[tilespmem:s28+$0xFFFFFFF0] =	vst v54;
	v13 =	vld.idx.msk [tilespmem:v55+s3+$0x0], $0xffff  }
0xbd: {  	v9 =	vld.idx.msk [tilespmem:v57+s3+$0x0], $0xffff;
	[tilespmem:s28+$0x70] =	vst v8;
	v8 =	vor.u32 s1, v7  }
0xbe: {  	v62 =	vld.idx.msk [tilespmem:v56+s3+$0x0], $0xffff;
	[tilespmem:s2+$0x60] =	vst v10  }
0xbf: {  	v10 =	vld.idx.msk [tilespmem:v60+s3+$0x0], $0xffff;
	[tilespmem:s2+$0xFFFFFFE0] =	vst v11  }
0xc0: {  	v11 =	vld.idx.msk [tilespmem:v58+s3+$0x0], $0xffff;
	[tilespmem:s2+$0xE0] =	vst v59  }
0xc1: {  	[tilespmem:s2+$0xFFFFFF60] =	vst v13;
	v63 =	vld.idx.msk [tilespmem:v61+s3+$0x0], $0xffff  }
0xc2: {  	[tilespmem:s28+$0xFFFFFF70] =	vst v9;
	v8 =	vld.idx.msk [tilespmem:v8+s3+$0x0], $0xffff  }
0xc3: {  	[tilespmem:s28+$0xF0] =	vst v62  }
0xc4: {  	[tilespmem:s2+$0x70] =	vst v10  }
0xc5: {  	s31 =	sshll.u32 s9, $0x9;
	[tilespmem:s2+$0xFFFFFFF0] =	vst v11  }
0xc6: {  	s0 =	sand.u32 $0x1FFFFE00, s31;
	[tilespmem:s2+$0xF0] =	vst v63  }
0xc7: {  	p2 =	sge.u32 s25, s10;
	s0 =	sadd.s32 s5, s0;
	[tilespmem:s2+$0xFFFFFF70] =	vst v8  }
0xc8: {  	[hbm4b:s0+s3] =	stream.linear.scatter [tilespmem:s18], [sflag:$0x3], $0x1000, $0x38;
	[tilespmem:$0x4000] =	vst v63  }
0xc9: {  	s7 =	simm.s32 @!p2 $0x0;
	s0 =	sshll.u32 @!p2 s9, $0x7  }
0xca: {  	s1 =	simm.s32 @!p2 $0x400;
	s2 =	simm.s32 @!p2 $0x7A1400;
	s0 =	sadd.s32 @!p2 s0, s12  }
0xcb: {  	[tilespmem:s7], [sflag:$0x1] =	stream.strided.gather @!p2 [hbm4b:s0+s1], $0x1000, s2, s1, $0x38;
	[tilespmem:$0x4000] =	vst v63  }
.LBB2_6:
0xcc: {  	s9 =	sor.u32 $0x1, s25  }
0xcd: {  	p2 =	sge.u32 s9, s6  }
.Ltmp6:
0xce: {  	_ = 	snop;
	(pc) =	sbr.rel @p2 .LBB2_10-.Ltmp6, $1  }
0xcf: {  	_ =	sdelay $0x3  }
0xd0: {  	s0 =	simm.s32 @!p1 $0x4  }
0xd1: {  	s13 =	simm.s32 $0x8;
	_ =	swait.ge @!p1 [sflag:s0], $0x1000  }
0xd2: {  	v8 =	vor.u32 s13, v0;
	[sflag:s0] =	ssyncset.done @!p1 $0x0  }
0xd3: {  	s21 =	simm.s32 $0x0;
	[sflag:s0] =	ssyncadd.s32 @!p1 $0xFFFFF000  }
0xd4: {  	s7 =	simm.s32 $0x4;
	v9 =	vor.u32 s21, v0;
	_ =	swait.ge [sflag:s19], $0x1000  }
0xd5: {  	v10 =	vor.u32 s7, v0;
	[sflag:s19] =	ssyncset.done $0x0  }
0xd6: {  	[sflag:s19] =	ssyncadd.s32 $0xFFFFF000  }
0xd7: {  	v8 =	vld.idx.msk [tilespmem:v8+s16+$0x0], $0xffff  }
0xd8: {  	v11 =	vor.u32 s13, v1  }
0xd9: {  	v9 =	vld.idx.msk [tilespmem:v9+s16+$0x0], $0xffff  }
0xda: {  	v10 =	vld.idx.msk [tilespmem:v10+s16+$0x0], $0xffff  }
0xdb: {  	s14 =	simm.s32 $0x3100;
	v13 =	vor.u32 s7, v1  }
0xdc: {  	v12 =	vor.u32 s21, v1;
	[tilespmem:s14+$0x0] =	vst v8  }
0xdd: {  	s22 =	simm.s32 $0xC;
	v8 =	vld.idx.msk [tilespmem:v11+s16+$0x0], $0xffff  }
0xde: {  	[tilespmem:s14+$0xFFFFFF00] =	vst v9;
	v11 =	vor.u32 s22, v0  }
0xdf: {  	s31 =	simm.s32 $0x14;
	v9 =	vor.u32 s13, v2;
	[tilespmem:s14+$0xFFFFFF80] =	vst v10  }
0xe0: {  	v18 =	vor.u32 s31, v0;
	v13 =	vld.idx.msk [tilespmem:v13+s16+$0x0], $0xffff  }
0xe1: {  	s26 =	simm.s32 $0x10;
	v14 =	vor.u32 s7, v2;
	v12 =	vld.idx.msk [tilespmem:v12+s16+$0x0], $0xffff  }
0xe2: {  	[tilespmem:s14+$0x10] =	vst v8;
	v8 =	vor.u32 s26, v0  }
0xe3: {  	s30 =	simm.s32 $0x18;
	v10 =	vor.u32 s21, v2;
	v11 =	vld.idx.msk [tilespmem:v11+s16+$0x0], $0xffff  }
0xe4: {  	v15 =	vor.u32 s30, v0;
	v9 =	vld.idx.msk [tilespmem:v9+s16+$0x0], $0xffff  }
0xe5: {  	v16 =	vor.u32 s22, v1;
	v18 =	vld.idx.msk [tilespmem:v18+s16+$0x0], $0xffff;
	[tilespmem:s14+$0xFFFFFF90] =	vst v13  }
0xe6: {  	[tilespmem:s14+$0xFFFFFF10] =	vst v12;
	v12 =	vor.u32 s13, v3;
	v14 =	vld.idx.msk [tilespmem:v14+s16+$0x0], $0xffff  }
0xe7: {  	v17 =	vor.u32 s7, v3;
	v8 =	vld.idx.msk [tilespmem:v8+s16+$0x0], $0xffff  }
0xe8: {  	v19 =	vor.u32 s26, v1;
	v10 =	vld.idx.msk [tilespmem:v10+s16+$0x0], $0xffff;
	[tilespmem:s14+$0x80] =	vst v11  }
0xe9: {  	s28 =	simm.s32 $0x3300;
	v20 =	vor.u32 s31, v1;
	[tilespmem:s14+$0x20] =	vst v9;
	v9 =	vld.idx.msk [tilespmem:v15+s16+$0x0], $0xffff  }
0xea: {  	[tilespmem:s28+$0xFFFFFF80] =	vst v18;
	v11 =	vor.u32 s30, v1;
	v15 =	vld.idx.msk [tilespmem:v16+s16+$0x0], $0xffff  }
0xeb: {  	[tilespmem:s14+$0xFFFFFFA0] =	vst v14;
	v14 =	vor.u32 s22, v2;
	v12 =	vld.idx.msk [tilespmem:v12+s16+$0x0], $0xffff  }
0xec: {  	s29 =	simm.s32 $0x1C;
	v16 =	vor.u32 s13, v4;
	v17 =	vld.idx.msk [tilespmem:v17+s16+$0x0], $0xffff;
	[tilespmem:s28+$0xFFFFFF00] =	vst v8  }
0xed: {  	v13 =	vor.u32 s29, v0;
	[tilespmem:s14+$0xFFFFFF20] =	vst v10;
	v10 =	vld.idx.msk [tilespmem:v19+s16+$0x0], $0xffff  }
0xee: {  	[tilespmem:s28+$0x0] =	vst v9;
	v9 =	vor.u32 s21, v3;
	v19 =	vld.idx.msk [tilespmem:v20+s16+$0x0], $0xffff  }
0xef: {  	[tilespmem:s14+$0x90] =	vst v15;
	v20 =	vor.u32 s7, v4;
	v11 =	vld.idx.msk [tilespmem:v11+s16+$0x0], $0xffff  }
0xf0: {  	v15 =	vor.u32 s30, v2;
	[tilespmem:s14+$0x30] =	vst v12;
	v8 =	vld.idx.msk [tilespmem:v14+s16+$0x0], $0xffff  }
0xf1: {  	v12 =	vld.idx.msk [tilespmem:v16+s16+$0x0], $0xffff;
	v16 =	vor.u32 s22, v3  }
0xf2: {  	v13 =	vld.idx.msk [tilespmem:v13+s16+$0x0], $0xffff;
	v14 =	vor.u32 s13, v5;
	[tilespmem:s14+$0xFFFFFFB0] =	vst v17  }
0xf3: {  	v18 =	vor.u32 s26, v2;
	v9 =	vld.idx.msk [tilespmem:v9+s16+$0x0], $0xffff;
	[tilespmem:s28+$0xFFFFFF10] =	vst v10  }
0xf4: {  	s1 =	simm.s32 $0x20;
	v20 =	vld.idx.msk [tilespmem:v20+s16+$0x0], $0xffff;
	[tilespmem:s28+$0x10] =	vst v11;
	v11 =	vor.u32 s21, v4  }
0xf5: {  	s0 =	simm.s32 $0x2C;
	[tilespmem:s14+$0xA0] =	vst v8;
	v8 =	vor.u32 s1, v0;
	v15 =	vld.idx.msk [tilespmem:v15+s16+$0x0], $0xffff  }
0xf6: {  	v17 =	vor.u32 s0, v0;
	[tilespmem:s14+$0x40] =	vst v12;
	v10 =	vld.idx.msk [tilespmem:v16+s16+$0x0], $0xffff  }
0xf7: {  	v12 =	vor.u32 s31, v2;
	v14 =	vld.idx.msk [tilespmem:v14+s16+$0x0], $0xffff  }
0xf8: {  	v16 =	vor.u32 s29, v1;
	[tilespmem:s14+$0xFFFFFF30] =	vst v9;
	v9 =	vld.idx.msk [tilespmem:v18+s16+$0x0], $0xffff  }
0xf9: {  	[tilespmem:s28+$0xFFFFFF90] =	vst v19;
	v19 =	vor.u32 s30, v3;
	v11 =	vld.idx.msk [tilespmem:v11+s16+$0x0], $0xffff  }
0xfa: {  	[tilespmem:s28+$0x80] =	vst v13;
	v18 =	vor.u32 s22, v4;
	v21 =	vld.idx.msk [tilespmem:v8+s16+$0x0], $0xffff  }
0xfb: {  	v22 =	vor.u32 s7, v5;
	[tilespmem:s14+$0xFFFFFFC0] =	vst v20;
	v8 =	vld.idx.msk [tilespmem:v17+s16+$0x0], $0xffff  }
0xfc: {  	s15 =	simm.s32 $0x28;
	v13 =	vor.u32 s21, v5;
	v12 =	vld.idx.msk [tilespmem:v12+s16+$0x0], $0xffff;
	[tilespmem:s14+$0xB0] =	vst v10  }
0xfd: {  	v16 =	vld.idx.msk [tilespmem:v16+s16+$0x0], $0xffff;
	v10 =	vor.u32 s15, v0;
	[tilespmem:s28+$0x20] =	vst v15  }
0xfe: {  	s8 =	simm.s32 $0x24;
	v17 =	vor.u32 s31, v3;
	v15 =	vld.idx.msk [tilespmem:v19+s16+$0x0], $0xffff;
	[tilespmem:s14+$0x50] =	vst v14  }
0xff: {  	[tilespmem:s28+$0xFFFFFF20] =	vst v9;
	v9 =	vld.idx.msk [tilespmem:v18+s16+$0x0], $0xffff;
	v18 =	vor.u32 s8, v0  }
0x100: {  	s2 =	simm.s32 $0x3500;
	v20 =	vld.idx.msk [tilespmem:v22+s16+$0x0], $0xffff;
	v19 =	vor.u32 s1, v1;
	[tilespmem:s14+$0xFFFFFF40] =	vst v11  }
0x101: {  	v11 =	vor.u32 s22, v5;
	[tilespmem:s2+$0xFFFFFF00] =	vst v21;
	v13 =	vld.idx.msk [tilespmem:v13+s16+$0x0], $0xffff  }
0x102: {  	v21 =	vor.u32 s7, v6;
	v10 =	vld.idx.msk [tilespmem:v10+s16+$0x0], $0xffff;
	[tilespmem:s28+$0xFFFFFFA0] =	vst v12  }
0x103: {  	v12 =	vor.u32 s21, v6;
	[tilespmem:s28+$0x90] =	vst v16;
	v17 =	vld.idx.msk [tilespmem:v17+s16+$0x0], $0xffff  }
0x104: {  	[tilespmem:s28+$0x30] =	vst v15;
	v15 =	vor.u32 s13, v6;
	v16 =	vld.idx.msk [tilespmem:v18+s16+$0x0], $0xffff  }
0x105: {  	v14 =	vor.u32 s26, v3;
	[tilespmem:s14+$0xC0] =	vst v9;
	v18 =	vld.idx.msk [tilespmem:v19+s16+$0x0], $0xffff  }
0x106: {  	[tilespmem:s14+$0xFFFFFFD0] =	vst v20;
	v9 =	vor.u32 s15, v1;
	v11 =	vld.idx.msk [tilespmem:v11+s16+$0x0], $0xffff  }
0x107: {  	v19 =	vor.u32 s30, v4;
	v20 =	vld.idx.msk [tilespmem:v21+s16+$0x0], $0xffff;
	[tilespmem:s14+$0xFFFFFF50] =	vst v13  }
0x108: {  	v13 =	vor.u32 s22, v6;
	v12 =	vld.idx.msk [tilespmem:v12+s16+$0x0], $0xffff  }
0x109: {  	v21 =	vor.u32 s21, v7;
	[tilespmem:s2+$0x0] =	vst v10;
	v22 =	vld.idx.msk [tilespmem:v15+s16+$0x0], $0xffff  }
0x10a: {  	v10 =	vor.u32 s29, v2;
	[tilespmem:s28+$0xFFFFFFB0] =	vst v17;
	v17 =	vld.idx.msk [tilespmem:v14+s16+$0x0], $0xffff  }
0x10b: {  	v23 =	vor.u32 s8, v1;
	v9 =	vld.idx.msk [tilespmem:v9+s16+$0x0], $0xffff;
	[tilespmem:s2+$0xFFFFFF80] =	vst v16  }
0x10c: {  	v19 =	vld.idx.msk [tilespmem:v19+s16+$0x0], $0xffff;
	[tilespmem:s14+$0xD0] =	vst v11;
	v11 =	vor.u32 s7, v7  }
0x10d: {  	v16 =	vor.u32 s13, v7;
	v13 =	vld.idx.msk [tilespmem:v13+s16+$0x0], $0xffff;
	[tilespmem:s14+$0xFFFFFF60] =	vst v12  }
0x10e: {  	[tilespmem:s2+$0xFFFFFF10] =	vst v18;
	v12 =	vld.idx.msk [tilespmem:v21+s16+$0x0], $0xffff;
	v21 =	vor.u32 s22, v7  }
0x10f: {  	v25 =	vor.u32 s15, v2;
	[tilespmem:s14+$0xFFFFFFE0] =	vst v20;
	v24 =	vld.idx.msk [tilespmem:v10+s16+$0x0], $0xffff  }
0x110: {  	v14 =	vor.u32 s30, v5;
	v18 =	vld.idx.msk [tilespmem:v23+s16+$0x0], $0xffff;
	[tilespmem:s14+$0x60] =	vst v22  }
0x111: {  	v23 =	vor.u32 s29, v3;
	[tilespmem:s2+$0x10] =	vst v9;
	v15 =	vld.idx.msk [tilespmem:v11+s16+$0x0], $0xffff  }
0x112: {  	v22 =	vor.u32 s1, v2;
	v16 =	vld.idx.msk [tilespmem:v16+s16+$0x0], $0xffff;
	[tilespmem:s14+$0xE0] =	vst v13  }
0x113: {  	v10 =	vor.u32 s31, v4;
	[tilespmem:s28+$0x40] =	vst v19;
	v20 =	vld.idx.msk [tilespmem:v21+s16+$0x0], $0xffff;
	v21 =	vor.u32 s26, v4  }
0x114: {  	s9 =	sadd.s32 s4, s9;
	s13 =	simm.s32 $0x8;
	s7 =	simm.s32 $0x30;
	v9 =	vor.u32 s8, v4;
	v19 =	vor.u32 s8, v2;
	v11 =	vor.u32 s0, v1;
	v13 =	vld.idx.msk [tilespmem:v25+s16+$0x0], $0xffff;
	[tilespmem:s28+$0xA0] =	vst v24  }
.LBB2_8:
0x115: {  	v24 =	vor.u32 s7, v0;
	s22 =	sadd.s32 $0x4, s7;
	s13 =	sadd.s32 $0x4, s13;
	[tilespmem:s28+$0xFFFFFF30] =	vst v17;
	v14 =	vld.idx.msk [tilespmem:v14+s16+$0x0], $0xffff  }
0x116: {  	s23 =	sadd.s32 $0x8, s7;
	v17 =	vor.u32 s22, v0;
	v25 =	vor.u32 s22, v4;
	p1 =	slt.u32 s13, $0x1C;
	v23 =	vld.idx.msk [tilespmem:v23+s16+$0x0], $0xffff;
	[tilespmem:s14+$0xFFFFFFF0] =	vst v15  }
0x117: {  	s21 =	sadd.s32 $0xC, s7;
	v15 =	vor.u32 s23, v0;
	v22 =	vld.idx.msk [tilespmem:v22+s16+$0x0], $0xffff;
	[tilespmem:s14+$0x70] =	vst v16  }
0x118: {  	v16 =	vor.u32 s21, v0;
	[tilespmem:s2+$0xFFFFFF90] =	vst v18;
	v18 =	vld.idx.msk [tilespmem:v21+s16+$0x0], $0xffff;
	v21 =	vor.u32 s29, v4  }
0x119: {  	v19 =	vld.idx.msk [tilespmem:v19+s16+$0x0], $0xffff;
	[tilespmem:s14+$0xF0] =	vst v20  }
0x11a: {  	v20 =	vor.u32 s15, v3;
	v26 =	vld.idx.msk [tilespmem:v10+s16+$0x0], $0xffff;
	[tilespmem:s14+$0xFFFFFF70] =	vst v12;
	v10 =	vmov v9;
	v9 =	vmov v25;
	s14 =	smov.u32 s28;
	s28 =	smov.u32 s2  }
0x11b: {  	v12 =	vld.idx.msk [tilespmem:v24+s16+$0x0], $0xffff;
	[tilespmem:s2+$0x80] =	vst v8;
	v24 =	vor.u32 s26, v5  }
0x11c: {  	v28 =	vor.u32 s31, v5;
	v25 =	vor.u32 s7, v1;
	v27 =	vld.idx.msk [tilespmem:v11+s16+$0x0], $0xffff;
	[tilespmem:s14+$0xB0] =	vst v23  }
0x11d: {  	v29 =	vor.u32 s22, v1;
	[tilespmem:s2+$0xFFFFFF20] =	vst v22;
	v21 =	vld.idx.msk [tilespmem:v21+s16+$0x0], $0xffff  }
0x11e: {  	v22 =	vor.u32 s23, v1;
	v8 =	vld.idx.msk [tilespmem:v16+s16+$0x0], $0xffff;
	v16 =	vor.u32 s8, v3;
	[tilespmem:s2+$0x20] =	vst v13  }
0x11f: {  	v11 =	vor.u32 s21, v1;
	s2 =	sadd.s32 $0x200, s2;
	v13 =	vld.idx.msk [tilespmem:v20+s16+$0x0], $0xffff;
	[tilespmem:s14+$0xFFFFFF40] =	vst v18;
	v18 =	vor.u32 s29, v5  }
0x120: {  	v20 =	vld.idx.msk [tilespmem:v24+s16+$0x0], $0xffff;
	[tilespmem:s14+$0xFFFFFFC0] =	vst v26  }
0x121: {  	[tilespmem:s2+$0xFFFFFF00] =	vst v12;
	v12 =	vld.idx.msk [tilespmem:v28+s16+$0x0], $0xffff  }
0x122: {  	v15 =	vld.idx.msk [tilespmem:v15+s16+$0x0], $0xffff;
	[tilespmem:s28+$0xFFFFFFA0] =	vst v19;
	v19 =	vor.u32 s26, v6  }
0x123: {  	v23 =	vor.u32 s31, v6;
	v16 =	vld.idx.msk [tilespmem:v16+s16+$0x0], $0xffff;
	[tilespmem:s14+$0xC0] =	vst v21  }
0x124: {  	[tilespmem:s28+$0x90] =	vst v27;
	v18 =	vld.idx.msk [tilespmem:v18+s16+$0x0], $0xffff  }
0x125: {  	v17 =	vld.idx.msk [tilespmem:v17+s16+$0x0], $0xffff;
	[tilespmem:s28+$0x30] =	vst v13;
	v13 =	vor.u32 s30, v6  }
0x126: {  	v21 =	vld.idx.msk [tilespmem:v25+s16+$0x0], $0xffff;
	[tilespmem:s14+$0xFFFFFF50] =	vst v20;
	v20 =	vor.u32 s29, v6  }
0x127: {  	v24 =	vor.u32 s15, v4;
	v19 =	vld.idx.msk [tilespmem:v19+s16+$0x0], $0xffff;
	[tilespmem:s14+$0xFFFFFFD0] =	vst v12  }
0x128: {  	v12 =	vor.u32 s0, v2;
	[tilespmem:s2+$0x0] =	vst v15;
	v15 =	vld.idx.msk [tilespmem:v23+s16+$0x0], $0xffff  }
0x129: {  	v25 =	vld.idx.msk [tilespmem:v22+s16+$0x0], $0xffff;
	v22 =	vor.u32 s26, v7;
	[tilespmem:s14+$0x50] =	vst v14;
	s26 =	smov.u32 s1;
	s1 =	smov.u32 s7  }
0x12a: {  	v14 =	vor.u32 s26, v3;
	v13 =	vld.idx.msk [tilespmem:v13+s16+$0x0], $0xffff;
	[tilespmem:s14+$0xD0] =	vst v18  }
0x12b: {  	[tilespmem:s28+$0xFFFFFFB0] =	vst v16;
	v16 =	vor.u32 s31, v7;
	v18 =	vld.idx.msk [tilespmem:v20+s16+$0x0], $0xffff;
	s31 =	smov.u32 s8;
	s8 =	smov.u32 s22  }
0x12c: {  	[tilespmem:s2+$0xFFFFFF80] =	vst v17;
	v20 =	vld.idx.msk [tilespmem:v24+s16+$0x0], $0xffff;
	v24 =	vor.u32 s30, v7;
	s30 =	smov.u32 s15;
	s15 =	smov.u32 s23  }
0x12d: {  	v26 =	vld.idx.msk [tilespmem:v12+s16+$0x0], $0xffff;
	[tilespmem:s14+$0xFFFFFF60] =	vst v19  }
0x12e: {  	v19 =	vor.u32 s29, v7;
	s29 =	smov.u32 s0;
	s0 =	smov.u32 s21;
	[tilespmem:s2+$0xFFFFFF10] =	vst v21;
	v12 =	vld.idx.msk [tilespmem:v22+s16+$0x0], $0xffff  }
0x12f: {  	v27 =	vor.u32 s15, v2;
	v17 =	vld.idx.msk [tilespmem:v14+s16+$0x0], $0xffff;
	[tilespmem:s14+$0xFFFFFFE0] =	vst v15  }
.Ltmp7:
0x130: {  	v14 =	vor.u32 s30, v5;
	v15 =	vld.idx.msk [tilespmem:v16+s16+$0x0], $0xffff;
	[tilespmem:s14+$0x60] =	vst v13;
	(pc) =	sbr.rel @p1 .LBB2_8-.Ltmp7, $4  }
0x131: {  	v23 =	vor.u32 s29, v3;
	v16 =	vld.idx.msk [tilespmem:v24+s16+$0x0], $0xffff;
	[tilespmem:s14+$0xE0] =	vst v18  }
0x132: {  	v22 =	vor.u32 s7, v2;
	v18 =	vld.idx.msk [tilespmem:v29+s16+$0x0], $0xffff;
	[tilespmem:s2+$0x10] =	vst v25  }
0x133: {  	v21 =	vor.u32 s26, v4;
	[tilespmem:s28+$0x40] =	vst v20;
	v20 =	vld.idx.msk [tilespmem:v19+s16+$0x0], $0xffff  }
0x134: {  	s7 =	sadd.s32 $0x10, s7;
	v19 =	vor.u32 s8, v2;
	v13 =	vld.idx.msk [tilespmem:v27+s16+$0x0], $0xffff;
	[tilespmem:s28+$0xA0] =	vst v26  }
0x135: {  	_ = 	snop  }
0x136: {  	[tilespmem:s28+$0xFFFFFF30] =	vst v17  }
0x137: {  	[tilespmem:s14+$0xFFFFFFF0] =	vst v15  }
0x138: {  	[tilespmem:s2+$0x80] =	vst v8  }
0x139: {  	v58 =	vld.idx.msk [tilespmem:v23+s16+$0x0], $0xffff;
	[tilespmem:s14+$0xFFFFFF70] =	vst v12  }
0x13a: {  	v59 =	vld.idx.msk [tilespmem:v22+s16+$0x0], $0xffff;
	v8 =	vor.u32 s15, v3;
	[tilespmem:s14+$0x70] =	vst v16  }
0x13b: {  	v60 =	vor.u32 s29, v4;
	v11 =	vld.idx.msk [tilespmem:v11+s16+$0x0], $0xffff;
	[tilespmem:s2+$0xFFFFFF90] =	vst v18  }
0x13c: {  	v62 =	vor.u32 s0, v2;
	v10 =	vld.idx.msk [tilespmem:v10+s16+$0x0], $0xffff;
	[tilespmem:s14+$0xF0] =	vst v20  }
0x13d: {  	v14 =	vld.idx.msk [tilespmem:v14+s16+$0x0], $0xffff;
	[tilespmem:s2+$0x20] =	vst v13  }
0x13e: {  	v25 =	vor.u32 s31, v5;
	v24 =	vld.idx.msk [tilespmem:v19+s16+$0x0], $0xffff;
	[tilespmem:s28+$0xB0] =	vst v58  }
0x13f: {  	v32 =	vor.u32 s1, v3;
	[tilespmem:s2+$0xFFFFFF20] =	vst v59;
	v8 =	vld.idx.msk [tilespmem:v8+s16+$0x0], $0xffff  }
0x140: {  	v27 =	vor.u32 s8, v3;
	v26 =	vld.idx.msk [tilespmem:v60+s16+$0x0], $0xffff;
	[tilespmem:s2+$0x90] =	vst v11  }
0x141: {  	v28 =	vor.u32 s29, v5;
	[tilespmem:s28+$0xFFFFFFC0] =	vst v10;
	v12 =	vld.idx.msk [tilespmem:v62+s16+$0x0], $0xffff  }
0x142: {  	v30 =	vor.u32 s0, v3;
	v61 =	vld.idx.msk [tilespmem:v21+s16+$0x0], $0xffff;
	[tilespmem:s28+$0x50] =	vst v14  }
0x143: {  	v39 =	vor.u32 s30, v6;
	v31 =	vld.idx.msk [tilespmem:v25+s16+$0x0], $0xffff;
	[tilespmem:s2+$0xFFFFFFA0] =	vst v24  }
0x144: {  	v63 =	vor.u32 s26, v5;
	v36 =	vld.idx.msk [tilespmem:v32+s16+$0x0], $0xffff;
	[tilespmem:s2+$0x30] =	vst v8  }
0x145: {  	v35 =	vor.u32 s15, v4;
	v13 =	vld.idx.msk [tilespmem:v27+s16+$0x0], $0xffff;
	[tilespmem:s28+$0xC0] =	vst v26  }
0x146: {  	v34 =	vor.u32 s31, v6;
	v8 =	vld.idx.msk [tilespmem:v28+s16+$0x0], $0xffff;
	[tilespmem:s2+$0xA0] =	vst v12  }
0x147: {  	[tilespmem:s28+$0xFFFFFF40] =	vst v61;
	v10 =	vld.idx.msk [tilespmem:v30+s16+$0x0], $0xffff  }
0x148: {  	v37 =	vor.u32 s0, v4;
	v46 =	vld.idx.msk [tilespmem:v39+s16+$0x0], $0xffff;
	[tilespmem:s28+$0xFFFFFFD0] =	vst v31  }
0x149: {  	v38 =	vor.u32 s1, v4;
	v29 =	vld.idx.msk [tilespmem:v63+s16+$0x0], $0xffff;
	[tilespmem:s2+$0xFFFFFF30] =	vst v36  }
0x14a: {  	v33 =	vor.u32 s26, v6;
	v41 =	vld.idx.msk [tilespmem:v35+s16+$0x0], $0xffff;
	[tilespmem:s2+$0xFFFFFFB0] =	vst v13  }
0x14b: {  	v40 =	vor.u32 s29, v6;
	v16 =	vld.idx.msk [tilespmem:v34+s16+$0x0], $0xffff;
	[tilespmem:s28+$0xD0] =	vst v8  }
0x14c: {  	v43 =	vor.u32 s15, v5;
	v8 =	vld.idx.msk [tilespmem:v9+s16+$0x0], $0xffff;
	[tilespmem:s2+$0xB0] =	vst v10  }
0x14d: {  	v42 =	vor.u32 s8, v5;
	[tilespmem:s28+$0x60] =	vst v46;
	v44 =	vld.idx.msk [tilespmem:v37+s16+$0x0], $0xffff  }
0x14e: {  	v45 =	vor.u32 s0, v5;
	[tilespmem:s28+$0xFFFFFF50] =	vst v29;
	v14 =	vld.idx.msk [tilespmem:v38+s16+$0x0], $0xffff  }
0x14f: {  	v47 =	vor.u32 s1, v5;
	v17 =	vld.idx.msk [tilespmem:v33+s16+$0x0], $0xffff;
	[tilespmem:s2+$0x40] =	vst v41  }
0x150: {  	v48 =	vor.u32 s31, v7;
	[tilespmem:s28+$0xFFFFFFE0] =	vst v16;
	v13 =	vld.idx.msk [tilespmem:v40+s16+$0x0], $0xffff  }
0x151: {  	v10 =	vld.idx.msk [tilespmem:v43+s16+$0x0], $0xffff;
	[tilespmem:s2+$0xFFFFFFC0] =	vst v8;
	v8 =	vor.u32 s30, v7  }
0x152: {  	v51 =	vor.u32 s15, v6;
	v49 =	vld.idx.msk [tilespmem:v42+s16+$0x0], $0xffff;
	[tilespmem:s2+$0xC0] =	vst v44  }
0x153: {  	v50 =	vor.u32 s8, v6;
	[tilespmem:s2+$0xFFFFFF40] =	vst v14;
	v12 =	vld.idx.msk [tilespmem:v45+s16+$0x0], $0xffff  }
0x154: {  	v53 =	vor.u32 s0, v6;
	[tilespmem:s28+$0xFFFFFF60] =	vst v17;
	v52 =	vld.idx.msk [tilespmem:v47+s16+$0x0], $0xffff  }
0x155: {  	v55 =	vor.u32 s1, v6;
	v54 =	vld.idx.msk [tilespmem:v48+s16+$0x0], $0xffff;
	[tilespmem:s28+$0xE0] =	vst v13  }
0x156: {  	v57 =	vor.u32 s26, v7;
	[tilespmem:s2+$0x50] =	vst v10;
	v8 =	vld.idx.msk [tilespmem:v8+s16+$0x0], $0xffff  }
0x157: {  	v56 =	vor.u32 s29, v7;
	v10 =	vld.idx.msk [tilespmem:v51+s16+$0x0], $0xffff;
	[tilespmem:s2+$0xFFFFFFD0] =	vst v49  }
0x158: {  	v60 =	vor.u32 s15, v7;
	v11 =	vld.idx.msk [tilespmem:v50+s16+$0x0], $0xffff;
	[tilespmem:s2+$0xD0] =	vst v12  }
0x159: {  	v58 =	vor.u32 s8, v7;
	[tilespmem:s2+$0xFFFFFF50] =	vst v52;
	v59 =	vld.idx.msk [tilespmem:v53+s16+$0x0], $0xffff  }
0x15a: {  	v61 =	vor.u32 s0, v7;
	[tilespmem:s28+$0xFFFFFFF0] =	vst v54;
	v13 =	vld.idx.msk [tilespmem:v55+s16+$0x0], $0xffff  }
0x15b: {  	v9 =	vld.idx.msk [tilespmem:v57+s16+$0x0], $0xffff;
	[tilespmem:s28+$0x70] =	vst v8;
	v8 =	vor.u32 s1, v7  }
0x15c: {  	v62 =	vld.idx.msk [tilespmem:v56+s16+$0x0], $0xffff;
	[tilespmem:s2+$0x60] =	vst v10  }
0x15d: {  	v10 =	vld.idx.msk [tilespmem:v60+s16+$0x0], $0xffff;
	[tilespmem:s2+$0xFFFFFFE0] =	vst v11  }
0x15e: {  	v11 =	vld.idx.msk [tilespmem:v58+s16+$0x0], $0xffff;
	[tilespmem:s2+$0xE0] =	vst v59  }
0x15f: {  	[tilespmem:s2+$0xFFFFFF60] =	vst v13;
	v63 =	vld.idx.msk [tilespmem:v61+s16+$0x0], $0xffff  }
0x160: {  	[tilespmem:s28+$0xFFFFFF70] =	vst v9;
	v8 =	vld.idx.msk [tilespmem:v8+s16+$0x0], $0xffff  }
0x161: {  	[tilespmem:s28+$0xF0] =	vst v62  }
0x162: {  	[tilespmem:s2+$0x70] =	vst v10  }
0x163: {  	s31 =	sshll.u32 s9, $0x9;
	[tilespmem:s2+$0xFFFFFFF0] =	vst v11  }
0x164: {  	s0 =	sand.u32 $0x1FFFFE00, s31;
	[tilespmem:s2+$0xF0] =	vst v63  }
.Ltmp8:
0x165: {  	p1 =	sge.u32 s25, s11;
	s0 =	sadd.s32 s5, s0;
	[tilespmem:s2+$0xFFFFFF70] =	vst v8;
	(pc) =	sbr.rel .LBB2_10-.Ltmp8, $4  }
0x166: {  	[hbm4b:s0+s3] =	stream.linear.scatter [tilespmem:s20], [sflag:$0x4], $0x1000, $0x38;
	[tilespmem:$0x4000] =	vst v63  }
0x167: {  	s7 =	simm.s32 @!p1 $0x1000;
	s0 =	sshll.u32 @!p1 s9, $0x7  }
0x168: {  	s1 =	simm.s32 @!p1 $0x400;
	s2 =	simm.s32 @!p1 $0x7A1400;
	s0 =	sadd.s32 @!p1 s0, s12  }
0x169: {  	[tilespmem:s7], [sflag:$0x2] =	stream.strided.gather @!p1 [hbm4b:s0+s1], $0x1000, s2, s1, $0x38;
	[tilespmem:$0x4000] =	vst v63  }
.LBB2_12:
0x16a: {  	_ =	sfence.sel $0x180000  }
0x16b: {  	[bflag:$0x0] =	sbarrier.arrive $0xFFFF  }
0x16c: {  	_ =	strace $0x90000047  }
0x16d: {  	s0 =	stileid.u32;
	[bflag:$0x2] =	sbarrier.arrive $0xFFFF  }
0x16e: {  	p0 =	sne.s32 s0, $0x0;
	s0 =	rddreg [dreg:$0x3]  }
0x16f: {  	s0 =	sadd.s32 @!p0 $0x100000, s0  }
0x170: {  	[sflag:s0] =	ssyncadd.tile.s32 @!p0 $0x1;
	_ =	shalt  }
.Lfunc_end2:
_tile_overlayer_lowered:
.L_overlay_start_2:
0x171: {  	(tag) =	ssettag $0x2  }
0x172: {  	s0 =	rddreg [dreg:$0x0];
	s2 =	stileid.u32  }
0x173: {  	s1 =	rddreg [dreg:$0x1];
	p0 =	sne.s32 s2, $0x0  }
0x174: {  	s3 =	rddreg [dreg:$0x2];
	[bflag:$0x3] =	sbarrier.arrive $0xFFFF;
	s2 =	simm.s32 @!p0 $0x1C05  }
0x175: {  	[timem:s3], [sflag:s2] =	dma.local @!p0 [hbm:s0], s1  }
0x176: {  	s0 =	simm.s32 @!p0 $0x5  }
0x177: {  	_ =	swait.ge @!p0 [sflag:s0], s1  }
0x178: {  	s1 =	ssub.s32 @!p0 $0x0, s1;
	[sflag:s0] =	ssyncset.done @!p0 $0x0  }
0x179: {  	[sflag:s0] =	ssyncadd.s32 @!p0 s1  }
0x17a: {  	[bflag:$0x3] =	sbarrier.arrive $0xFFFF  }
0x17b: {  	_ =	shalt  }

// kernel: kernel.7.cloned.1.call-start
scs
__scs_entry_jumppad:
0x0: {  	(pc) =	sbr.rel $0x88, $3  }
0x1: {  	(tag) =	ssettag $0x0;
	lr =	simm.s32 $0x1  }
0x2: {  	[smem:$0x3F9F] =	sst lr;
	_ =	strace $0xD0000000  }
0x3: {  	_ = 	snop  }
0x4: {  	_ = 	snop  }
0x5: {  	_ = 	snop  }
0x6: {  	_ = 	snop  }
0x7: {  	_ = 	snop  }
__scs_overlays_trampoline_lowered:
0x8: {  	[smem:$0x3FAE] =	sst s0  }
0x9: {  	[smem:$0x3FAF] =	sst s1  }
0xa: {  	[smem:$0x3FB0] =	sst s2  }
0xb: {  	[smem:$0x3FB1] =	sst s3  }
0xc: {  	[smem:$0x3FB2] =	sst s4  }
0xd: {  	[smem:$0x3FB3] =	sst s5  }
0xe: {  	[smem:$0x3FB4] =	sst s6  }
0xf: {  	[smem:$0x3FB5] =	sst s7  }
0x10: {  	[smem:$0x3FB6] =	sst s8  }
0x11: {  	[smem:$0x3FB7] =	sst s9;
	s0 =	simm.s32 @!p0 $0x0  }
0x12: {  	s1 =	sld [smem:$0x3F9D];
	s0 =	simm.s32 @p0 $0x1  }
0x13: {  	[smem:$0x3FB8] =	sst s0;
	s0 =	simm.s32 @!p1 $0x0  }
0x14: {  	s2 =	sld [smem:$0x3F9C];
	s0 =	simm.s32 @p1 $0x1  }
0x15: {  	[smem:$0x3FB9] =	sst s0;
	s0 =	simm.s32 @!p2 $0x0  }
0x16: {  	s3 =	sld [smem:$0x3FDB];
	s0 =	simm.s32 @p2 $0x1  }
0x17: {  	s4 =	simm.s32 $0x1BF5;
	[smem:$0x3FBB] =	sst s0  }
0x18: {  	s0 =	sld [smem:$0x3F9E];
	_ =	swait.ge [sflag:s4], $0x0  }
0x19: {  	s7 =	sld [smem:$0x3F9F]  }
0x1a: {  	s8 =	sadd.s32 $0xFFFFE003, lr  }
0x1b: {  	s9 =	sadd.s32 $0xFFFFFEF7, lr;
	s5 =	simm.s32 $0xFFFFFFFF;
	p2 =	slt.u32 s8, $0xFFFFF086  }
0x1c: {  	p1 =	slt.u32 s9, $0xF7A;
	s5 =	simm.s32 @!p2 $0x0  }
0x1d: {  	s5 =	simm.s32 @p1 $0x1;
	p0 =	seq.s32 s7, s2  }
0x1e: {  	s7 =	smul.u32 @!p0 $0xF7A, s2;
	p2 =	seq.s32 @!p0 s5, $0x0  }
0x1f: {  	s9 =	smul.u32 $0xF7A, s1;
	s8 =	simm.s32 @!p0 $0x1BF5;
	p2 =	por !p2, p0  }
0x20: {  	[sflag:s8] =	ssyncset.s32 @!p0 $0xFFFFF086;
	s6 =	sadd.s32 @!p0 s3, s7;
	s7 =	simm.s32 @!p0 $0x108  }
0x21: {  	s3 =	sadd.s32 s3, s9;
	s6 =	sadd.s32 @!p0 $0x88, s6;
	s7 =	simm.s32 @p2 $0x1082  }
0x22: {  	[simem:s7], [sflag:s8] =	dma.local @!p0 [hbm:s6], $0xF7A  }
0x23: {  	s9 =	sor.u32 $0xD0000000, s2;
	s6 =	simm.s32 $0x108;
	_ =	swait.ge @!p0 [sflag:s8], $0x0  }
0x24: {  	s3 =	sadd.s32 $0x88, s3;
	s6 =	simm.s32 @!p1 $0x1082;
	[sflag:s4] =	ssyncset.s32 $0xFFFFF086  }
0x25: {  	[simem:s6], [sflag:s4] =	dma.local [hbm:s3], $0xF7A  }
0x26: {  	[smem:$0x3F9F] =	sst s1;
	(tag) =	ssettag s2;
	_ =	strace s9  }
0x27: {  	s1 =	sld [smem:$0x3FAF]  }
0x28: {  	s2 =	sld [smem:$0x3FB0]  }
0x29: {  	s4 =	sld [smem:$0x3FB2]  }
0x2a: {  	p0 =	seq.s32 s5, $0x0;
	s5 =	sld [smem:$0x3FB3]  }
0x2b: {  	s6 =	sld [smem:$0x3FB4]  }
0x2c: {  	s7 =	sld [smem:$0x3FB5]  }
0x2d: {  	s3 =	simm.s32 $0x108;
	s8 =	sld [smem:$0x3FB6]  }
0x2e: {  	s3 =	simm.s32 @!p0 $0x1082;
	s9 =	sld [smem:$0x3FB7]  }
0x2f: {  	lr =	sadd.s32 s0, s3;
	s0 =	sld [smem:$0x3FAE]  }
0x30: {  	s3 =	sld [smem:$0x3FB1]  }
0x31: {  	[smem:$0x3FBA] =	sst s10  }
0x32: {  	s10 =	sld [smem:$0x3FB8];
	_ =	sdelay $0x3  }
0x33: {  	p0 =	seq.s32 s10, $0x1;
	s10 =	sld [smem:$0x3FBA];
	_ =	sdelay $0x3  }
0x34: {  	[smem:$0x3FBA] =	sst s10  }
0x35: {  	s10 =	sld [smem:$0x3FB9];
	_ =	sdelay $0x3  }
0x36: {  	p1 =	seq.s32 s10, $0x1;
	s10 =	sld [smem:$0x3FBA];
	_ =	sdelay $0x3  }
0x37: {  	[smem:$0x3FBA] =	sst s10  }
0x38: {  	s10 =	sld [smem:$0x3FBB]  }
0x39: {  	_ = 	snop;
	(pc) =	sbr.ind lr, $3  }
0x3a: {  	_ = 	snop  }
0x3b: {  	_ = 	snop  }
0x3c: {  	p2 =	seq.s32 s10, $0x1;
	s10 =	sld [smem:$0x3FBA]  }
0x3d: {  	_ =	shalt  }
0x3e: {  	_ =	shalt  }
0x3f: {  	_ =	shalt  }
0x40: {  	_ =	shalt  }
0x41: {  	_ =	shalt  }
0x42: {  	_ =	shalt  }
0x43: {  	_ =	shalt  }
0x44: {  	_ =	shalt  }
0x45: {  	_ =	shalt  }
0x46: {  	_ =	shalt  }
0x47: {  	_ =	shalt  }
0x48: {  	_ =	shalt  }
0x49: {  	_ =	shalt  }
0x4a: {  	_ =	shalt  }
0x4b: {  	_ =	shalt  }
0x4c: {  	_ =	shalt  }
0x4d: {  	_ =	shalt  }
0x4e: {  	_ =	shalt  }
0x4f: {  	_ =	shalt  }
0x50: {  	_ =	shalt  }
0x51: {  	_ =	shalt  }
0x52: {  	_ =	shalt  }
0x53: {  	_ =	shalt  }
0x54: {  	_ =	shalt  }
0x55: {  	_ =	shalt  }
0x56: {  	_ =	shalt  }
0x57: {  	_ =	shalt  }
0x58: {  	_ =	shalt  }
0x59: {  	_ =	shalt  }
0x5a: {  	_ =	shalt  }
0x5b: {  	_ =	shalt  }
0x5c: {  	_ =	shalt  }
0x5d: {  	_ =	shalt  }
0x5e: {  	_ =	shalt  }
0x5f: {  	_ =	shalt  }
0x60: {  	_ =	shalt  }
0x61: {  	_ =	shalt  }
0x62: {  	_ =	shalt  }
0x63: {  	_ =	shalt  }
0x64: {  	_ =	shalt  }
0x65: {  	_ =	shalt  }
0x66: {  	_ =	shalt  }
0x67: {  	_ =	shalt  }
0x68: {  	_ =	shalt  }
0x69: {  	_ =	shalt  }
0x6a: {  	_ =	shalt  }
0x6b: {  	_ =	shalt  }
0x6c: {  	_ =	shalt  }
0x6d: {  	_ =	shalt  }
0x6e: {  	_ =	shalt  }
0x6f: {  	_ =	shalt  }
0x70: {  	_ =	shalt  }
0x71: {  	_ =	shalt  }
0x72: {  	_ =	shalt  }
0x73: {  	_ =	shalt  }
0x74: {  	_ =	shalt  }
0x75: {  	_ =	shalt  }
0x76: {  	_ =	shalt  }
0x77: {  	_ =	shalt  }
0x78: {  	_ =	shalt  }
0x79: {  	_ =	shalt  }
0x7a: {  	_ =	shalt  }
0x7b: {  	_ =	shalt  }
0x7c: {  	_ =	shalt  }
0x7d: {  	_ =	shalt  }
0x7e: {  	_ =	shalt  }
0x7f: {  	_ =	shalt  }
0x80: {  	_ =	shalt  }
0x81: {  	_ =	shalt  }
0x82: {  	_ =	shalt  }
0x83: {  	_ =	shalt  }
0x84: {  	_ =	shalt  }
0x85: {  	_ =	shalt  }
0x86: {  	_ =	shalt  }
0x87: {  	_ =	shalt  }
.Lfunc_end0:
.L_simem_size_0:
called_computation.1_lowered:
.L_overlay_start_0:
0x88: {  	s2 =	sld [smem:$0x3FD9]  }
0x89: {  	s3 =	sld [smem:$0x3FFE];
	_ =	sdelay $0x1  }
0x8a: {  	s1 =	srdreg.scid  }
0x8b: {  	s0 =	sand.u32 $0x1, s1  }
0x8c: {  	s17 =	sshll.u32 s0, $0xA;
	s2 =	sadd.s32 s3, s2  }
0x8d: {  	s2 =	sadd.s32 s2, s17  }
0x8e: {  	[smem:$0x3FC6] =	sst s2  }
0x8f: {  	_ = 	snop  }
0x90: {  	s2 =	sld [smem:$0x3FD0];
	(tm) =	ssettm $0x1  }
0x91: {  	s18 =	sld [smem:$0x3FFB];
	_ =	sdelay $0x3  }
0x92: {  	_ =	strace s18  }
0x93: {  	s3 =	sld [smem:$0x3FFC];
	_ =	sdelay $0x3  }
0x94: {  	_ =	strace s3  }
0x95: {  	s3 =	sld [smem:$0x3FFD];
	_ =	sdelay $0x3  }
0x96: {  	_ =	strace s3  }
0x97: {  	_ =	strace $0x8FFFFFFF  }
0x98: {  	s19 =	sld [smem:$0x3FDB];
	_ =	sdelay $0x1  }
0x99: {  	s4 =	simm.s32 $_scs_section_size  }
0x9a: {  	s5 =	simm.s32 $_size__tile_overlayer_lowered;
	s6 =	simm.s32 $_tile_overlayer_lowered  }
0x9b: {  	s22 =	simm.s32 $0x1BFF;
	s21 =	sshll.u32 s6, $0x1;
	s3 =	sadd.s32 s4, s19  }
0x9c: {  	s7 =	simm.s32 $0x0;
	s20 =	sshll.u32 s5, $0x1;
	s5 =	sadd.s32 s21, s3  }
0x9d: {  	[timem:s7], [sflag:s22] =	dma.local [hbm:s5], s20  }
0x9e: {  	_ =	swait.ge [sflag:s22], s20  }
0x9f: {  	s4 =	ssub.s32 $0x0, s20;
	[sflag:s22] =	ssyncset.done $0x0  }
0xa0: {  	[sflag:s22] =	ssyncadd.s32 s4;
	_ =	sdelay $0x1  }
0xa1: {  	s23 =	simm.s32 $0x1B8B  }
0xa2: {  	_ =	swait.ge [sflag:s23], $0x1  }
0xa3: {  	[sflag:s23] =	ssyncset.done $0x0  }
0xa4: {  	s25 =	simm.s32 $0x1B8E;
	s24 =	sld [smem:$0x3FFE];
	[sflag:s23] =	ssyncadd.s32 $0xFFFFFFFF  }
0xa5: {  	s26 =	simm.s32 $execute0_lowered;
	[smem:$0x3FD2] =	sst s25  }
0xa6: {  	s5 =	sshll.u32 s26, $0x1;
	_ =	strace $0x80000049;
	[dreg:$0x1] =	wrdreg $0xFFFFFFFF  }
0xa7: {  	s28 =	simm.s32 $_size_execute0_lowered;
	s3 =	sadd.s32 s3, s5;
	[dreg:$0x0] =	wrdreg $0x0  }
0xa8: {  	s5 =	sshll.u32 s28, $0x1;
	[dreg:$0x2] =	wrdreg s3  }
0xa9: {  	[dreg:$0x3] =	wrdreg s5  }
0xaa: {  	[dreg:$0x4] =	wrdreg $0xC0  }
0xab: {  	_ =	task [dreg:s7], $0x5FFFF  }
0xac: {  	[dreg:$0x1] =	wrdreg $0xFFFFFFFF  }
0xad: {  	[dreg:$0x0] =	wrdreg $0x60  }
0xae: {  	[dreg:$0x2] =	wrdreg s24  }
0xaf: {  	[dreg:$0x3] =	wrdreg s2  }
0xb0: {  	[dreg:$0x4] =	wrdreg $0x9  }
0xb1: {  	_ =	task.clear_ibuf [dreg:s7], $0x5FFFF;
	_ =	strace $0x90000049  }
0xb2: {  	s29 =	simm.s32 $0x9;
	_ =	strace $0x8000004B  }
0xb3: {  	_ =	swait.ge [sflag:s29], $0x1  }
0xb4: {  	[sflag:s29] =	ssyncadd.s32 $0xFFFFFFFF  }
0xb5: {  	_ =	strace $0x9000004B  }
0xb6: {  	_ =	sfence  }
0xb7: {  	s30 =	sld [smem:$0x0];
	_ =	sdelay $0x2  }
0xb8: {  	s31 =	sshll.u32 s1, $0xD;
	s1 =	sshrl.u32 s1, $0x2  }
0xb9: {  	s3 =	sand.u32 $0x4000, s31;
	s1 =	sadd.s32 s1, s30  }
0xba: {  	s0 =	sor.u32 s3, s0;
	s1 =	sshll.u32 s1, $0x11  }
0xbb: {  	s0 =	sor.u32 s1, s0  }
0xbc: {  	s0 =	sadd.s32 $0x8F2B, s0  }
0xbd: {  	[sflag:s0] =	ssyncadd.remote.s32 $0x1  }
0xbe: {  	_ =	sfence.sel $0xFFFF  }
0xbf: {  	[dreg:$0x0] =	wrdreg $0xFFFFFFFF;
	(pc) =	sbr.abs _section_cstart, $3  }
0xc0: {  	[dreg:$0x1] =	wrdreg $0xFFFFFFFF  }
0xc1: {  	_ =	task.clear_ibuf [dreg:s7], $0x2FFFF;
	_ =	strace $0x9FFFFFFF  }
0xc2: {  	(tm) =	ssettm $0x7FFFFFFF  }
0xc3: {  	_ =	shalt  }
tec
execute0_lowered:
.L_overlay_start_1:
0x0: {  	(tag) =	ssettag $0x1  }
0x1: {  	v0 =	vlaneseq.u32  }
0x2: {  	s0 =	srdreg.scid;
	v0 =	vmul.u32 $0x20, v0  }
0x3: {  	s2 =	stileid.u32;
	s1 =	rddreg [dreg:$0x0]  }
0x4: {  	s3 =	rddreg [dreg:$0x1];
	s5 =	simm.s32 $0x0;
	s0 =	sand.u32 $0x1, s0;
	v1 =	vor.u32 $0x200, v0  }
0x5: {  	s2 =	sshll.u32 s2, $0x1;
	[smem:$0x7FF] =	sst s5;
	s28 =	sadd.s32 $0x4000, s3;
	v2 =	vor.u32 $0x400, v0;
	v3 =	vor.u32 $0x600, v0;
	v4 =	vor.u32 $0x800, v0  }
0x6: {  	s29 =	sadd.s32 $0x8000, s3;
	s30 =	sadd.s32 $0xC000, s3;
	s2 =	sor.u32 s0, s2;
	v5 =	vor.u32 $0xA00, v0;
	v6 =	vor.u32 $0xC00, v0;
	v7 =	vor.u32 $0xE00, v0  }
0x7: {  	_ =	strace $0x8000004A;
	[dreg:$0x6] =	wrdreg s28;
	s4 =	smul.u32 $0x680, s2;
	v8 =	vor.u32 $0x1000, v0;
	v9 =	vor.u32 $0x1200, v0;
	v10 =	vor.u32 $0x1400, v0  }
0x8: {  	s0 =	ssub.s32 $0x2, s0;
	[dreg:$0x7] =	wrdreg s29;
	s2 =	smul.u32 $0x1A, s2;
	v11 =	vor.u32 $0x1600, v0;
	v12 =	vor.u32 $0x1800, v0;
	v13 =	vor.u32 $0x1A00, v0  }
0x9: {  	[dreg:$0x8] =	wrdreg s30;
	s25 =	sshrl.u32 s0, $0x1;
	v14 =	vor.u32 $0x1C00, v0;
	v15 =	vor.u32 $0x1E00, v0;
	v16 =	vor.u32 $0x2000, v0;
	s4 =	sadd.s32 s4, s1  }
.Ltmp0:
0xa: {  	v17 =	vor.u32 $0x2200, v0;
	v18 =	vor.u32 $0x2400, v0;
	v19 =	vor.u32 $0x2600, v0;
	s1 =	sadd.s32 $0xA00, s1;
	[dreg:$0x4] =	wrdreg s2;
	(pc) =	sbr.rel .LBB2_1-.Ltmp0, $4  }
0xb: {  	v20 =	vor.u32 $0x2800, v0;
	v21 =	vor.u32 $0x2A00, v0;
	v22 =	vor.u32 $0x2C00, v0;
	s0 =	ssub.s32 s0, s25;
	s31 =	sadd.s32 $0x19, s2;
	[dreg:$0x3] =	wrdreg s1  }
0xc: {  	v23 =	vor.u32 $0x2E00, v0;
	v24 =	vor.u32 $0x3000, v0;
	v25 =	vor.u32 $0x3200, v0;
	s0 =	smax.u32 s0, $0x1;
	[dreg:$0x9] =	wrdreg s31  }
0xd: {  	s14 =	simm.s32 $0x3400;
	v26 =	vor.u32 $0x3400, v0;
	v27 =	vor.u32 $0x3600, v0;
	v28 =	vor.u32 $0x3800, v0;
	s26 =	sadd.s32 $0x3D1400, s4;
	[dreg:$0xa] =	wrdreg s0  }
0xe: {  	s15 =	simm.s32 $0x7400;
	v29 =	vor.u32 $0x3A00, v0;
	v30 =	vor.u32 $0x3C00, v0;
	v31 =	vor.u32 $0x3E00, v0;
	s2 =	simm.s32 $0x0;
	[dreg:$0x5] =	wrdreg s26  }
.LBB2_10:
0xf: {  	s0 =	simm.s32 $0x3  }
0x10: {  	_ =	swait.ge [sflag:s0], $0x1000  }
0x11: {  	[sflag:s0] =	ssyncset.done $0x0  }
0x12: {  	[sflag:s0] =	ssyncadd.s32 $0xFFFFF000  }
0x13: {  	_ =	swait.ge [sflag:s0], $0x1000  }
0x14: {  	[sflag:s0] =	ssyncset.done $0x0  }
0x15: {  	[sflag:s0] =	ssyncadd.s32 $0xFFFFF000  }
0x16: {  	_ =	swait.ge [sflag:s0], $0x1000  }
0x17: {  	[sflag:s0] =	ssyncset.done $0x0  }
0x18: {  	[sflag:s0] =	ssyncadd.s32 $0xFFFFF000  }
0x19: {  	_ =	swait.ge [sflag:s0], $0x1000  }
0x1a: {  	[sflag:s0] =	ssyncset.done $0x0  }
0x1b: {  	s1 =	simm.s32 $0x4;
	[sflag:s0] =	ssyncadd.s32 $0xFFFFF000  }
0x1c: {  	_ =	swait.ge [sflag:s1], $0x1000  }
0x1d: {  	[sflag:s1] =	ssyncset.done $0x0  }
0x1e: {  	[sflag:s1] =	ssyncadd.s32 $0xFFFFF000  }
0x1f: {  	_ =	swait.ge [sflag:s1], $0x1000  }
0x20: {  	[sflag:s1] =	ssyncset.done $0x0  }
0x21: {  	[sflag:s1] =	ssyncadd.s32 $0xFFFFF000  }
0x22: {  	_ =	swait.ge [sflag:s1], $0x1000  }
0x23: {  	[sflag:s1] =	ssyncset.done $0x0  }
0x24: {  	[sflag:s1] =	ssyncadd.s32 $0xFFFFF000  }
0x25: {  	_ =	swait.ge [sflag:s1], $0x1000  }
0x26: {  	s2 =	rddreg [dreg:$0xb]  }
0x27: {  	s31 =	rddreg [dreg:$0xa];
	s2 =	sadd.s32 $0x1, s2  }
0x28: {  	p0 =	sne.s32 s2, s31  }
.Ltmp1:
0x29: {  	_ = 	snop;
	(pc) =	sbr.rel @!p0 .LBB2_11-.Ltmp1, $3  }
0x2a: {  	_ =	sdelay $0x1  }
0x2b: {  	[sflag:s1] =	ssyncset.done $0x0  }
0x2c: {  	[sflag:s1] =	ssyncadd.s32 $0xFFFFF000  }
.LBB2_1:
0x2d: {  	[dreg:$0xb] =	wrdreg s2  }
0x2e: {  	s0 =	simm.s32 $0x0;
	s1 =	rddreg [dreg:$0x5];
	s28 =	simm.s32 $0x5  }
0x2f: {  	[tilespmem:s0], [sflag:$0x5] =	stream.linear.gather [hbm4b:s1+s0], $0x3400, $0x38;
	[tilespmem:$0x13400] =	vst v63  }
0x30: {  	_ =	swait.ge [sflag:s28], $0x3400  }
0x31: {  	[sflag:s28] =	ssyncset.done $0x0  }
0x32: {  	s31 =	simm.s32 $0x200;
	s29 =	rddreg [dreg:$0x3];
	[sflag:s28] =	ssyncadd.s32 $0xFFFFCC00  }
0x33: {  	[tilespmem:s14], [sflag:$0x1] =	stream.indirect.gather [hbm4b:s29+s31], $0x20, s0, s31, $0xb8;
	[tilespmem:$0x13400] =	vst v63  }
0x34: {  	s30 =	simm.s32 $0x0  }
0x35: {  	[tilespmem:s15], [sflag:$0x2] =	stream.indirect.gather [hbm4b:s29+s31], $0x20, s31, s31, $0xb8;
	[tilespmem:$0x13400] =	vst v63  }
.LBB2_2:
0x36: {  	p0 =	seq.s32 s30, $0x0  }
0x37: {  	s1 =	simm.s32 @!p0 $0x3  }
0x38: {  	_ =	swait.ge @!p0 [sflag:s1], $0x1000  }
0x39: {  	[sflag:s1] =	ssyncset.done @!p0 $0x0  }
0x3a: {  	[sflag:s1] =	ssyncadd.s32 @!p0 $0xFFFFF000  }
0x3b: {  	_ =	swait.ge @!p0 [sflag:s1], $0x1000  }
0x3c: {  	[sflag:s1] =	ssyncset.done @!p0 $0x0  }
0x3d: {  	s0 =	simm.s32 $0x3;
	[sflag:s1] =	ssyncadd.s32 @!p0 $0xFFFFF000  }
0x3e: {  	s2 =	simm.s32 $0x1;
	v32 =	vmov s0;
	_ =	swait.ge @!p0 [sflag:s1], $0x1000  }
0x3f: {  	s31 =	simm.s32 $0x2;
	v33 =	vmov s2;
	v32 =	vand.u32 $0x1F, v32;
	[sflag:s1] =	ssyncset.done @!p0 $0x0  }
0x40: {  	s0 =	simm.s32 $0x0;
	v48 =	vmov s31;
	v33 =	vand.u32 $0x1D, v33;
	v41 =	vbroadcast v32, $0x0;
	[sflag:s1] =	ssyncadd.s32 @!p0 $0xFFFFF000  }
0x41: {  	v49 =	vmov s0;
	v37 =	vbroadcast v33, $0x0;
	v32 =	vand.u32 $0x1E, v48;
	_ =	swait.ge @!p0 [sflag:s1], $0x1000  }
0x42: {  	v50 =	vand.u32 $0x1C, v49;
	v38 =	vbroadcast v32, $0x0;
	v34 =	vor.u32 v0, v41;
	[sflag:s1] =	ssyncset.done @!p0 $0x0  }
0x43: {  	s10 =	simm.s32 $0x1;
	v39 =	vbroadcast v50, $0x0;
	v51 =	vor.u32 v0, v37;
	[sflag:s1] =	ssyncadd.s32 @!p0 $0xFFFFF000  }
0x44: {  	v52 =	vor.u32 v0, v38;
	_ =	swait.ge [sflag:s10], $0x4000  }
0x45: {  	v35 =	vor.u32 v0, v39;
	[sflag:s10] =	ssyncset.done $0x0  }
0x46: {  	[sflag:s10] =	ssyncadd.s32 $0xFFFFC000  }
0x47: {  	v34 =	vld.idx.msk [tilespmem:v34+s14+$0x0], $0xffff  }
0x48: {  	v36 =	vor.u32 v1, v41;
	v33 =	vld.idx.msk [tilespmem:v51+s14+$0x0], $0xffff  }
0x49: {  	s5 =	simm.s32 $0x180;
	s11 =	sand.u32 $0x3000, s0;
	v40 =	vor.u32 v1, v37;
	v32 =	vld.idx.msk [tilespmem:v52+s14+$0x0], $0xffff  }
0x4a: {  	s12 =	sand.u32 $0x380, s5;
	v42 =	vor.u32 v1, v38;
	s1 =	sadd.s32 $0xB400, s11;
	s10 =	simm.s32 $0x80;
	v35 =	vld.idx.msk [tilespmem:v35+s14+$0x0], $0xffff  }
0x4b: {  	s6 =	simm.s32 $0x100;
	v43 =	vor.u32 v1, v39;
	s7 =	sor.u32 s12, s1;
	s4 =	sand.u32 $0x280, s10  }
0x4c: {  	s2 =	simm.s32 $0x0;
	s9 =	sand.u32 $0x300, s6;
	s8 =	sor.u32 s4, s1;
	[tilespmem:s7+$0x0] =	vst v34  }
0x4d: {  	s11 =	sand.u32 $0x200, s2;
	s13 =	sor.u32 s9, s1;
	[tilespmem:s8+$0x0] =	vst v33;
	v34 =	vld.idx.msk [tilespmem:v36+s14+$0x0], $0xffff  }
0x4e: {  	v53 =	vor.u32 v2, v41;
	s1 =	sor.u32 s11, s1;
	[tilespmem:s13+$0x0] =	vst v32;
	v54 =	vld.idx.msk [tilespmem:v40+s14+$0x0], $0xffff  }
0x4f: {  	v55 =	vor.u32 v2, v37;
	[tilespmem:s1+$0x0] =	vst v35;
	v32 =	vld.idx.msk [tilespmem:v42+s14+$0x0], $0xffff  }
0x50: {  	v57 =	vor.u32 v2, v38;
	v56 =	vld.idx.msk [tilespmem:v43+s14+$0x0], $0xffff  }
0x51: {  	v58 =	vor.u32 v2, v39  }
0x52: {  	[tilespmem:s7+$0x10] =	vst v34  }
0x53: {  	[tilespmem:s8+$0x10] =	vst v54;
	v33 =	vld.idx.msk [tilespmem:v53+s14+$0x0], $0xffff  }
0x54: {  	v59 =	vor.u32 v3, v41;
	[tilespmem:s13+$0x10] =	vst v32;
	v35 =	vld.idx.msk [tilespmem:v55+s14+$0x0], $0xffff  }
0x55: {  	v60 =	vor.u32 v3, v37;
	[tilespmem:s1+$0x10] =	vst v56;
	v32 =	vld.idx.msk [tilespmem:v57+s14+$0x0], $0xffff  }
0x56: {  	v61 =	vor.u32 v3, v38;
	v40 =	vld.idx.msk [tilespmem:v58+s14+$0x0], $0xffff  }
0x57: {  	v62 =	vor.u32 v3, v39  }
0x58: {  	[tilespmem:s7+$0x20] =	vst v33  }
0x59: {  	[tilespmem:s8+$0x20] =	vst v35;
	v33 =	vld.idx.msk [tilespmem:v59+s14+$0x0], $0xffff  }
0x5a: {  	v63 =	vor.u32 v4, v41;
	[tilespmem:s13+$0x20] =	vst v32;
	v35 =	vld.idx.msk [tilespmem:v60+s14+$0x0], $0xffff  }
0x5b: {  	v45 =	vor.u32 v4, v37;
	[tilespmem:s1+$0x20] =	vst v40;
	v32 =	vld.idx.msk [tilespmem:v61+s14+$0x0], $0xffff  }
0x5c: {  	v46 =	vor.u32 v4, v38;
	v40 =	vld.idx.msk [tilespmem:v62+s14+$0x0], $0xffff  }
0x5d: {  	v47 =	vor.u32 v4, v39  }
0x5e: {  	[tilespmem:s7+$0x30] =	vst v33  }
0x5f: {  	[tilespmem:s8+$0x30] =	vst v35;
	v33 =	vld.idx.msk [tilespmem:v63+s14+$0x0], $0xffff  }
0x60: {  	v48 =	vor.u32 v5, v41;
	[tilespmem:s13+$0x30] =	vst v32;
	v35 =	vld.idx.msk [tilespmem:v45+s14+$0x0], $0xffff  }
0x61: {  	v49 =	vor.u32 v5, v37;
	[tilespmem:s1+$0x30] =	vst v40;
	v32 =	vld.idx.msk [tilespmem:v46+s14+$0x0], $0xffff  }
0x62: {  	v50 =	vor.u32 v5, v38;
	v40 =	vld.idx.msk [tilespmem:v47+s14+$0x0], $0xffff  }
0x63: {  	v51 =	vor.u32 v5, v39  }
0x64: {  	[tilespmem:s7+$0x40] =	vst v33  }
0x65: {  	[tilespmem:s8+$0x40] =	vst v35;
	v33 =	vld.idx.msk [tilespmem:v48+s14+$0x0], $0xffff  }
0x66: {  	v52 =	vor.u32 v6, v41;
	[tilespmem:s13+$0x40] =	vst v32;
	v35 =	vld.idx.msk [tilespmem:v49+s14+$0x0], $0xffff  }
0x67: {  	v53 =	vor.u32 v6, v37;
	[tilespmem:s1+$0x40] =	vst v40;
	v32 =	vld.idx.msk [tilespmem:v50+s14+$0x0], $0xffff  }
0x68: {  	v54 =	vor.u32 v6, v38;
	v40 =	vld.idx.msk [tilespmem:v51+s14+$0x0], $0xffff  }
0x69: {  	v55 =	vor.u32 v6, v39  }
0x6a: {  	[tilespmem:s7+$0x50] =	vst v33  }
0x6b: {  	[tilespmem:s8+$0x50] =	vst v35;
	v33 =	vld.idx.msk [tilespmem:v52+s14+$0x0], $0xffff  }
0x6c: {  	v56 =	vor.u32 v7, v41;
	[tilespmem:s13+$0x50] =	vst v32;
	v35 =	vld.idx.msk [tilespmem:v53+s14+$0x0], $0xffff  }
0x6d: {  	v57 =	vor.u32 v7, v37;
	[tilespmem:s1+$0x50] =	vst v40;
	v32 =	vld.idx.msk [tilespmem:v54+s14+$0x0], $0xffff  }
0x6e: {  	v58 =	vor.u32 v7, v38;
	v40 =	vld.idx.msk [tilespmem:v55+s14+$0x0], $0xffff  }
0x6f: {  	v59 =	vor.u32 v7, v39  }
0x70: {  	[tilespmem:s7+$0x60] =	vst v33  }
0x71: {  	[tilespmem:s8+$0x60] =	vst v35;
	v33 =	vld.idx.msk [tilespmem:v56+s14+$0x0], $0xffff  }
0x72: {  	v60 =	vor.u32 v8, v41;
	[tilespmem:s13+$0x60] =	vst v32;
	v35 =	vld.idx.msk [tilespmem:v57+s14+$0x0], $0xffff  }
0x73: {  	v61 =	vor.u32 v8, v37;
	[tilespmem:s1+$0x60] =	vst v40;
	v32 =	vld.idx.msk [tilespmem:v58+s14+$0x0], $0xffff  }
0x74: {  	v62 =	vor.u32 v8, v38;
	v40 =	vld.idx.msk [tilespmem:v59+s14+$0x0], $0xffff  }
0x75: {  	v63 =	vor.u32 v8, v39  }
0x76: {  	[tilespmem:s7+$0x70] =	vst v33  }
0x77: {  	[tilespmem:s8+$0x70] =	vst v35;
	v33 =	vld.idx.msk [tilespmem:v60+s14+$0x0], $0xffff  }
0x78: {  	v45 =	vor.u32 v9, v41;
	[tilespmem:s13+$0x70] =	vst v32;
	v35 =	vld.idx.msk [tilespmem:v61+s14+$0x0], $0xffff  }
0x79: {  	v46 =	vor.u32 v9, v37;
	[tilespmem:s1+$0x70] =	vst v40;
	v32 =	vld.idx.msk [tilespmem:v62+s14+$0x0], $0xffff  }
0x7a: {  	v47 =	vor.u32 v9, v38;
	v40 =	vld.idx.msk [tilespmem:v63+s14+$0x0], $0xffff  }
0x7b: {  	v48 =	vor.u32 v9, v39  }
0x7c: {  	[tilespmem:s7+$0x400] =	vst v33  }
0x7d: {  	[tilespmem:s8+$0x400] =	vst v35;
	v33 =	vld.idx.msk [tilespmem:v45+s14+$0x0], $0xffff  }
0x7e: {  	v49 =	vor.u32 v10, v41;
	[tilespmem:s13+$0x400] =	vst v32;
	v35 =	vld.idx.msk [tilespmem:v46+s14+$0x0], $0xffff  }
0x7f: {  	v50 =	vor.u32 v10, v37;
	[tilespmem:s1+$0x400] =	vst v40;
	v32 =	vld.idx.msk [tilespmem:v47+s14+$0x0], $0xffff  }
0x80: {  	v51 =	vor.u32 v10, v38;
	v40 =	vld.idx.msk [tilespmem:v48+s14+$0x0], $0xffff  }
0x81: {  	v52 =	vor.u32 v10, v39  }
0x82: {  	[tilespmem:s7+$0x410] =	vst v33  }
0x83: {  	[tilespmem:s8+$0x410] =	vst v35;
	v33 =	vld.idx.msk [tilespmem:v49+s14+$0x0], $0xffff  }
0x84: {  	v53 =	vor.u32 v11, v41;
	[tilespmem:s13+$0x410] =	vst v32;
	v35 =	vld.idx.msk [tilespmem:v50+s14+$0x0], $0xffff  }
0x85: {  	v54 =	vor.u32 v11, v37;
	[tilespmem:s1+$0x410] =	vst v40;
	v32 =	vld.idx.msk [tilespmem:v51+s14+$0x0], $0xffff  }
0x86: {  	v55 =	vor.u32 v11, v38;
	v40 =	vld.idx.msk [tilespmem:v52+s14+$0x0], $0xffff  }
0x87: {  	v56 =	vor.u32 v11, v39  }
0x88: {  	[tilespmem:s7+$0x420] =	vst v33  }
0x89: {  	[tilespmem:s8+$0x420] =	vst v35;
	v33 =	vld.idx.msk [tilespmem:v53+s14+$0x0], $0xffff  }
0x8a: {  	v57 =	vor.u32 v12, v41;
	[tilespmem:s13+$0x420] =	vst v32;
	v35 =	vld.idx.msk [tilespmem:v54+s14+$0x0], $0xffff  }
0x8b: {  	v58 =	vor.u32 v12, v37;
	[tilespmem:s1+$0x420] =	vst v40;
	v32 =	vld.idx.msk [tilespmem:v55+s14+$0x0], $0xffff  }
0x8c: {  	v59 =	vor.u32 v12, v38;
	v40 =	vld.idx.msk [tilespmem:v56+s14+$0x0], $0xffff  }
0x8d: {  	v60 =	vor.u32 v12, v39  }
0x8e: {  	[tilespmem:s7+$0x430] =	vst v33  }
0x8f: {  	[tilespmem:s8+$0x430] =	vst v35;
	v33 =	vld.idx.msk [tilespmem:v57+s14+$0x0], $0xffff  }
0x90: {  	v61 =	vor.u32 v13, v41;
	[tilespmem:s13+$0x430] =	vst v32;
	v35 =	vld.idx.msk [tilespmem:v58+s14+$0x0], $0xffff  }
0x91: {  	v62 =	vor.u32 v13, v37;
	[tilespmem:s1+$0x430] =	vst v40;
	v32 =	vld.idx.msk [tilespmem:v59+s14+$0x0], $0xffff  }
0x92: {  	v63 =	vor.u32 v13, v38;
	v40 =	vld.idx.msk [tilespmem:v60+s14+$0x0], $0xffff  }
0x93: {  	v45 =	vor.u32 v13, v39  }
0x94: {  	[tilespmem:s7+$0x440] =	vst v33  }
0x95: {  	[tilespmem:s8+$0x440] =	vst v35;
	v33 =	vld.idx.msk [tilespmem:v61+s14+$0x0], $0xffff  }
0x96: {  	v46 =	vor.u32 v14, v41;
	[tilespmem:s13+$0x440] =	vst v32;
	v35 =	vld.idx.msk [tilespmem:v62+s14+$0x0], $0xffff  }
0x97: {  	v47 =	vor.u32 v14, v37;
	[tilespmem:s1+$0x440] =	vst v40;
	v32 =	vld.idx.msk [tilespmem:v63+s14+$0x0], $0xffff  }
0x98: {  	v48 =	vor.u32 v14, v38;
	v40 =	vld.idx.msk [tilespmem:v45+s14+$0x0], $0xffff  }
0x99: {  	v49 =	vor.u32 v14, v39  }
0x9a: {  	[tilespmem:s7+$0x450] =	vst v33  }
0x9b: {  	[tilespmem:s8+$0x450] =	vst v35;
	v33 =	vld.idx.msk [tilespmem:v46+s14+$0x0], $0xffff  }
0x9c: {  	v50 =	vor.u32 v15, v41;
	[tilespmem:s13+$0x450] =	vst v32;
	v35 =	vld.idx.msk [tilespmem:v47+s14+$0x0], $0xffff  }
0x9d: {  	v51 =	vor.u32 v15, v37;
	[tilespmem:s1+$0x450] =	vst v40;
	v32 =	vld.idx.msk [tilespmem:v48+s14+$0x0], $0xffff  }
0x9e: {  	v52 =	vor.u32 v15, v38;
	v40 =	vld.idx.msk [tilespmem:v49+s14+$0x0], $0xffff  }
0x9f: {  	v53 =	vor.u32 v15, v39  }
0xa0: {  	[tilespmem:s7+$0x460] =	vst v33  }
0xa1: {  	[tilespmem:s8+$0x460] =	vst v35;
	v33 =	vld.idx.msk [tilespmem:v50+s14+$0x0], $0xffff  }
0xa2: {  	s16 =	simm.s32 $0x5;
	v54 =	vor.u32 v16, v41;
	[tilespmem:s13+$0x460] =	vst v32;
	v36 =	vld.idx.msk [tilespmem:v51+s14+$0x0], $0xffff  }
0xa3: {  	v55 =	vor.u32 v16, v37;
	v56 =	vmov s16;
	[tilespmem:s1+$0x460] =	vst v40;
	v32 =	vld.idx.msk [tilespmem:v52+s14+$0x0], $0xffff  }
0xa4: {  	v58 =	vor.u32 v16, v38;
	v35 =	vand.u32 $0x1D, v56;
	v57 =	vld.idx.msk [tilespmem:v53+s14+$0x0], $0xffff  }
0xa5: {  	v44 =	vor.u32 v16, v39;
	v35 =	vbroadcast v35, $0x0  }
0xa6: {  	[tilespmem:s7+$0x470] =	vst v33  }
0xa7: {  	s18 =	simm.s32 $0x6;
	s17 =	sand.u32 $0x7, s0;
	v45 =	vor.u32 v0, v35;
	[tilespmem:s8+$0x470] =	vst v36;
	v33 =	vld.idx.msk [tilespmem:v54+s14+$0x0], $0xffff  }
0xa8: {  	s23 =	simm.s32 $0x7;
	s21 =	sand.u32 $0x3, s0;
	v59 =	vor.u32 v17, v41;
	v60 =	vmov s18;
	s7 =	sshll.u32 s17, $0x7;
	[tilespmem:s13+$0x470] =	vst v32;
	v40 =	vld.idx.msk [tilespmem:v55+s14+$0x0], $0xffff  }
0xa9: {  	p0 =	por $0x0, $0x0;
	s9 =	simm.s32 $0x1;
	v61 =	vand.u32 $0x1E, v60;
	v63 =	vor.u32 v17, v37;
	v52 =	vmov s23;
	[tilespmem:s1+$0x470] =	vst v57;
	s19 =	sadd.s32 $0x0, s7;
	v62 =	vld.idx.msk [tilespmem:v58+s14+$0x0], $0xffff  }
0xaa: {  	s9 =	simm.s32 @!p0 $0x0;
	v46 =	vor.u32 v17, v38;
	v53 =	vand.u32 $0x1F, v52;
	v32 =	vbroadcast v61, $0x0;
	s7 =	sshll.u32 s21, $0x8;
	v44 =	vld.idx.msk [tilespmem:v44+s14+$0x0], $0xffff;
	s22 =	sadd.s32 $0x180, s19  }
0xab: {  	v47 =	vor.u32 v17, v39;
	v36 =	vbroadcast v53, $0x0;
	s24 =	sadd.s32 $0x0, s7;
	s4 =	sadd.s32 $0x80, s19;
	s20 =	sor.u32 $0x800, s22  }
0xac: {  	s25 =	sshll.u32 s9, $0x9;
	v48 =	vor.u32 v0, v32;
	v45 =	vld.idx.msk [tilespmem:v45+s14+$0x0], $0xffff;
	s26 =	sadd.s32 $0x100, s24;
	s13 =	sor.u32 $0x800, s4;
	[tilespmem:s20+$0xB400] =	vst v33  }
0xad: {  	s7 =	sadd.s32 $0x0, s25;
	v56 =	vor.u32 v0, v36;
	s28 =	sor.u32 $0x800, s26;
	[tilespmem:s13+$0xB400] =	vst v40;
	v34 =	vld.idx.msk [tilespmem:v59+s14+$0x0], $0xffff  }
0xae: {  	s29 =	simm.s32 $0x800;
	v53 =	vor.u32 v1, v35;
	s3 =	sor.u32 $0x800, s7;
	[tilespmem:s28+$0xB400] =	vst v62;
	v43 =	vld.idx.msk [tilespmem:v63+s14+$0x0], $0xffff  }
0xaf: {  	s1 =	simm.s32 $0x4;
	s8 =	simm.s32 $0x280;
	v54 =	vor.u32 v18, v41;
	s19 =	sand.u32 $0x3000, s29;
	[tilespmem:s3+$0xB400] =	vst v44;
	v57 =	vld.idx.msk [tilespmem:v46+s14+$0x0], $0xffff  }
0xb0: {  	s18 =	simm.s32 $0x9;
	v55 =	vmov s1;
	v58 =	vor.u32 v18, v37;
	s23 =	sand.u32 $0x280, s8;
	s12 =	sadd.s32 $0xB400, s19;
	v47 =	vld.idx.msk [tilespmem:v47+s14+$0x0], $0xffff  }
0xb1: {  	v49 =	vmov s18;
	v50 =	vor.u32 v18, v38;
	s11 =	sor.u32 s23, s12;
	v33 =	vand.u32 $0x1C, v55;
	v48 =	vld.idx.msk [tilespmem:v48+s14+$0x0], $0xffff  }
0xb2: {  	v60 =	vor.u32 v18, v39;
	v33 =	vbroadcast v33, $0x0;
	v59 =	vand.u32 $0x1D, v49;
	v42 =	vld.idx.msk [tilespmem:v56+s14+$0x0], $0xffff;
	[tilespmem:s11+$0x0] =	vst v45  }
0xb3: {  	v63 =	vor.u32 v1, v36;
	[tilespmem:s20+$0xB410] =	vst v34;
	v34 =	vbroadcast v59, $0x0;
	v59 =	vld.idx.msk [tilespmem:v53+s14+$0x0], $0xffff  }
0xb4: {  	s17 =	simm.s32 $0x380;
	v51 =	vor.u32 v0, v33;
	[tilespmem:s13+$0xB410] =	vst v43;
	v40 =	vld.idx.msk [tilespmem:v54+s14+$0x0], $0xffff  }
0xb5: {  	v61 =	vor.u32 v19, v41;
	s21 =	sand.u32 $0x380, s17;
	[tilespmem:s28+$0xB410] =	vst v57;
	v46 =	vld.idx.msk [tilespmem:v58+s14+$0x0], $0xffff  }
0xb6: {  	s18 =	sor.u32 s21, s12;
	[tilespmem:s3+$0xB410] =	vst v47;
	v50 =	vld.idx.msk [tilespmem:v50+s14+$0x0], $0xffff;
	v62 =	vor.u32 v0, v34  }
0xb7: {  	v52 =	vor.u32 v19, v37;
	s22 =	simm.s32 $0x300;
	[tilespmem:s18+$0x0] =	vst v42;
	v49 =	vld.idx.msk [tilespmem:v60+s14+$0x0], $0xffff  }
0xb8: {  	s16 =	sand.u32 $0x300, s22;
	v54 =	vor.u32 v1, v32;
	v42 =	vld.idx.msk [tilespmem:v63+s14+$0x0], $0xffff  }
0xb9: {  	s16 =	sor.u32 s16, s12;
	v60 =	vor.u32 v2, v36;
	v51 =	vld.idx.msk [tilespmem:v51+s14+$0x0], $0xffff;
	[tilespmem:s20+$0xB420] =	vst v40  }
0xba: {  	v56 =	vor.u32 v1, v33;
	[tilespmem:s16+$0x0] =	vst v48;
	v43 =	vld.idx.msk [tilespmem:v61+s14+$0x0], $0xffff  }
0xbb: {  	s19 =	simm.s32 $0x200;
	v63 =	vor.u32 v2, v35;
	[tilespmem:s13+$0xB420] =	vst v46;
	v40 =	vld.idx.msk [tilespmem:v62+s14+$0x0], $0xffff  }
0xbc: {  	s21 =	sand.u32 $0x200, s19;
	v58 =	vor.u32 v19, v38;
	[tilespmem:s11+$0x10] =	vst v59;
	v45 =	vld.idx.msk [tilespmem:v52+s14+$0x0], $0xffff  }
0xbd: {  	s12 =	sor.u32 s21, s12;
	[tilespmem:s18+$0x10] =	vst v42;
	v61 =	vld.idx.msk [tilespmem:v54+s14+$0x0], $0xffff;
	v62 =	vor.u32 v19, v39  }
0xbe: {  	v57 =	vor.u32 v20, v41;
	[tilespmem:s12+$0x0] =	vst v51;
	v47 =	vld.idx.msk [tilespmem:v60+s14+$0x0], $0xffff  }
0xbf: {  	[tilespmem:s28+$0xB420] =	vst v50;
	v44 =	vld.idx.msk [tilespmem:v56+s14+$0x0], $0xffff;
	v56 =	vor.u32 v2, v32  }
0xc0: {  	v59 =	vor.u32 v20, v37;
	[tilespmem:s3+$0xB420] =	vst v49;
	v60 =	vld.idx.msk [tilespmem:v63+s14+$0x0], $0xffff  }
0xc1: {  	v42 =	vld.idx.msk [tilespmem:v58+s14+$0x0], $0xffff;
	v63 =	vor.u32 v3, v35;
	[tilespmem:s20+$0xB430] =	vst v43  }
0xc2: {  	v49 =	vld.idx.msk [tilespmem:v62+s14+$0x0], $0xffff;
	[tilespmem:s16+$0x10] =	vst v61;
	v61 =	vor.u32 v3, v36  }
0xc3: {  	v62 =	vor.u32 v20, v38;
	[tilespmem:s13+$0xB430] =	vst v45;
	v46 =	vld.idx.msk [tilespmem:v57+s14+$0x0], $0xffff  }
0xc4: {  	[tilespmem:s18+$0x20] =	vst v47;
	v57 =	vor.u32 v2, v33;
	v43 =	vld.idx.msk [tilespmem:v56+s14+$0x0], $0xffff  }
0xc5: {  	v58 =	vor.u32 v21, v41;
	[tilespmem:s11+$0x20] =	vst v60;
	v47 =	vld.idx.msk [tilespmem:v59+s14+$0x0], $0xffff  }
0xc6: {  	[tilespmem:s28+$0xB430] =	vst v42;
	v56 =	vor.u32 v3, v32;
	v53 =	vld.idx.msk [tilespmem:v63+s14+$0x0], $0xffff  }
0xc7: {  	[tilespmem:s12+$0x10] =	vst v44;
	v63 =	vor.u32 v4, v35;
	v51 =	vld.idx.msk [tilespmem:v61+s14+$0x0], $0xffff  }
0xc8: {  	v60 =	vor.u32 v20, v39;
	v44 =	vld.idx.msk [tilespmem:v62+s14+$0x0], $0xffff;
	[tilespmem:s3+$0xB430] =	vst v49  }
0xc9: {  	v61 =	vor.u32 v4, v36;
	v50 =	vld.idx.msk [tilespmem:v57+s14+$0x0], $0xffff;
	[tilespmem:s20+$0xB440] =	vst v46  }
0xca: {  	v62 =	vor.u32 v21, v37;
	[tilespmem:s16+$0x20] =	vst v43;
	v57 =	vld.idx.msk [tilespmem:v58+s14+$0x0], $0xffff  }
0xcb: {  	[tilespmem:s11+$0x30] =	vst v53;
	v58 =	vor.u32 v3, v33;
	v46 =	vld.idx.msk [tilespmem:v56+s14+$0x0], $0xffff  }
0xcc: {  	v59 =	vor.u32 v22, v41;
	[tilespmem:s13+$0xB440] =	vst v47;
	v53 =	vld.idx.msk [tilespmem:v63+s14+$0x0], $0xffff  }
0xcd: {  	v63 =	vor.u32 v5, v35;
	[tilespmem:s18+$0x30] =	vst v51;
	v51 =	vld.idx.msk [tilespmem:v60+s14+$0x0], $0xffff  }
0xce: {  	v60 =	vor.u32 v21, v38;
	[tilespmem:s12+$0x20] =	vst v50;
	v43 =	vld.idx.msk [tilespmem:v61+s14+$0x0], $0xffff  }
0xcf: {  	v50 =	vld.idx.msk [tilespmem:v62+s14+$0x0], $0xffff;
	[tilespmem:s20+$0xB450] =	vst v57;
	v57 =	vor.u32 v4, v32  }
0xd0: {  	[tilespmem:s28+$0xB440] =	vst v44;
	v61 =	vor.u32 v5, v36;
	v48 =	vld.idx.msk [tilespmem:v58+s14+$0x0], $0xffff  }
0xd1: {  	v62 =	vor.u32 v21, v39;
	[tilespmem:s11+$0x40] =	vst v53;
	v42 =	vld.idx.msk [tilespmem:v59+s14+$0x0], $0xffff  }
0xd2: {  	v58 =	vor.u32 v4, v33;
	[tilespmem:s16+$0x30] =	vst v46;
	v53 =	vld.idx.msk [tilespmem:v63+s14+$0x0], $0xffff  }
0xd3: {  	v59 =	vor.u32 v23, v41;
	[tilespmem:s18+$0x40] =	vst v43;
	v43 =	vld.idx.msk [tilespmem:v60+s14+$0x0], $0xffff  }
0xd4: {  	v63 =	vor.u32 v6, v35;
	[tilespmem:s3+$0xB440] =	vst v51;
	v45 =	vld.idx.msk [tilespmem:v57+s14+$0x0], $0xffff  }
0xd5: {  	v60 =	vor.u32 v22, v37;
	[tilespmem:s13+$0xB450] =	vst v50;
	v46 =	vld.idx.msk [tilespmem:v61+s14+$0x0], $0xffff  }
0xd6: {  	v56 =	vor.u32 v5, v32;
	[tilespmem:s12+$0x30] =	vst v48;
	v48 =	vld.idx.msk [tilespmem:v62+s14+$0x0], $0xffff  }
0xd7: {  	v61 =	vor.u32 v6, v36;
	v49 =	vld.idx.msk [tilespmem:v58+s14+$0x0], $0xffff;
	[tilespmem:s20+$0xB460] =	vst v42  }
0xd8: {  	v62 =	vor.u32 v22, v38;
	[tilespmem:s11+$0x50] =	vst v53;
	v57 =	vld.idx.msk [tilespmem:v59+s14+$0x0], $0xffff  }
0xd9: {  	v58 =	vor.u32 v5, v33;
	v53 =	vld.idx.msk [tilespmem:v63+s14+$0x0], $0xffff;
	[tilespmem:s16+$0x40] =	vst v45  }
0xda: {  	v59 =	vor.u32 v24, v41;
	[tilespmem:s18+$0x50] =	vst v46;
	v46 =	vld.idx.msk [tilespmem:v60+s14+$0x0], $0xffff  }
0xdb: {  	v63 =	vor.u32 v7, v35;
	[tilespmem:s28+$0xB450] =	vst v43;
	v42 =	vld.idx.msk [tilespmem:v56+s14+$0x0], $0xffff  }
0xdc: {  	v60 =	vor.u32 v22, v39;
	[tilespmem:s3+$0xB450] =	vst v48;
	v45 =	vld.idx.msk [tilespmem:v61+s14+$0x0], $0xffff  }
0xdd: {  	[tilespmem:s12+$0x40] =	vst v49;
	v56 =	vor.u32 v6, v32;
	v49 =	vld.idx.msk [tilespmem:v62+s14+$0x0], $0xffff  }
0xde: {  	v61 =	vor.u32 v7, v36;
	v47 =	vld.idx.msk [tilespmem:v58+s14+$0x0], $0xffff;
	[tilespmem:s20+$0xB470] =	vst v57  }
0xdf: {  	v62 =	vor.u32 v23, v37;
	[tilespmem:s11+$0x60] =	vst v53;
	v57 =	vld.idx.msk [tilespmem:v59+s14+$0x0], $0xffff  }
0xe0: {  	v58 =	vor.u32 v6, v33;
	v53 =	vld.idx.msk [tilespmem:v63+s14+$0x0], $0xffff;
	[tilespmem:s16+$0x50] =	vst v42  }
0xe1: {  	v59 =	vor.u32 v25, v41;
	[tilespmem:s18+$0x60] =	vst v45;
	v45 =	vld.idx.msk [tilespmem:v60+s14+$0x0], $0xffff  }
0xe2: {  	s5 =	sor.u32 s5, s0;
	v63 =	vor.u32 v8, v35;
	[tilespmem:s13+$0xB460] =	vst v46;
	v44 =	vld.idx.msk [tilespmem:v56+s14+$0x0], $0xffff  }
0xe3: {  	s5 =	sor.u32 $0xC00, s5;
	v60 =	vor.u32 v23, v38;
	[tilespmem:s12+$0x50] =	vst v47;
	v42 =	vld.idx.msk [tilespmem:v61+s14+$0x0], $0xffff  }
0xe4: {  	v47 =	vld.idx.msk [tilespmem:v62+s14+$0x0], $0xffff;
	[tilespmem:s5+$0xB400] =	vst v57;
	v57 =	vor.u32 v7, v32  }
0xe5: {  	[tilespmem:s28+$0xB460] =	vst v49;
	v61 =	vor.u32 v8, v36;
	v51 =	vld.idx.msk [tilespmem:v58+s14+$0x0], $0xffff  }
0xe6: {  	v62 =	vor.u32 v23, v39;
	[tilespmem:s11+$0x70] =	vst v53;
	v43 =	vld.idx.msk [tilespmem:v59+s14+$0x0], $0xffff  }
0xe7: {  	v58 =	vor.u32 v7, v33;
	v53 =	vld.idx.msk [tilespmem:v63+s14+$0x0], $0xffff;
	[tilespmem:s16+$0x60] =	vst v44  }
0xe8: {  	v59 =	vor.u32 v26, v41;
	[tilespmem:s18+$0x70] =	vst v42;
	v42 =	vld.idx.msk [tilespmem:v60+s14+$0x0], $0xffff  }
0xe9: {  	v63 =	vor.u32 v9, v35;
	[tilespmem:s3+$0xB460] =	vst v45;
	v50 =	vld.idx.msk [tilespmem:v57+s14+$0x0], $0xffff  }
0xea: {  	v60 =	vor.u32 v24, v37;
	[tilespmem:s13+$0xB470] =	vst v47;
	v44 =	vld.idx.msk [tilespmem:v61+s14+$0x0], $0xffff  }
0xeb: {  	[tilespmem:s12+$0x60] =	vst v51;
	v57 =	vor.u32 v8, v32;
	v51 =	vld.idx.msk [tilespmem:v62+s14+$0x0], $0xffff  }
0xec: {  	v61 =	vor.u32 v9, v36;
	v48 =	vld.idx.msk [tilespmem:v58+s14+$0x0], $0xffff;
	[tilespmem:s5+$0xB410] =	vst v43  }
0xed: {  	v62 =	vor.u32 v24, v38;
	[tilespmem:s11+$0x400] =	vst v53;
	v46 =	vld.idx.msk [tilespmem:v59+s14+$0x0], $0xffff  }
0xee: {  	v58 =	vor.u32 v8, v33;
	v53 =	vld.idx.msk [tilespmem:v63+s14+$0x0], $0xffff;
	[tilespmem:s16+$0x70] =	vst v50  }
0xef: {  	v59 =	vor.u32 v27, v41;
	[tilespmem:s18+$0x400] =	vst v44;
	v44 =	vld.idx.msk [tilespmem:v60+s14+$0x0], $0xffff  }
0xf0: {  	v63 =	vor.u32 v10, v35;
	[tilespmem:s28+$0xB470] =	vst v42;
	v43 =	vld.idx.msk [tilespmem:v57+s14+$0x0], $0xffff  }
0xf1: {  	v60 =	vor.u32 v24, v39;
	[tilespmem:s3+$0xB470] =	vst v51;
	v50 =	vld.idx.msk [tilespmem:v61+s14+$0x0], $0xffff  }
0xf2: {  	[tilespmem:s12+$0x70] =	vst v48;
	v57 =	vor.u32 v9, v32;
	v48 =	vld.idx.msk [tilespmem:v62+s14+$0x0], $0xffff  }
0xf3: {  	v61 =	vor.u32 v10, v36;
	v49 =	vld.idx.msk [tilespmem:v58+s14+$0x0], $0xffff;
	[tilespmem:s5+$0xB420] =	vst v46  }
0xf4: {  	v58 =	vor.u32 v9, v33;
	[tilespmem:s11+$0x410] =	vst v53;
	v45 =	vld.idx.msk [tilespmem:v59+s14+$0x0], $0xffff  }
0xf5: {  	v62 =	vor.u32 v25, v37;
	v53 =	vld.idx.msk [tilespmem:v63+s14+$0x0], $0xffff;
	[tilespmem:s16+$0x400] =	vst v43  }
0xf6: {  	v59 =	vor.u32 v28, v41;
	[tilespmem:s18+$0x410] =	vst v50;
	v50 =	vld.idx.msk [tilespmem:v60+s14+$0x0], $0xffff  }
0xf7: {  	s24 =	sor.u32 s10, s0;
	v63 =	vor.u32 v11, v35;
	v46 =	vld.idx.msk [tilespmem:v57+s14+$0x0], $0xffff  }
0xf8: {  	s24 =	sor.u32 $0xC00, s24;
	[tilespmem:s12+$0x400] =	vst v49;
	v57 =	vor.u32 v10, v32;
	v43 =	vld.idx.msk [tilespmem:v61+s14+$0x0], $0xffff  }
0xf9: {  	[tilespmem:s24+$0xB400] =	vst v44;
	v61 =	vor.u32 v11, v36;
	v47 =	vld.idx.msk [tilespmem:v58+s14+$0x0], $0xffff  }
0xfa: {  	v49 =	vld.idx.msk [tilespmem:v62+s14+$0x0], $0xffff;
	[tilespmem:s5+$0xB430] =	vst v45;
	v58 =	vor.u32 v10, v33  }
0xfb: {  	v60 =	vor.u32 v25, v38;
	[tilespmem:s11+$0x420] =	vst v53;
	v42 =	vld.idx.msk [tilespmem:v59+s14+$0x0], $0xffff  }
0xfc: {  	v62 =	vor.u32 v25, v39;
	v53 =	vld.idx.msk [tilespmem:v63+s14+$0x0], $0xffff;
	[tilespmem:s16+$0x410] =	vst v46  }
0xfd: {  	s25 =	sor.u32 s6, s0;
	v59 =	vor.u32 v29, v41;
	[tilespmem:s18+$0x420] =	vst v43;
	v45 =	vld.idx.msk [tilespmem:v57+s14+$0x0], $0xffff  }
0xfe: {  	s25 =	sor.u32 $0xC00, s25;
	s0 =	sor.u32 s2, s0;
	v63 =	vor.u32 v12, v35;
	[tilespmem:s12+$0x410] =	vst v47;
	v46 =	vld.idx.msk [tilespmem:v61+s14+$0x0], $0xffff  }
0xff: {  	s23 =	sor.u32 $0xC00, s0;
	v56 =	vor.u32 v11, v32;
	[tilespmem:s25+$0xB400] =	vst v48;
	v51 =	vld.idx.msk [tilespmem:v58+s14+$0x0], $0xffff  }
0x100: {  	[tilespmem:s23+$0xB400] =	vst v50;
	v58 =	vld.idx.msk [tilespmem:v60+s14+$0x0], $0xffff;
	v60 =	vor.u32 v26, v37  }
0x101: {  	v47 =	vld.idx.msk [tilespmem:v62+s14+$0x0], $0xffff;
	v61 =	vor.u32 v12, v36;
	[tilespmem:s5+$0xB440] =	vst v42  }
0x102: {  	v57 =	vor.u32 v11, v33;
	[tilespmem:s11+$0x430] =	vst v53;
	v44 =	vld.idx.msk [tilespmem:v59+s14+$0x0], $0xffff  }
0x103: {  	v62 =	vor.u32 v26, v38;
	v53 =	vld.idx.msk [tilespmem:v63+s14+$0x0], $0xffff;
	[tilespmem:s16+$0x420] =	vst v45  }
0x104: {  	[tilespmem:s24+$0xB410] =	vst v49;
	v59 =	vor.u32 v30, v41;
	v42 =	vld.idx.msk [tilespmem:v56+s14+$0x0], $0xffff  }
0x105: {  	v63 =	vor.u32 v13, v35;
	[tilespmem:s18+$0x430] =	vst v46;
	v46 =	vld.idx.msk [tilespmem:v60+s14+$0x0], $0xffff  }
0x106: {  	[tilespmem:s12+$0x420] =	vst v51;
	v56 =	vor.u32 v12, v32;
	v45 =	vld.idx.msk [tilespmem:v61+s14+$0x0], $0xffff  }
0x107: {  	[tilespmem:s25+$0xB410] =	vst v58;
	v60 =	vor.u32 v13, v36;
	v48 =	vld.idx.msk [tilespmem:v57+s14+$0x0], $0xffff  }
0x108: {  	[tilespmem:s5+$0xB450] =	vst v44;
	v51 =	vld.idx.msk [tilespmem:v62+s14+$0x0], $0xffff;
	v62 =	vor.u32 v27, v37  }
0x109: {  	v57 =	vor.u32 v12, v33;
	[tilespmem:s11+$0x440] =	vst v53;
	v49 =	vld.idx.msk [tilespmem:v59+s14+$0x0], $0xffff  }
0x10a: {  	s26 =	simm.s32 $0xA;
	v59 =	vor.u32 v26, v39;
	v53 =	vld.idx.msk [tilespmem:v63+s14+$0x0], $0xffff;
	[tilespmem:s16+$0x430] =	vst v42  }
0x10b: {  	v58 =	vor.u32 v31, v41;
	v61 =	vmov s26;
	[tilespmem:s18+$0x440] =	vst v45;
	v44 =	vld.idx.msk [tilespmem:v56+s14+$0x0], $0xffff  }
0x10c: {  	v41 =	vand.u32 $0x1E, v61;
	v63 =	vor.u32 v14, v35;
	[tilespmem:s24+$0xB420] =	vst v46;
	v55 =	vld.idx.msk [tilespmem:v60+s14+$0x0], $0xffff  }
0x10d: {  	v41 =	vbroadcast v41, $0x0;
	[tilespmem:s12+$0x430] =	vst v48;
	v46 =	vld.idx.msk [tilespmem:v62+s14+$0x0], $0xffff;
	v60 =	vor.u32 v27, v38  }
0x10e: {  	[tilespmem:s23+$0xB410] =	vst v47;
	v50 =	vld.idx.msk [tilespmem:v57+s14+$0x0], $0xffff;
	v57 =	vor.u32 v13, v32  }
0x10f: {  	[tilespmem:s5+$0xB460] =	vst v49;
	v45 =	vld.idx.msk [tilespmem:v59+s14+$0x0], $0xffff;
	v59 =	vor.u32 v0, v41  }
0x110: {  	[tilespmem:s11+$0x450] =	vst v53;
	v43 =	vld.idx.msk [tilespmem:v58+s14+$0x0], $0xffff;
	v58 =	vor.u32 v13, v33  }
0x111: {  	v61 =	vor.u32 v14, v36;
	[tilespmem:s25+$0xB420] =	vst v51;
	v53 =	vld.idx.msk [tilespmem:v63+s14+$0x0], $0xffff  }
0x112: {  	v62 =	vor.u32 v27, v39;
	[tilespmem:s16+$0x440] =	vst v44;
	v48 =	vld.idx.msk [tilespmem:v60+s14+$0x0], $0xffff  }
0x113: {  	v63 =	vor.u32 v15, v35;
	[tilespmem:s18+$0x450] =	vst v55;
	v49 =	vld.idx.msk [tilespmem:v57+s14+$0x0], $0xffff  }
0x114: {  	[tilespmem:s12+$0x440] =	vst v50;
	v42 =	vld.idx.msk [tilespmem:v59+s14+$0x0], $0xffff;
	v59 =	vor.u32 v28, v37  }
0x115: {  	[tilespmem:s24+$0xB430] =	vst v46;
	v57 =	vor.u32 v14, v32;
	v47 =	vld.idx.msk [tilespmem:v58+s14+$0x0], $0xffff  }
0x116: {  	v44 =	vld.idx.msk [tilespmem:v61+s14+$0x0], $0xffff;
	[tilespmem:s23+$0xB420] =	vst v45;
	v58 =	vor.u32 v14, v33  }
0x117: {  	v60 =	vor.u32 v28, v38;
	v50 =	vld.idx.msk [tilespmem:v62+s14+$0x0], $0xffff;
	[tilespmem:s11+$0x460] =	vst v53  }
0x118: {  	[tilespmem:s5+$0xB470] =	vst v43;
	v62 =	vor.u32 v28, v39;
	v53 =	vld.idx.msk [tilespmem:v63+s14+$0x0], $0xffff  }
0x119: {  	v61 =	vor.u32 v15, v36;
	[tilespmem:s16+$0x450] =	vst v49;
	v45 =	vld.idx.msk [tilespmem:v59+s14+$0x0], $0xffff  }
0x11a: {  	v59 =	vor.u32 v29, v37;
	[tilespmem:s12+$0x450] =	vst v47;
	v43 =	vld.idx.msk [tilespmem:v57+s14+$0x0], $0xffff  }
0x11b: {  	v56 =	vor.u32 v15, v32;
	[tilespmem:s25+$0xB430] =	vst v48;
	v51 =	vld.idx.msk [tilespmem:v58+s14+$0x0], $0xffff  }
0x11c: {  	v57 =	vor.u32 v15, v33;
	[tilespmem:s23+$0xB430] =	vst v50;
	v58 =	vld.idx.msk [tilespmem:v60+s14+$0x0], $0xffff  }
0x11d: {  	v52 =	vor.u32 v29, v38;
	[tilespmem:s18+$0x460] =	vst v44;
	v47 =	vld.idx.msk [tilespmem:v62+s14+$0x0], $0xffff  }
0x11e: {  	v49 =	vld.idx.msk [tilespmem:v61+s14+$0x0], $0xffff;
	v60 =	vor.u32 v29, v39;
	[tilespmem:s24+$0xB440] =	vst v45  }
0x11f: {  	p0 =	por !p0, !p0;
	s9 =	sor.u32 s8, s29;
	[tilespmem:s16+$0x460] =	vst v43;
	v43 =	vor.u32 v16, v36;
	v63 =	vld.idx.msk [tilespmem:v59+s14+$0x0], $0xffff  }
0x120: {  	s4 =	simm.s32 $0x1;
	s10 =	sand.u32 $0x7, s1;
	s0 =	sshll.u32 s30, $0x1;
	v61 =	vor.u32 v16, v35;
	[tilespmem:s12+$0x460] =	vst v51;
	v46 =	vld.idx.msk [tilespmem:v56+s14+$0x0], $0xffff  }
0x121: {  	s4 =	simm.s32 @!p0 $0x0;
	s28 =	sand.u32 $0x3, s31;
	v62 =	vor.u32 v16, v32;
	v48 =	vld.idx.msk [tilespmem:v57+s14+$0x0], $0xffff;
	s3 =	rddreg [dreg:$0x4];
	[tilespmem:s25+$0xB440] =	vst v58  }
0x122: {  	s4 =	sshll.u32 s4, $0x9;
	s21 =	sor.u32 s22, s29;
	s2 =	sshll.u32 s28, $0x8;
	[tilespmem:s23+$0xB440] =	vst v47;
	v58 =	vor.u32 v30, v37;
	v52 =	vld.idx.msk [tilespmem:v52+s14+$0x0], $0xffff  }
0x123: {  	s4 =	sadd.s32 $0x800, s4;
	s20 =	sshll.u32 s10, $0x7;
	s2 =	sadd.s32 $0x800, s2;
	v56 =	vor.u32 v16, v33;
	[tilespmem:s18+$0x470] =	vst v49;
	v50 =	vld.idx.msk [tilespmem:v60+s14+$0x0], $0xffff  }
0x124: {  	s10 =	simm.s32 $0xC;
	s13 =	simm.s32 $0x8;
	s2 =	sadd.s32 $0x100, s2;
	v59 =	vor.u32 v30, v38;
	[tilespmem:s11+$0x470] =	vst v53;
	v57 =	vld.idx.msk [tilespmem:v43+s14+$0x0], $0xffff  }
0x125: {  	s26 =	sor.u32 $0xC00, s9;
	s18 =	sor.u32 $0x800, s4;
	v49 =	vor.u32 v17, v36;
	s6 =	sadd.s32 s3, s0;
	v47 =	vld.idx.msk [tilespmem:v61+s14+$0x0], $0xffff;
	[tilespmem:s16+$0x470] =	vst v46  }
0x126: {  	v53 =	vor.u32 v30, v39;
	s3 =	sor.u32 s19, s29;
	s19 =	sor.u32 $0x800, s2;
	s2 =	sadd.s32 $0x800, s20;
	[tilespmem:s24+$0xB450] =	vst v63;
	v44 =	vld.idx.msk [tilespmem:v62+s14+$0x0], $0xffff  }
0x127: {  	s4 =	simm.s32 $0xB;
	s20 =	simm.s32 $0x800;
	s28 =	sadd.s32 $0x180, s2;
	[tilespmem:s12+$0x470] =	vst v48;
	v48 =	vor.u32 v17, v35;
	v51 =	vld.idx.msk [tilespmem:v58+s14+$0x0], $0xffff  }
0x128: {  	s11 =	sor.u32 $0xC00, s3;
	s22 =	sadd.s32 $0x80, s2;
	s8 =	sor.u32 $0x800, s28;
	v46 =	vor.u32 v17, v32;
	v43 =	vld.idx.msk [tilespmem:v56+s14+$0x0], $0xffff;
	[tilespmem:s25+$0xB450] =	vst v52  }
0x129: {  	v45 =	vor.u32 v17, v33;
	s2 =	sor.u32 $0x800, s22;
	s22 =	simm.s32 $0x380;
	s12 =	sor.u32 $0xC00, s21;
	v52 =	vld.idx.msk [tilespmem:v59+s14+$0x0], $0xffff;
	[tilespmem:s8+$0xB400] =	vst v57  }
.LBB2_3:
0x12a: {  	p1 =	slt.u32 s10, $0x1C;
	v54 =	vmov s4;
	v49 =	vld.idx.msk [tilespmem:v49+s14+$0x0], $0xffff;
	[tilespmem:s23+$0xB450] =	vst v50;
	v50 =	vor.u32 v31, v37;
	v37 =	vmovc v35;
	v35 =	vmov v34  }
0x12b: {  	v34 =	vand.u32 $0x1F, v54;
	[tilespmem:s2+$0xB400] =	vst v47;
	v47 =	vld.idx.msk [tilespmem:v53+s14+$0x0], $0xffff;
	v53 =	vor.u32 v31, v38;
	v38 =	vmovc v32;
	v32 =	vmov v41  }
0x12c: {  	v41 =	vbroadcast v34, $0x0;
	v48 =	vld.idx.msk [tilespmem:v48+s14+$0x0], $0xffff;
	[tilespmem:s19+$0xB400] =	vst v44;
	v34 =	vor.u32 v18, v36  }
0x12d: {  	v44 =	vor.u32 v31, v39;
	v39 =	vmov v33;
	[tilespmem:s18+$0xB400] =	vst v43;
	v43 =	vld.idx.msk [tilespmem:v46+s14+$0x0], $0xffff  }
0x12e: {  	v33 =	vmov s13;
	s13 =	smov.u32 s10;
	v46 =	vor.u32 v0, v41;
	v45 =	vld.idx.msk [tilespmem:v45+s14+$0x0], $0xffff;
	[tilespmem:s24+$0xB460] =	vst v51  }
0x12f: {  	s4 =	sadd.s32 $0x1, s10;
	v33 =	vand.u32 $0x1C, v33;
	v51 =	vor.u32 v18, v37;
	v50 =	vld.idx.msk [tilespmem:v50+s14+$0x0], $0xffff;
	[tilespmem:s25+$0xB460] =	vst v52  }
0x130: {  	v54 =	vor.u32 v18, v38;
	v33 =	vbroadcast v33, $0x0;
	v52 =	vmov s4;
	[tilespmem:s8+$0xB410] =	vst v49;
	v49 =	vld.idx.msk [tilespmem:v53+s14+$0x0], $0xffff  }
0x131: {  	v52 =	vand.u32 $0x1D, v52;
	v53 =	vor.u32 v18, v39;
	v55 =	vld.idx.msk [tilespmem:v34+s14+$0x0], $0xffff;
	[tilespmem:s23+$0xB460] =	vst v47  }
0x132: {  	v34 =	vbroadcast v52, $0x0;
	v47 =	vor.u32 v0, v33;
	[tilespmem:s2+$0xB410] =	vst v48;
	v44 =	vld.idx.msk [tilespmem:v44+s14+$0x0], $0xffff  }
0x133: {  	s31 =	sadd.s32 $0x2, s31;
	p0 =	por !p0, !p0;
	s5 =	simm.s32 $0x1;
	v46 =	vld.idx.msk [tilespmem:v46+s14+$0x0], $0xffff;
	[tilespmem:s19+$0xB410] =	vst v43;
	v43 =	vor.u32 v19, v36  }
0x134: {  	s5 =	simm.s32 @!p0 $0x0;
	s4 =	sand.u32 $0x3, s31;
	v48 =	vor.u32 v0, v34;
	[tilespmem:s18+$0xB410] =	vst v45;
	v45 =	vld.idx.msk [tilespmem:v51+s14+$0x0], $0xffff  }
0x135: {  	s29 =	sadd.s32 $0x800, s29;
	s9 =	sshll.u32 s5, $0x9;
	s4 =	sshll.u32 s4, $0x8;
	v51 =	vor.u32 v1, v41;
	v52 =	vld.idx.msk [tilespmem:v54+s14+$0x0], $0xffff;
	[tilespmem:s24+$0xB470] =	vst v50  }
0x136: {  	s17 =	sadd.s32 $0x200, s17;
	s5 =	sand.u32 $0x3000, s29;
	s4 =	sadd.s32 s29, s4;
	v50 =	vld.idx.msk [tilespmem:v53+s14+$0x0], $0xffff;
	v53 =	vor.u32 v19, v37;
	[tilespmem:s25+$0xB470] =	vst v49  }
0x137: {  	s21 =	sadd.s32 $0xB400, s5;
	s5 =	sand.u32 $0x380, s17;
	s24 =	sadd.s32 $0xFFFFFE80, s17;
	v49 =	vor.u32 v1, v35;
	v47 =	vld.idx.msk [tilespmem:v47+s14+$0x0], $0xffff;
	[tilespmem:s8+$0xB420] =	vst v55  }
0x138: {  	s28 =	sadd.s32 $0xFFFFFF80, s17;
	s5 =	sor.u32 s5, s21;
	v54 =	vor.u32 v1, v32;
	s25 =	sadd.s32 $0xFFFFFF00, s17;
	v43 =	vld.idx.msk [tilespmem:v43+s14+$0x0], $0xffff;
	[tilespmem:s23+$0xB470] =	vst v44  }
0x139: {  	s3 =	sand.u32 $0x300, s28;
	s7 =	sand.u32 $0x200, s24;
	s23 =	sand.u32 $0x280, s25;
	v44 =	vld.idx.msk [tilespmem:v48+s14+$0x0], $0xffff;
	v48 =	vor.u32 v1, v33;
	[tilespmem:s5+$0x0] =	vst v46  }
0x13a: {  	s16 =	sor.u32 s7, s21;
	s7 =	sor.u32 s23, s21;
	s21 =	sor.u32 s3, s21;
	v46 =	vld.idx.msk [tilespmem:v51+s14+$0x0], $0xffff;
	[tilespmem:s2+$0xB420] =	vst v45;
	v45 =	vor.u32 v20, v36  }
0x13b: {  	s4 =	sadd.s32 $0x100, s4;
	s3 =	sadd.s32 s9, s29;
	s23 =	sor.u32 s24, s29;
	[tilespmem:s7+$0x0] =	vst v40;
	v51 =	vld.idx.msk [tilespmem:v53+s14+$0x0], $0xffff;
	v53 =	vor.u32 v19, v38  }
0x13c: {  	s4 =	sor.u32 $0x800, s4;
	s9 =	sor.u32 $0x800, s3;
	s3 =	sor.u32 s25, s29;
	v49 =	vld.idx.msk [tilespmem:v49+s14+$0x0], $0xffff;
	[tilespmem:s21+$0x0] =	vst v42;
	v42 =	vor.u32 v2, v41  }
0x13d: {  	s24 =	sor.u32 $0xC00, s23;
	s23 =	sor.u32 s28, s29;
	s3 =	sor.u32 $0xC00, s3;
	[tilespmem:s16+$0x0] =	vst v47;
	v47 =	vld.idx.msk [tilespmem:v54+s14+$0x0], $0xffff;
	v54 =	vor.u32 v19, v39  }
0x13e: {  	v55 =	vor.u32 v2, v35;
	s28 =	sor.u32 $0xC00, s23;
	s23 =	smov.u32 s11;
	s11 =	smov.u32 s24;
	v48 =	vld.idx.msk [tilespmem:v48+s14+$0x0], $0xffff;
	[tilespmem:s8+$0xB430] =	vst v43  }
0x13f: {  	s25 =	smov.u32 s12;
	s24 =	smov.u32 s26;
	s26 =	smov.u32 s3;
	v43 =	vor.u32 v2, v32;
	v40 =	vmov v44;
	[tilespmem:s19+$0xB420] =	vst v52;
	v45 =	vld.idx.msk [tilespmem:v45+s14+$0x0], $0xffff  }
0x140: {  	s12 =	smov.u32 s28;
	v44 =	vor.u32 v2, v33;
	[tilespmem:s5+$0x10] =	vst v46;
	v46 =	vld.idx.msk [tilespmem:v53+s14+$0x0], $0xffff  }
0x141: {  	v42 =	vld.idx.msk [tilespmem:v42+s14+$0x0], $0xffff;
	[tilespmem:s18+$0xB420] =	vst v50;
	v50 =	vor.u32 v21, v36  }
0x142: {  	v52 =	vor.u32 v20, v37;
	[tilespmem:s7+$0x10] =	vst v49;
	v49 =	vld.idx.msk [tilespmem:v54+s14+$0x0], $0xffff  }
0x143: {  	v53 =	vld.idx.msk [tilespmem:v55+s14+$0x0], $0xffff;
	[tilespmem:s21+$0x10] =	vst v47;
	v47 =	vor.u32 v3, v41  }
0x144: {  	[tilespmem:s16+$0x10] =	vst v48;
	v43 =	vld.idx.msk [tilespmem:v43+s14+$0x0], $0xffff;
	v48 =	vor.u32 v20, v38  }
0x145: {  	v54 =	vor.u32 v3, v35;
	v44 =	vld.idx.msk [tilespmem:v44+s14+$0x0], $0xffff;
	[tilespmem:s8+$0xB440] =	vst v45  }
0x146: {  	v45 =	vor.u32 v3, v32;
	[tilespmem:s2+$0xB430] =	vst v51;
	v50 =	vld.idx.msk [tilespmem:v50+s14+$0x0], $0xffff  }
0x147: {  	v51 =	vor.u32 v3, v33;
	[tilespmem:s5+$0x20] =	vst v42;
	v42 =	vld.idx.msk [tilespmem:v52+s14+$0x0], $0xffff  }
0x148: {  	v47 =	vld.idx.msk [tilespmem:v47+s14+$0x0], $0xffff;
	[tilespmem:s19+$0xB430] =	vst v46;
	v46 =	vor.u32 v22, v36  }
0x149: {  	v52 =	vor.u32 v20, v39;
	[tilespmem:s7+$0x20] =	vst v53;
	v48 =	vld.idx.msk [tilespmem:v48+s14+$0x0], $0xffff  }
0x14a: {  	v53 =	vld.idx.msk [tilespmem:v54+s14+$0x0], $0xffff;
	[tilespmem:s21+$0x20] =	vst v43;
	v43 =	vor.u32 v4, v41  }
0x14b: {  	[tilespmem:s16+$0x20] =	vst v44;
	v44 =	vld.idx.msk [tilespmem:v45+s14+$0x0], $0xffff;
	v45 =	vor.u32 v21, v37  }
0x14c: {  	v54 =	vor.u32 v4, v35;
	v51 =	vld.idx.msk [tilespmem:v51+s14+$0x0], $0xffff;
	[tilespmem:s8+$0xB450] =	vst v50  }
0x14d: {  	v50 =	vor.u32 v4, v32;
	[tilespmem:s18+$0xB430] =	vst v49;
	v46 =	vld.idx.msk [tilespmem:v46+s14+$0x0], $0xffff  }
0x14e: {  	v49 =	vor.u32 v4, v33;
	[tilespmem:s5+$0x30] =	vst v47;
	v47 =	vld.idx.msk [tilespmem:v52+s14+$0x0], $0xffff  }
0x14f: {  	v43 =	vld.idx.msk [tilespmem:v43+s14+$0x0], $0xffff;
	[tilespmem:s2+$0xB440] =	vst v42;
	v42 =	vor.u32 v23, v36  }
0x150: {  	v52 =	vor.u32 v21, v38;
	[tilespmem:s7+$0x30] =	vst v53;
	v45 =	vld.idx.msk [tilespmem:v45+s14+$0x0], $0xffff  }
0x151: {  	v53 =	vld.idx.msk [tilespmem:v54+s14+$0x0], $0xffff;
	[tilespmem:s21+$0x30] =	vst v44;
	v44 =	vor.u32 v5, v41  }
0x152: {  	[tilespmem:s16+$0x30] =	vst v51;
	v50 =	vld.idx.msk [tilespmem:v50+s14+$0x0], $0xffff;
	v51 =	vor.u32 v21, v39  }
0x153: {  	v54 =	vor.u32 v5, v35;
	v49 =	vld.idx.msk [tilespmem:v49+s14+$0x0], $0xffff;
	[tilespmem:s8+$0xB460] =	vst v46  }
0x154: {  	v46 =	vor.u32 v5, v32;
	[tilespmem:s19+$0xB440] =	vst v48;
	v42 =	vld.idx.msk [tilespmem:v42+s14+$0x0], $0xffff  }
0x155: {  	v48 =	vor.u32 v5, v33;
	[tilespmem:s5+$0x40] =	vst v43;
	v43 =	vld.idx.msk [tilespmem:v52+s14+$0x0], $0xffff  }
0x156: {  	v44 =	vld.idx.msk [tilespmem:v44+s14+$0x0], $0xffff;
	[tilespmem:s18+$0xB440] =	vst v47;
	v47 =	vor.u32 v24, v36  }
0x157: {  	v52 =	vor.u32 v22, v37;
	[tilespmem:s7+$0x40] =	vst v53;
	v51 =	vld.idx.msk [tilespmem:v51+s14+$0x0], $0xffff  }
0x158: {  	v53 =	vld.idx.msk [tilespmem:v54+s14+$0x0], $0xffff;
	[tilespmem:s21+$0x40] =	vst v50;
	v50 =	vor.u32 v6, v41  }
0x159: {  	[tilespmem:s16+$0x40] =	vst v49;
	v46 =	vld.idx.msk [tilespmem:v46+s14+$0x0], $0xffff;
	v49 =	vor.u32 v22, v38  }
0x15a: {  	v54 =	vor.u32 v6, v35;
	v48 =	vld.idx.msk [tilespmem:v48+s14+$0x0], $0xffff;
	[tilespmem:s8+$0xB470] =	vst v42  }
0x15b: {  	v42 =	vor.u32 v6, v32;
	[tilespmem:s2+$0xB450] =	vst v45;
	v45 =	vld.idx.msk [tilespmem:v47+s14+$0x0], $0xffff  }
0x15c: {  	v47 =	vor.u32 v6, v33;
	[tilespmem:s5+$0x50] =	vst v44;
	v44 =	vld.idx.msk [tilespmem:v52+s14+$0x0], $0xffff  }
0x15d: {  	v50 =	vld.idx.msk [tilespmem:v50+s14+$0x0], $0xffff;
	[tilespmem:s19+$0xB450] =	vst v43;
	v43 =	vor.u32 v25, v36  }
0x15e: {  	v52 =	vor.u32 v22, v39;
	[tilespmem:s7+$0x50] =	vst v53;
	v49 =	vld.idx.msk [tilespmem:v49+s14+$0x0], $0xffff  }
0x15f: {  	s3 =	sor.u32 s22, s20;
	s20 =	smov.u32 s29;
	s22 =	smov.u32 s17;
	v53 =	vld.idx.msk [tilespmem:v54+s14+$0x0], $0xffff;
	[tilespmem:s21+$0x50] =	vst v46;
	v46 =	vor.u32 v7, v41  }
0x160: {  	s8 =	sor.u32 $0xC00, s3;
	[tilespmem:s16+$0x50] =	vst v48;
	v42 =	vld.idx.msk [tilespmem:v42+s14+$0x0], $0xffff;
	v48 =	vor.u32 v23, v37  }
0x161: {  	v54 =	vor.u32 v7, v35;
	v47 =	vld.idx.msk [tilespmem:v47+s14+$0x0], $0xffff;
	[tilespmem:s8+$0xB400] =	vst v45  }
0x162: {  	v45 =	vor.u32 v7, v32;
	[tilespmem:s18+$0xB450] =	vst v51;
	v43 =	vld.idx.msk [tilespmem:v43+s14+$0x0], $0xffff  }
0x163: {  	v51 =	vor.u32 v7, v33;
	[tilespmem:s5+$0x60] =	vst v50;
	v50 =	vld.idx.msk [tilespmem:v52+s14+$0x0], $0xffff  }
0x164: {  	v46 =	vld.idx.msk [tilespmem:v46+s14+$0x0], $0xffff;
	[tilespmem:s2+$0xB460] =	vst v44;
	v44 =	vor.u32 v26, v36  }
0x165: {  	v52 =	vor.u32 v23, v38;
	[tilespmem:s7+$0x60] =	vst v53;
	v48 =	vld.idx.msk [tilespmem:v48+s14+$0x0], $0xffff  }
0x166: {  	v53 =	vld.idx.msk [tilespmem:v54+s14+$0x0], $0xffff;
	[tilespmem:s21+$0x60] =	vst v42;
	v42 =	vor.u32 v8, v41  }
0x167: {  	[tilespmem:s16+$0x60] =	vst v47;
	v45 =	vld.idx.msk [tilespmem:v45+s14+$0x0], $0xffff;
	v47 =	vor.u32 v23, v39  }
0x168: {  	v54 =	vor.u32 v8, v35;
	v51 =	vld.idx.msk [tilespmem:v51+s14+$0x0], $0xffff;
	[tilespmem:s8+$0xB410] =	vst v43  }
0x169: {  	v43 =	vor.u32 v8, v32;
	[tilespmem:s19+$0xB460] =	vst v49;
	v44 =	vld.idx.msk [tilespmem:v44+s14+$0x0], $0xffff  }
0x16a: {  	v49 =	vor.u32 v8, v33;
	[tilespmem:s5+$0x70] =	vst v46;
	v46 =	vld.idx.msk [tilespmem:v52+s14+$0x0], $0xffff  }
0x16b: {  	v42 =	vld.idx.msk [tilespmem:v42+s14+$0x0], $0xffff;
	[tilespmem:s18+$0xB460] =	vst v50;
	v50 =	vor.u32 v27, v36  }
0x16c: {  	v52 =	vor.u32 v24, v37;
	[tilespmem:s7+$0x70] =	vst v53;
	v47 =	vld.idx.msk [tilespmem:v47+s14+$0x0], $0xffff  }
0x16d: {  	v53 =	vld.idx.msk [tilespmem:v54+s14+$0x0], $0xffff;
	[tilespmem:s21+$0x70] =	vst v45;
	v45 =	vor.u32 v9, v41  }
0x16e: {  	[tilespmem:s16+$0x70] =	vst v51;
	v43 =	vld.idx.msk [tilespmem:v43+s14+$0x0], $0xffff;
	v51 =	vor.u32 v24, v38  }
0x16f: {  	v54 =	vor.u32 v9, v35;
	v49 =	vld.idx.msk [tilespmem:v49+s14+$0x0], $0xffff;
	[tilespmem:s8+$0xB420] =	vst v44  }
0x170: {  	v44 =	vor.u32 v9, v32;
	[tilespmem:s2+$0xB470] =	vst v48;
	v48 =	vld.idx.msk [tilespmem:v50+s14+$0x0], $0xffff  }
0x171: {  	v50 =	vor.u32 v9, v33;
	[tilespmem:s5+$0x400] =	vst v42;
	v42 =	vld.idx.msk [tilespmem:v52+s14+$0x0], $0xffff  }
0x172: {  	v45 =	vld.idx.msk [tilespmem:v45+s14+$0x0], $0xffff;
	[tilespmem:s19+$0xB470] =	vst v46;
	v46 =	vor.u32 v28, v36;
	s19 =	smov.u32 s4  }
0x173: {  	v52 =	vor.u32 v24, v39;
	[tilespmem:s7+$0x400] =	vst v53;
	v51 =	vld.idx.msk [tilespmem:v51+s14+$0x0], $0xffff  }
0x174: {  	v53 =	vld.idx.msk [tilespmem:v54+s14+$0x0], $0xffff;
	[tilespmem:s21+$0x400] =	vst v43;
	v43 =	vor.u32 v10, v41  }
0x175: {  	[tilespmem:s16+$0x400] =	vst v49;
	v44 =	vld.idx.msk [tilespmem:v44+s14+$0x0], $0xffff;
	v49 =	vor.u32 v25, v37  }
0x176: {  	v54 =	vor.u32 v10, v35;
	v50 =	vld.idx.msk [tilespmem:v50+s14+$0x0], $0xffff;
	[tilespmem:s8+$0xB430] =	vst v48  }
0x177: {  	v48 =	vor.u32 v10, v32;
	[tilespmem:s18+$0xB470] =	vst v47;
	v46 =	vld.idx.msk [tilespmem:v46+s14+$0x0], $0xffff;
	s18 =	smov.u32 s9  }
0x178: {  	v47 =	vor.u32 v10, v33;
	[tilespmem:s5+$0x410] =	vst v45;
	v45 =	vld.idx.msk [tilespmem:v52+s14+$0x0], $0xffff  }
0x179: {  	v43 =	vld.idx.msk [tilespmem:v43+s14+$0x0], $0xffff;
	[tilespmem:s24+$0xB400] =	vst v42;
	v42 =	vor.u32 v29, v36  }
0x17a: {  	v52 =	vor.u32 v25, v38;
	[tilespmem:s7+$0x410] =	vst v53;
	v49 =	vld.idx.msk [tilespmem:v49+s14+$0x0], $0xffff  }
0x17b: {  	v53 =	vld.idx.msk [tilespmem:v54+s14+$0x0], $0xffff;
	[tilespmem:s21+$0x410] =	vst v44;
	v44 =	vor.u32 v11, v41  }
0x17c: {  	[tilespmem:s16+$0x410] =	vst v50;
	v48 =	vld.idx.msk [tilespmem:v48+s14+$0x0], $0xffff;
	v50 =	vor.u32 v25, v39  }
0x17d: {  	v54 =	vor.u32 v11, v35;
	v47 =	vld.idx.msk [tilespmem:v47+s14+$0x0], $0xffff;
	[tilespmem:s8+$0xB440] =	vst v46  }
0x17e: {  	v46 =	vor.u32 v11, v32;
	[tilespmem:s25+$0xB400] =	vst v51;
	v42 =	vld.idx.msk [tilespmem:v42+s14+$0x0], $0xffff  }
0x17f: {  	v51 =	vor.u32 v11, v33;
	[tilespmem:s5+$0x420] =	vst v43;
	v43 =	vld.idx.msk [tilespmem:v52+s14+$0x0], $0xffff  }
0x180: {  	v44 =	vld.idx.msk [tilespmem:v44+s14+$0x0], $0xffff;
	[tilespmem:s23+$0xB400] =	vst v45;
	v45 =	vor.u32 v30, v36  }
0x181: {  	v52 =	vor.u32 v26, v37;
	[tilespmem:s7+$0x420] =	vst v53;
	v50 =	vld.idx.msk [tilespmem:v50+s14+$0x0], $0xffff  }
0x182: {  	v53 =	vld.idx.msk [tilespmem:v54+s14+$0x0], $0xffff;
	[tilespmem:s21+$0x420] =	vst v48;
	v48 =	vor.u32 v12, v41  }
0x183: {  	[tilespmem:s16+$0x420] =	vst v47;
	v46 =	vld.idx.msk [tilespmem:v46+s14+$0x0], $0xffff;
	v47 =	vor.u32 v26, v38  }
0x184: {  	v54 =	vor.u32 v12, v35;
	v51 =	vld.idx.msk [tilespmem:v51+s14+$0x0], $0xffff;
	[tilespmem:s8+$0xB450] =	vst v42  }
0x185: {  	v42 =	vor.u32 v12, v32;
	[tilespmem:s24+$0xB410] =	vst v49;
	v45 =	vld.idx.msk [tilespmem:v45+s14+$0x0], $0xffff  }
0x186: {  	v49 =	vor.u32 v12, v33;
	[tilespmem:s5+$0x430] =	vst v44;
	v44 =	vld.idx.msk [tilespmem:v52+s14+$0x0], $0xffff  }
0x187: {  	v48 =	vld.idx.msk [tilespmem:v48+s14+$0x0], $0xffff;
	[tilespmem:s25+$0xB410] =	vst v43;
	v43 =	vor.u32 v31, v36;
	v36 =	vmov v41  }
0x188: {  	v52 =	vor.u32 v26, v39;
	[tilespmem:s7+$0x430] =	vst v53;
	v47 =	vld.idx.msk [tilespmem:v47+s14+$0x0], $0xffff  }
0x189: {  	s2 =	sadd.s32 $0x2, s10;
	v53 =	vld.idx.msk [tilespmem:v54+s14+$0x0], $0xffff;
	[tilespmem:s21+$0x430] =	vst v46;
	v46 =	vor.u32 v13, v36  }
0x18a: {  	v41 =	vmov s2;
	[tilespmem:s16+$0x430] =	vst v51;
	v42 =	vld.idx.msk [tilespmem:v42+s14+$0x0], $0xffff;
	v51 =	vor.u32 v27, v37  }
0x18b: {  	v41 =	vand.u32 $0x1E, v41;
	v54 =	vor.u32 v13, v35;
	v49 =	vld.idx.msk [tilespmem:v49+s14+$0x0], $0xffff;
	[tilespmem:s8+$0xB460] =	vst v45  }
0x18c: {  	v41 =	vbroadcast v41, $0x0;
	v45 =	vor.u32 v13, v32;
	[tilespmem:s23+$0xB410] =	vst v50;
	v43 =	vld.idx.msk [tilespmem:v43+s14+$0x0], $0xffff  }
0x18d: {  	v50 =	vor.u32 v13, v33;
	[tilespmem:s5+$0x440] =	vst v48;
	v48 =	vld.idx.msk [tilespmem:v52+s14+$0x0], $0xffff  }
0x18e: {  	v52 =	vor.u32 v0, v41;
	v46 =	vld.idx.msk [tilespmem:v46+s14+$0x0], $0xffff;
	[tilespmem:s24+$0xB420] =	vst v44  }
0x18f: {  	[tilespmem:s7+$0x440] =	vst v53;
	v44 =	vld.idx.msk [tilespmem:v51+s14+$0x0], $0xffff;
	v51 =	vor.u32 v27, v38  }
0x190: {  	v53 =	vld.idx.msk [tilespmem:v54+s14+$0x0], $0xffff;
	[tilespmem:s21+$0x440] =	vst v42;
	v54 =	vor.u32 v14, v36  }
0x191: {  	[tilespmem:s16+$0x440] =	vst v49;
	v45 =	vld.idx.msk [tilespmem:v45+s14+$0x0], $0xffff;
	v49 =	vor.u32 v27, v39  }
0x192: {  	v55 =	vor.u32 v14, v35;
	v50 =	vld.idx.msk [tilespmem:v50+s14+$0x0], $0xffff;
	[tilespmem:s8+$0xB470] =	vst v43  }
0x193: {  	v43 =	vor.u32 v14, v32;
	v42 =	vld.idx.msk [tilespmem:v52+s14+$0x0], $0xffff;
	[tilespmem:s25+$0xB420] =	vst v47  }
0x194: {  	v47 =	vor.u32 v14, v33;
	[tilespmem:s5+$0x450] =	vst v46;
	v46 =	vld.idx.msk [tilespmem:v51+s14+$0x0], $0xffff  }
0x195: {  	v51 =	vld.idx.msk [tilespmem:v54+s14+$0x0], $0xffff;
	[tilespmem:s23+$0xB420] =	vst v48;
	v48 =	vor.u32 v28, v37  }
0x196: {  	v52 =	vor.u32 v28, v38;
	[tilespmem:s7+$0x450] =	vst v53;
	v49 =	vld.idx.msk [tilespmem:v49+s14+$0x0], $0xffff  }
0x197: {  	v53 =	vld.idx.msk [tilespmem:v55+s14+$0x0], $0xffff;
	[tilespmem:s21+$0x450] =	vst v45;
	v45 =	vor.u32 v15, v36  }
0x198: {  	[tilespmem:s16+$0x450] =	vst v50;
	v43 =	vld.idx.msk [tilespmem:v43+s14+$0x0], $0xffff;
	v50 =	vor.u32 v28, v39  }
0x199: {  	v54 =	vor.u32 v15, v35;
	v47 =	vld.idx.msk [tilespmem:v47+s14+$0x0], $0xffff;
	[tilespmem:s24+$0xB430] =	vst v44  }
0x19a: {  	v44 =	vor.u32 v15, v32;
	v48 =	vld.idx.msk [tilespmem:v48+s14+$0x0], $0xffff;
	[tilespmem:s25+$0xB430] =	vst v46  }
0x19b: {  	v46 =	vor.u32 v15, v33;
	[tilespmem:s5+$0x460] =	vst v51;
	v51 =	vld.idx.msk [tilespmem:v52+s14+$0x0], $0xffff  }
0x19c: {  	v45 =	vld.idx.msk [tilespmem:v45+s14+$0x0], $0xffff;
	[tilespmem:s23+$0xB430] =	vst v49;
	v49 =	vor.u32 v29, v37  }
0x19d: {  	v52 =	vor.u32 v29, v38;
	[tilespmem:s7+$0x460] =	vst v53;
	v50 =	vld.idx.msk [tilespmem:v50+s14+$0x0], $0xffff  }
0x19e: {  	v53 =	vld.idx.msk [tilespmem:v54+s14+$0x0], $0xffff;
	[tilespmem:s21+$0x460] =	vst v43;
	v43 =	vor.u32 v16, v36  }
0x19f: {  	[tilespmem:s16+$0x460] =	vst v47;
	v44 =	vld.idx.msk [tilespmem:v44+s14+$0x0], $0xffff;
	v47 =	vor.u32 v29, v39  }
0x1a0: {  	v54 =	vor.u32 v16, v35;
	v46 =	vld.idx.msk [tilespmem:v46+s14+$0x0], $0xffff;
	[tilespmem:s24+$0xB440] =	vst v48  }
0x1a1: {  	v48 =	vor.u32 v16, v32;
	v55 =	vld.idx.msk [tilespmem:v49+s14+$0x0], $0xffff;
	[tilespmem:s25+$0xB440] =	vst v51  }
0x1a2: {  	v51 =	vor.u32 v16, v33;
	[tilespmem:s5+$0x470] =	vst v45;
	v45 =	vld.idx.msk [tilespmem:v52+s14+$0x0], $0xffff  }
0x1a3: {  	s1 =	sadd.s32 $0x4, s1;
	v56 =	vor.u32 v30, v37;
	v52 =	vld.idx.msk [tilespmem:v43+s14+$0x0], $0xffff;
	[tilespmem:s23+$0xB440] =	vst v50  }
0x1a4: {  	v57 =	vor.u32 v30, v38;
	s2 =	sand.u32 $0x7, s1;
	[tilespmem:s7+$0x470] =	vst v53;
	v50 =	vld.idx.msk [tilespmem:v47+s14+$0x0], $0xffff  }
.Ltmp2:
0x1a5: {  	s2 =	sshll.u32 s2, $0x7;
	v49 =	vor.u32 v17, v36;
	v47 =	vld.idx.msk [tilespmem:v54+s14+$0x0], $0xffff;
	[tilespmem:s21+$0x470] =	vst v44;
	(pc) =	sbr.rel @p1 .LBB2_3-.Ltmp2, $4  }
0x1a6: {  	s2 =	sadd.s32 s29, s2;
	v53 =	vor.u32 v30, v39;
	[tilespmem:s16+$0x470] =	vst v46;
	v44 =	vld.idx.msk [tilespmem:v48+s14+$0x0], $0xffff  }
0x1a7: {  	s3 =	sadd.s32 $0x80, s2;
	s4 =	sadd.s32 $0x180, s2;
	v48 =	vor.u32 v17, v35;
	v43 =	vld.idx.msk [tilespmem:v51+s14+$0x0], $0xffff;
	[tilespmem:s24+$0xB450] =	vst v55  }
0x1a8: {  	s2 =	sor.u32 $0x800, s3;
	s8 =	sor.u32 $0x800, s4;
	v46 =	vor.u32 v17, v32;
	v51 =	vld.idx.msk [tilespmem:v56+s14+$0x0], $0xffff;
	[tilespmem:s25+$0xB450] =	vst v45  }
0x1a9: {  	s10 =	sadd.s32 $0x4, s10;
	s4 =	sadd.s32 $0x3, s13;
	v45 =	vor.u32 v17, v33;
	[tilespmem:s8+$0xB400] =	vst v52;
	v52 =	vld.idx.msk [tilespmem:v57+s14+$0x0], $0xffff  }
0x1aa: {  	v54 =	vmov s4;
	v61 =	vor.u32 v31, v37  }
0x1ab: {  	v63 =	vor.u32 v31, v38;
	v57 =	vmov s13;
	v62 =	vand.u32 $0x1F, v54  }
0x1ac: {  	v37 =	vand.u32 $0x1C, v57;
	v38 =	vbroadcast v62, $0x0  }
0x1ad: {  	[tilespmem:s23+$0xB450] =	vst v50;
	v37 =	vbroadcast v37, $0x0  }
0x1ae: {  	v53 =	vld.idx.msk [tilespmem:v53+s14+$0x0], $0xffff;
	[tilespmem:s24+$0xB460] =	vst v51;
	v55 =	vor.u32 v0, v38  }
0x1af: {  	[tilespmem:s25+$0xB460] =	vst v52;
	v59 =	vor.u32 v0, v37;
	v50 =	vld.idx.msk [tilespmem:v61+s14+$0x0], $0xffff  }
0x1b0: {  	v39 =	vor.u32 v31, v39;
	v58 =	vld.idx.msk [tilespmem:v63+s14+$0x0], $0xffff;
	_ =	sdelay $0x1  }
0x1b1: {  	s10 =	sadd.s32 $0x800, s29;
	s13 =	sadd.s32 $0x200, s17;
	[tilespmem:s2+$0xB400] =	vst v47;
	v62 =	vor.u32 v1, v34  }
0x1b2: {  	s3 =	sand.u32 $0x3000, s10;
	s21 =	sadd.s32 $0xFFFFFF00, s13;
	v57 =	vor.u32 v1, v41;
	[tilespmem:s23+$0xB460] =	vst v53;
	v60 =	vld.idx.msk [tilespmem:v55+s14+$0x0], $0xffff  }
0x1b3: {  	s16 =	sadd.s32 $0xFFFFFF80, s13;
	s3 =	sadd.s32 $0xB400, s3;
	v61 =	vor.u32 v1, v38;
	v63 =	vld.idx.msk [tilespmem:v59+s14+$0x0], $0xffff;
	[tilespmem:s24+$0xB470] =	vst v50;
	s24 =	sand.u32 $0x280, s21  }
0x1b4: {  	s17 =	sand.u32 $0x380, s13;
	s5 =	sand.u32 $0x300, s16;
	v39 =	vld.idx.msk [tilespmem:v39+s14+$0x0], $0xffff;
	[tilespmem:s25+$0xB470] =	vst v58;
	v58 =	vor.u32 v1, v37;
	s25 =	sor.u32 s24, s3  }
0x1b5: {  	v49 =	vld.idx.msk [tilespmem:v49+s14+$0x0], $0xffff;
	s7 =	sor.u32 s17, s3;
	s17 =	sadd.s32 $0xFFFFFE80, s13;
	s29 =	sor.u32 s5, s3;
	[tilespmem:s25+$0x0] =	vst v40  }
0x1b6: {  	s28 =	sand.u32 $0x200, s17;
	[tilespmem:s29+$0x0] =	vst v42;
	v59 =	vor.u32 v18, v36;
	v40 =	vld.idx.msk [tilespmem:v62+s14+$0x0], $0xffff  }
0x1b7: {  	s3 =	sor.u32 s28, s3;
	[tilespmem:s7+$0x0] =	vst v60;
	v60 =	vld.idx.msk [tilespmem:v57+s14+$0x0], $0xffff  }
0x1b8: {  	[tilespmem:s3+$0x0] =	vst v63;
	v54 =	vld.idx.msk [tilespmem:v61+s14+$0x0], $0xffff;
	v61 =	vor.u32 v2, v34  }
0x1b9: {  	[tilespmem:s23+$0xB470] =	vst v39;
	v62 =	vor.u32 v2, v41;
	v39 =	vld.idx.msk [tilespmem:v58+s14+$0x0], $0xffff  }
0x1ba: {  	v42 =	vor.u32 v2, v38;
	[tilespmem:s8+$0xB410] =	vst v49  }
0x1bb: {  	v63 =	vld.idx.msk [tilespmem:v59+s14+$0x0], $0xffff;
	v57 =	vor.u32 v2, v37;
	[tilespmem:s25+$0x10] =	vst v40  }
0x1bc: {  	v48 =	vld.idx.msk [tilespmem:v48+s14+$0x0], $0xffff;
	v58 =	vor.u32 v19, v36;
	[tilespmem:s29+$0x10] =	vst v60  }
0x1bd: {  	[tilespmem:s7+$0x10] =	vst v54;
	v40 =	vld.idx.msk [tilespmem:v61+s14+$0x0], $0xffff  }
0x1be: {  	v59 =	vor.u32 v18, v35;
	[tilespmem:s3+$0x10] =	vst v39;
	v39 =	vld.idx.msk [tilespmem:v62+s14+$0x0], $0xffff  }
0x1bf: {  	v49 =	vor.u32 v3, v34;
	v42 =	vld.idx.msk [tilespmem:v42+s14+$0x0], $0xffff  }
0x1c0: {  	[tilespmem:s8+$0xB420] =	vst v63;
	v61 =	vor.u32 v3, v41;
	v60 =	vld.idx.msk [tilespmem:v57+s14+$0x0], $0xffff  }
0x1c1: {  	[tilespmem:s2+$0xB410] =	vst v48;
	v50 =	vor.u32 v3, v38;
	v62 =	vld.idx.msk [tilespmem:v58+s14+$0x0], $0xffff  }
0x1c2: {  	v63 =	vor.u32 v3, v37;
	[tilespmem:s25+$0x20] =	vst v40  }
0x1c3: {  	v58 =	vor.u32 v20, v36;
	v57 =	vld.idx.msk [tilespmem:v59+s14+$0x0], $0xffff;
	[tilespmem:s29+$0x20] =	vst v39  }
0x1c4: {  	v59 =	vor.u32 v19, v35;
	[tilespmem:s7+$0x20] =	vst v42;
	v40 =	vld.idx.msk [tilespmem:v49+s14+$0x0], $0xffff  }
0x1c5: {  	[tilespmem:s3+$0x20] =	vst v60;
	v47 =	vld.idx.msk [tilespmem:v61+s14+$0x0], $0xffff;
	v60 =	vor.u32 v4, v34  }
0x1c6: {  	[tilespmem:s8+$0xB430] =	vst v62;
	v62 =	vor.u32 v4, v41;
	v50 =	vld.idx.msk [tilespmem:v50+s14+$0x0], $0xffff  }
0x1c7: {  	v39 =	vor.u32 v4, v38;
	v61 =	vld.idx.msk [tilespmem:v63+s14+$0x0], $0xffff  }
0x1c8: {  	[tilespmem:s2+$0xB420] =	vst v57;
	v57 =	vor.u32 v4, v37;
	v63 =	vld.idx.msk [tilespmem:v58+s14+$0x0], $0xffff  }
0x1c9: {  	v42 =	vld.idx.msk [tilespmem:v59+s14+$0x0], $0xffff;
	v58 =	vor.u32 v21, v36;
	[tilespmem:s25+$0x30] =	vst v40  }
0x1ca: {  	v59 =	vor.u32 v20, v35;
	[tilespmem:s29+$0x30] =	vst v47;
	v40 =	vld.idx.msk [tilespmem:v60+s14+$0x0], $0xffff  }
0x1cb: {  	[tilespmem:s7+$0x30] =	vst v50;
	v48 =	vld.idx.msk [tilespmem:v62+s14+$0x0], $0xffff;
	v60 =	vor.u32 v5, v34  }
0x1cc: {  	[tilespmem:s3+$0x30] =	vst v61;
	v62 =	vor.u32 v5, v41;
	v39 =	vld.idx.msk [tilespmem:v39+s14+$0x0], $0xffff  }
0x1cd: {  	v47 =	vor.u32 v5, v38;
	[tilespmem:s8+$0xB440] =	vst v63;
	v61 =	vld.idx.msk [tilespmem:v57+s14+$0x0], $0xffff  }
0x1ce: {  	[tilespmem:s2+$0xB430] =	vst v42;
	v63 =	vld.idx.msk [tilespmem:v58+s14+$0x0], $0xffff;
	v57 =	vor.u32 v5, v37  }
0x1cf: {  	v50 =	vld.idx.msk [tilespmem:v59+s14+$0x0], $0xffff;
	v58 =	vor.u32 v22, v36;
	[tilespmem:s25+$0x40] =	vst v40  }
0x1d0: {  	[tilespmem:s29+$0x40] =	vst v48;
	v40 =	vld.idx.msk [tilespmem:v60+s14+$0x0], $0xffff  }
0x1d1: {  	v59 =	vor.u32 v21, v35;
	[tilespmem:s7+$0x40] =	vst v39;
	v49 =	vld.idx.msk [tilespmem:v62+s14+$0x0], $0xffff  }
0x1d2: {  	[tilespmem:s3+$0x40] =	vst v61;
	v60 =	vor.u32 v6, v34;
	v47 =	vld.idx.msk [tilespmem:v47+s14+$0x0], $0xffff  }
0x1d3: {  	[tilespmem:s8+$0xB450] =	vst v63;
	v62 =	vor.u32 v6, v41;
	v61 =	vld.idx.msk [tilespmem:v57+s14+$0x0], $0xffff  }
0x1d4: {  	v48 =	vor.u32 v6, v38;
	[tilespmem:s2+$0xB440] =	vst v50;
	v63 =	vld.idx.msk [tilespmem:v58+s14+$0x0], $0xffff  }
0x1d5: {  	[tilespmem:s25+$0x50] =	vst v40  }
0x1d6: {  	v57 =	vor.u32 v6, v37;
	v39 =	vld.idx.msk [tilespmem:v59+s14+$0x0], $0xffff;
	[tilespmem:s29+$0x50] =	vst v49  }
0x1d7: {  	v59 =	vor.u32 v22, v35;
	[tilespmem:s7+$0x50] =	vst v47;
	v40 =	vld.idx.msk [tilespmem:v60+s14+$0x0], $0xffff  }
0x1d8: {  	[tilespmem:s3+$0x50] =	vst v61;
	v61 =	vld.idx.msk [tilespmem:v62+s14+$0x0], $0xffff;
	v62 =	vor.u32 v7, v34  }
0x1d9: {  	[tilespmem:s8+$0xB460] =	vst v63;
	v63 =	vor.u32 v7, v41;
	v48 =	vld.idx.msk [tilespmem:v48+s14+$0x0], $0xffff  }
0x1da: {  	v60 =	vor.u32 v7, v38  }
0x1db: {  	v58 =	vor.u32 v23, v36;
	[tilespmem:s2+$0xB450] =	vst v39;
	v50 =	vld.idx.msk [tilespmem:v57+s14+$0x0], $0xffff  }
0x1dc: {  	v56 =	vor.u32 v7, v37;
	v47 =	vld.idx.msk [tilespmem:v59+s14+$0x0], $0xffff;
	[tilespmem:s25+$0x60] =	vst v40  }
0x1dd: {  	[tilespmem:s29+$0x60] =	vst v61;
	v40 =	vld.idx.msk [tilespmem:v62+s14+$0x0], $0xffff  }
0x1de: {  	v57 =	vor.u32 v23, v35;
	[tilespmem:s7+$0x60] =	vst v48;
	v59 =	vld.idx.msk [tilespmem:v63+s14+$0x0], $0xffff  }
0x1df: {  	v49 =	vld.idx.msk [tilespmem:v60+s14+$0x0], $0xffff;
	v60 =	vor.u32 v8, v34  }
0x1e0: {  	v53 =	vld.idx.msk [tilespmem:v58+s14+$0x0], $0xffff;
	v61 =	vor.u32 v8, v41;
	[tilespmem:s3+$0x60] =	vst v50  }
0x1e1: {  	[tilespmem:s19+$0xB400] =	vst v44;
	v58 =	vor.u32 v8, v38;
	v39 =	vld.idx.msk [tilespmem:v56+s14+$0x0], $0xffff  }
0x1e2: {  	v46 =	vld.idx.msk [tilespmem:v46+s14+$0x0], $0xffff;
	[tilespmem:s2+$0xB460] =	vst v47;
	v62 =	vor.u32 v8, v37  }
0x1e3: {  	v48 =	vld.idx.msk [tilespmem:v57+s14+$0x0], $0xffff;
	[tilespmem:s25+$0x70] =	vst v40  }
0x1e4: {  	[tilespmem:s29+$0x70] =	vst v59;
	v40 =	vld.idx.msk [tilespmem:v60+s14+$0x0], $0xffff  }
0x1e5: {  	v55 =	vor.u32 v9, v34;
	[tilespmem:s7+$0x70] =	vst v49;
	v54 =	vld.idx.msk [tilespmem:v61+s14+$0x0], $0xffff  }
0x1e6: {  	v57 =	vor.u32 v9, v41;
	[tilespmem:s3+$0x70] =	vst v39;
	v42 =	vld.idx.msk [tilespmem:v58+s14+$0x0], $0xffff  }
0x1e7: {  	[tilespmem:s18+$0xB400] =	vst v43;
	v63 =	vor.u32 v9, v38;
	v56 =	vld.idx.msk [tilespmem:v62+s14+$0x0], $0xffff  }
0x1e8: {  	v45 =	vld.idx.msk [tilespmem:v45+s14+$0x0], $0xffff;
	[tilespmem:s19+$0xB410] =	vst v46;
	v58 =	vor.u32 v9, v37  }
0x1e9: {  	v59 =	vor.u32 v18, v32;
	[tilespmem:s25+$0x400] =	vst v40  }
0x1ea: {  	[tilespmem:s29+$0x400] =	vst v54;
	v40 =	vld.idx.msk [tilespmem:v55+s14+$0x0], $0xffff  }
0x1eb: {  	v62 =	vor.u32 v10, v34;
	[tilespmem:s7+$0x400] =	vst v42;
	v61 =	vld.idx.msk [tilespmem:v57+s14+$0x0], $0xffff  }
0x1ec: {  	v52 =	vor.u32 v10, v41;
	[tilespmem:s3+$0x400] =	vst v56;
	v42 =	vld.idx.msk [tilespmem:v63+s14+$0x0], $0xffff  }
0x1ed: {  	[tilespmem:s18+$0xB410] =	vst v45;
	v60 =	vor.u32 v10, v38;
	v63 =	vld.idx.msk [tilespmem:v58+s14+$0x0], $0xffff  }
0x1ee: {  	[tilespmem:s8+$0xB470] =	vst v53;
	v53 =	vld.idx.msk [tilespmem:v59+s14+$0x0], $0xffff;
	v54 =	vor.u32 v10, v37  }
0x1ef: {  	v55 =	vor.u32 v19, v32;
	[tilespmem:s25+$0x410] =	vst v40  }
0x1f0: {  	v56 =	vor.u32 v18, v33;
	[tilespmem:s29+$0x410] =	vst v61;
	v40 =	vld.idx.msk [tilespmem:v62+s14+$0x0], $0xffff  }
0x1f1: {  	v59 =	vor.u32 v11, v34;
	[tilespmem:s7+$0x410] =	vst v42;
	v58 =	vld.idx.msk [tilespmem:v52+s14+$0x0], $0xffff  }
0x1f2: {  	v61 =	vor.u32 v11, v41;
	[tilespmem:s3+$0x410] =	vst v63;
	v39 =	vld.idx.msk [tilespmem:v60+s14+$0x0], $0xffff  }
0x1f3: {  	v57 =	vor.u32 v11, v38;
	[tilespmem:s19+$0xB420] =	vst v53;
	v60 =	vld.idx.msk [tilespmem:v54+s14+$0x0], $0xffff  }
0x1f4: {  	[tilespmem:s2+$0xB470] =	vst v48;
	v62 =	vld.idx.msk [tilespmem:v55+s14+$0x0], $0xffff;
	v63 =	vor.u32 v11, v37  }
0x1f5: {  	v42 =	vld.idx.msk [tilespmem:v56+s14+$0x0], $0xffff;
	v52 =	vor.u32 v20, v32;
	[tilespmem:s25+$0x420] =	vst v40  }
0x1f6: {  	v53 =	vor.u32 v19, v33;
	[tilespmem:s29+$0x420] =	vst v58;
	v40 =	vld.idx.msk [tilespmem:v59+s14+$0x0], $0xffff  }
0x1f7: {  	v56 =	vor.u32 v12, v34;
	[tilespmem:s7+$0x420] =	vst v39;
	v55 =	vld.idx.msk [tilespmem:v61+s14+$0x0], $0xffff  }
0x1f8: {  	v58 =	vor.u32 v12, v41;
	[tilespmem:s3+$0x420] =	vst v60;
	v44 =	vld.idx.msk [tilespmem:v57+s14+$0x0], $0xffff  }
0x1f9: {  	v54 =	vor.u32 v12, v38;
	[tilespmem:s19+$0xB430] =	vst v62;
	v57 =	vld.idx.msk [tilespmem:v63+s14+$0x0], $0xffff  }
0x1fa: {  	[tilespmem:s18+$0xB420] =	vst v42;
	v59 =	vld.idx.msk [tilespmem:v52+s14+$0x0], $0xffff;
	v60 =	vor.u32 v12, v37  }
0x1fb: {  	v39 =	vld.idx.msk [tilespmem:v53+s14+$0x0], $0xffff;
	v61 =	vor.u32 v21, v32;
	[tilespmem:s25+$0x430] =	vst v40  }
0x1fc: {  	v62 =	vor.u32 v20, v33;
	[tilespmem:s29+$0x430] =	vst v55;
	v40 =	vld.idx.msk [tilespmem:v56+s14+$0x0], $0xffff  }
0x1fd: {  	v53 =	vor.u32 v13, v34;
	[tilespmem:s7+$0x430] =	vst v44;
	v52 =	vld.idx.msk [tilespmem:v58+s14+$0x0], $0xffff  }
0x1fe: {  	v55 =	vor.u32 v13, v41;
	[tilespmem:s3+$0x430] =	vst v57;
	v46 =	vld.idx.msk [tilespmem:v54+s14+$0x0], $0xffff  }
0x1ff: {  	v63 =	vor.u32 v13, v38;
	[tilespmem:s19+$0xB440] =	vst v59;
	v54 =	vld.idx.msk [tilespmem:v60+s14+$0x0], $0xffff  }
0x200: {  	[tilespmem:s18+$0xB430] =	vst v39;
	v56 =	vld.idx.msk [tilespmem:v61+s14+$0x0], $0xffff;
	v57 =	vor.u32 v13, v37  }
0x201: {  	v44 =	vld.idx.msk [tilespmem:v62+s14+$0x0], $0xffff;
	v58 =	vor.u32 v22, v32;
	[tilespmem:s25+$0x440] =	vst v40  }
0x202: {  	v59 =	vor.u32 v21, v33;
	[tilespmem:s29+$0x440] =	vst v52;
	v40 =	vld.idx.msk [tilespmem:v53+s14+$0x0], $0xffff  }
0x203: {  	v62 =	vor.u32 v14, v34;
	[tilespmem:s7+$0x440] =	vst v46;
	v61 =	vld.idx.msk [tilespmem:v55+s14+$0x0], $0xffff  }
0x204: {  	v52 =	vor.u32 v14, v41;
	[tilespmem:s3+$0x440] =	vst v54;
	v43 =	vld.idx.msk [tilespmem:v63+s14+$0x0], $0xffff  }
0x205: {  	v60 =	vor.u32 v14, v38;
	[tilespmem:s19+$0xB450] =	vst v56;
	v63 =	vld.idx.msk [tilespmem:v57+s14+$0x0], $0xffff  }
0x206: {  	[tilespmem:s18+$0xB440] =	vst v44;
	v53 =	vld.idx.msk [tilespmem:v58+s14+$0x0], $0xffff;
	v54 =	vor.u32 v14, v37  }
0x207: {  	v46 =	vld.idx.msk [tilespmem:v59+s14+$0x0], $0xffff;
	v55 =	vor.u32 v23, v32;
	[tilespmem:s25+$0x450] =	vst v40  }
0x208: {  	v56 =	vor.u32 v22, v33;
	[tilespmem:s29+$0x450] =	vst v61;
	v40 =	vld.idx.msk [tilespmem:v62+s14+$0x0], $0xffff  }
0x209: {  	v59 =	vor.u32 v15, v34;
	[tilespmem:s7+$0x450] =	vst v43;
	v58 =	vld.idx.msk [tilespmem:v52+s14+$0x0], $0xffff  }
0x20a: {  	v61 =	vor.u32 v15, v41;
	[tilespmem:s3+$0x450] =	vst v63;
	v45 =	vld.idx.msk [tilespmem:v60+s14+$0x0], $0xffff  }
0x20b: {  	v57 =	vor.u32 v15, v38;
	[tilespmem:s19+$0xB460] =	vst v53;
	v60 =	vld.idx.msk [tilespmem:v54+s14+$0x0], $0xffff  }
0x20c: {  	[tilespmem:s18+$0xB450] =	vst v46;
	v62 =	vld.idx.msk [tilespmem:v55+s14+$0x0], $0xffff;
	v63 =	vor.u32 v15, v37  }
0x20d: {  	v52 =	vor.u32 v24, v36;
	v43 =	vld.idx.msk [tilespmem:v56+s14+$0x0], $0xffff;
	[tilespmem:s25+$0x460] =	vst v40  }
0x20e: {  	v53 =	vor.u32 v23, v33;
	[tilespmem:s29+$0x460] =	vst v58;
	v47 =	vld.idx.msk [tilespmem:v59+s14+$0x0], $0xffff  }
0x20f: {  	v54 =	vor.u32 v24, v35;
	[tilespmem:s7+$0x460] =	vst v45;
	v56 =	vld.idx.msk [tilespmem:v61+s14+$0x0], $0xffff  }
0x210: {  	v58 =	vor.u32 v16, v34;
	[tilespmem:s3+$0x460] =	vst v60;
	v42 =	vld.idx.msk [tilespmem:v57+s14+$0x0], $0xffff  }
0x211: {  	[tilespmem:s19+$0xB470] =	vst v62;
	v60 =	vor.u32 v16, v41;
	v57 =	vld.idx.msk [tilespmem:v63+s14+$0x0], $0xffff  }
0x212: {  	v55 =	vor.u32 v16, v38;
	[tilespmem:s18+$0xB460] =	vst v43;
	v59 =	vld.idx.msk [tilespmem:v52+s14+$0x0], $0xffff  }
0x213: {  	v62 =	vor.u32 v16, v37;
	v61 =	vld.idx.msk [tilespmem:v53+s14+$0x0], $0xffff;
	[tilespmem:s25+$0x470] =	vst v47  }
0x214: {  	s1 =	sadd.s32 $0x4, s1;
	v40 =	vld.idx.msk [tilespmem:v54+s14+$0x0], $0xffff;
	v63 =	vor.u32 v25, v36;
	[tilespmem:s29+$0x470] =	vst v56  }
0x215: {  	s9 =	sadd.s32 $0x2, s31;
	s8 =	sor.u32 s22, s20;
	s19 =	sand.u32 $0x7, s1;
	v52 =	vor.u32 v25, v35;
	[tilespmem:s7+$0x470] =	vst v42;
	v48 =	vld.idx.msk [tilespmem:v58+s14+$0x0], $0xffff  }
0x216: {  	s20 =	sor.u32 $0xC00, s8;
	s22 =	sshll.u32 s19, $0x7;
	v54 =	vor.u32 v17, v34;
	[tilespmem:s3+$0x470] =	vst v57;
	s3 =	sand.u32 $0x3, s9;
	v43 =	vld.idx.msk [tilespmem:v60+s14+$0x0], $0xffff  }
0x217: {  	p0 =	por !p0, !p0;
	s2 =	sadd.s32 s10, s22;
	[tilespmem:s20+$0xB400] =	vst v59;
	v56 =	vor.u32 v17, v41;
	v39 =	vld.idx.msk [tilespmem:v55+s14+$0x0], $0xffff;
	s3 =	sshll.u32 s3, $0x8  }
0x218: {  	s4 =	simm.s32 $0x1;
	v53 =	vor.u32 v17, v38;
	s24 =	sadd.s32 $0x80, s2;
	[tilespmem:s18+$0xB470] =	vst v61;
	v55 =	vld.idx.msk [tilespmem:v62+s14+$0x0], $0xffff;
	s3 =	sadd.s32 s10, s3  }
0x219: {  	s4 =	simm.s32 @!p0 $0x0;
	s28 =	sor.u32 $0x800, s24;
	[tilespmem:s26+$0xB400] =	vst v40;
	v47 =	vld.idx.msk [tilespmem:v63+s14+$0x0], $0xffff;
	v57 =	vor.u32 v17, v37;
	s3 =	sadd.s32 $0x100, s3  }
0x21a: {  	s4 =	sshll.u32 s4, $0x9;
	s23 =	sadd.s32 $0x180, s2;
	v58 =	vor.u32 v26, v36;
	v44 =	vld.idx.msk [tilespmem:v52+s14+$0x0], $0xffff;
	s3 =	sor.u32 $0x800, s3;
	[tilespmem:s28+$0xB400] =	vst v48  }
0x21b: {  	s25 =	sor.u32 $0x800, s23;
	s29 =	sadd.s32 s4, s10;
	v59 =	vor.u32 v26, v35;
	[tilespmem:s3+$0xB400] =	vst v43;
	v46 =	vld.idx.msk [tilespmem:v54+s14+$0x0], $0xffff  }
0x21c: {  	s7 =	sor.u32 $0x800, s29;
	v62 =	vor.u32 v18, v34;
	[tilespmem:s25+$0xB400] =	vst v39;
	v61 =	vld.idx.msk [tilespmem:v56+s14+$0x0], $0xffff  }
0x21d: {  	v63 =	vor.u32 v18, v41;
	[tilespmem:s7+$0xB400] =	vst v55;
	v50 =	vld.idx.msk [tilespmem:v53+s14+$0x0], $0xffff  }
0x21e: {  	v60 =	vor.u32 v18, v38;
	[tilespmem:s20+$0xB410] =	vst v47;
	v40 =	vld.idx.msk [tilespmem:v57+s14+$0x0], $0xffff  }
0x21f: {  	[tilespmem:s26+$0xB410] =	vst v44;
	v52 =	vld.idx.msk [tilespmem:v58+s14+$0x0], $0xffff;
	v53 =	vor.u32 v18, v37  }
0x220: {  	v54 =	vor.u32 v27, v36;
	v39 =	vld.idx.msk [tilespmem:v59+s14+$0x0], $0xffff;
	[tilespmem:s28+$0xB410] =	vst v46  }
0x221: {  	v55 =	vor.u32 v27, v35;
	[tilespmem:s3+$0xB410] =	vst v61;
	v45 =	vld.idx.msk [tilespmem:v62+s14+$0x0], $0xffff  }
0x222: {  	v58 =	vor.u32 v19, v34;
	[tilespmem:s25+$0xB410] =	vst v50;
	v57 =	vld.idx.msk [tilespmem:v63+s14+$0x0], $0xffff  }
0x223: {  	v59 =	vor.u32 v19, v41;
	[tilespmem:s7+$0xB410] =	vst v40;
	v43 =	vld.idx.msk [tilespmem:v60+s14+$0x0], $0xffff  }
0x224: {  	v56 =	vor.u32 v19, v38;
	[tilespmem:s20+$0xB420] =	vst v52;
	v44 =	vld.idx.msk [tilespmem:v53+s14+$0x0], $0xffff  }
0x225: {  	[tilespmem:s26+$0xB420] =	vst v39;
	v48 =	vld.idx.msk [tilespmem:v54+s14+$0x0], $0xffff;
	v60 =	vor.u32 v19, v37  }
0x226: {  	v61 =	vor.u32 v28, v36;
	v50 =	vld.idx.msk [tilespmem:v55+s14+$0x0], $0xffff;
	[tilespmem:s28+$0xB420] =	vst v45  }
0x227: {  	v62 =	vor.u32 v28, v35;
	[tilespmem:s3+$0xB420] =	vst v57;
	v46 =	vld.idx.msk [tilespmem:v58+s14+$0x0], $0xffff  }
0x228: {  	v52 =	vor.u32 v20, v34;
	[tilespmem:s25+$0xB420] =	vst v43;
	v40 =	vld.idx.msk [tilespmem:v59+s14+$0x0], $0xffff  }
0x229: {  	v53 =	vor.u32 v20, v41;
	[tilespmem:s7+$0xB420] =	vst v44;
	v42 =	vld.idx.msk [tilespmem:v56+s14+$0x0], $0xffff  }
0x22a: {  	v63 =	vor.u32 v20, v38;
	[tilespmem:s20+$0xB430] =	vst v48;
	v39 =	vld.idx.msk [tilespmem:v60+s14+$0x0], $0xffff  }
0x22b: {  	v54 =	vor.u32 v20, v37;
	[tilespmem:s26+$0xB430] =	vst v50;
	v48 =	vld.idx.msk [tilespmem:v61+s14+$0x0], $0xffff  }
0x22c: {  	v55 =	vor.u32 v29, v36;
	v43 =	vld.idx.msk [tilespmem:v62+s14+$0x0], $0xffff;
	[tilespmem:s28+$0xB430] =	vst v46  }
0x22d: {  	v56 =	vor.u32 v29, v35;
	[tilespmem:s3+$0xB430] =	vst v40;
	v44 =	vld.idx.msk [tilespmem:v52+s14+$0x0], $0xffff  }
0x22e: {  	v58 =	vor.u32 v21, v34;
	[tilespmem:s25+$0xB430] =	vst v42;
	v40 =	vld.idx.msk [tilespmem:v53+s14+$0x0], $0xffff  }
0x22f: {  	v59 =	vor.u32 v21, v41;
	[tilespmem:s7+$0xB430] =	vst v39;
	v45 =	vld.idx.msk [tilespmem:v63+s14+$0x0], $0xffff  }
0x230: {  	v57 =	vor.u32 v21, v38;
	[tilespmem:s20+$0xB440] =	vst v48;
	v39 =	vld.idx.msk [tilespmem:v54+s14+$0x0], $0xffff  }
0x231: {  	v61 =	vor.u32 v21, v37;
	[tilespmem:s26+$0xB440] =	vst v43;
	v60 =	vld.idx.msk [tilespmem:v55+s14+$0x0], $0xffff  }
0x232: {  	v62 =	vor.u32 v30, v36;
	v42 =	vld.idx.msk [tilespmem:v56+s14+$0x0], $0xffff;
	[tilespmem:s28+$0xB440] =	vst v44  }
0x233: {  	v63 =	vor.u32 v30, v35;
	[tilespmem:s3+$0xB440] =	vst v40;
	v47 =	vld.idx.msk [tilespmem:v58+s14+$0x0], $0xffff  }
0x234: {  	v53 =	vor.u32 v22, v34;
	[tilespmem:s25+$0xB440] =	vst v45;
	v40 =	vld.idx.msk [tilespmem:v59+s14+$0x0], $0xffff  }
0x235: {  	v54 =	vor.u32 v22, v41;
	[tilespmem:s7+$0xB440] =	vst v39;
	v46 =	vld.idx.msk [tilespmem:v57+s14+$0x0], $0xffff  }
0x236: {  	v52 =	vor.u32 v22, v38;
	[tilespmem:s20+$0xB450] =	vst v60;
	v43 =	vld.idx.msk [tilespmem:v61+s14+$0x0], $0xffff  }
0x237: {  	v55 =	vor.u32 v22, v37;
	[tilespmem:s26+$0xB450] =	vst v42;
	v49 =	vld.idx.msk [tilespmem:v62+s14+$0x0], $0xffff  }
0x238: {  	v56 =	vor.u32 v31, v36;
	v45 =	vld.idx.msk [tilespmem:v63+s14+$0x0], $0xffff;
	[tilespmem:s28+$0xB450] =	vst v47  }
0x239: {  	v57 =	vor.u32 v31, v35;
	[tilespmem:s3+$0xB450] =	vst v40;
	v39 =	vld.idx.msk [tilespmem:v53+s14+$0x0], $0xffff  }
0x23a: {  	v59 =	vor.u32 v23, v34;
	[tilespmem:s25+$0xB450] =	vst v46;
	v40 =	vld.idx.msk [tilespmem:v54+s14+$0x0], $0xffff  }
0x23b: {  	v60 =	vor.u32 v23, v41;
	[tilespmem:s7+$0xB450] =	vst v43;
	v44 =	vld.idx.msk [tilespmem:v52+s14+$0x0], $0xffff  }
0x23c: {  	v58 =	vor.u32 v23, v38;
	[tilespmem:s20+$0xB460] =	vst v49;
	v42 =	vld.idx.msk [tilespmem:v55+s14+$0x0], $0xffff  }
0x23d: {  	v61 =	vor.u32 v23, v37;
	[tilespmem:s26+$0xB460] =	vst v45;
	v36 =	vld.idx.msk [tilespmem:v56+s14+$0x0], $0xffff  }
0x23e: {  	v62 =	vor.u32 v24, v32;
	v35 =	vld.idx.msk [tilespmem:v57+s14+$0x0], $0xffff;
	[tilespmem:s28+$0xB460] =	vst v39  }
0x23f: {  	v63 =	vor.u32 v24, v33;
	[tilespmem:s3+$0xB460] =	vst v40;
	v47 =	vld.idx.msk [tilespmem:v59+s14+$0x0], $0xffff  }
0x240: {  	v50 =	vor.u32 v24, v34;
	[tilespmem:s25+$0xB460] =	vst v44;
	v40 =	vld.idx.msk [tilespmem:v60+s14+$0x0], $0xffff  }
0x241: {  	v52 =	vor.u32 v24, v41;
	[tilespmem:s7+$0xB460] =	vst v42;
	v46 =	vld.idx.msk [tilespmem:v58+s14+$0x0], $0xffff  }
0x242: {  	v49 =	vor.u32 v24, v38;
	[tilespmem:s20+$0xB470] =	vst v36;
	v51 =	vld.idx.msk [tilespmem:v61+s14+$0x0], $0xffff  }
0x243: {  	v53 =	vld.idx.msk [tilespmem:v62+s14+$0x0], $0xffff;
	v54 =	vor.u32 v24, v37;
	[tilespmem:s26+$0xB470] =	vst v35  }
0x244: {  	v55 =	vor.u32 v25, v32;
	v44 =	vld.idx.msk [tilespmem:v63+s14+$0x0], $0xffff;
	[tilespmem:s28+$0xB470] =	vst v47  }
0x245: {  	v56 =	vor.u32 v25, v33;
	[tilespmem:s3+$0xB470] =	vst v40;
	v42 =	vld.idx.msk [tilespmem:v50+s14+$0x0], $0xffff  }
0x246: {  	v59 =	vor.u32 v25, v34;
	[tilespmem:s25+$0xB470] =	vst v46;
	v58 =	vld.idx.msk [tilespmem:v52+s14+$0x0], $0xffff  }
0x247: {  	v61 =	vor.u32 v25, v41;
	[tilespmem:s7+$0xB470] =	vst v51;
	v39 =	vld.idx.msk [tilespmem:v49+s14+$0x0], $0xffff  }
0x248: {  	s5 =	sor.u32 s21, s10;
	v57 =	vor.u32 v25, v38;
	[tilespmem:s12+$0xB400] =	vst v53;
	v60 =	vld.idx.msk [tilespmem:v54+s14+$0x0], $0xffff  }
0x249: {  	s8 =	sor.u32 $0xC00, s5;
	s9 =	sor.u32 s16, s10;
	v62 =	vor.u32 v25, v37;
	[tilespmem:s11+$0xB400] =	vst v44;
	v46 =	vld.idx.msk [tilespmem:v55+s14+$0x0], $0xffff  }
0x24a: {  	s4 =	sor.u32 s13, s10;
	s13 =	sor.u32 $0xC00, s9;
	v63 =	vor.u32 v26, v32;
	v47 =	vld.idx.msk [tilespmem:v56+s14+$0x0], $0xffff;
	[tilespmem:s8+$0xB400] =	vst v42  }
0x24b: {  	s10 =	sor.u32 s17, s10;
	s7 =	sor.u32 $0xC00, s4;
	v51 =	vor.u32 v26, v33;
	[tilespmem:s13+$0xB400] =	vst v58;
	v43 =	vld.idx.msk [tilespmem:v59+s14+$0x0], $0xffff  }
0x24c: {  	s5 =	sor.u32 $0xC00, s10;
	v53 =	vor.u32 v26, v34;
	[tilespmem:s7+$0xB400] =	vst v39;
	v36 =	vld.idx.msk [tilespmem:v61+s14+$0x0], $0xffff  }
0x24d: {  	v54 =	vor.u32 v26, v41;
	[tilespmem:s5+$0xB400] =	vst v60;
	v40 =	vld.idx.msk [tilespmem:v57+s14+$0x0], $0xffff  }
0x24e: {  	v52 =	vor.u32 v26, v38;
	[tilespmem:s12+$0xB410] =	vst v46;
	v44 =	vld.idx.msk [tilespmem:v62+s14+$0x0], $0xffff  }
0x24f: {  	v55 =	vor.u32 v26, v37;
	[tilespmem:s11+$0xB410] =	vst v47;
	v46 =	vld.idx.msk [tilespmem:v63+s14+$0x0], $0xffff  }
0x250: {  	v56 =	vor.u32 v27, v32;
	v39 =	vld.idx.msk [tilespmem:v51+s14+$0x0], $0xffff;
	[tilespmem:s8+$0xB410] =	vst v43  }
0x251: {  	v57 =	vor.u32 v27, v33;
	[tilespmem:s13+$0xB410] =	vst v36;
	v35 =	vld.idx.msk [tilespmem:v53+s14+$0x0], $0xffff  }
0x252: {  	v59 =	vor.u32 v27, v34;
	[tilespmem:s7+$0xB410] =	vst v40;
	v36 =	vld.idx.msk [tilespmem:v54+s14+$0x0], $0xffff  }
0x253: {  	v60 =	vor.u32 v27, v41;
	[tilespmem:s5+$0xB410] =	vst v44;
	v42 =	vld.idx.msk [tilespmem:v52+s14+$0x0], $0xffff  }
0x254: {  	v58 =	vor.u32 v27, v38;
	[tilespmem:s12+$0xB420] =	vst v46;
	v44 =	vld.idx.msk [tilespmem:v55+s14+$0x0], $0xffff  }
0x255: {  	v62 =	vor.u32 v27, v37;
	[tilespmem:s11+$0xB420] =	vst v39;
	v61 =	vld.idx.msk [tilespmem:v56+s14+$0x0], $0xffff  }
0x256: {  	v63 =	vor.u32 v28, v32;
	v40 =	vld.idx.msk [tilespmem:v57+s14+$0x0], $0xffff;
	[tilespmem:s8+$0xB420] =	vst v35  }
0x257: {  	v52 =	vor.u32 v28, v33;
	[tilespmem:s13+$0xB420] =	vst v36;
	v45 =	vld.idx.msk [tilespmem:v59+s14+$0x0], $0xffff  }
0x258: {  	v54 =	vor.u32 v28, v34;
	[tilespmem:s7+$0xB420] =	vst v42;
	v36 =	vld.idx.msk [tilespmem:v60+s14+$0x0], $0xffff  }
0x259: {  	v55 =	vor.u32 v28, v41;
	[tilespmem:s5+$0xB420] =	vst v44;
	v43 =	vld.idx.msk [tilespmem:v58+s14+$0x0], $0xffff  }
0x25a: {  	v53 =	vor.u32 v28, v38;
	[tilespmem:s12+$0xB430] =	vst v61;
	v39 =	vld.idx.msk [tilespmem:v62+s14+$0x0], $0xffff  }
0x25b: {  	v56 =	vor.u32 v28, v37;
	[tilespmem:s11+$0xB430] =	vst v40;
	v47 =	vld.idx.msk [tilespmem:v63+s14+$0x0], $0xffff  }
0x25c: {  	v57 =	vor.u32 v29, v32;
	v42 =	vld.idx.msk [tilespmem:v52+s14+$0x0], $0xffff;
	[tilespmem:s8+$0xB430] =	vst v45  }
0x25d: {  	v58 =	vor.u32 v29, v33;
	[tilespmem:s13+$0xB430] =	vst v36;
	v44 =	vld.idx.msk [tilespmem:v54+s14+$0x0], $0xffff  }
0x25e: {  	v60 =	vor.u32 v29, v34;
	[tilespmem:s7+$0xB430] =	vst v43;
	v36 =	vld.idx.msk [tilespmem:v55+s14+$0x0], $0xffff  }
0x25f: {  	v61 =	vor.u32 v29, v41;
	[tilespmem:s5+$0xB430] =	vst v39;
	v35 =	vld.idx.msk [tilespmem:v53+s14+$0x0], $0xffff  }
0x260: {  	v59 =	vor.u32 v29, v38;
	[tilespmem:s12+$0xB440] =	vst v47;
	v40 =	vld.idx.msk [tilespmem:v56+s14+$0x0], $0xffff  }
0x261: {  	v62 =	vor.u32 v29, v37;
	[tilespmem:s11+$0xB440] =	vst v42;
	v47 =	vld.idx.msk [tilespmem:v57+s14+$0x0], $0xffff  }
0x262: {  	v63 =	vor.u32 v30, v32;
	v43 =	vld.idx.msk [tilespmem:v58+s14+$0x0], $0xffff;
	[tilespmem:s8+$0xB440] =	vst v44  }
0x263: {  	v51 =	vor.u32 v30, v33;
	[tilespmem:s13+$0xB440] =	vst v36;
	v39 =	vld.idx.msk [tilespmem:v60+s14+$0x0], $0xffff  }
0x264: {  	v53 =	vor.u32 v30, v34;
	[tilespmem:s7+$0xB440] =	vst v35;
	v36 =	vld.idx.msk [tilespmem:v61+s14+$0x0], $0xffff  }
0x265: {  	v54 =	vor.u32 v30, v41;
	[tilespmem:s5+$0xB440] =	vst v40;
	v45 =	vld.idx.msk [tilespmem:v59+s14+$0x0], $0xffff  }
0x266: {  	v52 =	vor.u32 v30, v38;
	[tilespmem:s12+$0xB450] =	vst v47;
	v42 =	vld.idx.msk [tilespmem:v62+s14+$0x0], $0xffff  }
0x267: {  	v55 =	vor.u32 v30, v37;
	[tilespmem:s11+$0xB450] =	vst v43;
	v47 =	vld.idx.msk [tilespmem:v63+s14+$0x0], $0xffff  }
0x268: {  	v56 =	vor.u32 v31, v32;
	v35 =	vld.idx.msk [tilespmem:v51+s14+$0x0], $0xffff;
	[tilespmem:s8+$0xB450] =	vst v39  }
0x269: {  	v57 =	vor.u32 v31, v33;
	[tilespmem:s13+$0xB450] =	vst v36;
	v39 =	vld.idx.msk [tilespmem:v53+s14+$0x0], $0xffff  }
0x26a: {  	v58 =	vor.u32 v31, v34;
	[tilespmem:s7+$0xB450] =	vst v45;
	v36 =	vld.idx.msk [tilespmem:v54+s14+$0x0], $0xffff  }
0x26b: {  	v60 =	vor.u32 v31, v41;
	[tilespmem:s5+$0xB450] =	vst v42;
	v44 =	vld.idx.msk [tilespmem:v52+s14+$0x0], $0xffff  }
0x26c: {  	v38 =	vor.u32 v31, v38;
	[tilespmem:s12+$0xB460] =	vst v47;
	v59 =	vld.idx.msk [tilespmem:v55+s14+$0x0], $0xffff  }
0x26d: {  	v61 =	vor.u32 v31, v37;
	[tilespmem:s11+$0xB460] =	vst v35;
	v32 =	vld.idx.msk [tilespmem:v56+s14+$0x0], $0xffff  }
0x26e: {  	v33 =	vld.idx.msk [tilespmem:v57+s14+$0x0], $0xffff;
	[tilespmem:s8+$0xB460] =	vst v39  }
0x26f: {  	[tilespmem:s13+$0xB460] =	vst v36;
	v34 =	vld.idx.msk [tilespmem:v58+s14+$0x0], $0xffff  }
0x270: {  	[tilespmem:s7+$0xB460] =	vst v44;
	v36 =	vld.idx.msk [tilespmem:v60+s14+$0x0], $0xffff  }
0x271: {  	[tilespmem:s5+$0xB460] =	vst v59;
	v62 =	vld.idx.msk [tilespmem:v38+s14+$0x0], $0xffff  }
0x272: {  	[tilespmem:s12+$0xB470] =	vst v32;
	v63 =	vld.idx.msk [tilespmem:v61+s14+$0x0], $0xffff  }
0x273: {  	[tilespmem:s11+$0xB470] =	vst v33  }
0x274: {  	s16 =	sshll.u32 s6, $0xB;
	s17 =	sshll.u32 s6, $0x9;
	[tilespmem:s8+$0xB470] =	vst v34  }
0x275: {  	s18 =	sand.u32 $0xFFF0000, s16;
	s19 =	sand.u32 $0x3C00, s17;
	[tilespmem:s13+$0xB470] =	vst v36  }
0x276: {  	s1 =	sor.u32 s19, s18;
	s20 =	rddreg [dreg:$0x1];
	[tilespmem:s7+$0xB470] =	vst v62  }
0x277: {  	s21 =	simm.s32 $0x0;
	s22 =	simm.s32 $0xB400;
	s2 =	sadd.s32 s20, s1;
	[tilespmem:s5+$0xB470] =	vst v63  }
0x278: {  	[hbm4b:s2+s21] =	stream.linear.scatter [tilespmem:s22], [sflag:$0x3], $0x1000, $0x38;
	[tilespmem:$0x13400] =	vst v63  }
0x279: {  	p0 =	seq.s32 s30, $0xC;
	s23 =	rddreg [dreg:$0x6]  }
0x27a: {  	s24 =	simm.s32 $0xC400;
	s25 =	rddreg [dreg:$0x7];
	s2 =	sadd.s32 s1, s23  }
0x27b: {  	[hbm4b:s2+s21] =	stream.linear.scatter [tilespmem:s24], [sflag:$0x3], $0x1000, $0x38;
	[tilespmem:$0x13400] =	vst v63  }
0x27c: {  	s26 =	simm.s32 $0xD400;
	s28 =	rddreg [dreg:$0x8];
	s2 =	sadd.s32 s1, s25  }
0x27d: {  	[hbm4b:s2+s21] =	stream.linear.scatter [tilespmem:s26], [sflag:$0x3], $0x1000, $0x38;
	[tilespmem:$0x13400] =	vst v63  }
0x27e: {  	p1 =	seq.s32 @!p0 s30, $0x0;
	s29 =	simm.s32 $0xE400;
	s1 =	sadd.s32 s1, s28  }
0x27f: {  	[hbm4b:s1+s21] =	stream.linear.scatter [tilespmem:s29], [sflag:$0x3], $0x1000, $0x38;
	[tilespmem:$0x13400] =	vst v63  }
0x280: {  	p1 =	por p0, !p1;
	s1 =	sshll.u32 @!p0 s30, $0xA  }
0x281: {  	s3 =	simm.s32 @!p0 $0x3400;
	s4 =	rddreg [dreg:$0x3];
	s1 =	sand.u32 @!p0 $0x3FFFFC00, s1  }
.Ltmp3:
0x282: {  	s2 =	simm.s32 @!p0 $0x200;
	s1 =	sadd.s32 @!p0 $0x400, s1;
	(pc) =	sbr.rel @!p1 .LBB2_6-.Ltmp3, $4  }
0x283: {  	[tilespmem:s3], [sflag:$0x1] =	stream.indirect.gather @!p0 [hbm4b:s4+s2], $0x20, s1, s2, $0xb8;
	[tilespmem:$0x13400] =	vst v63  }
0x284: {  	s1 =	rddreg [dreg:$0x4]  }
0x285: {  	s0 =	sadd.s32 @!p0 s0, s1  }
0x286: {  	s31 =	sadd.s32 @!p0 $0x1, s0  }
0x287: {  	s1 =	simm.s32 $0x4  }
0x288: {  	_ =	swait.ge [sflag:s1], $0x1000  }
0x289: {  	[sflag:s1] =	ssyncset.done $0x0  }
0x28a: {  	[sflag:s1] =	ssyncadd.s32 $0xFFFFF000  }
0x28b: {  	_ =	swait.ge [sflag:s1], $0x1000  }
0x28c: {  	[sflag:s1] =	ssyncset.done $0x0  }
0x28d: {  	[sflag:s1] =	ssyncadd.s32 $0xFFFFF000  }
0x28e: {  	_ =	swait.ge [sflag:s1], $0x1000  }
0x28f: {  	[sflag:s1] =	ssyncset.done $0x0  }
0x290: {  	[sflag:s1] =	ssyncadd.s32 $0xFFFFF000  }
0x291: {  	_ =	swait.ge [sflag:s1], $0x1000  }
0x292: {  	[sflag:s1] =	ssyncset.done $0x0;
	s0 =	rddreg [dreg:$0x9]  }
0x293: {  	s31 =	smov.u32 @p0 s0;
	[sflag:s1] =	ssyncadd.s32 $0xFFFFF000  }
.LBB2_6:
0x294: {  	s0 =	simm.s32 $0x3  }
0x295: {  	s1 =	simm.s32 $0x1;
	v32 =	vmov s0  }
0x296: {  	s2 =	simm.s32 $0x0;
	v33 =	vmov s1;
	v32 =	vand.u32 $0x1F, v32  }
0x297: {  	v49 =	vmov s2;
	v33 =	vand.u32 $0x1D, v33;
	v41 =	vbroadcast v32, $0x0  }
0x298: {  	s1 =	simm.s32 $0x2;
	v50 =	vand.u32 $0x1C, v49;
	v37 =	vbroadcast v33, $0x0  }
0x299: {  	v48 =	vmov s1;
	v39 =	vbroadcast v50, $0x0;
	v34 =	vor.u32 v0, v41  }
0x29a: {  	s12 =	simm.s32 $0x2;
	v32 =	vand.u32 $0x1E, v48;
	v51 =	vor.u32 v0, v37  }
0x29b: {  	_ =	swait.ge [sflag:s12], $0x4000;
	v38 =	vbroadcast v32, $0x0;
	v35 =	vor.u32 v0, v39  }
0x29c: {  	[sflag:s12] =	ssyncset.done $0x0  }
0x29d: {  	[sflag:s12] =	ssyncadd.s32 $0xFFFFC000;
	v52 =	vor.u32 v0, v38  }
0x29e: {  	v34 =	vld.idx.msk [tilespmem:v34+s15+$0x0], $0xffff  }
0x29f: {  	v36 =	vor.u32 v1, v41;
	v33 =	vld.idx.msk [tilespmem:v51+s15+$0x0], $0xffff  }
0x2a0: {  	s5 =	simm.s32 $0x180;
	s11 =	simm.s32 $0x80;
	s13 =	sand.u32 $0x3000, s2;
	v40 =	vor.u32 v1, v37;
	v35 =	vld.idx.msk [tilespmem:v35+s15+$0x0], $0xffff  }
0x2a1: {  	s10 =	simm.s32 $0x100;
	s3 =	sand.u32 $0x380, s5;
	s0 =	sadd.s32 $0xF400, s13;
	v43 =	vor.u32 v1, v39  }
0x2a2: {  	s6 =	simm.s32 $0x0;
	s16 =	sand.u32 $0x280, s11;
	s7 =	sor.u32 s3, s0;
	v32 =	vld.idx.msk [tilespmem:v52+s15+$0x0], $0xffff  }
0x2a3: {  	s4 =	sand.u32 $0x300, s10;
	s17 =	sand.u32 $0x200, s6;
	s8 =	sor.u32 s16, s0;
	v42 =	vor.u32 v1, v38;
	[tilespmem:s7+$0x0] =	vst v34  }
0x2a4: {  	s4 =	sor.u32 s4, s0;
	s0 =	sor.u32 s17, s0;
	[tilespmem:s8+$0x0] =	vst v33;
	v34 =	vld.idx.msk [tilespmem:v36+s15+$0x0], $0xffff  }
0x2a5: {  	v53 =	vor.u32 v2, v41;
	[tilespmem:s0+$0x0] =	vst v35;
	v54 =	vld.idx.msk [tilespmem:v40+s15+$0x0], $0xffff  }
0x2a6: {  	v55 =	vor.u32 v2, v37;
	v56 =	vld.idx.msk [tilespmem:v43+s15+$0x0], $0xffff  }
0x2a7: {  	v58 =	vor.u32 v2, v39;
	[tilespmem:s4+$0x0] =	vst v32  }
0x2a8: {  	v32 =	vld.idx.msk [tilespmem:v42+s15+$0x0], $0xffff  }
0x2a9: {  	v57 =	vor.u32 v2, v38;
	[tilespmem:s7+$0x10] =	vst v34  }
0x2aa: {  	[tilespmem:s8+$0x10] =	vst v54;
	v33 =	vld.idx.msk [tilespmem:v53+s15+$0x0], $0xffff  }
0x2ab: {  	v59 =	vor.u32 v3, v41;
	[tilespmem:s0+$0x10] =	vst v56;
	v35 =	vld.idx.msk [tilespmem:v55+s15+$0x0], $0xffff  }
0x2ac: {  	v60 =	vor.u32 v3, v37;
	v40 =	vld.idx.msk [tilespmem:v58+s15+$0x0], $0xffff  }
0x2ad: {  	v62 =	vor.u32 v3, v39;
	[tilespmem:s4+$0x10] =	vst v32  }
0x2ae: {  	v32 =	vld.idx.msk [tilespmem:v57+s15+$0x0], $0xffff  }
0x2af: {  	v61 =	vor.u32 v3, v38;
	[tilespmem:s7+$0x20] =	vst v33  }
0x2b0: {  	[tilespmem:s8+$0x20] =	vst v35;
	v33 =	vld.idx.msk [tilespmem:v59+s15+$0x0], $0xffff  }
0x2b1: {  	v63 =	vor.u32 v4, v41;
	[tilespmem:s0+$0x20] =	vst v40;
	v35 =	vld.idx.msk [tilespmem:v60+s15+$0x0], $0xffff  }
0x2b2: {  	v45 =	vor.u32 v4, v37;
	v40 =	vld.idx.msk [tilespmem:v62+s15+$0x0], $0xffff  }
0x2b3: {  	v47 =	vor.u32 v4, v39;
	[tilespmem:s4+$0x20] =	vst v32  }
0x2b4: {  	v32 =	vld.idx.msk [tilespmem:v61+s15+$0x0], $0xffff  }
0x2b5: {  	v46 =	vor.u32 v4, v38;
	[tilespmem:s7+$0x30] =	vst v33  }
0x2b6: {  	[tilespmem:s8+$0x30] =	vst v35;
	v33 =	vld.idx.msk [tilespmem:v63+s15+$0x0], $0xffff  }
0x2b7: {  	v48 =	vor.u32 v5, v41;
	[tilespmem:s0+$0x30] =	vst v40;
	v35 =	vld.idx.msk [tilespmem:v45+s15+$0x0], $0xffff  }
0x2b8: {  	v49 =	vor.u32 v5, v37;
	v40 =	vld.idx.msk [tilespmem:v47+s15+$0x0], $0xffff  }
0x2b9: {  	v51 =	vor.u32 v5, v39;
	[tilespmem:s4+$0x30] =	vst v32  }
0x2ba: {  	v32 =	vld.idx.msk [tilespmem:v46+s15+$0x0], $0xffff  }
0x2bb: {  	v50 =	vor.u32 v5, v38;
	[tilespmem:s7+$0x40] =	vst v33  }
0x2bc: {  	[tilespmem:s8+$0x40] =	vst v35;
	v33 =	vld.idx.msk [tilespmem:v48+s15+$0x0], $0xffff  }
0x2bd: {  	v52 =	vor.u32 v6, v41;
	[tilespmem:s0+$0x40] =	vst v40;
	v35 =	vld.idx.msk [tilespmem:v49+s15+$0x0], $0xffff  }
0x2be: {  	v53 =	vor.u32 v6, v37;
	v40 =	vld.idx.msk [tilespmem:v51+s15+$0x0], $0xffff  }
0x2bf: {  	v55 =	vor.u32 v6, v39;
	[tilespmem:s4+$0x40] =	vst v32  }
0x2c0: {  	v32 =	vld.idx.msk [tilespmem:v50+s15+$0x0], $0xffff  }
0x2c1: {  	v54 =	vor.u32 v6, v38;
	[tilespmem:s7+$0x50] =	vst v33  }
0x2c2: {  	[tilespmem:s8+$0x50] =	vst v35;
	v33 =	vld.idx.msk [tilespmem:v52+s15+$0x0], $0xffff  }
0x2c3: {  	v56 =	vor.u32 v7, v41;
	[tilespmem:s0+$0x50] =	vst v40;
	v35 =	vld.idx.msk [tilespmem:v53+s15+$0x0], $0xffff  }
0x2c4: {  	v57 =	vor.u32 v7, v37;
	v40 =	vld.idx.msk [tilespmem:v55+s15+$0x0], $0xffff  }
0x2c5: {  	v59 =	vor.u32 v7, v39;
	[tilespmem:s4+$0x50] =	vst v32  }
0x2c6: {  	v32 =	vld.idx.msk [tilespmem:v54+s15+$0x0], $0xffff  }
0x2c7: {  	v58 =	vor.u32 v7, v38;
	[tilespmem:s7+$0x60] =	vst v33  }
0x2c8: {  	[tilespmem:s8+$0x60] =	vst v35;
	v33 =	vld.idx.msk [tilespmem:v56+s15+$0x0], $0xffff  }
0x2c9: {  	v60 =	vor.u32 v8, v41;
	[tilespmem:s0+$0x60] =	vst v40;
	v35 =	vld.idx.msk [tilespmem:v57+s15+$0x0], $0xffff  }
0x2ca: {  	v61 =	vor.u32 v8, v37;
	v40 =	vld.idx.msk [tilespmem:v59+s15+$0x0], $0xffff  }
0x2cb: {  	v63 =	vor.u32 v8, v39;
	[tilespmem:s4+$0x60] =	vst v32  }
0x2cc: {  	v32 =	vld.idx.msk [tilespmem:v58+s15+$0x0], $0xffff  }
0x2cd: {  	v62 =	vor.u32 v8, v38;
	[tilespmem:s7+$0x70] =	vst v33  }
0x2ce: {  	[tilespmem:s8+$0x70] =	vst v35;
	v33 =	vld.idx.msk [tilespmem:v60+s15+$0x0], $0xffff  }
0x2cf: {  	v45 =	vor.u32 v9, v41;
	[tilespmem:s0+$0x70] =	vst v40;
	v35 =	vld.idx.msk [tilespmem:v61+s15+$0x0], $0xffff  }
0x2d0: {  	v46 =	vor.u32 v9, v37;
	v40 =	vld.idx.msk [tilespmem:v63+s15+$0x0], $0xffff  }
0x2d1: {  	v48 =	vor.u32 v9, v39;
	[tilespmem:s4+$0x70] =	vst v32  }
0x2d2: {  	v32 =	vld.idx.msk [tilespmem:v62+s15+$0x0], $0xffff  }
0x2d3: {  	v47 =	vor.u32 v9, v38;
	[tilespmem:s7+$0x400] =	vst v33  }
0x2d4: {  	[tilespmem:s8+$0x400] =	vst v35;
	v33 =	vld.idx.msk [tilespmem:v45+s15+$0x0], $0xffff  }
0x2d5: {  	v49 =	vor.u32 v10, v41;
	[tilespmem:s0+$0x400] =	vst v40;
	v35 =	vld.idx.msk [tilespmem:v46+s15+$0x0], $0xffff  }
0x2d6: {  	v50 =	vor.u32 v10, v37;
	v40 =	vld.idx.msk [tilespmem:v48+s15+$0x0], $0xffff  }
0x2d7: {  	v52 =	vor.u32 v10, v39;
	[tilespmem:s4+$0x400] =	vst v32  }
0x2d8: {  	v32 =	vld.idx.msk [tilespmem:v47+s15+$0x0], $0xffff  }
0x2d9: {  	v51 =	vor.u32 v10, v38;
	[tilespmem:s7+$0x410] =	vst v33  }
0x2da: {  	[tilespmem:s8+$0x410] =	vst v35;
	v33 =	vld.idx.msk [tilespmem:v49+s15+$0x0], $0xffff  }
0x2db: {  	v53 =	vor.u32 v11, v41;
	[tilespmem:s0+$0x410] =	vst v40;
	v35 =	vld.idx.msk [tilespmem:v50+s15+$0x0], $0xffff  }
0x2dc: {  	v54 =	vor.u32 v11, v37;
	v40 =	vld.idx.msk [tilespmem:v52+s15+$0x0], $0xffff  }
0x2dd: {  	v56 =	vor.u32 v11, v39;
	[tilespmem:s4+$0x410] =	vst v32  }
0x2de: {  	v32 =	vld.idx.msk [tilespmem:v51+s15+$0x0], $0xffff  }
0x2df: {  	v55 =	vor.u32 v11, v38;
	[tilespmem:s7+$0x420] =	vst v33  }
0x2e0: {  	[tilespmem:s8+$0x420] =	vst v35;
	v33 =	vld.idx.msk [tilespmem:v53+s15+$0x0], $0xffff  }
0x2e1: {  	v57 =	vor.u32 v12, v41;
	[tilespmem:s0+$0x420] =	vst v40;
	v35 =	vld.idx.msk [tilespmem:v54+s15+$0x0], $0xffff  }
0x2e2: {  	v58 =	vor.u32 v12, v37;
	v40 =	vld.idx.msk [tilespmem:v56+s15+$0x0], $0xffff  }
0x2e3: {  	v60 =	vor.u32 v12, v39;
	[tilespmem:s4+$0x420] =	vst v32  }
0x2e4: {  	v32 =	vld.idx.msk [tilespmem:v55+s15+$0x0], $0xffff  }
0x2e5: {  	v59 =	vor.u32 v12, v38;
	[tilespmem:s7+$0x430] =	vst v33  }
0x2e6: {  	[tilespmem:s8+$0x430] =	vst v35;
	v33 =	vld.idx.msk [tilespmem:v57+s15+$0x0], $0xffff  }
0x2e7: {  	v61 =	vor.u32 v13, v41;
	[tilespmem:s0+$0x430] =	vst v40;
	v35 =	vld.idx.msk [tilespmem:v58+s15+$0x0], $0xffff  }
0x2e8: {  	v62 =	vor.u32 v13, v37;
	v40 =	vld.idx.msk [tilespmem:v60+s15+$0x0], $0xffff  }
0x2e9: {  	v45 =	vor.u32 v13, v39;
	[tilespmem:s4+$0x430] =	vst v32  }
0x2ea: {  	v32 =	vld.idx.msk [tilespmem:v59+s15+$0x0], $0xffff  }
0x2eb: {  	v63 =	vor.u32 v13, v38;
	[tilespmem:s7+$0x440] =	vst v33  }
0x2ec: {  	[tilespmem:s8+$0x440] =	vst v35;
	v33 =	vld.idx.msk [tilespmem:v61+s15+$0x0], $0xffff  }
0x2ed: {  	v46 =	vor.u32 v14, v41;
	[tilespmem:s0+$0x440] =	vst v40;
	v35 =	vld.idx.msk [tilespmem:v62+s15+$0x0], $0xffff  }
0x2ee: {  	v47 =	vor.u32 v14, v37;
	v40 =	vld.idx.msk [tilespmem:v45+s15+$0x0], $0xffff  }
0x2ef: {  	v49 =	vor.u32 v14, v39;
	[tilespmem:s4+$0x440] =	vst v32  }
0x2f0: {  	v32 =	vld.idx.msk [tilespmem:v63+s15+$0x0], $0xffff  }
0x2f1: {  	v48 =	vor.u32 v14, v38;
	[tilespmem:s7+$0x450] =	vst v33  }
0x2f2: {  	[tilespmem:s8+$0x450] =	vst v35;
	v33 =	vld.idx.msk [tilespmem:v46+s15+$0x0], $0xffff  }
0x2f3: {  	v50 =	vor.u32 v15, v41;
	[tilespmem:s0+$0x450] =	vst v40;
	v35 =	vld.idx.msk [tilespmem:v47+s15+$0x0], $0xffff  }
0x2f4: {  	v51 =	vor.u32 v15, v37;
	v40 =	vld.idx.msk [tilespmem:v49+s15+$0x0], $0xffff  }
0x2f5: {  	v53 =	vor.u32 v15, v39;
	[tilespmem:s4+$0x450] =	vst v32  }
0x2f6: {  	v32 =	vld.idx.msk [tilespmem:v48+s15+$0x0], $0xffff  }
0x2f7: {  	v52 =	vor.u32 v15, v38;
	[tilespmem:s7+$0x460] =	vst v33  }
0x2f8: {  	[tilespmem:s8+$0x460] =	vst v35;
	v33 =	vld.idx.msk [tilespmem:v50+s15+$0x0], $0xffff  }
0x2f9: {  	s18 =	simm.s32 $0x5;
	v54 =	vor.u32 v16, v41;
	[tilespmem:s0+$0x460] =	vst v40;
	v36 =	vld.idx.msk [tilespmem:v51+s15+$0x0], $0xffff  }
0x2fa: {  	v56 =	vmov s18;
	v55 =	vor.u32 v16, v37;
	v57 =	vld.idx.msk [tilespmem:v53+s15+$0x0], $0xffff  }
0x2fb: {  	v44 =	vor.u32 v16, v39;
	v35 =	vand.u32 $0x1D, v56;
	[tilespmem:s4+$0x460] =	vst v32  }
0x2fc: {  	v35 =	vbroadcast v35, $0x0;
	v32 =	vld.idx.msk [tilespmem:v52+s15+$0x0], $0xffff  }
0x2fd: {  	s23 =	simm.s32 $0x7;
	v58 =	vor.u32 v16, v38;
	[tilespmem:s7+$0x470] =	vst v33  }
0x2fe: {  	s19 =	sand.u32 $0x7, s2;
	v52 =	vmov s23;
	v45 =	vor.u32 v0, v35;
	[tilespmem:s8+$0x470] =	vst v36;
	v33 =	vld.idx.msk [tilespmem:v54+s15+$0x0], $0xffff  }
0x2ff: {  	s20 =	simm.s32 $0x6;
	p1 =	por $0x0, $0x0;
	s3 =	sshll.u32 s19, $0x7;
	v59 =	vor.u32 v17, v41;
	v53 =	vand.u32 $0x1F, v52;
	[tilespmem:s0+$0x470] =	vst v57;
	v40 =	vld.idx.msk [tilespmem:v55+s15+$0x0], $0xffff  }
0x300: {  	s21 =	sand.u32 $0x3, s2;
	s3 =	sadd.s32 $0x0, s3;
	v60 =	vmov s20;
	v63 =	vor.u32 v17, v37;
	s8 =	simm.s32 $0x1;
	v36 =	vbroadcast v53, $0x0;
	v44 =	vld.idx.msk [tilespmem:v44+s15+$0x0], $0xffff  }
0x301: {  	s22 =	sadd.s32 $0x180, s3;
	s3 =	sadd.s32 $0x80, s3;
	v61 =	vand.u32 $0x1E, v60;
	v47 =	vor.u32 v17, v39;
	[tilespmem:s4+$0x470] =	vst v32;
	s8 =	simm.s32 @!p1 $0x0  }
0x302: {  	s4 =	sshll.u32 s21, $0x8;
	v32 =	vbroadcast v61, $0x0;
	s21 =	sor.u32 $0x800, s22;
	v62 =	vld.idx.msk [tilespmem:v58+s15+$0x0], $0xffff;
	s25 =	sshll.u32 s8, $0x9;
	v56 =	vor.u32 v0, v36  }
0x303: {  	s13 =	sor.u32 $0x800, s3;
	v46 =	vor.u32 v17, v38;
	v45 =	vld.idx.msk [tilespmem:v45+s15+$0x0], $0xffff;
	s28 =	sadd.s32 $0x0, s25;
	[tilespmem:s21+$0xF400] =	vst v33  }
0x304: {  	s24 =	sadd.s32 $0x0, s4;
	v48 =	vor.u32 v0, v32;
	s9 =	sor.u32 $0x800, s28;
	[tilespmem:s13+$0xF400] =	vst v40;
	v34 =	vld.idx.msk [tilespmem:v59+s15+$0x0], $0xffff  }
0x305: {  	s17 =	simm.s32 $0x800;
	s0 =	simm.s32 $0x4;
	v53 =	vor.u32 v1, v35;
	s26 =	sadd.s32 $0x100, s24;
	[tilespmem:s9+$0xF400] =	vst v44;
	v43 =	vld.idx.msk [tilespmem:v63+s15+$0x0], $0xffff  }
0x306: {  	v54 =	vor.u32 v18, v41;
	s8 =	simm.s32 $0x280;
	s24 =	sand.u32 $0x3000, s17;
	s29 =	sor.u32 $0x800, s26;
	v47 =	vld.idx.msk [tilespmem:v47+s15+$0x0], $0xffff  }
0x307: {  	s23 =	simm.s32 $0x9;
	v55 =	vmov s0;
	v58 =	vor.u32 v18, v37;
	s12 =	sand.u32 $0x280, s8;
	s3 =	sadd.s32 $0xF400, s24;
	[tilespmem:s29+$0xF400] =	vst v62;
	v42 =	vld.idx.msk [tilespmem:v56+s15+$0x0], $0xffff  }
0x308: {  	v60 =	vor.u32 v18, v39;
	v49 =	vmov s23;
	s19 =	sor.u32 s12, s3;
	v33 =	vand.u32 $0x1C, v55;
	v57 =	vld.idx.msk [tilespmem:v46+s15+$0x0], $0xffff  }
0x309: {  	v33 =	vbroadcast v33, $0x0;
	v59 =	vand.u32 $0x1D, v49;
	v63 =	vor.u32 v1, v36;
	[tilespmem:s19+$0x0] =	vst v45;
	v48 =	vld.idx.msk [tilespmem:v48+s15+$0x0], $0xffff  }
0x30a: {  	v50 =	vor.u32 v18, v38;
	s26 =	simm.s32 $0x380;
	[tilespmem:s21+$0xF410] =	vst v34;
	v34 =	vbroadcast v59, $0x0;
	v59 =	vld.idx.msk [tilespmem:v53+s15+$0x0], $0xffff  }
0x30b: {  	s25 =	sand.u32 $0x380, s26;
	v51 =	vor.u32 v0, v33;
	[tilespmem:s13+$0xF410] =	vst v43;
	v40 =	vld.idx.msk [tilespmem:v54+s15+$0x0], $0xffff  }
0x30c: {  	v61 =	vor.u32 v19, v41;
	s18 =	sor.u32 s25, s3;
	[tilespmem:s9+$0xF410] =	vst v47;
	v46 =	vld.idx.msk [tilespmem:v58+s15+$0x0], $0xffff  }
0x30d: {  	[tilespmem:s18+$0x0] =	vst v42;
	v49 =	vld.idx.msk [tilespmem:v60+s15+$0x0], $0xffff;
	v62 =	vor.u32 v0, v34  }
0x30e: {  	v52 =	vor.u32 v19, v37;
	s7 =	simm.s32 $0x300;
	[tilespmem:s29+$0xF410] =	vst v57;
	v42 =	vld.idx.msk [tilespmem:v63+s15+$0x0], $0xffff  }
0x30f: {  	s16 =	sand.u32 $0x300, s7;
	v54 =	vor.u32 v1, v32;
	v50 =	vld.idx.msk [tilespmem:v50+s15+$0x0], $0xffff  }
0x310: {  	s12 =	sor.u32 s16, s3;
	v60 =	vor.u32 v2, v36;
	v51 =	vld.idx.msk [tilespmem:v51+s15+$0x0], $0xffff;
	[tilespmem:s21+$0xF420] =	vst v40  }
0x311: {  	v56 =	vor.u32 v1, v33;
	[tilespmem:s12+$0x0] =	vst v48;
	v43 =	vld.idx.msk [tilespmem:v61+s15+$0x0], $0xffff  }
0x312: {  	s20 =	simm.s32 $0x200;
	v63 =	vor.u32 v2, v35;
	[tilespmem:s13+$0xF420] =	vst v46;
	v40 =	vld.idx.msk [tilespmem:v62+s15+$0x0], $0xffff  }
0x313: {  	s22 =	sand.u32 $0x200, s20;
	v58 =	vor.u32 v19, v38;
	[tilespmem:s19+$0x10] =	vst v59;
	v45 =	vld.idx.msk [tilespmem:v52+s15+$0x0], $0xffff  }
0x314: {  	s16 =	sor.u32 s22, s3;
	[tilespmem:s18+$0x10] =	vst v42;
	v61 =	vld.idx.msk [tilespmem:v54+s15+$0x0], $0xffff;
	v62 =	vor.u32 v19, v39  }
0x315: {  	v57 =	vor.u32 v20, v41;
	[tilespmem:s16+$0x0] =	vst v51;
	v47 =	vld.idx.msk [tilespmem:v60+s15+$0x0], $0xffff  }
0x316: {  	[tilespmem:s9+$0xF420] =	vst v49;
	v44 =	vld.idx.msk [tilespmem:v56+s15+$0x0], $0xffff;
	v56 =	vor.u32 v2, v32  }
0x317: {  	v59 =	vor.u32 v20, v37;
	[tilespmem:s29+$0xF420] =	vst v50;
	v60 =	vld.idx.msk [tilespmem:v63+s15+$0x0], $0xffff  }
0x318: {  	v63 =	vor.u32 v3, v35;
	v42 =	vld.idx.msk [tilespmem:v58+s15+$0x0], $0xffff;
	[tilespmem:s21+$0xF430] =	vst v43  }
0x319: {  	v49 =	vld.idx.msk [tilespmem:v62+s15+$0x0], $0xffff;
	[tilespmem:s12+$0x10] =	vst v61;
	v61 =	vor.u32 v3, v36  }
0x31a: {  	v62 =	vor.u32 v20, v38;
	[tilespmem:s13+$0xF430] =	vst v45;
	v46 =	vld.idx.msk [tilespmem:v57+s15+$0x0], $0xffff  }
0x31b: {  	[tilespmem:s18+$0x20] =	vst v47;
	v57 =	vor.u32 v2, v33;
	v43 =	vld.idx.msk [tilespmem:v56+s15+$0x0], $0xffff  }
0x31c: {  	v58 =	vor.u32 v21, v41;
	[tilespmem:s19+$0x20] =	vst v60;
	v47 =	vld.idx.msk [tilespmem:v59+s15+$0x0], $0xffff  }
0x31d: {  	[tilespmem:s16+$0x10] =	vst v44;
	v56 =	vor.u32 v3, v32;
	v53 =	vld.idx.msk [tilespmem:v63+s15+$0x0], $0xffff  }
0x31e: {  	[tilespmem:s29+$0xF430] =	vst v42;
	v63 =	vor.u32 v4, v35;
	v51 =	vld.idx.msk [tilespmem:v61+s15+$0x0], $0xffff  }
0x31f: {  	v60 =	vor.u32 v20, v39;
	v44 =	vld.idx.msk [tilespmem:v62+s15+$0x0], $0xffff;
	[tilespmem:s9+$0xF430] =	vst v49  }
0x320: {  	v61 =	vor.u32 v4, v36;
	v50 =	vld.idx.msk [tilespmem:v57+s15+$0x0], $0xffff;
	[tilespmem:s21+$0xF440] =	vst v46  }
0x321: {  	v62 =	vor.u32 v21, v37;
	[tilespmem:s12+$0x20] =	vst v43;
	v57 =	vld.idx.msk [tilespmem:v58+s15+$0x0], $0xffff  }
0x322: {  	[tilespmem:s19+$0x30] =	vst v53;
	v58 =	vor.u32 v3, v33;
	v46 =	vld.idx.msk [tilespmem:v56+s15+$0x0], $0xffff  }
0x323: {  	v59 =	vor.u32 v22, v41;
	[tilespmem:s13+$0xF440] =	vst v47;
	v53 =	vld.idx.msk [tilespmem:v63+s15+$0x0], $0xffff  }
0x324: {  	v63 =	vor.u32 v5, v35;
	[tilespmem:s18+$0x30] =	vst v51;
	v51 =	vld.idx.msk [tilespmem:v60+s15+$0x0], $0xffff  }
0x325: {  	v60 =	vor.u32 v21, v38;
	[tilespmem:s16+$0x20] =	vst v50;
	v43 =	vld.idx.msk [tilespmem:v61+s15+$0x0], $0xffff  }
0x326: {  	v50 =	vld.idx.msk [tilespmem:v62+s15+$0x0], $0xffff;
	[tilespmem:s21+$0xF450] =	vst v57;
	v57 =	vor.u32 v4, v32  }
0x327: {  	[tilespmem:s29+$0xF440] =	vst v44;
	v61 =	vor.u32 v5, v36;
	v48 =	vld.idx.msk [tilespmem:v58+s15+$0x0], $0xffff  }
0x328: {  	v62 =	vor.u32 v21, v39;
	[tilespmem:s19+$0x40] =	vst v53;
	v42 =	vld.idx.msk [tilespmem:v59+s15+$0x0], $0xffff  }
0x329: {  	v58 =	vor.u32 v4, v33;
	[tilespmem:s12+$0x30] =	vst v46;
	v53 =	vld.idx.msk [tilespmem:v63+s15+$0x0], $0xffff  }
0x32a: {  	v59 =	vor.u32 v23, v41;
	[tilespmem:s18+$0x40] =	vst v43;
	v43 =	vld.idx.msk [tilespmem:v60+s15+$0x0], $0xffff  }
0x32b: {  	v63 =	vor.u32 v6, v35;
	[tilespmem:s9+$0xF440] =	vst v51;
	v45 =	vld.idx.msk [tilespmem:v57+s15+$0x0], $0xffff  }
0x32c: {  	v60 =	vor.u32 v22, v37;
	[tilespmem:s13+$0xF450] =	vst v50;
	v46 =	vld.idx.msk [tilespmem:v61+s15+$0x0], $0xffff  }
0x32d: {  	v56 =	vor.u32 v5, v32;
	[tilespmem:s16+$0x30] =	vst v48;
	v48 =	vld.idx.msk [tilespmem:v62+s15+$0x0], $0xffff  }
0x32e: {  	v61 =	vor.u32 v6, v36;
	v49 =	vld.idx.msk [tilespmem:v58+s15+$0x0], $0xffff;
	[tilespmem:s21+$0xF460] =	vst v42  }
0x32f: {  	v62 =	vor.u32 v22, v38;
	[tilespmem:s19+$0x50] =	vst v53;
	v57 =	vld.idx.msk [tilespmem:v59+s15+$0x0], $0xffff  }
0x330: {  	v58 =	vor.u32 v5, v33;
	v53 =	vld.idx.msk [tilespmem:v63+s15+$0x0], $0xffff;
	[tilespmem:s12+$0x40] =	vst v45  }
0x331: {  	v59 =	vor.u32 v24, v41;
	[tilespmem:s18+$0x50] =	vst v46;
	v46 =	vld.idx.msk [tilespmem:v60+s15+$0x0], $0xffff  }
0x332: {  	v63 =	vor.u32 v7, v35;
	[tilespmem:s29+$0xF450] =	vst v43;
	v42 =	vld.idx.msk [tilespmem:v56+s15+$0x0], $0xffff  }
0x333: {  	v60 =	vor.u32 v22, v39;
	[tilespmem:s9+$0xF450] =	vst v48;
	v45 =	vld.idx.msk [tilespmem:v61+s15+$0x0], $0xffff  }
0x334: {  	[tilespmem:s16+$0x40] =	vst v49;
	v56 =	vor.u32 v6, v32;
	v49 =	vld.idx.msk [tilespmem:v62+s15+$0x0], $0xffff  }
0x335: {  	v61 =	vor.u32 v7, v36;
	v47 =	vld.idx.msk [tilespmem:v58+s15+$0x0], $0xffff;
	[tilespmem:s21+$0xF470] =	vst v57  }
0x336: {  	v62 =	vor.u32 v23, v37;
	[tilespmem:s19+$0x60] =	vst v53;
	v57 =	vld.idx.msk [tilespmem:v59+s15+$0x0], $0xffff  }
0x337: {  	v58 =	vor.u32 v6, v33;
	v53 =	vld.idx.msk [tilespmem:v63+s15+$0x0], $0xffff;
	[tilespmem:s12+$0x50] =	vst v42  }
0x338: {  	v59 =	vor.u32 v25, v41;
	[tilespmem:s18+$0x60] =	vst v45;
	v45 =	vld.idx.msk [tilespmem:v60+s15+$0x0], $0xffff  }
0x339: {  	s28 =	sor.u32 s5, s2;
	v63 =	vor.u32 v8, v35;
	[tilespmem:s13+$0xF460] =	vst v46;
	v44 =	vld.idx.msk [tilespmem:v56+s15+$0x0], $0xffff  }
0x33a: {  	s5 =	sor.u32 $0xC00, s28;
	v60 =	vor.u32 v23, v38;
	[tilespmem:s16+$0x50] =	vst v47;
	v42 =	vld.idx.msk [tilespmem:v61+s15+$0x0], $0xffff  }
0x33b: {  	v47 =	vld.idx.msk [tilespmem:v62+s15+$0x0], $0xffff;
	[tilespmem:s5+$0xF400] =	vst v57;
	v57 =	vor.u32 v7, v32  }
0x33c: {  	[tilespmem:s29+$0xF460] =	vst v49;
	v61 =	vor.u32 v8, v36;
	v51 =	vld.idx.msk [tilespmem:v58+s15+$0x0], $0xffff  }
0x33d: {  	v62 =	vor.u32 v23, v39;
	[tilespmem:s19+$0x70] =	vst v53;
	v43 =	vld.idx.msk [tilespmem:v59+s15+$0x0], $0xffff  }
0x33e: {  	v58 =	vor.u32 v7, v33;
	v53 =	vld.idx.msk [tilespmem:v63+s15+$0x0], $0xffff;
	[tilespmem:s12+$0x60] =	vst v44  }
0x33f: {  	v59 =	vor.u32 v26, v41;
	[tilespmem:s18+$0x70] =	vst v42;
	v42 =	vld.idx.msk [tilespmem:v60+s15+$0x0], $0xffff  }
0x340: {  	v63 =	vor.u32 v9, v35;
	[tilespmem:s9+$0xF460] =	vst v45;
	v50 =	vld.idx.msk [tilespmem:v57+s15+$0x0], $0xffff  }
0x341: {  	v60 =	vor.u32 v24, v37;
	[tilespmem:s13+$0xF470] =	vst v47;
	v44 =	vld.idx.msk [tilespmem:v61+s15+$0x0], $0xffff  }
0x342: {  	[tilespmem:s16+$0x60] =	vst v51;
	v57 =	vor.u32 v8, v32;
	v51 =	vld.idx.msk [tilespmem:v62+s15+$0x0], $0xffff  }
0x343: {  	v61 =	vor.u32 v9, v36;
	v48 =	vld.idx.msk [tilespmem:v58+s15+$0x0], $0xffff;
	[tilespmem:s5+$0xF410] =	vst v43  }
0x344: {  	v62 =	vor.u32 v24, v38;
	[tilespmem:s19+$0x400] =	vst v53;
	v46 =	vld.idx.msk [tilespmem:v59+s15+$0x0], $0xffff  }
0x345: {  	v58 =	vor.u32 v8, v33;
	v53 =	vld.idx.msk [tilespmem:v63+s15+$0x0], $0xffff;
	[tilespmem:s12+$0x70] =	vst v50  }
0x346: {  	v59 =	vor.u32 v27, v41;
	[tilespmem:s18+$0x400] =	vst v44;
	v44 =	vld.idx.msk [tilespmem:v60+s15+$0x0], $0xffff  }
0x347: {  	v63 =	vor.u32 v10, v35;
	[tilespmem:s29+$0xF470] =	vst v42;
	v43 =	vld.idx.msk [tilespmem:v57+s15+$0x0], $0xffff  }
0x348: {  	v60 =	vor.u32 v24, v39;
	[tilespmem:s9+$0xF470] =	vst v51;
	v50 =	vld.idx.msk [tilespmem:v61+s15+$0x0], $0xffff  }
0x349: {  	[tilespmem:s16+$0x70] =	vst v48;
	v57 =	vor.u32 v9, v32;
	v48 =	vld.idx.msk [tilespmem:v62+s15+$0x0], $0xffff  }
0x34a: {  	v61 =	vor.u32 v10, v36;
	v49 =	vld.idx.msk [tilespmem:v58+s15+$0x0], $0xffff;
	[tilespmem:s5+$0xF420] =	vst v46  }
0x34b: {  	v58 =	vor.u32 v9, v33;
	[tilespmem:s19+$0x410] =	vst v53;
	v45 =	vld.idx.msk [tilespmem:v59+s15+$0x0], $0xffff  }
0x34c: {  	v62 =	vor.u32 v25, v37;
	v53 =	vld.idx.msk [tilespmem:v63+s15+$0x0], $0xffff;
	[tilespmem:s12+$0x400] =	vst v43  }
0x34d: {  	v59 =	vor.u32 v28, v41;
	[tilespmem:s18+$0x410] =	vst v50;
	v50 =	vld.idx.msk [tilespmem:v60+s15+$0x0], $0xffff  }
0x34e: {  	s29 =	sor.u32 s11, s2;
	v63 =	vor.u32 v11, v35;
	v46 =	vld.idx.msk [tilespmem:v57+s15+$0x0], $0xffff  }
0x34f: {  	s24 =	sor.u32 $0xC00, s29;
	[tilespmem:s16+$0x400] =	vst v49;
	v57 =	vor.u32 v10, v32;
	v43 =	vld.idx.msk [tilespmem:v61+s15+$0x0], $0xffff  }
0x350: {  	[tilespmem:s24+$0xF400] =	vst v44;
	v61 =	vor.u32 v11, v36;
	v47 =	vld.idx.msk [tilespmem:v58+s15+$0x0], $0xffff  }
0x351: {  	v49 =	vld.idx.msk [tilespmem:v62+s15+$0x0], $0xffff;
	[tilespmem:s5+$0xF430] =	vst v45;
	v58 =	vor.u32 v10, v33  }
0x352: {  	v60 =	vor.u32 v25, v38;
	[tilespmem:s19+$0x420] =	vst v53;
	v42 =	vld.idx.msk [tilespmem:v59+s15+$0x0], $0xffff  }
0x353: {  	v62 =	vor.u32 v25, v39;
	v53 =	vld.idx.msk [tilespmem:v63+s15+$0x0], $0xffff;
	[tilespmem:s12+$0x410] =	vst v46  }
0x354: {  	s4 =	sor.u32 s10, s2;
	v59 =	vor.u32 v29, v41;
	[tilespmem:s18+$0x420] =	vst v43;
	v45 =	vld.idx.msk [tilespmem:v57+s15+$0x0], $0xffff  }
0x355: {  	s25 =	sor.u32 $0xC00, s4;
	s2 =	sor.u32 s6, s2;
	v63 =	vor.u32 v12, v35;
	[tilespmem:s16+$0x410] =	vst v47;
	v46 =	vld.idx.msk [tilespmem:v61+s15+$0x0], $0xffff  }
0x356: {  	v56 =	vor.u32 v11, v32;
	s23 =	sor.u32 $0xC00, s2;
	[tilespmem:s25+$0xF400] =	vst v48;
	v51 =	vld.idx.msk [tilespmem:v58+s15+$0x0], $0xffff  }
0x357: {  	[tilespmem:s23+$0xF400] =	vst v50;
	v58 =	vld.idx.msk [tilespmem:v60+s15+$0x0], $0xffff;
	v60 =	vor.u32 v26, v37  }
0x358: {  	v47 =	vld.idx.msk [tilespmem:v62+s15+$0x0], $0xffff;
	v61 =	vor.u32 v12, v36;
	[tilespmem:s5+$0xF440] =	vst v42  }
0x359: {  	v57 =	vor.u32 v11, v33;
	[tilespmem:s19+$0x430] =	vst v53;
	v44 =	vld.idx.msk [tilespmem:v59+s15+$0x0], $0xffff  }
0x35a: {  	v62 =	vor.u32 v26, v38;
	v53 =	vld.idx.msk [tilespmem:v63+s15+$0x0], $0xffff;
	[tilespmem:s12+$0x420] =	vst v45  }
0x35b: {  	[tilespmem:s24+$0xF410] =	vst v49;
	v59 =	vor.u32 v30, v41;
	v42 =	vld.idx.msk [tilespmem:v56+s15+$0x0], $0xffff  }
0x35c: {  	v63 =	vor.u32 v13, v35;
	[tilespmem:s18+$0x430] =	vst v46;
	v46 =	vld.idx.msk [tilespmem:v60+s15+$0x0], $0xffff  }
0x35d: {  	[tilespmem:s16+$0x420] =	vst v51;
	v56 =	vor.u32 v12, v32;
	v45 =	vld.idx.msk [tilespmem:v61+s15+$0x0], $0xffff  }
0x35e: {  	[tilespmem:s25+$0xF410] =	vst v58;
	v60 =	vor.u32 v13, v36;
	v48 =	vld.idx.msk [tilespmem:v57+s15+$0x0], $0xffff  }
0x35f: {  	[tilespmem:s5+$0xF450] =	vst v44;
	v51 =	vld.idx.msk [tilespmem:v62+s15+$0x0], $0xffff;
	v62 =	vor.u32 v27, v37  }
0x360: {  	v57 =	vor.u32 v12, v33;
	[tilespmem:s19+$0x440] =	vst v53;
	v49 =	vld.idx.msk [tilespmem:v59+s15+$0x0], $0xffff  }
0x361: {  	s6 =	simm.s32 $0xA;
	v59 =	vor.u32 v26, v39;
	v53 =	vld.idx.msk [tilespmem:v63+s15+$0x0], $0xffff;
	[tilespmem:s12+$0x430] =	vst v42  }
0x362: {  	v58 =	vor.u32 v31, v41;
	v61 =	vmov s6;
	[tilespmem:s18+$0x440] =	vst v45;
	v44 =	vld.idx.msk [tilespmem:v56+s15+$0x0], $0xffff  }
0x363: {  	v41 =	vand.u32 $0x1E, v61;
	v63 =	vor.u32 v14, v35;
	[tilespmem:s24+$0xF420] =	vst v46;
	v55 =	vld.idx.msk [tilespmem:v60+s15+$0x0], $0xffff  }
0x364: {  	v41 =	vbroadcast v41, $0x0;
	[tilespmem:s16+$0x430] =	vst v48;
	v46 =	vld.idx.msk [tilespmem:v62+s15+$0x0], $0xffff;
	v60 =	vor.u32 v27, v38  }
0x365: {  	[tilespmem:s23+$0xF410] =	vst v47;
	v50 =	vld.idx.msk [tilespmem:v57+s15+$0x0], $0xffff;
	v57 =	vor.u32 v13, v32  }
0x366: {  	[tilespmem:s5+$0xF460] =	vst v49;
	v45 =	vld.idx.msk [tilespmem:v59+s15+$0x0], $0xffff;
	v59 =	vor.u32 v0, v41  }
0x367: {  	v61 =	vor.u32 v14, v36;
	[tilespmem:s19+$0x450] =	vst v53;
	v43 =	vld.idx.msk [tilespmem:v58+s15+$0x0], $0xffff  }
0x368: {  	[tilespmem:s25+$0xF420] =	vst v51;
	v58 =	vor.u32 v13, v33;
	v53 =	vld.idx.msk [tilespmem:v63+s15+$0x0], $0xffff  }
0x369: {  	v62 =	vor.u32 v27, v39;
	[tilespmem:s12+$0x440] =	vst v44;
	v48 =	vld.idx.msk [tilespmem:v60+s15+$0x0], $0xffff  }
0x36a: {  	v63 =	vor.u32 v15, v35;
	[tilespmem:s18+$0x450] =	vst v55;
	v49 =	vld.idx.msk [tilespmem:v57+s15+$0x0], $0xffff  }
0x36b: {  	[tilespmem:s24+$0xF430] =	vst v46;
	v42 =	vld.idx.msk [tilespmem:v59+s15+$0x0], $0xffff;
	v59 =	vor.u32 v28, v37  }
0x36c: {  	[tilespmem:s16+$0x440] =	vst v50;
	v57 =	vor.u32 v14, v32;
	v44 =	vld.idx.msk [tilespmem:v61+s15+$0x0], $0xffff  }
0x36d: {  	[tilespmem:s23+$0xF420] =	vst v45;
	v61 =	vor.u32 v15, v36;
	v47 =	vld.idx.msk [tilespmem:v58+s15+$0x0], $0xffff  }
0x36e: {  	v58 =	vor.u32 v14, v33;
	v50 =	vld.idx.msk [tilespmem:v62+s15+$0x0], $0xffff;
	[tilespmem:s19+$0x460] =	vst v53  }
0x36f: {  	v60 =	vor.u32 v28, v38;
	[tilespmem:s5+$0xF470] =	vst v43;
	v53 =	vld.idx.msk [tilespmem:v63+s15+$0x0], $0xffff  }
0x370: {  	v62 =	vor.u32 v28, v39;
	[tilespmem:s12+$0x450] =	vst v49;
	v45 =	vld.idx.msk [tilespmem:v59+s15+$0x0], $0xffff  }
0x371: {  	[tilespmem:s18+$0x460] =	vst v44;
	v43 =	vld.idx.msk [tilespmem:v57+s15+$0x0], $0xffff  }
0x372: {  	[tilespmem:s16+$0x450] =	vst v47;
	v49 =	vld.idx.msk [tilespmem:v61+s15+$0x0], $0xffff  }
0x373: {  	[tilespmem:s25+$0xF430] =	vst v48;
	v59 =	vor.u32 v29, v37;
	v51 =	vld.idx.msk [tilespmem:v58+s15+$0x0], $0xffff  }
0x374: {  	v56 =	vor.u32 v15, v32;
	[tilespmem:s23+$0xF430] =	vst v50;
	v58 =	vld.idx.msk [tilespmem:v60+s15+$0x0], $0xffff  }
0x375: {  	v61 =	vor.u32 v16, v35;
	v47 =	vld.idx.msk [tilespmem:v62+s15+$0x0], $0xffff;
	[tilespmem:s19+$0x470] =	vst v53  }
0x376: {  	v57 =	vor.u32 v15, v33;
	[tilespmem:s24+$0xF440] =	vst v45  }
0x377: {  	v52 =	vor.u32 v29, v38;
	[tilespmem:s12+$0x460] =	vst v43  }
0x378: {  	v43 =	vor.u32 v16, v36;
	v63 =	vld.idx.msk [tilespmem:v59+s15+$0x0], $0xffff;
	[tilespmem:s16+$0x460] =	vst v51  }
0x379: {  	p1 =	por !p1, !p1;
	s3 =	simm.s32 $0x1;
	v60 =	vor.u32 v29, v39;
	v46 =	vld.idx.msk [tilespmem:v56+s15+$0x0], $0xffff;
	[tilespmem:s25+$0xF440] =	vst v58  }
0x37a: {  	s10 =	sor.u32 s20, s17;
	s20 =	sand.u32 $0x7, s0;
	s3 =	simm.s32 @!p1 $0x0;
	[tilespmem:s23+$0xF440] =	vst v47;
	v58 =	vor.u32 v30, v37;
	v47 =	vld.idx.msk [tilespmem:v61+s15+$0x0], $0xffff  }
0x37b: {  	s22 =	sor.u32 s7, s17;
	s3 =	sshll.u32 s3, $0x9;
	s9 =	sand.u32 $0x3, s1;
	v62 =	vor.u32 v16, v32;
	v48 =	vld.idx.msk [tilespmem:v57+s15+$0x0], $0xffff  }
0x37c: {  	s4 =	simm.s32 $0xB;
	s3 =	sadd.s32 $0x800, s3;
	s2 =	sshll.u32 s9, $0x8;
	[tilespmem:s18+$0x470] =	vst v49;
	v56 =	vor.u32 v16, v33;
	v52 =	vld.idx.msk [tilespmem:v52+s15+$0x0], $0xffff  }
0x37d: {  	s21 =	sshll.u32 s20, $0x7;
	s20 =	simm.s32 $0x800;
	s2 =	sadd.s32 $0x800, s2;
	v59 =	vor.u32 v30, v38;
	v57 =	vld.idx.msk [tilespmem:v43+s15+$0x0], $0xffff  }
0x37e: {  	s13 =	simm.s32 $0x8;
	s11 =	sor.u32 s8, s17;
	s2 =	sadd.s32 $0x100, s2;
	v49 =	vor.u32 v17, v36;
	v50 =	vld.idx.msk [tilespmem:v60+s15+$0x0], $0xffff;
	[tilespmem:s24+$0xF450] =	vst v63  }
0x37f: {  	s6 =	sor.u32 $0xC00, s10;
	s19 =	sor.u32 $0x800, s2;
	s2 =	sadd.s32 $0x800, s21;
	v53 =	vor.u32 v30, v39;
	[tilespmem:s12+$0x470] =	vst v46;
	v51 =	vld.idx.msk [tilespmem:v58+s15+$0x0], $0xffff  }
0x380: {  	s10 =	simm.s32 $0xC;
	s28 =	sadd.s32 $0x80, s2;
	s29 =	sadd.s32 $0x180, s2;
	[tilespmem:s16+$0x470] =	vst v48;
	v44 =	vld.idx.msk [tilespmem:v62+s15+$0x0], $0xffff;
	v48 =	vor.u32 v17, v35  }
0x381: {  	s2 =	sor.u32 $0x800, s28;
	s8 =	sor.u32 $0x800, s29;
	s18 =	sor.u32 $0x800, s3;
	v46 =	vor.u32 v17, v32;
	[tilespmem:s25+$0xF450] =	vst v52;
	v43 =	vld.idx.msk [tilespmem:v56+s15+$0x0], $0xffff  }
0x382: {  	v45 =	vor.u32 v17, v33;
	s12 =	sor.u32 $0xC00, s11;
	s11 =	sor.u32 $0xC00, s22;
	s22 =	simm.s32 $0x380;
	v52 =	vld.idx.msk [tilespmem:v59+s15+$0x0], $0xffff;
	[tilespmem:s8+$0xF400] =	vst v57  }
.LBB2_7:
0x383: {  	p2 =	slt.u32 s10, $0x1C;
	v54 =	vmov s4;
	v49 =	vld.idx.msk [tilespmem:v49+s15+$0x0], $0xffff;
	[tilespmem:s23+$0xF450] =	vst v50;
	v50 =	vor.u32 v31, v37;
	v37 =	vmovc v35;
	v35 =	vmov v34  }
0x384: {  	v34 =	vand.u32 $0x1F, v54;
	[tilespmem:s2+$0xF400] =	vst v47;
	v47 =	vld.idx.msk [tilespmem:v53+s15+$0x0], $0xffff;
	v53 =	vor.u32 v31, v38;
	v38 =	vmovc v32;
	v32 =	vmov v41  }
0x385: {  	v41 =	vbroadcast v34, $0x0;
	v48 =	vld.idx.msk [tilespmem:v48+s15+$0x0], $0xffff;
	[tilespmem:s19+$0xF400] =	vst v44;
	v34 =	vor.u32 v18, v36  }
0x386: {  	v44 =	vor.u32 v31, v39;
	v39 =	vmov v33;
	[tilespmem:s18+$0xF400] =	vst v43;
	v43 =	vld.idx.msk [tilespmem:v46+s15+$0x0], $0xffff  }
0x387: {  	v33 =	vmov s13;
	s13 =	smov.u32 s10;
	v46 =	vor.u32 v0, v41;
	v45 =	vld.idx.msk [tilespmem:v45+s15+$0x0], $0xffff;
	[tilespmem:s24+$0xF460] =	vst v51  }
0x388: {  	s3 =	sadd.s32 $0x1, s10;
	v33 =	vand.u32 $0x1C, v33;
	v51 =	vor.u32 v18, v37;
	v50 =	vld.idx.msk [tilespmem:v50+s15+$0x0], $0xffff;
	[tilespmem:s25+$0xF460] =	vst v52  }
0x389: {  	v54 =	vor.u32 v18, v38;
	v33 =	vbroadcast v33, $0x0;
	v52 =	vmov s3;
	[tilespmem:s8+$0xF410] =	vst v49;
	v49 =	vld.idx.msk [tilespmem:v53+s15+$0x0], $0xffff  }
0x38a: {  	v52 =	vand.u32 $0x1D, v52;
	v53 =	vor.u32 v18, v39;
	v55 =	vld.idx.msk [tilespmem:v34+s15+$0x0], $0xffff;
	[tilespmem:s23+$0xF460] =	vst v47  }
0x38b: {  	v34 =	vbroadcast v52, $0x0;
	v47 =	vor.u32 v0, v33;
	[tilespmem:s2+$0xF410] =	vst v48;
	v44 =	vld.idx.msk [tilespmem:v44+s15+$0x0], $0xffff  }
0x38c: {  	s1 =	sadd.s32 $0x2, s1;
	p1 =	por !p1, !p1;
	s4 =	simm.s32 $0x1;
	v46 =	vld.idx.msk [tilespmem:v46+s15+$0x0], $0xffff;
	[tilespmem:s19+$0xF410] =	vst v43;
	v43 =	vor.u32 v19, v36  }
0x38d: {  	s4 =	simm.s32 @!p1 $0x0;
	s3 =	sand.u32 $0x3, s1;
	v48 =	vor.u32 v0, v34;
	[tilespmem:s18+$0xF410] =	vst v45;
	v45 =	vld.idx.msk [tilespmem:v51+s15+$0x0], $0xffff  }
0x38e: {  	s17 =	sadd.s32 $0x800, s17;
	s4 =	sshll.u32 s4, $0x9;
	s3 =	sshll.u32 s3, $0x8;
	v51 =	vor.u32 v1, v41;
	v52 =	vld.idx.msk [tilespmem:v54+s15+$0x0], $0xffff;
	[tilespmem:s24+$0xF470] =	vst v50  }
0x38f: {  	s26 =	sadd.s32 $0x200, s26;
	s5 =	sand.u32 $0x3000, s17;
	s3 =	sadd.s32 s17, s3;
	v50 =	vld.idx.msk [tilespmem:v53+s15+$0x0], $0xffff;
	v53 =	vor.u32 v19, v37;
	[tilespmem:s25+$0xF470] =	vst v49  }
0x390: {  	s9 =	sadd.s32 $0xFFFFFE80, s26;
	s21 =	sadd.s32 $0xF400, s5;
	s5 =	sand.u32 $0x380, s26;
	v49 =	vor.u32 v1, v35;
	v47 =	vld.idx.msk [tilespmem:v47+s15+$0x0], $0xffff;
	[tilespmem:s8+$0xF420] =	vst v55  }
0x391: {  	s5 =	sor.u32 s5, s21;
	s24 =	sadd.s32 $0xFFFFFF00, s26;
	v54 =	vor.u32 v1, v32;
	s25 =	sadd.s32 $0xFFFFFF80, s26;
	v43 =	vld.idx.msk [tilespmem:v43+s15+$0x0], $0xffff;
	[tilespmem:s23+$0xF470] =	vst v44  }
0x392: {  	s7 =	sand.u32 $0x200, s9;
	s28 =	sand.u32 $0x300, s25;
	s23 =	sand.u32 $0x280, s24;
	v44 =	vld.idx.msk [tilespmem:v48+s15+$0x0], $0xffff;
	v48 =	vor.u32 v1, v33;
	[tilespmem:s5+$0x0] =	vst v46  }
0x393: {  	s16 =	sor.u32 s7, s21;
	s7 =	sor.u32 s23, s21;
	s21 =	sor.u32 s28, s21;
	v46 =	vld.idx.msk [tilespmem:v51+s15+$0x0], $0xffff;
	[tilespmem:s2+$0xF420] =	vst v45;
	v45 =	vor.u32 v20, v36  }
0x394: {  	s4 =	sadd.s32 s4, s17;
	s3 =	sadd.s32 $0x100, s3;
	s23 =	sor.u32 s9, s17;
	[tilespmem:s7+$0x0] =	vst v40;
	v51 =	vld.idx.msk [tilespmem:v53+s15+$0x0], $0xffff;
	v53 =	vor.u32 v19, v38  }
0x395: {  	s24 =	sor.u32 s24, s17;
	s9 =	sor.u32 $0x800, s4;
	s4 =	sor.u32 $0x800, s3;
	v49 =	vld.idx.msk [tilespmem:v49+s15+$0x0], $0xffff;
	[tilespmem:s21+$0x0] =	vst v42;
	v42 =	vor.u32 v2, v41  }
0x396: {  	s28 =	sor.u32 $0xC00, s24;
	s3 =	sor.u32 $0xC00, s23;
	s23 =	sor.u32 s25, s17;
	[tilespmem:s16+$0x0] =	vst v47;
	v47 =	vld.idx.msk [tilespmem:v54+s15+$0x0], $0xffff;
	v54 =	vor.u32 v19, v39  }
0x397: {  	v55 =	vor.u32 v2, v35;
	s29 =	sor.u32 $0xC00, s23;
	s23 =	smov.u32 s6;
	s6 =	smov.u32 s3;
	v48 =	vld.idx.msk [tilespmem:v48+s15+$0x0], $0xffff;
	[tilespmem:s8+$0xF430] =	vst v43  }
0x398: {  	s24 =	smov.u32 s12;
	s12 =	smov.u32 s28;
	s25 =	smov.u32 s11;
	v43 =	vor.u32 v2, v32;
	v40 =	vmov v44;
	[tilespmem:s19+$0xF420] =	vst v52;
	v45 =	vld.idx.msk [tilespmem:v45+s15+$0x0], $0xffff  }
0x399: {  	s11 =	smov.u32 s29;
	v44 =	vor.u32 v2, v33;
	[tilespmem:s5+$0x10] =	vst v46;
	v46 =	vld.idx.msk [tilespmem:v53+s15+$0x0], $0xffff  }
0x39a: {  	v42 =	vld.idx.msk [tilespmem:v42+s15+$0x0], $0xffff;
	[tilespmem:s18+$0xF420] =	vst v50;
	v50 =	vor.u32 v21, v36  }
0x39b: {  	v52 =	vor.u32 v20, v37;
	[tilespmem:s7+$0x10] =	vst v49;
	v49 =	vld.idx.msk [tilespmem:v54+s15+$0x0], $0xffff  }
0x39c: {  	v53 =	vld.idx.msk [tilespmem:v55+s15+$0x0], $0xffff;
	[tilespmem:s21+$0x10] =	vst v47;
	v47 =	vor.u32 v3, v41  }
0x39d: {  	[tilespmem:s16+$0x10] =	vst v48;
	v43 =	vld.idx.msk [tilespmem:v43+s15+$0x0], $0xffff;
	v48 =	vor.u32 v20, v38  }
0x39e: {  	v54 =	vor.u32 v3, v35;
	v44 =	vld.idx.msk [tilespmem:v44+s15+$0x0], $0xffff;
	[tilespmem:s8+$0xF440] =	vst v45  }
0x39f: {  	v45 =	vor.u32 v3, v32;
	[tilespmem:s2+$0xF430] =	vst v51;
	v50 =	vld.idx.msk [tilespmem:v50+s15+$0x0], $0xffff  }
0x3a0: {  	v51 =	vor.u32 v3, v33;
	[tilespmem:s5+$0x20] =	vst v42;
	v42 =	vld.idx.msk [tilespmem:v52+s15+$0x0], $0xffff  }
0x3a1: {  	v47 =	vld.idx.msk [tilespmem:v47+s15+$0x0], $0xffff;
	[tilespmem:s19+$0xF430] =	vst v46;
	v46 =	vor.u32 v22, v36  }
0x3a2: {  	v52 =	vor.u32 v20, v39;
	[tilespmem:s7+$0x20] =	vst v53;
	v48 =	vld.idx.msk [tilespmem:v48+s15+$0x0], $0xffff  }
0x3a3: {  	v53 =	vld.idx.msk [tilespmem:v54+s15+$0x0], $0xffff;
	[tilespmem:s21+$0x20] =	vst v43;
	v43 =	vor.u32 v4, v41  }
0x3a4: {  	[tilespmem:s16+$0x20] =	vst v44;
	v44 =	vld.idx.msk [tilespmem:v45+s15+$0x0], $0xffff;
	v45 =	vor.u32 v21, v37  }
0x3a5: {  	v54 =	vor.u32 v4, v35;
	v51 =	vld.idx.msk [tilespmem:v51+s15+$0x0], $0xffff;
	[tilespmem:s8+$0xF450] =	vst v50  }
0x3a6: {  	v50 =	vor.u32 v4, v32;
	[tilespmem:s18+$0xF430] =	vst v49;
	v46 =	vld.idx.msk [tilespmem:v46+s15+$0x0], $0xffff  }
0x3a7: {  	v49 =	vor.u32 v4, v33;
	[tilespmem:s5+$0x30] =	vst v47;
	v47 =	vld.idx.msk [tilespmem:v52+s15+$0x0], $0xffff  }
0x3a8: {  	v43 =	vld.idx.msk [tilespmem:v43+s15+$0x0], $0xffff;
	[tilespmem:s2+$0xF440] =	vst v42;
	v42 =	vor.u32 v23, v36  }
0x3a9: {  	v52 =	vor.u32 v21, v38;
	[tilespmem:s7+$0x30] =	vst v53;
	v45 =	vld.idx.msk [tilespmem:v45+s15+$0x0], $0xffff  }
0x3aa: {  	v53 =	vld.idx.msk [tilespmem:v54+s15+$0x0], $0xffff;
	[tilespmem:s21+$0x30] =	vst v44;
	v44 =	vor.u32 v5, v41  }
0x3ab: {  	[tilespmem:s16+$0x30] =	vst v51;
	v50 =	vld.idx.msk [tilespmem:v50+s15+$0x0], $0xffff;
	v51 =	vor.u32 v21, v39  }
0x3ac: {  	v54 =	vor.u32 v5, v35;
	v49 =	vld.idx.msk [tilespmem:v49+s15+$0x0], $0xffff;
	[tilespmem:s8+$0xF460] =	vst v46  }
0x3ad: {  	v46 =	vor.u32 v5, v32;
	[tilespmem:s19+$0xF440] =	vst v48;
	v42 =	vld.idx.msk [tilespmem:v42+s15+$0x0], $0xffff  }
0x3ae: {  	v48 =	vor.u32 v5, v33;
	[tilespmem:s5+$0x40] =	vst v43;
	v43 =	vld.idx.msk [tilespmem:v52+s15+$0x0], $0xffff  }
0x3af: {  	v44 =	vld.idx.msk [tilespmem:v44+s15+$0x0], $0xffff;
	[tilespmem:s18+$0xF440] =	vst v47;
	v47 =	vor.u32 v24, v36  }
0x3b0: {  	v52 =	vor.u32 v22, v37;
	[tilespmem:s7+$0x40] =	vst v53;
	v51 =	vld.idx.msk [tilespmem:v51+s15+$0x0], $0xffff  }
0x3b1: {  	v53 =	vld.idx.msk [tilespmem:v54+s15+$0x0], $0xffff;
	[tilespmem:s21+$0x40] =	vst v50;
	v50 =	vor.u32 v6, v41  }
0x3b2: {  	[tilespmem:s16+$0x40] =	vst v49;
	v46 =	vld.idx.msk [tilespmem:v46+s15+$0x0], $0xffff;
	v49 =	vor.u32 v22, v38  }
0x3b3: {  	v54 =	vor.u32 v6, v35;
	v48 =	vld.idx.msk [tilespmem:v48+s15+$0x0], $0xffff;
	[tilespmem:s8+$0xF470] =	vst v42  }
0x3b4: {  	v42 =	vor.u32 v6, v32;
	[tilespmem:s2+$0xF450] =	vst v45;
	v45 =	vld.idx.msk [tilespmem:v47+s15+$0x0], $0xffff  }
0x3b5: {  	v47 =	vor.u32 v6, v33;
	[tilespmem:s5+$0x50] =	vst v44;
	v44 =	vld.idx.msk [tilespmem:v52+s15+$0x0], $0xffff  }
0x3b6: {  	v50 =	vld.idx.msk [tilespmem:v50+s15+$0x0], $0xffff;
	[tilespmem:s19+$0xF450] =	vst v43;
	v43 =	vor.u32 v25, v36  }
0x3b7: {  	v52 =	vor.u32 v22, v39;
	[tilespmem:s7+$0x50] =	vst v53;
	v49 =	vld.idx.msk [tilespmem:v49+s15+$0x0], $0xffff  }
0x3b8: {  	s3 =	sor.u32 s22, s20;
	s20 =	smov.u32 s17;
	s22 =	smov.u32 s26;
	v53 =	vld.idx.msk [tilespmem:v54+s15+$0x0], $0xffff;
	[tilespmem:s21+$0x50] =	vst v46;
	v46 =	vor.u32 v7, v41  }
0x3b9: {  	s8 =	sor.u32 $0xC00, s3;
	[tilespmem:s16+$0x50] =	vst v48;
	v42 =	vld.idx.msk [tilespmem:v42+s15+$0x0], $0xffff;
	v48 =	vor.u32 v23, v37  }
0x3ba: {  	v54 =	vor.u32 v7, v35;
	v47 =	vld.idx.msk [tilespmem:v47+s15+$0x0], $0xffff;
	[tilespmem:s8+$0xF400] =	vst v45  }
0x3bb: {  	v45 =	vor.u32 v7, v32;
	[tilespmem:s18+$0xF450] =	vst v51;
	v43 =	vld.idx.msk [tilespmem:v43+s15+$0x0], $0xffff  }
0x3bc: {  	v51 =	vor.u32 v7, v33;
	[tilespmem:s5+$0x60] =	vst v50;
	v50 =	vld.idx.msk [tilespmem:v52+s15+$0x0], $0xffff  }
0x3bd: {  	v46 =	vld.idx.msk [tilespmem:v46+s15+$0x0], $0xffff;
	[tilespmem:s2+$0xF460] =	vst v44;
	v44 =	vor.u32 v26, v36  }
0x3be: {  	v52 =	vor.u32 v23, v38;
	[tilespmem:s7+$0x60] =	vst v53;
	v48 =	vld.idx.msk [tilespmem:v48+s15+$0x0], $0xffff  }
0x3bf: {  	v53 =	vld.idx.msk [tilespmem:v54+s15+$0x0], $0xffff;
	[tilespmem:s21+$0x60] =	vst v42;
	v42 =	vor.u32 v8, v41  }
0x3c0: {  	[tilespmem:s16+$0x60] =	vst v47;
	v45 =	vld.idx.msk [tilespmem:v45+s15+$0x0], $0xffff;
	v47 =	vor.u32 v23, v39  }
0x3c1: {  	v54 =	vor.u32 v8, v35;
	v51 =	vld.idx.msk [tilespmem:v51+s15+$0x0], $0xffff;
	[tilespmem:s8+$0xF410] =	vst v43  }
0x3c2: {  	v43 =	vor.u32 v8, v32;
	[tilespmem:s19+$0xF460] =	vst v49;
	v44 =	vld.idx.msk [tilespmem:v44+s15+$0x0], $0xffff  }
0x3c3: {  	v49 =	vor.u32 v8, v33;
	[tilespmem:s5+$0x70] =	vst v46;
	v46 =	vld.idx.msk [tilespmem:v52+s15+$0x0], $0xffff  }
0x3c4: {  	v42 =	vld.idx.msk [tilespmem:v42+s15+$0x0], $0xffff;
	[tilespmem:s18+$0xF460] =	vst v50;
	v50 =	vor.u32 v27, v36  }
0x3c5: {  	v52 =	vor.u32 v24, v37;
	[tilespmem:s7+$0x70] =	vst v53;
	v47 =	vld.idx.msk [tilespmem:v47+s15+$0x0], $0xffff  }
0x3c6: {  	v53 =	vld.idx.msk [tilespmem:v54+s15+$0x0], $0xffff;
	[tilespmem:s21+$0x70] =	vst v45;
	v45 =	vor.u32 v9, v41  }
0x3c7: {  	[tilespmem:s16+$0x70] =	vst v51;
	v43 =	vld.idx.msk [tilespmem:v43+s15+$0x0], $0xffff;
	v51 =	vor.u32 v24, v38  }
0x3c8: {  	v54 =	vor.u32 v9, v35;
	v49 =	vld.idx.msk [tilespmem:v49+s15+$0x0], $0xffff;
	[tilespmem:s8+$0xF420] =	vst v44  }
0x3c9: {  	v44 =	vor.u32 v9, v32;
	[tilespmem:s2+$0xF470] =	vst v48;
	v48 =	vld.idx.msk [tilespmem:v50+s15+$0x0], $0xffff  }
0x3ca: {  	v50 =	vor.u32 v9, v33;
	[tilespmem:s5+$0x400] =	vst v42;
	v42 =	vld.idx.msk [tilespmem:v52+s15+$0x0], $0xffff  }
0x3cb: {  	v45 =	vld.idx.msk [tilespmem:v45+s15+$0x0], $0xffff;
	[tilespmem:s19+$0xF470] =	vst v46;
	v46 =	vor.u32 v28, v36;
	s19 =	smov.u32 s4  }
0x3cc: {  	v52 =	vor.u32 v24, v39;
	[tilespmem:s7+$0x400] =	vst v53;
	v51 =	vld.idx.msk [tilespmem:v51+s15+$0x0], $0xffff  }
0x3cd: {  	v53 =	vld.idx.msk [tilespmem:v54+s15+$0x0], $0xffff;
	[tilespmem:s21+$0x400] =	vst v43;
	v43 =	vor.u32 v10, v41  }
0x3ce: {  	[tilespmem:s16+$0x400] =	vst v49;
	v44 =	vld.idx.msk [tilespmem:v44+s15+$0x0], $0xffff;
	v49 =	vor.u32 v25, v37  }
0x3cf: {  	v54 =	vor.u32 v10, v35;
	v50 =	vld.idx.msk [tilespmem:v50+s15+$0x0], $0xffff;
	[tilespmem:s8+$0xF430] =	vst v48  }
0x3d0: {  	v48 =	vor.u32 v10, v32;
	[tilespmem:s18+$0xF470] =	vst v47;
	v46 =	vld.idx.msk [tilespmem:v46+s15+$0x0], $0xffff;
	s18 =	smov.u32 s9  }
0x3d1: {  	v47 =	vor.u32 v10, v33;
	[tilespmem:s5+$0x410] =	vst v45;
	v45 =	vld.idx.msk [tilespmem:v52+s15+$0x0], $0xffff  }
0x3d2: {  	v43 =	vld.idx.msk [tilespmem:v43+s15+$0x0], $0xffff;
	[tilespmem:s24+$0xF400] =	vst v42;
	v42 =	vor.u32 v29, v36  }
0x3d3: {  	v52 =	vor.u32 v25, v38;
	[tilespmem:s7+$0x410] =	vst v53;
	v49 =	vld.idx.msk [tilespmem:v49+s15+$0x0], $0xffff  }
0x3d4: {  	v53 =	vld.idx.msk [tilespmem:v54+s15+$0x0], $0xffff;
	[tilespmem:s21+$0x410] =	vst v44;
	v44 =	vor.u32 v11, v41  }
0x3d5: {  	[tilespmem:s16+$0x410] =	vst v50;
	v48 =	vld.idx.msk [tilespmem:v48+s15+$0x0], $0xffff;
	v50 =	vor.u32 v25, v39  }
0x3d6: {  	v54 =	vor.u32 v11, v35;
	v47 =	vld.idx.msk [tilespmem:v47+s15+$0x0], $0xffff;
	[tilespmem:s8+$0xF440] =	vst v46  }
0x3d7: {  	v46 =	vor.u32 v11, v32;
	[tilespmem:s25+$0xF400] =	vst v51;
	v42 =	vld.idx.msk [tilespmem:v42+s15+$0x0], $0xffff  }
0x3d8: {  	v51 =	vor.u32 v11, v33;
	[tilespmem:s5+$0x420] =	vst v43;
	v43 =	vld.idx.msk [tilespmem:v52+s15+$0x0], $0xffff  }
0x3d9: {  	v44 =	vld.idx.msk [tilespmem:v44+s15+$0x0], $0xffff;
	[tilespmem:s23+$0xF400] =	vst v45;
	v45 =	vor.u32 v30, v36  }
0x3da: {  	v52 =	vor.u32 v26, v37;
	[tilespmem:s7+$0x420] =	vst v53;
	v50 =	vld.idx.msk [tilespmem:v50+s15+$0x0], $0xffff  }
0x3db: {  	v53 =	vld.idx.msk [tilespmem:v54+s15+$0x0], $0xffff;
	[tilespmem:s21+$0x420] =	vst v48;
	v48 =	vor.u32 v12, v41  }
0x3dc: {  	[tilespmem:s16+$0x420] =	vst v47;
	v46 =	vld.idx.msk [tilespmem:v46+s15+$0x0], $0xffff;
	v47 =	vor.u32 v26, v38  }
0x3dd: {  	v54 =	vor.u32 v12, v35;
	v51 =	vld.idx.msk [tilespmem:v51+s15+$0x0], $0xffff;
	[tilespmem:s8+$0xF450] =	vst v42  }
0x3de: {  	v42 =	vor.u32 v12, v32;
	[tilespmem:s24+$0xF410] =	vst v49;
	v45 =	vld.idx.msk [tilespmem:v45+s15+$0x0], $0xffff  }
0x3df: {  	v49 =	vor.u32 v12, v33;
	[tilespmem:s5+$0x430] =	vst v44;
	v44 =	vld.idx.msk [tilespmem:v52+s15+$0x0], $0xffff  }
0x3e0: {  	v48 =	vld.idx.msk [tilespmem:v48+s15+$0x0], $0xffff;
	[tilespmem:s25+$0xF410] =	vst v43;
	v43 =	vor.u32 v31, v36;
	v36 =	vmov v41  }
0x3e1: {  	v52 =	vor.u32 v26, v39;
	[tilespmem:s7+$0x430] =	vst v53;
	v47 =	vld.idx.msk [tilespmem:v47+s15+$0x0], $0xffff  }
0x3e2: {  	s2 =	sadd.s32 $0x2, s10;
	v53 =	vld.idx.msk [tilespmem:v54+s15+$0x0], $0xffff;
	[tilespmem:s21+$0x430] =	vst v46;
	v46 =	vor.u32 v13, v36  }
0x3e3: {  	v41 =	vmov s2;
	[tilespmem:s16+$0x430] =	vst v51;
	v42 =	vld.idx.msk [tilespmem:v42+s15+$0x0], $0xffff;
	v51 =	vor.u32 v27, v37  }
0x3e4: {  	v41 =	vand.u32 $0x1E, v41;
	v54 =	vor.u32 v13, v35;
	v49 =	vld.idx.msk [tilespmem:v49+s15+$0x0], $0xffff;
	[tilespmem:s8+$0xF460] =	vst v45  }
0x3e5: {  	v41 =	vbroadcast v41, $0x0;
	v45 =	vor.u32 v13, v32;
	[tilespmem:s23+$0xF410] =	vst v50;
	v43 =	vld.idx.msk [tilespmem:v43+s15+$0x0], $0xffff  }
0x3e6: {  	v50 =	vor.u32 v13, v33;
	[tilespmem:s5+$0x440] =	vst v48;
	v48 =	vld.idx.msk [tilespmem:v52+s15+$0x0], $0xffff  }
0x3e7: {  	v52 =	vor.u32 v0, v41;
	v46 =	vld.idx.msk [tilespmem:v46+s15+$0x0], $0xffff;
	[tilespmem:s24+$0xF420] =	vst v44  }
0x3e8: {  	[tilespmem:s7+$0x440] =	vst v53;
	v44 =	vld.idx.msk [tilespmem:v51+s15+$0x0], $0xffff;
	v51 =	vor.u32 v27, v38  }
0x3e9: {  	v53 =	vld.idx.msk [tilespmem:v54+s15+$0x0], $0xffff;
	[tilespmem:s21+$0x440] =	vst v42;
	v54 =	vor.u32 v14, v36  }
0x3ea: {  	[tilespmem:s16+$0x440] =	vst v49;
	v45 =	vld.idx.msk [tilespmem:v45+s15+$0x0], $0xffff;
	v49 =	vor.u32 v27, v39  }
0x3eb: {  	v55 =	vor.u32 v14, v35;
	v50 =	vld.idx.msk [tilespmem:v50+s15+$0x0], $0xffff;
	[tilespmem:s8+$0xF470] =	vst v43  }
0x3ec: {  	v43 =	vor.u32 v14, v32;
	v42 =	vld.idx.msk [tilespmem:v52+s15+$0x0], $0xffff;
	[tilespmem:s25+$0xF420] =	vst v47  }
0x3ed: {  	v47 =	vor.u32 v14, v33;
	[tilespmem:s5+$0x450] =	vst v46;
	v46 =	vld.idx.msk [tilespmem:v51+s15+$0x0], $0xffff  }
0x3ee: {  	v51 =	vld.idx.msk [tilespmem:v54+s15+$0x0], $0xffff;
	[tilespmem:s23+$0xF420] =	vst v48;
	v48 =	vor.u32 v28, v37  }
0x3ef: {  	v52 =	vor.u32 v28, v38;
	[tilespmem:s7+$0x450] =	vst v53;
	v49 =	vld.idx.msk [tilespmem:v49+s15+$0x0], $0xffff  }
0x3f0: {  	v53 =	vld.idx.msk [tilespmem:v55+s15+$0x0], $0xffff;
	[tilespmem:s21+$0x450] =	vst v45;
	v45 =	vor.u32 v15, v36  }
0x3f1: {  	[tilespmem:s16+$0x450] =	vst v50;
	v43 =	vld.idx.msk [tilespmem:v43+s15+$0x0], $0xffff;
	v50 =	vor.u32 v28, v39  }
0x3f2: {  	v54 =	vor.u32 v15, v35;
	v47 =	vld.idx.msk [tilespmem:v47+s15+$0x0], $0xffff;
	[tilespmem:s24+$0xF430] =	vst v44  }
0x3f3: {  	v44 =	vor.u32 v15, v32;
	v48 =	vld.idx.msk [tilespmem:v48+s15+$0x0], $0xffff;
	[tilespmem:s25+$0xF430] =	vst v46  }
0x3f4: {  	v46 =	vor.u32 v15, v33;
	[tilespmem:s5+$0x460] =	vst v51;
	v51 =	vld.idx.msk [tilespmem:v52+s15+$0x0], $0xffff  }
0x3f5: {  	v45 =	vld.idx.msk [tilespmem:v45+s15+$0x0], $0xffff;
	[tilespmem:s23+$0xF430] =	vst v49;
	v49 =	vor.u32 v29, v37  }
0x3f6: {  	v52 =	vor.u32 v29, v38;
	[tilespmem:s7+$0x460] =	vst v53;
	v50 =	vld.idx.msk [tilespmem:v50+s15+$0x0], $0xffff  }
0x3f7: {  	v53 =	vld.idx.msk [tilespmem:v54+s15+$0x0], $0xffff;
	[tilespmem:s21+$0x460] =	vst v43;
	v43 =	vor.u32 v16, v36  }
0x3f8: {  	[tilespmem:s16+$0x460] =	vst v47;
	v44 =	vld.idx.msk [tilespmem:v44+s15+$0x0], $0xffff;
	v47 =	vor.u32 v29, v39  }
0x3f9: {  	v54 =	vor.u32 v16, v35;
	v46 =	vld.idx.msk [tilespmem:v46+s15+$0x0], $0xffff;
	[tilespmem:s24+$0xF440] =	vst v48  }
0x3fa: {  	v48 =	vor.u32 v16, v32;
	v55 =	vld.idx.msk [tilespmem:v49+s15+$0x0], $0xffff;
	[tilespmem:s25+$0xF440] =	vst v51  }
0x3fb: {  	v51 =	vor.u32 v16, v33;
	[tilespmem:s5+$0x470] =	vst v45;
	v45 =	vld.idx.msk [tilespmem:v52+s15+$0x0], $0xffff  }
0x3fc: {  	s0 =	sadd.s32 $0x4, s0;
	v56 =	vor.u32 v30, v37;
	v52 =	vld.idx.msk [tilespmem:v43+s15+$0x0], $0xffff;
	[tilespmem:s23+$0xF440] =	vst v50  }
0x3fd: {  	v57 =	vor.u32 v30, v38;
	s2 =	sand.u32 $0x7, s0;
	[tilespmem:s7+$0x470] =	vst v53;
	v50 =	vld.idx.msk [tilespmem:v47+s15+$0x0], $0xffff  }
.Ltmp4:
0x3fe: {  	s2 =	sshll.u32 s2, $0x7;
	v49 =	vor.u32 v17, v36;
	v47 =	vld.idx.msk [tilespmem:v54+s15+$0x0], $0xffff;
	[tilespmem:s21+$0x470] =	vst v44;
	(pc) =	sbr.rel @p2 .LBB2_7-.Ltmp4, $4  }
0x3ff: {  	s2 =	sadd.s32 s17, s2;
	v53 =	vor.u32 v30, v39;
	[tilespmem:s16+$0x470] =	vst v46;
	v44 =	vld.idx.msk [tilespmem:v48+s15+$0x0], $0xffff  }
0x400: {  	s3 =	sadd.s32 $0x80, s2;
	s4 =	sadd.s32 $0x180, s2;
	v48 =	vor.u32 v17, v35;
	v43 =	vld.idx.msk [tilespmem:v51+s15+$0x0], $0xffff;
	[tilespmem:s24+$0xF450] =	vst v55  }
0x401: {  	s2 =	sor.u32 $0x800, s3;
	s8 =	sor.u32 $0x800, s4;
	v46 =	vor.u32 v17, v32;
	v51 =	vld.idx.msk [tilespmem:v56+s15+$0x0], $0xffff;
	[tilespmem:s25+$0xF450] =	vst v45  }
0x402: {  	s10 =	sadd.s32 $0x4, s10;
	s4 =	sadd.s32 $0x3, s13;
	v45 =	vor.u32 v17, v33;
	[tilespmem:s8+$0xF400] =	vst v52;
	v52 =	vld.idx.msk [tilespmem:v57+s15+$0x0], $0xffff  }
0x403: {  	v54 =	vmov s4  }
0x404: {  	v63 =	vor.u32 v31, v38;
	v57 =	vmov s13;
	v62 =	vand.u32 $0x1F, v54  }
0x405: {  	v61 =	vor.u32 v31, v37;
	v37 =	vand.u32 $0x1C, v57;
	v38 =	vbroadcast v62, $0x0  }
0x406: {  	v37 =	vbroadcast v37, $0x0  }
0x407: {  	[tilespmem:s23+$0xF450] =	vst v50;
	v55 =	vor.u32 v0, v38  }
0x408: {  	v53 =	vld.idx.msk [tilespmem:v53+s15+$0x0], $0xffff;
	[tilespmem:s25+$0xF460] =	vst v52;
	v59 =	vor.u32 v0, v37  }
0x409: {  	v39 =	vor.u32 v31, v39;
	v58 =	vld.idx.msk [tilespmem:v63+s15+$0x0], $0xffff  }
0x40a: {  	[tilespmem:s24+$0xF460] =	vst v51  }
0x40b: {  	s10 =	sadd.s32 $0x800, s17;
	s13 =	sadd.s32 $0x200, s26;
	v62 =	vor.u32 v1, v34;
	v50 =	vld.idx.msk [tilespmem:v61+s15+$0x0], $0xffff  }
0x40c: {  	[tilespmem:s2+$0xF400] =	vst v47;
	s3 =	sand.u32 $0x3000, s10;
	s21 =	sadd.s32 $0xFFFFFF00, s13;
	v57 =	vor.u32 v1, v41;
	v60 =	vld.idx.msk [tilespmem:v55+s15+$0x0], $0xffff  }
0x40d: {  	s16 =	sadd.s32 $0xFFFFFF80, s13;
	s3 =	sadd.s32 $0xF400, s3;
	s26 =	sand.u32 $0x280, s21;
	v61 =	vor.u32 v1, v38;
	[tilespmem:s23+$0xF460] =	vst v53;
	v63 =	vld.idx.msk [tilespmem:v59+s15+$0x0], $0xffff  }
0x40e: {  	s5 =	sand.u32 $0x300, s16;
	s28 =	sor.u32 s26, s3;
	v39 =	vld.idx.msk [tilespmem:v39+s15+$0x0], $0xffff;
	[tilespmem:s25+$0xF470] =	vst v58;
	v58 =	vor.u32 v1, v37  }
0x40f: {  	v49 =	vld.idx.msk [tilespmem:v49+s15+$0x0], $0xffff;
	s17 =	sadd.s32 $0xFFFFFE80, s13;
	s5 =	sor.u32 s5, s3;
	[tilespmem:s28+$0x0] =	vst v40;
	s25 =	sand.u32 $0x380, s13  }
0x410: {  	s29 =	sand.u32 $0x200, s17;
	[tilespmem:s5+$0x0] =	vst v42;
	v40 =	vld.idx.msk [tilespmem:v62+s15+$0x0], $0xffff;
	v59 =	vor.u32 v18, v36;
	s7 =	sor.u32 s25, s3  }
0x411: {  	s9 =	sor.u32 s29, s3;
	[tilespmem:s7+$0x0] =	vst v60;
	v60 =	vld.idx.msk [tilespmem:v57+s15+$0x0], $0xffff  }
0x412: {  	[tilespmem:s9+$0x0] =	vst v63;
	v54 =	vld.idx.msk [tilespmem:v61+s15+$0x0], $0xffff;
	v61 =	vor.u32 v2, v34  }
0x413: {  	v62 =	vor.u32 v2, v41;
	[tilespmem:s23+$0xF470] =	vst v39;
	v39 =	vld.idx.msk [tilespmem:v58+s15+$0x0], $0xffff  }
0x414: {  	v48 =	vld.idx.msk [tilespmem:v48+s15+$0x0], $0xffff;
	v42 =	vor.u32 v2, v38;
	[tilespmem:s8+$0xF410] =	vst v49  }
0x415: {  	[tilespmem:s28+$0x10] =	vst v40;
	v63 =	vld.idx.msk [tilespmem:v59+s15+$0x0], $0xffff;
	v57 =	vor.u32 v2, v37  }
0x416: {  	v58 =	vor.u32 v19, v36;
	[tilespmem:s5+$0x10] =	vst v60  }
0x417: {  	[tilespmem:s7+$0x10] =	vst v54;
	v40 =	vld.idx.msk [tilespmem:v61+s15+$0x0], $0xffff  }
0x418: {  	v59 =	vor.u32 v18, v35;
	[tilespmem:s9+$0x10] =	vst v39;
	v39 =	vld.idx.msk [tilespmem:v62+s15+$0x0], $0xffff  }
0x419: {  	v49 =	vor.u32 v3, v34;
	[tilespmem:s2+$0xF410] =	vst v48;
	v42 =	vld.idx.msk [tilespmem:v42+s15+$0x0], $0xffff  }
0x41a: {  	[tilespmem:s8+$0xF420] =	vst v63;
	v61 =	vor.u32 v3, v41;
	v60 =	vld.idx.msk [tilespmem:v57+s15+$0x0], $0xffff  }
0x41b: {  	[tilespmem:s24+$0xF470] =	vst v50;
	v50 =	vor.u32 v3, v38;
	v62 =	vld.idx.msk [tilespmem:v58+s15+$0x0], $0xffff  }
0x41c: {  	v63 =	vor.u32 v3, v37;
	[tilespmem:s28+$0x20] =	vst v40  }
0x41d: {  	v58 =	vor.u32 v20, v36;
	v57 =	vld.idx.msk [tilespmem:v59+s15+$0x0], $0xffff;
	[tilespmem:s5+$0x20] =	vst v39  }
0x41e: {  	v59 =	vor.u32 v19, v35;
	[tilespmem:s7+$0x20] =	vst v42;
	v40 =	vld.idx.msk [tilespmem:v49+s15+$0x0], $0xffff  }
0x41f: {  	[tilespmem:s9+$0x20] =	vst v60;
	v47 =	vld.idx.msk [tilespmem:v61+s15+$0x0], $0xffff;
	v60 =	vor.u32 v4, v34  }
0x420: {  	[tilespmem:s8+$0xF430] =	vst v62;
	v62 =	vor.u32 v4, v41;
	v50 =	vld.idx.msk [tilespmem:v50+s15+$0x0], $0xffff  }
0x421: {  	v39 =	vor.u32 v4, v38;
	v61 =	vld.idx.msk [tilespmem:v63+s15+$0x0], $0xffff  }
0x422: {  	[tilespmem:s2+$0xF420] =	vst v57;
	v57 =	vor.u32 v4, v37;
	v63 =	vld.idx.msk [tilespmem:v58+s15+$0x0], $0xffff  }
0x423: {  	v42 =	vld.idx.msk [tilespmem:v59+s15+$0x0], $0xffff;
	v58 =	vor.u32 v21, v36;
	[tilespmem:s28+$0x30] =	vst v40  }
0x424: {  	v59 =	vor.u32 v20, v35;
	[tilespmem:s5+$0x30] =	vst v47;
	v40 =	vld.idx.msk [tilespmem:v60+s15+$0x0], $0xffff  }
0x425: {  	[tilespmem:s7+$0x30] =	vst v50;
	v48 =	vld.idx.msk [tilespmem:v62+s15+$0x0], $0xffff;
	v60 =	vor.u32 v5, v34  }
0x426: {  	[tilespmem:s9+$0x30] =	vst v61;
	v62 =	vor.u32 v5, v41;
	v39 =	vld.idx.msk [tilespmem:v39+s15+$0x0], $0xffff  }
0x427: {  	v47 =	vor.u32 v5, v38;
	[tilespmem:s8+$0xF440] =	vst v63;
	v61 =	vld.idx.msk [tilespmem:v57+s15+$0x0], $0xffff  }
0x428: {  	[tilespmem:s2+$0xF430] =	vst v42;
	v63 =	vld.idx.msk [tilespmem:v58+s15+$0x0], $0xffff;
	v57 =	vor.u32 v5, v37  }
0x429: {  	v50 =	vld.idx.msk [tilespmem:v59+s15+$0x0], $0xffff;
	v58 =	vor.u32 v22, v36;
	[tilespmem:s28+$0x40] =	vst v40  }
0x42a: {  	[tilespmem:s5+$0x40] =	vst v48;
	v40 =	vld.idx.msk [tilespmem:v60+s15+$0x0], $0xffff  }
0x42b: {  	v59 =	vor.u32 v21, v35;
	[tilespmem:s7+$0x40] =	vst v39;
	v49 =	vld.idx.msk [tilespmem:v62+s15+$0x0], $0xffff  }
0x42c: {  	[tilespmem:s9+$0x40] =	vst v61;
	v60 =	vor.u32 v6, v34;
	v47 =	vld.idx.msk [tilespmem:v47+s15+$0x0], $0xffff  }
0x42d: {  	[tilespmem:s8+$0xF450] =	vst v63;
	v62 =	vor.u32 v6, v41;
	v61 =	vld.idx.msk [tilespmem:v57+s15+$0x0], $0xffff  }
0x42e: {  	v48 =	vor.u32 v6, v38;
	[tilespmem:s2+$0xF440] =	vst v50;
	v63 =	vld.idx.msk [tilespmem:v58+s15+$0x0], $0xffff  }
0x42f: {  	[tilespmem:s28+$0x50] =	vst v40  }
0x430: {  	v57 =	vor.u32 v6, v37;
	v39 =	vld.idx.msk [tilespmem:v59+s15+$0x0], $0xffff;
	[tilespmem:s5+$0x50] =	vst v49  }
0x431: {  	v59 =	vor.u32 v22, v35;
	[tilespmem:s7+$0x50] =	vst v47;
	v40 =	vld.idx.msk [tilespmem:v60+s15+$0x0], $0xffff  }
0x432: {  	[tilespmem:s9+$0x50] =	vst v61;
	v61 =	vld.idx.msk [tilespmem:v62+s15+$0x0], $0xffff;
	v62 =	vor.u32 v7, v34  }
0x433: {  	[tilespmem:s8+$0xF460] =	vst v63;
	v63 =	vor.u32 v7, v41;
	v48 =	vld.idx.msk [tilespmem:v48+s15+$0x0], $0xffff  }
0x434: {  	v60 =	vor.u32 v7, v38  }
0x435: {  	[tilespmem:s2+$0xF450] =	vst v39;
	v50 =	vld.idx.msk [tilespmem:v57+s15+$0x0], $0xffff  }
0x436: {  	v58 =	vor.u32 v23, v36;
	v47 =	vld.idx.msk [tilespmem:v59+s15+$0x0], $0xffff;
	[tilespmem:s28+$0x60] =	vst v40  }
0x437: {  	v56 =	vor.u32 v7, v37;
	[tilespmem:s5+$0x60] =	vst v61;
	v40 =	vld.idx.msk [tilespmem:v62+s15+$0x0], $0xffff  }
0x438: {  	[tilespmem:s7+$0x60] =	vst v48;
	v59 =	vld.idx.msk [tilespmem:v63+s15+$0x0], $0xffff  }
0x439: {  	v49 =	vld.idx.msk [tilespmem:v60+s15+$0x0], $0xffff;
	v60 =	vor.u32 v8, v34  }
0x43a: {  	[tilespmem:s19+$0xF400] =	vst v44;
	v61 =	vor.u32 v8, v41  }
0x43b: {  	v53 =	vld.idx.msk [tilespmem:v58+s15+$0x0], $0xffff;
	v57 =	vor.u32 v23, v35;
	[tilespmem:s9+$0x60] =	vst v50  }
0x43c: {  	[tilespmem:s18+$0xF400] =	vst v43;
	v58 =	vor.u32 v8, v38;
	v39 =	vld.idx.msk [tilespmem:v56+s15+$0x0], $0xffff  }
0x43d: {  	v46 =	vld.idx.msk [tilespmem:v46+s15+$0x0], $0xffff;
	v62 =	vor.u32 v8, v37;
	[tilespmem:s28+$0x70] =	vst v40  }
0x43e: {  	[tilespmem:s5+$0x70] =	vst v59;
	v40 =	vld.idx.msk [tilespmem:v60+s15+$0x0], $0xffff  }
0x43f: {  	v55 =	vor.u32 v9, v34;
	[tilespmem:s2+$0xF460] =	vst v47;
	v54 =	vld.idx.msk [tilespmem:v61+s15+$0x0], $0xffff  }
0x440: {  	v48 =	vld.idx.msk [tilespmem:v57+s15+$0x0], $0xffff;
	v57 =	vor.u32 v9, v41;
	[tilespmem:s7+$0x70] =	vst v49  }
0x441: {  	v59 =	vor.u32 v18, v32;
	[tilespmem:s9+$0x70] =	vst v39;
	v42 =	vld.idx.msk [tilespmem:v58+s15+$0x0], $0xffff  }
0x442: {  	[tilespmem:s19+$0xF410] =	vst v46;
	v63 =	vor.u32 v9, v38;
	v56 =	vld.idx.msk [tilespmem:v62+s15+$0x0], $0xffff  }
0x443: {  	v45 =	vld.idx.msk [tilespmem:v45+s15+$0x0], $0xffff;
	v58 =	vor.u32 v9, v37;
	[tilespmem:s28+$0x400] =	vst v40  }
0x444: {  	[tilespmem:s5+$0x400] =	vst v54;
	v40 =	vld.idx.msk [tilespmem:v55+s15+$0x0], $0xffff  }
0x445: {  	[tilespmem:s8+$0xF470] =	vst v53;
	v62 =	vor.u32 v10, v34;
	v61 =	vld.idx.msk [tilespmem:v57+s15+$0x0], $0xffff  }
0x446: {  	v52 =	vor.u32 v10, v41;
	v53 =	vld.idx.msk [tilespmem:v59+s15+$0x0], $0xffff;
	[tilespmem:s7+$0x400] =	vst v42  }
0x447: {  	[tilespmem:s9+$0x400] =	vst v56;
	v55 =	vor.u32 v19, v32;
	v42 =	vld.idx.msk [tilespmem:v63+s15+$0x0], $0xffff  }
0x448: {  	[tilespmem:s18+$0xF410] =	vst v45;
	v60 =	vor.u32 v10, v38;
	v63 =	vld.idx.msk [tilespmem:v58+s15+$0x0], $0xffff  }
0x449: {  	v54 =	vor.u32 v10, v37;
	[tilespmem:s28+$0x410] =	vst v40  }
0x44a: {  	v56 =	vor.u32 v18, v33;
	[tilespmem:s5+$0x410] =	vst v61;
	v40 =	vld.idx.msk [tilespmem:v62+s15+$0x0], $0xffff  }
0x44b: {  	v59 =	vor.u32 v11, v34;
	[tilespmem:s19+$0xF420] =	vst v53;
	v58 =	vld.idx.msk [tilespmem:v52+s15+$0x0], $0xffff  }
0x44c: {  	v61 =	vor.u32 v11, v41;
	[tilespmem:s7+$0x410] =	vst v42;
	v62 =	vld.idx.msk [tilespmem:v55+s15+$0x0], $0xffff  }
0x44d: {  	[tilespmem:s9+$0x410] =	vst v63;
	v52 =	vor.u32 v20, v32;
	v39 =	vld.idx.msk [tilespmem:v60+s15+$0x0], $0xffff  }
0x44e: {  	[tilespmem:s2+$0xF470] =	vst v48;
	v57 =	vor.u32 v11, v38;
	v60 =	vld.idx.msk [tilespmem:v54+s15+$0x0], $0xffff  }
0x44f: {  	v63 =	vor.u32 v11, v37;
	v42 =	vld.idx.msk [tilespmem:v56+s15+$0x0], $0xffff;
	[tilespmem:s28+$0x420] =	vst v40  }
0x450: {  	v53 =	vor.u32 v19, v33;
	[tilespmem:s5+$0x420] =	vst v58;
	v40 =	vld.idx.msk [tilespmem:v59+s15+$0x0], $0xffff  }
0x451: {  	v56 =	vor.u32 v12, v34;
	[tilespmem:s19+$0xF430] =	vst v62;
	v55 =	vld.idx.msk [tilespmem:v61+s15+$0x0], $0xffff  }
0x452: {  	v58 =	vor.u32 v12, v41;
	[tilespmem:s7+$0x420] =	vst v39;
	v59 =	vld.idx.msk [tilespmem:v52+s15+$0x0], $0xffff  }
0x453: {  	[tilespmem:s9+$0x420] =	vst v60;
	v61 =	vor.u32 v21, v32;
	v44 =	vld.idx.msk [tilespmem:v57+s15+$0x0], $0xffff  }
0x454: {  	v54 =	vor.u32 v12, v38;
	[tilespmem:s18+$0xF420] =	vst v42;
	v57 =	vld.idx.msk [tilespmem:v63+s15+$0x0], $0xffff  }
0x455: {  	v60 =	vor.u32 v12, v37;
	v39 =	vld.idx.msk [tilespmem:v53+s15+$0x0], $0xffff;
	[tilespmem:s28+$0x430] =	vst v40  }
0x456: {  	v62 =	vor.u32 v20, v33;
	[tilespmem:s5+$0x430] =	vst v55;
	v40 =	vld.idx.msk [tilespmem:v56+s15+$0x0], $0xffff  }
0x457: {  	v53 =	vor.u32 v13, v34;
	[tilespmem:s19+$0xF440] =	vst v59;
	v52 =	vld.idx.msk [tilespmem:v58+s15+$0x0], $0xffff  }
0x458: {  	v55 =	vor.u32 v13, v41;
	[tilespmem:s7+$0x430] =	vst v44;
	v56 =	vld.idx.msk [tilespmem:v61+s15+$0x0], $0xffff  }
0x459: {  	[tilespmem:s9+$0x430] =	vst v57;
	v58 =	vor.u32 v22, v32;
	v46 =	vld.idx.msk [tilespmem:v54+s15+$0x0], $0xffff  }
0x45a: {  	v63 =	vor.u32 v13, v38;
	[tilespmem:s18+$0xF430] =	vst v39;
	v54 =	vld.idx.msk [tilespmem:v60+s15+$0x0], $0xffff  }
0x45b: {  	v57 =	vor.u32 v13, v37;
	v44 =	vld.idx.msk [tilespmem:v62+s15+$0x0], $0xffff;
	[tilespmem:s28+$0x440] =	vst v40  }
0x45c: {  	v59 =	vor.u32 v21, v33;
	[tilespmem:s5+$0x440] =	vst v52;
	v40 =	vld.idx.msk [tilespmem:v53+s15+$0x0], $0xffff  }
0x45d: {  	v62 =	vor.u32 v14, v34;
	[tilespmem:s19+$0xF450] =	vst v56;
	v61 =	vld.idx.msk [tilespmem:v55+s15+$0x0], $0xffff  }
0x45e: {  	v52 =	vor.u32 v14, v41;
	[tilespmem:s7+$0x440] =	vst v46;
	v53 =	vld.idx.msk [tilespmem:v58+s15+$0x0], $0xffff  }
0x45f: {  	[tilespmem:s9+$0x440] =	vst v54;
	v55 =	vor.u32 v23, v32;
	v43 =	vld.idx.msk [tilespmem:v63+s15+$0x0], $0xffff  }
0x460: {  	v60 =	vor.u32 v14, v38;
	[tilespmem:s18+$0xF440] =	vst v44;
	v63 =	vld.idx.msk [tilespmem:v57+s15+$0x0], $0xffff  }
0x461: {  	v54 =	vor.u32 v14, v37;
	v46 =	vld.idx.msk [tilespmem:v59+s15+$0x0], $0xffff;
	[tilespmem:s28+$0x450] =	vst v40  }
0x462: {  	v56 =	vor.u32 v22, v33;
	[tilespmem:s5+$0x450] =	vst v61;
	v40 =	vld.idx.msk [tilespmem:v62+s15+$0x0], $0xffff  }
0x463: {  	v59 =	vor.u32 v15, v34;
	[tilespmem:s19+$0xF460] =	vst v53;
	v58 =	vld.idx.msk [tilespmem:v52+s15+$0x0], $0xffff  }
0x464: {  	v61 =	vor.u32 v15, v41;
	[tilespmem:s7+$0x450] =	vst v43;
	v62 =	vld.idx.msk [tilespmem:v55+s15+$0x0], $0xffff  }
0x465: {  	[tilespmem:s9+$0x450] =	vst v63;
	v52 =	vor.u32 v24, v36;
	v45 =	vld.idx.msk [tilespmem:v60+s15+$0x0], $0xffff  }
0x466: {  	v57 =	vor.u32 v15, v38;
	[tilespmem:s18+$0xF450] =	vst v46;
	v60 =	vld.idx.msk [tilespmem:v54+s15+$0x0], $0xffff  }
0x467: {  	v63 =	vor.u32 v15, v37;
	v43 =	vld.idx.msk [tilespmem:v56+s15+$0x0], $0xffff;
	[tilespmem:s28+$0x460] =	vst v40  }
0x468: {  	v53 =	vor.u32 v23, v33;
	[tilespmem:s5+$0x460] =	vst v58;
	v47 =	vld.idx.msk [tilespmem:v59+s15+$0x0], $0xffff  }
0x469: {  	v54 =	vor.u32 v24, v35;
	[tilespmem:s19+$0xF470] =	vst v62;
	v56 =	vld.idx.msk [tilespmem:v61+s15+$0x0], $0xffff  }
0x46a: {  	v58 =	vor.u32 v16, v34;
	[tilespmem:s7+$0x460] =	vst v45;
	v59 =	vld.idx.msk [tilespmem:v52+s15+$0x0], $0xffff  }
0x46b: {  	[tilespmem:s9+$0x460] =	vst v60;
	v60 =	vor.u32 v16, v41;
	v42 =	vld.idx.msk [tilespmem:v57+s15+$0x0], $0xffff  }
0x46c: {  	v55 =	vor.u32 v16, v38;
	[tilespmem:s18+$0xF460] =	vst v43;
	v57 =	vld.idx.msk [tilespmem:v63+s15+$0x0], $0xffff  }
0x46d: {  	v62 =	vor.u32 v16, v37;
	s19 =	sor.u32 s22, s20;
	v61 =	vld.idx.msk [tilespmem:v53+s15+$0x0], $0xffff;
	[tilespmem:s28+$0x470] =	vst v47  }
0x46e: {  	s0 =	sadd.s32 $0x4, s0;
	v40 =	vld.idx.msk [tilespmem:v54+s15+$0x0], $0xffff;
	s22 =	sor.u32 $0xC00, s19;
	v63 =	vor.u32 v25, v36;
	[tilespmem:s5+$0x470] =	vst v56  }
0x46f: {  	s1 =	sadd.s32 $0x2, s1;
	s20 =	sand.u32 $0x7, s0;
	v52 =	vor.u32 v25, v35;
	[tilespmem:s22+$0xF400] =	vst v59;
	v48 =	vld.idx.msk [tilespmem:v58+s15+$0x0], $0xffff  }
0x470: {  	p1 =	por !p1, !p1;
	s1 =	sand.u32 $0x3, s1;
	s23 =	sshll.u32 s20, $0x7;
	v54 =	vor.u32 v17, v34;
	[tilespmem:s7+$0x470] =	vst v42;
	v43 =	vld.idx.msk [tilespmem:v60+s15+$0x0], $0xffff  }
0x471: {  	s1 =	sshll.u32 s1, $0x8;
	s3 =	simm.s32 $0x1;
	s2 =	sadd.s32 s10, s23;
	v56 =	vor.u32 v17, v41;
	[tilespmem:s9+$0x470] =	vst v57;
	v39 =	vld.idx.msk [tilespmem:v55+s15+$0x0], $0xffff  }
0x472: {  	s25 =	sadd.s32 s10, s1;
	v53 =	vor.u32 v17, v38;
	s24 =	sadd.s32 $0x180, s2;
	s2 =	sadd.s32 $0x80, s2;
	[tilespmem:s18+$0xF470] =	vst v61;
	v55 =	vld.idx.msk [tilespmem:v62+s15+$0x0], $0xffff  }
0x473: {  	s3 =	simm.s32 @!p1 $0x0;
	[tilespmem:s12+$0xF400] =	vst v40;
	s5 =	sadd.s32 $0x100, s25;
	s28 =	sor.u32 $0x800, s2;
	v47 =	vld.idx.msk [tilespmem:v63+s15+$0x0], $0xffff;
	v57 =	vor.u32 v17, v37  }
0x474: {  	s3 =	sshll.u32 s3, $0x9;
	v58 =	vor.u32 v26, v36;
	v44 =	vld.idx.msk [tilespmem:v52+s15+$0x0], $0xffff;
	s29 =	sor.u32 $0x800, s5;
	[tilespmem:s28+$0xF400] =	vst v48  }
0x475: {  	s3 =	sadd.s32 s3, s10;
	s26 =	sor.u32 $0x800, s24;
	v59 =	vor.u32 v26, v35;
	[tilespmem:s29+$0xF400] =	vst v43;
	v46 =	vld.idx.msk [tilespmem:v54+s15+$0x0], $0xffff  }
0x476: {  	s3 =	sor.u32 $0x800, s3;
	v62 =	vor.u32 v18, v34;
	[tilespmem:s26+$0xF400] =	vst v39;
	v61 =	vld.idx.msk [tilespmem:v56+s15+$0x0], $0xffff  }
0x477: {  	v63 =	vor.u32 v18, v41;
	[tilespmem:s3+$0xF400] =	vst v55;
	v50 =	vld.idx.msk [tilespmem:v53+s15+$0x0], $0xffff  }
0x478: {  	v60 =	vor.u32 v18, v38;
	[tilespmem:s22+$0xF410] =	vst v47;
	v40 =	vld.idx.msk [tilespmem:v57+s15+$0x0], $0xffff  }
0x479: {  	[tilespmem:s12+$0xF410] =	vst v44;
	v52 =	vld.idx.msk [tilespmem:v58+s15+$0x0], $0xffff;
	v53 =	vor.u32 v18, v37  }
0x47a: {  	v54 =	vor.u32 v27, v36;
	v39 =	vld.idx.msk [tilespmem:v59+s15+$0x0], $0xffff;
	[tilespmem:s28+$0xF410] =	vst v46  }
0x47b: {  	v55 =	vor.u32 v27, v35;
	[tilespmem:s29+$0xF410] =	vst v61;
	v45 =	vld.idx.msk [tilespmem:v62+s15+$0x0], $0xffff  }
0x47c: {  	v58 =	vor.u32 v19, v34;
	[tilespmem:s26+$0xF410] =	vst v50;
	v57 =	vld.idx.msk [tilespmem:v63+s15+$0x0], $0xffff  }
0x47d: {  	v59 =	vor.u32 v19, v41;
	[tilespmem:s3+$0xF410] =	vst v40;
	v43 =	vld.idx.msk [tilespmem:v60+s15+$0x0], $0xffff  }
0x47e: {  	v56 =	vor.u32 v19, v38;
	[tilespmem:s22+$0xF420] =	vst v52;
	v44 =	vld.idx.msk [tilespmem:v53+s15+$0x0], $0xffff  }
0x47f: {  	[tilespmem:s12+$0xF420] =	vst v39;
	v48 =	vld.idx.msk [tilespmem:v54+s15+$0x0], $0xffff;
	v60 =	vor.u32 v19, v37  }
0x480: {  	v61 =	vor.u32 v28, v36;
	v50 =	vld.idx.msk [tilespmem:v55+s15+$0x0], $0xffff;
	[tilespmem:s28+$0xF420] =	vst v45  }
0x481: {  	v62 =	vor.u32 v28, v35;
	[tilespmem:s29+$0xF420] =	vst v57;
	v46 =	vld.idx.msk [tilespmem:v58+s15+$0x0], $0xffff  }
0x482: {  	v52 =	vor.u32 v20, v34;
	[tilespmem:s26+$0xF420] =	vst v43;
	v40 =	vld.idx.msk [tilespmem:v59+s15+$0x0], $0xffff  }
0x483: {  	v53 =	vor.u32 v20, v41;
	[tilespmem:s3+$0xF420] =	vst v44;
	v42 =	vld.idx.msk [tilespmem:v56+s15+$0x0], $0xffff  }
0x484: {  	v63 =	vor.u32 v20, v38;
	[tilespmem:s22+$0xF430] =	vst v48;
	v39 =	vld.idx.msk [tilespmem:v60+s15+$0x0], $0xffff  }
0x485: {  	v54 =	vor.u32 v20, v37;
	[tilespmem:s12+$0xF430] =	vst v50;
	v48 =	vld.idx.msk [tilespmem:v61+s15+$0x0], $0xffff  }
0x486: {  	v55 =	vor.u32 v29, v36;
	v43 =	vld.idx.msk [tilespmem:v62+s15+$0x0], $0xffff;
	[tilespmem:s28+$0xF430] =	vst v46  }
0x487: {  	v56 =	vor.u32 v29, v35;
	[tilespmem:s29+$0xF430] =	vst v40;
	v44 =	vld.idx.msk [tilespmem:v52+s15+$0x0], $0xffff  }
0x488: {  	v58 =	vor.u32 v21, v34;
	[tilespmem:s26+$0xF430] =	vst v42;
	v40 =	vld.idx.msk [tilespmem:v53+s15+$0x0], $0xffff  }
0x489: {  	v59 =	vor.u32 v21, v41;
	[tilespmem:s3+$0xF430] =	vst v39;
	v45 =	vld.idx.msk [tilespmem:v63+s15+$0x0], $0xffff  }
0x48a: {  	v57 =	vor.u32 v21, v38;
	[tilespmem:s22+$0xF440] =	vst v48;
	v39 =	vld.idx.msk [tilespmem:v54+s15+$0x0], $0xffff  }
0x48b: {  	v61 =	vor.u32 v21, v37;
	[tilespmem:s12+$0xF440] =	vst v43;
	v60 =	vld.idx.msk [tilespmem:v55+s15+$0x0], $0xffff  }
0x48c: {  	v62 =	vor.u32 v30, v36;
	v42 =	vld.idx.msk [tilespmem:v56+s15+$0x0], $0xffff;
	[tilespmem:s28+$0xF440] =	vst v44  }
0x48d: {  	v63 =	vor.u32 v30, v35;
	[tilespmem:s29+$0xF440] =	vst v40;
	v47 =	vld.idx.msk [tilespmem:v58+s15+$0x0], $0xffff  }
0x48e: {  	v53 =	vor.u32 v22, v34;
	[tilespmem:s26+$0xF440] =	vst v45;
	v40 =	vld.idx.msk [tilespmem:v59+s15+$0x0], $0xffff  }
0x48f: {  	v54 =	vor.u32 v22, v41;
	[tilespmem:s3+$0xF440] =	vst v39;
	v46 =	vld.idx.msk [tilespmem:v57+s15+$0x0], $0xffff  }
0x490: {  	v52 =	vor.u32 v22, v38;
	[tilespmem:s22+$0xF450] =	vst v60;
	v43 =	vld.idx.msk [tilespmem:v61+s15+$0x0], $0xffff  }
0x491: {  	v55 =	vor.u32 v22, v37;
	[tilespmem:s12+$0xF450] =	vst v42;
	v49 =	vld.idx.msk [tilespmem:v62+s15+$0x0], $0xffff  }
0x492: {  	v56 =	vor.u32 v31, v36;
	v45 =	vld.idx.msk [tilespmem:v63+s15+$0x0], $0xffff;
	[tilespmem:s28+$0xF450] =	vst v47  }
0x493: {  	v57 =	vor.u32 v31, v35;
	[tilespmem:s29+$0xF450] =	vst v40;
	v39 =	vld.idx.msk [tilespmem:v53+s15+$0x0], $0xffff  }
0x494: {  	v59 =	vor.u32 v23, v34;
	[tilespmem:s26+$0xF450] =	vst v46;
	v40 =	vld.idx.msk [tilespmem:v54+s15+$0x0], $0xffff  }
0x495: {  	v60 =	vor.u32 v23, v41;
	[tilespmem:s3+$0xF450] =	vst v43;
	v44 =	vld.idx.msk [tilespmem:v52+s15+$0x0], $0xffff  }
0x496: {  	v58 =	vor.u32 v23, v38;
	[tilespmem:s22+$0xF460] =	vst v49;
	v42 =	vld.idx.msk [tilespmem:v55+s15+$0x0], $0xffff  }
0x497: {  	v61 =	vor.u32 v23, v37;
	[tilespmem:s12+$0xF460] =	vst v45;
	v36 =	vld.idx.msk [tilespmem:v56+s15+$0x0], $0xffff  }
0x498: {  	v62 =	vor.u32 v24, v32;
	v35 =	vld.idx.msk [tilespmem:v57+s15+$0x0], $0xffff;
	[tilespmem:s28+$0xF460] =	vst v39  }
0x499: {  	v63 =	vor.u32 v24, v33;
	[tilespmem:s29+$0xF460] =	vst v40;
	v47 =	vld.idx.msk [tilespmem:v59+s15+$0x0], $0xffff  }
0x49a: {  	v50 =	vor.u32 v24, v34;
	[tilespmem:s26+$0xF460] =	vst v44;
	v40 =	vld.idx.msk [tilespmem:v60+s15+$0x0], $0xffff  }
0x49b: {  	v52 =	vor.u32 v24, v41;
	[tilespmem:s3+$0xF460] =	vst v42;
	v46 =	vld.idx.msk [tilespmem:v58+s15+$0x0], $0xffff  }
0x49c: {  	v49 =	vor.u32 v24, v38;
	[tilespmem:s22+$0xF470] =	vst v36;
	v51 =	vld.idx.msk [tilespmem:v61+s15+$0x0], $0xffff  }
0x49d: {  	v53 =	vld.idx.msk [tilespmem:v62+s15+$0x0], $0xffff;
	v54 =	vor.u32 v24, v37;
	[tilespmem:s12+$0xF470] =	vst v35  }
0x49e: {  	v55 =	vor.u32 v25, v32;
	v44 =	vld.idx.msk [tilespmem:v63+s15+$0x0], $0xffff;
	[tilespmem:s28+$0xF470] =	vst v47  }
0x49f: {  	v56 =	vor.u32 v25, v33;
	[tilespmem:s29+$0xF470] =	vst v40;
	v42 =	vld.idx.msk [tilespmem:v50+s15+$0x0], $0xffff  }
0x4a0: {  	v59 =	vor.u32 v25, v34;
	[tilespmem:s26+$0xF470] =	vst v46;
	v58 =	vld.idx.msk [tilespmem:v52+s15+$0x0], $0xffff  }
0x4a1: {  	v61 =	vor.u32 v25, v41;
	[tilespmem:s3+$0xF470] =	vst v51;
	v39 =	vld.idx.msk [tilespmem:v49+s15+$0x0], $0xffff  }
0x4a2: {  	s5 =	sor.u32 s21, s10;
	v57 =	vor.u32 v25, v38;
	[tilespmem:s11+$0xF400] =	vst v53;
	v60 =	vld.idx.msk [tilespmem:v54+s15+$0x0], $0xffff  }
0x4a3: {  	s9 =	sor.u32 s16, s10;
	s8 =	sor.u32 $0xC00, s5;
	v62 =	vor.u32 v25, v37;
	[tilespmem:s6+$0xF400] =	vst v44;
	v46 =	vld.idx.msk [tilespmem:v55+s15+$0x0], $0xffff  }
0x4a4: {  	s4 =	sor.u32 s13, s10;
	s2 =	sor.u32 $0xC00, s9;
	v63 =	vor.u32 v26, v32;
	v47 =	vld.idx.msk [tilespmem:v56+s15+$0x0], $0xffff;
	[tilespmem:s8+$0xF400] =	vst v42  }
0x4a5: {  	s7 =	sor.u32 $0xC00, s4;
	s12 =	sor.u32 s17, s10;
	v51 =	vor.u32 v26, v33;
	[tilespmem:s2+$0xF400] =	vst v58;
	v43 =	vld.idx.msk [tilespmem:v59+s15+$0x0], $0xffff  }
0x4a6: {  	v53 =	vor.u32 v26, v34;
	s13 =	sor.u32 $0xC00, s12;
	[tilespmem:s7+$0xF400] =	vst v39;
	v36 =	vld.idx.msk [tilespmem:v61+s15+$0x0], $0xffff  }
0x4a7: {  	v54 =	vor.u32 v26, v41;
	[tilespmem:s13+$0xF400] =	vst v60;
	v40 =	vld.idx.msk [tilespmem:v57+s15+$0x0], $0xffff  }
0x4a8: {  	v52 =	vor.u32 v26, v38;
	[tilespmem:s11+$0xF410] =	vst v46;
	v44 =	vld.idx.msk [tilespmem:v62+s15+$0x0], $0xffff  }
0x4a9: {  	v55 =	vor.u32 v26, v37;
	[tilespmem:s6+$0xF410] =	vst v47;
	v46 =	vld.idx.msk [tilespmem:v63+s15+$0x0], $0xffff  }
0x4aa: {  	v56 =	vor.u32 v27, v32;
	v39 =	vld.idx.msk [tilespmem:v51+s15+$0x0], $0xffff;
	[tilespmem:s8+$0xF410] =	vst v43  }
0x4ab: {  	v57 =	vor.u32 v27, v33;
	[tilespmem:s2+$0xF410] =	vst v36;
	v35 =	vld.idx.msk [tilespmem:v53+s15+$0x0], $0xffff  }
0x4ac: {  	v59 =	vor.u32 v27, v34;
	[tilespmem:s7+$0xF410] =	vst v40;
	v36 =	vld.idx.msk [tilespmem:v54+s15+$0x0], $0xffff  }
0x4ad: {  	v60 =	vor.u32 v27, v41;
	[tilespmem:s13+$0xF410] =	vst v44;
	v42 =	vld.idx.msk [tilespmem:v52+s15+$0x0], $0xffff  }
0x4ae: {  	v58 =	vor.u32 v27, v38;
	[tilespmem:s11+$0xF420] =	vst v46;
	v44 =	vld.idx.msk [tilespmem:v55+s15+$0x0], $0xffff  }
0x4af: {  	v62 =	vor.u32 v27, v37;
	[tilespmem:s6+$0xF420] =	vst v39;
	v61 =	vld.idx.msk [tilespmem:v56+s15+$0x0], $0xffff  }
0x4b0: {  	v63 =	vor.u32 v28, v32;
	v40 =	vld.idx.msk [tilespmem:v57+s15+$0x0], $0xffff;
	[tilespmem:s8+$0xF420] =	vst v35  }
0x4b1: {  	v52 =	vor.u32 v28, v33;
	[tilespmem:s2+$0xF420] =	vst v36;
	v45 =	vld.idx.msk [tilespmem:v59+s15+$0x0], $0xffff  }
0x4b2: {  	v54 =	vor.u32 v28, v34;
	[tilespmem:s7+$0xF420] =	vst v42;
	v36 =	vld.idx.msk [tilespmem:v60+s15+$0x0], $0xffff  }
0x4b3: {  	v55 =	vor.u32 v28, v41;
	[tilespmem:s13+$0xF420] =	vst v44;
	v43 =	vld.idx.msk [tilespmem:v58+s15+$0x0], $0xffff  }
0x4b4: {  	v53 =	vor.u32 v28, v38;
	[tilespmem:s11+$0xF430] =	vst v61;
	v39 =	vld.idx.msk [tilespmem:v62+s15+$0x0], $0xffff  }
0x4b5: {  	v56 =	vor.u32 v28, v37;
	[tilespmem:s6+$0xF430] =	vst v40;
	v47 =	vld.idx.msk [tilespmem:v63+s15+$0x0], $0xffff  }
0x4b6: {  	v57 =	vor.u32 v29, v32;
	v42 =	vld.idx.msk [tilespmem:v52+s15+$0x0], $0xffff;
	[tilespmem:s8+$0xF430] =	vst v45  }
0x4b7: {  	v58 =	vor.u32 v29, v33;
	[tilespmem:s2+$0xF430] =	vst v36;
	v44 =	vld.idx.msk [tilespmem:v54+s15+$0x0], $0xffff  }
0x4b8: {  	v60 =	vor.u32 v29, v34;
	[tilespmem:s7+$0xF430] =	vst v43;
	v36 =	vld.idx.msk [tilespmem:v55+s15+$0x0], $0xffff  }
0x4b9: {  	v61 =	vor.u32 v29, v41;
	[tilespmem:s13+$0xF430] =	vst v39;
	v35 =	vld.idx.msk [tilespmem:v53+s15+$0x0], $0xffff  }
0x4ba: {  	v59 =	vor.u32 v29, v38;
	[tilespmem:s11+$0xF440] =	vst v47;
	v40 =	vld.idx.msk [tilespmem:v56+s15+$0x0], $0xffff  }
0x4bb: {  	v62 =	vor.u32 v29, v37;
	[tilespmem:s6+$0xF440] =	vst v42;
	v47 =	vld.idx.msk [tilespmem:v57+s15+$0x0], $0xffff  }
0x4bc: {  	v63 =	vor.u32 v30, v32;
	v43 =	vld.idx.msk [tilespmem:v58+s15+$0x0], $0xffff;
	[tilespmem:s8+$0xF440] =	vst v44  }
0x4bd: {  	v51 =	vor.u32 v30, v33;
	[tilespmem:s2+$0xF440] =	vst v36;
	v39 =	vld.idx.msk [tilespmem:v60+s15+$0x0], $0xffff  }
0x4be: {  	v53 =	vor.u32 v30, v34;
	[tilespmem:s7+$0xF440] =	vst v35;
	v36 =	vld.idx.msk [tilespmem:v61+s15+$0x0], $0xffff  }
0x4bf: {  	v54 =	vor.u32 v30, v41;
	[tilespmem:s13+$0xF440] =	vst v40;
	v45 =	vld.idx.msk [tilespmem:v59+s15+$0x0], $0xffff  }
0x4c0: {  	v52 =	vor.u32 v30, v38;
	[tilespmem:s11+$0xF450] =	vst v47;
	v42 =	vld.idx.msk [tilespmem:v62+s15+$0x0], $0xffff  }
0x4c1: {  	v55 =	vor.u32 v30, v37;
	[tilespmem:s6+$0xF450] =	vst v43;
	v47 =	vld.idx.msk [tilespmem:v63+s15+$0x0], $0xffff  }
0x4c2: {  	v56 =	vor.u32 v31, v32;
	v35 =	vld.idx.msk [tilespmem:v51+s15+$0x0], $0xffff;
	[tilespmem:s8+$0xF450] =	vst v39  }
0x4c3: {  	v57 =	vor.u32 v31, v33;
	[tilespmem:s2+$0xF450] =	vst v36;
	v39 =	vld.idx.msk [tilespmem:v53+s15+$0x0], $0xffff  }
0x4c4: {  	v58 =	vor.u32 v31, v34;
	[tilespmem:s7+$0xF450] =	vst v45;
	v36 =	vld.idx.msk [tilespmem:v54+s15+$0x0], $0xffff  }
0x4c5: {  	v60 =	vor.u32 v31, v41;
	[tilespmem:s13+$0xF450] =	vst v42;
	v44 =	vld.idx.msk [tilespmem:v52+s15+$0x0], $0xffff  }
0x4c6: {  	v38 =	vor.u32 v31, v38;
	[tilespmem:s11+$0xF460] =	vst v47;
	v59 =	vld.idx.msk [tilespmem:v55+s15+$0x0], $0xffff  }
0x4c7: {  	v61 =	vor.u32 v31, v37;
	[tilespmem:s6+$0xF460] =	vst v35;
	v32 =	vld.idx.msk [tilespmem:v56+s15+$0x0], $0xffff  }
0x4c8: {  	v33 =	vld.idx.msk [tilespmem:v57+s15+$0x0], $0xffff;
	[tilespmem:s8+$0xF460] =	vst v39  }
0x4c9: {  	[tilespmem:s2+$0xF460] =	vst v36;
	v34 =	vld.idx.msk [tilespmem:v58+s15+$0x0], $0xffff  }
0x4ca: {  	[tilespmem:s7+$0xF460] =	vst v44;
	v36 =	vld.idx.msk [tilespmem:v60+s15+$0x0], $0xffff  }
0x4cb: {  	[tilespmem:s13+$0xF460] =	vst v59;
	v62 =	vld.idx.msk [tilespmem:v38+s15+$0x0], $0xffff  }
0x4cc: {  	[tilespmem:s11+$0xF470] =	vst v32;
	v63 =	vld.idx.msk [tilespmem:v61+s15+$0x0], $0xffff  }
0x4cd: {  	s16 =	sshll.u32 s31, $0xE;
	s17 =	sshll.u32 s31, $0xC;
	[tilespmem:s6+$0xF470] =	vst v33  }
0x4ce: {  	s18 =	sand.u32 $0x7FF80000, s16;
	s19 =	sand.u32 $0x1F000, s17;
	[tilespmem:s8+$0xF470] =	vst v34  }
0x4cf: {  	s20 =	sor.u32 s19, s18;
	[tilespmem:s2+$0xF470] =	vst v36  }
0x4d0: {  	s21 =	rddreg [dreg:$0x1];
	s0 =	sshrl.u32 s20, $0x3;
	[tilespmem:s7+$0xF470] =	vst v62  }
0x4d1: {  	s23 =	simm.s32 $0xF400;
	s22 =	simm.s32 $0x0;
	s1 =	sadd.s32 s21, s0;
	[tilespmem:s13+$0xF470] =	vst v63  }
0x4d2: {  	[hbm4b:s1+s22] =	stream.linear.scatter [tilespmem:s23], [sflag:$0x4], $0x1000, $0x38;
	[tilespmem:$0x13400] =	vst v63  }
0x4d3: {  	s24 =	rddreg [dreg:$0x6]  }
0x4d4: {  	s25 =	simm.s32 $0x10400;
	s1 =	sadd.s32 s0, s24  }
0x4d5: {  	[hbm4b:s1+s22] =	stream.linear.scatter [tilespmem:s25], [sflag:$0x4], $0x1000, $0x38;
	[tilespmem:$0x13400] =	vst v63  }
.Ltmp5:
0x4d6: {  	s26 =	rddreg [dreg:$0x7];
	(pc) =	sbr.rel @p0 .LBB2_10-.Ltmp5, $4  }
0x4d7: {  	s28 =	simm.s32 $0x11400;
	s29 =	rddreg [dreg:$0x8];
	s1 =	sadd.s32 s0, s26  }
0x4d8: {  	[hbm4b:s1+s22] =	stream.linear.scatter [tilespmem:s28], [sflag:$0x4], $0x1000, $0x38;
	[tilespmem:$0x13400] =	vst v63  }
0x4d9: {  	s31 =	simm.s32 $0x12400;
	s0 =	sadd.s32 s0, s29  }
0x4da: {  	[hbm4b:s0+s22] =	stream.linear.scatter [tilespmem:s31], [sflag:$0x4], $0x1000, $0x38;
	[tilespmem:$0x13400] =	vst v63  }
.Ltmp6:
0x4db: {  	(pc) =	sbr.rel .LBB2_2-.Ltmp6, $4  }
0x4dc: {  	s0 =	sshll.u32 s30, $0xA  }
0x4dd: {  	s1 =	rddreg [dreg:$0x3];
	s0 =	sand.u32 $0x3FFFFC00, s0  }
0x4de: {  	s2 =	simm.s32 $0x200;
	s30 =	sadd.s32 $0x1, s30;
	s0 =	sadd.s32 $0x600, s0  }
0x4df: {  	[tilespmem:s15], [sflag:$0x2] =	stream.indirect.gather [hbm4b:s1+s2], $0x20, s0, s2, $0xb8;
	[tilespmem:$0x13400] =	vst v63  }
.LBB2_11:
0x4e0: {  	_ =	sfence.sel $0x180000  }
0x4e1: {  	[bflag:$0x0] =	sbarrier.arrive $0xFFFF  }
0x4e2: {  	_ =	strace $0x9000004A  }
0x4e3: {  	s0 =	stileid.u32;
	[bflag:$0x2] =	sbarrier.arrive $0xFFFF  }
0x4e4: {  	p0 =	sne.s32 s0, $0x0;
	s0 =	rddreg [dreg:$0x2]  }
0x4e5: {  	s0 =	sadd.s32 @!p0 $0x100000, s0  }
0x4e6: {  	[sflag:s0] =	ssyncadd.tile.s32 @!p0 $0x1;
	_ =	shalt  }
.Lfunc_end2:
_tile_overlayer_lowered:
.L_overlay_start_2:
0x4e7: {  	(tag) =	ssettag $0x2  }
0x4e8: {  	s0 =	rddreg [dreg:$0x0];
	s2 =	stileid.u32  }
0x4e9: {  	s1 =	rddreg [dreg:$0x1];
	p0 =	sne.s32 s2, $0x0  }
0x4ea: {  	s3 =	rddreg [dreg:$0x2];
	[bflag:$0x3] =	sbarrier.arrive $0xFFFF;
	s2 =	simm.s32 @!p0 $0x1C05  }
0x4eb: {  	[timem:s3], [sflag:s2] =	dma.local @!p0 [hbm:s0], s1  }
0x4ec: {  	s0 =	simm.s32 @!p0 $0x5  }
0x4ed: {  	_ =	swait.ge @!p0 [sflag:s0], s1  }
0x4ee: {  	s1 =	ssub.s32 @!p0 $0x0, s1;
	[sflag:s0] =	ssyncset.done @!p0 $0x0  }
0x4ef: {  	[sflag:s0] =	ssyncadd.s32 @!p0 s1  }
0x4f0: {  	[bflag:$0x3] =	sbarrier.arrive $0xFFFF  }
0x4f1: {  	_ =	shalt  }

</sc_bundles>
